<compile_context>
chip_gen: v7x
topology: tpu7x:2x2x1
jax: 0.10.2.dev20260603
libtpu: 0.0.44.dev20260713+nightly
codegen_flags: <defaults>
</compile_context>

<pallas_src>
import functools

import jax
import jax.numpy as jnp
from jax import lax
from jax.experimental import pallas as pl
from jax.experimental.pallas import tpu as pltpu
from jax.experimental.pallas import tpu_sc as plsc

N = 10000
E = 320000
D = 128
ED = 16

NC = 2
NS = 16
L = 16
NW = NC * NS
EPW = E // NW
K = 40
NCHUNK = EPW // K
WROWS = NCHUNK
NPAD = 10240
RPT = NPAD // NS

NBLK = 1000
EBLK = 4000



def _encab_body(nf_ref, w1_ref, b1_ref, w2_ref, b2_ref,
                wa_ref, wb_ref, mb_ref, x_ref, a_ref, b_ref):
    h = jnp.maximum(
        jnp.dot(nf_ref[...], w1_ref[...], preferred_element_type=jnp.float32)
        + b1_ref[...], 0.0)
    x = (jnp.dot(h, w2_ref[...], preferred_element_type=jnp.float32)
         + b2_ref[...])
    x_ref[...] = x
    a_ref[...] = jnp.dot(x, wa_ref[...], preferred_element_type=jnp.float32)
    b_ref[...] = (
        jnp.dot(x, wb_ref[...], preferred_element_type=jnp.float32)
        + mb_ref[...])


def _encab(nf, w1, b1, w2, b2, wa, wb, mb):
    fin = nf.shape[1]
    return pl.pallas_call(
        _encab_body,
        grid=(N // NBLK,),
        in_specs=[
            pl.BlockSpec((NBLK, fin), lambda i: (i, 0)),
            pl.BlockSpec(w1.shape, lambda i: (0, 0)),
            pl.BlockSpec((1, D), lambda i: (0, 0)),
            pl.BlockSpec(w2.shape, lambda i: (0, 0)),
            pl.BlockSpec((1, D), lambda i: (0, 0)),
            pl.BlockSpec((D, D), lambda i: (0, 0)),
            pl.BlockSpec((D, D), lambda i: (0, 0)),
            pl.BlockSpec((1, D), lambda i: (0, 0)),
        ],
        out_specs=[
            pl.BlockSpec((NBLK, D), lambda i: (i, 0)),
            pl.BlockSpec((NBLK, D), lambda i: (i, 0)),
            pl.BlockSpec((NBLK, D), lambda i: (i, 0)),
        ],
        out_shape=[
            jax.ShapeDtypeStruct((N, D), jnp.float32),
            jax.ShapeDtypeStruct((N, D), jnp.float32),
            jax.ShapeDtypeStruct((N, D), jnp.float32),
        ],
    )(nf, w1, b1.reshape(1, D), w2, b2.reshape(1, D),
      wa, wb, mb.reshape(1, D))


def _ep3_body(ef_ref, w0_ref, w1_ref, w2_ref, o0_ref, o1_ref, o2_ref):
    efv = ef_ref[...]
    o0_ref[...] = jnp.dot(efv, w0_ref[...], preferred_element_type=jnp.float32)
    o1_ref[...] = jnp.dot(efv, w1_ref[...], preferred_element_type=jnp.float32)
    o2_ref[...] = jnp.dot(efv, w2_ref[...], preferred_element_type=jnp.float32)


def _ep3(ef, w0, w1, w2):
    wspec = pl.BlockSpec((ED, D), lambda i: (0, 0))
    ospec = pl.BlockSpec((EBLK, D), lambda i: (i, 0))
    oshape = jax.ShapeDtypeStruct((E, D), jnp.float32)
    return pl.pallas_call(
        _ep3_body,
        grid=(E // EBLK,),
        in_specs=[pl.BlockSpec((EBLK, ED), lambda i: (i, 0)),
                  wspec, wspec, wspec],
        out_specs=[ospec, ospec, ospec],
        out_shape=[oshape, oshape, oshape],
    )(ef, w0, w1, w2)


def _updab_body(x_ref, g0_ref, g1_ref, wx_ref, wa_ref, ub_ref,
                nwa_ref, nwb_ref, nmb_ref, xo_ref, ao_ref, bo_ref):
    xv = x_ref[...]
    agg = g0_ref[0] + g1_ref[0]
    xn = xv + jnp.maximum(
        jnp.dot(xv, wx_ref[...], preferred_element_type=jnp.float32)
        + jnp.dot(agg, wa_ref[...], preferred_element_type=jnp.float32)
        + ub_ref[...], 0.0)
    xo_ref[...] = xn
    ao_ref[...] = jnp.dot(xn, nwa_ref[...], preferred_element_type=jnp.float32)
    bo_ref[...] = (
        jnp.dot(xn, nwb_ref[...], preferred_element_type=jnp.float32)
        + nmb_ref[...])


def _updab(x, aggs, wx, wa, ub, nwa, nwb, nmb):
    dspec = pl.BlockSpec((D, D), lambda i: (0, 0))
    bspec = pl.BlockSpec((1, D), lambda i: (0, 0))
    nspec = pl.BlockSpec((NBLK, D), lambda i: (i, 0))
    nshape = jax.ShapeDtypeStruct((N, D), jnp.float32)
    return pl.pallas_call(
        _updab_body,
        grid=(N // NBLK,),
        in_specs=[
            nspec,
            pl.BlockSpec((1, NBLK, D), lambda i: (0, i, 0)),
            pl.BlockSpec((1, NBLK, D), lambda i: (1, i, 0)),
            dspec, dspec, bspec, dspec, dspec, bspec,
        ],
        out_specs=[nspec, nspec, nspec],
        out_shape=[nshape, nshape, nshape],
    )(x, aggs, aggs, wx, wa, ub.reshape(1, D),
      nwa, nwb, nmb.reshape(1, D))


def _upddec_body(x_ref, g0_ref, g1_ref, wx_ref, wa_ref, ub_ref,
                 dw1_ref, db1_ref, dw2_ref, db2_ref, o_ref):
    xv = x_ref[...]
    agg = g0_ref[0] + g1_ref[0]
    xn = xv + jnp.maximum(
        jnp.dot(xv, wx_ref[...], preferred_element_type=jnp.float32)
        + jnp.dot(agg, wa_ref[...], preferred_element_type=jnp.float32)
        + ub_ref[...], 0.0)
    h = jnp.maximum(
        jnp.dot(xn, dw1_ref[...], preferred_element_type=jnp.float32)
        + db1_ref[...], 0.0)
    o_ref[...] = (
        jnp.dot(h, dw2_ref[...], preferred_element_type=jnp.float32)
        + db2_ref[...])


def _upddec(x, aggs, wx, wa, ub, dw1, db1, dw2, db2):
    dout = dw2.shape[1]
    dspec = pl.BlockSpec((D, D), lambda i: (0, 0))
    bspec = pl.BlockSpec((1, D), lambda i: (0, 0))
    return pl.pallas_call(
        _upddec_body,
        grid=(N // NBLK,),
        in_specs=[
            pl.BlockSpec((NBLK, D), lambda i: (i, 0)),
            pl.BlockSpec((1, NBLK, D), lambda i: (0, i, 0)),
            pl.BlockSpec((1, NBLK, D), lambda i: (1, i, 0)),
            dspec, dspec, bspec,
            pl.BlockSpec(dw1.shape, lambda i: (0, 0)),
            bspec,
            pl.BlockSpec(dw2.shape, lambda i: (0, 0)),
            pl.BlockSpec((1, dout), lambda i: (0, 0)),
        ],
        out_specs=pl.BlockSpec((NBLK, dout), lambda i: (i, 0)),
        out_shape=jax.ShapeDtypeStruct((N, dout), jnp.float32),
    )(x, aggs, aggs, wx, wa, ub.reshape(1, D),
      dw1, db1.reshape(1, D), dw2, db2.reshape(1, dout))



def _sc_edge_body(a_hbm, b_hbm, ep_hbm, sd_hbm, out_hbm,
                  sdidx, abuf, bbuf, epbuf, agg, isem, asem, bsem,
                  esem):
    cid = lax.axis_index("c")
    sid = lax.axis_index("s")
    wid = sid * NC + cid
    wrow = wid * WROWS
    ebase = wid * EPW

    def zrow(r, carry):
        for c in range(D // L):
            abuf[0][r, pl.ds(c * L, L)] = jnp.zeros((L,), jnp.float32)
        return carry
    lax.fori_loop(0, K, zrow, 0)

    def zcopy(p, carry):
        off = pl.multiple_of(sid * RPT + p * K, K)
        pltpu.sync_copy(abuf[0], agg.at[pl.ds(off, K)])
        return carry
    lax.fori_loop(0, RPT // K, zcopy, 0)
    plsc.subcore_barrier()

    def issue_gathers(c, s):
        pltpu.async_copy(a_hbm.at[sdidx[s].at[0]], abuf[s], asem[s])
        pltpu.async_copy(b_hbm.at[sdidx[s].at[1]], bbuf[s], bsem[s])
        pltpu.async_copy(ep_hbm.at[pl.ds(ebase + c * K, K)], epbuf[s],
                         esem[s])

    def wait_gathers(s):
        pltpu.make_async_copy(a_hbm.at[sdidx[s].at[0]], abuf[s],
                              asem[s]).wait()
        pltpu.make_async_copy(b_hbm.at[sdidx[s].at[1]], bbuf[s],
                              bsem[s]).wait()
        pltpu.make_async_copy(ep_hbm.at[pl.ds(ebase, K)], epbuf[s],
                              esem[s]).wait()

    pltpu.sync_copy(sd_hbm.at[wrow], sdidx[0])
    pltpu.async_copy(sd_hbm.at[wrow + 1], sdidx[1], isem[1])
    issue_gathers(0, 0)

    def do_chunk(c, s):
        o = 1 - s

        @pl.when(c + 1 < NCHUNK)
        def _():
            pltpu.make_async_copy(sd_hbm.at[wrow], sdidx[o],
                                  isem[o]).wait()
            issue_gathers(c + 1, o)

        wait_gathers(s)

        def mrow(r2, c2):
            for dr in range(2):
                r = 2 * r2 + dr
                for c3 in range(D // L):
                    sl = pl.ds(c3 * L, L)
                    abuf[s][r, sl] = jnp.maximum(
                        abuf[s][r, sl] + bbuf[s][r, sl] + epbuf[s][r, sl],
                        0.0)
            return c2
        lax.fori_loop(0, K // 2, mrow, 0)

        pltpu.sync_copy(abuf[s], agg.at[sdidx[s].at[1]], add=True)

        @pl.when(c + 2 < NCHUNK)
        def _():
            pltpu.async_copy(sd_hbm.at[wrow + c + 2], sdidx[s], isem[s])

    def pair(g, carry):
        do_chunk(2 * g, 0)
        do_chunk(2 * g + 1, 1)
        return carry
    lax.fori_loop(0, NCHUNK // 2, pair, 0)

    plsc.subcore_barrier()

    def wcopy(p, carry):
        off = pl.multiple_of(sid * RPT + p * K, K)
        pltpu.sync_copy(agg.at[pl.ds(off, K)], abuf[0])
        pltpu.sync_copy(abuf[0], out_hbm.at[cid, pl.ds(off, K)])
        return carry
    lax.fori_loop(0, RPT // K, wcopy, 0)


@functools.partial(
    pl.kernel,
    out_type=jax.ShapeDtypeStruct((NC, NPAD, D), jnp.float32),
    mesh=plsc.VectorSubcoreMesh(core_axis_name="c", subcore_axis_name="s"),
    scratch_types=[
        pltpu.VMEM((2, K), jnp.int32),
        pltpu.VMEM((2, K), jnp.int32),
        pltpu.VMEM((K, D), jnp.float32),
        pltpu.VMEM((K, D), jnp.float32),
        pltpu.VMEM((K, D), jnp.float32),
        pltpu.VMEM((K, D), jnp.float32),
        pltpu.VMEM((K, D), jnp.float32),
        pltpu.VMEM((K, D), jnp.float32),
        pltpu.VMEM_SHARED((NPAD, D), jnp.float32),
        pltpu.SemaphoreType.DMA,
        pltpu.SemaphoreType.DMA,
        pltpu.SemaphoreType.DMA,
        pltpu.SemaphoreType.DMA,
        pltpu.SemaphoreType.DMA,
        pltpu.SemaphoreType.DMA,
        pltpu.SemaphoreType.DMA,
        pltpu.SemaphoreType.DMA,
    ],
)
def _sc_edge(a_hbm, b_hbm, ep_hbm, sd_hbm, out_hbm,
             sdidx0, sdidx1, a0, a1, b0, b1, e0, e1, agg,
             isem0, isem1, asem0, asem1, bsem0, bsem1, esem0, esem1):
    _sc_edge_body(a_hbm, b_hbm, ep_hbm, sd_hbm, out_hbm,
                  (sdidx0, sdidx1), (a0, a1), (b0, b1), (e0, e1),
                  agg, (isem0, isem1), (asem0, asem1), (bsem0, bsem1),
                  (esem0, esem1))



def kernel(node_features, edge_index, edge_features,
           enc_W1, enc_b1, enc_W2, enc_b2,
           msg_W0, msg_b0, upd_W0, upd_b0,
           msg_W1, msg_b1, upd_W1, upd_b1,
           msg_W2, msg_b2, upd_W2, upd_b2,
           dec_W1, dec_b1, dec_W2, dec_b2):
    sd = jnp.stack([edge_index[0].reshape(E // K, K),
                    edge_index[1].reshape(E // K, K)], axis=1)

    ep0, ep1, ep2 = _ep3(edge_features,
                         msg_W0[2 * D:], msg_W1[2 * D:], msg_W2[2 * D:])

    x, a, b = _encab(node_features, enc_W1, enc_b1, enc_W2, enc_b2,
                     msg_W0[:D], msg_W0[D:2 * D], msg_b0)
    aggs = _sc_edge(a, b, ep0, sd)
    x, a, b = _updab(x, aggs, upd_W0[:D], upd_W0[D:], upd_b0,
                     msg_W1[:D], msg_W1[D:2 * D], msg_b1)
    aggs = _sc_edge(a, b, ep1, sd)
    x, a, b = _updab(x, aggs, upd_W1[:D], upd_W1[D:], upd_b1,
                     msg_W2[:D], msg_W2[D:2 * D], msg_b2)
    aggs = _sc_edge(a, b, ep2, sd)
    return _upddec(x, aggs, upd_W2[:D], upd_W2[D:], upd_b2,
                   dec_W1, dec_b1, dec_W2, dec_b2)

# --- scband reference (transcript-rebuilt; emitter-appended) ---
"""Pipeline reference for scband-gnn-13065290514456 (READ-ONLY COPY).

The authoritative reference and input builder live on the scoring server;
editing this copy changes nothing except your own understanding.
"""

import jax, jax.numpy as jnp
import numpy as np

N_NODES = 10000
N_EDGES = 320000
NODE_DIM = 128
EDGE_DIM = 16
HIDDEN = 128
NUM_LAYERS = 3

def _lin(key, fin, fout):
    return jax.random.normal(key, (fin, fout), jnp.float32) * (1.0 / np.sqrt(fin))

def setup_inputs(seed: int = 0):
    key = jax.random.key(seed)
    ks = jax.random.split(key, 40)
    inp = {}
    inp["node_features"] = jax.random.normal(ks[0], (N_NODES, NODE_DIM), jnp.float32)
    inp["edge_index"] = jax.random.randint(ks[1], (2, N_EDGES), 0, N_NODES, dtype=jnp.int32)
    inp["edge_features"] = jax.random.normal(ks[2], (N_EDGES, EDGE_DIM), jnp.float32)
    inp["enc_W1"] = _lin(ks[3], NODE_DIM, HIDDEN)
    inp["enc_b1"] = jnp.zeros((HIDDEN,), jnp.float32)
    inp["enc_W2"] = _lin(ks[4], HIDDEN, HIDDEN)
    inp["enc_b2"] = jnp.zeros((HIDDEN,), jnp.float32)
    for i in range(NUM_LAYERS):
        inp[f"msg_W{i}"] = _lin(ks[5 + 2 * i], 2 * HIDDEN + EDGE_DIM, HIDDEN)
        inp[f"msg_b{i}"] = jnp.zeros((HIDDEN,), jnp.float32)
        inp[f"upd_W{i}"] = _lin(ks[6 + 2 * i], 2 * HIDDEN, HIDDEN)
        inp[f"upd_b{i}"] = jnp.zeros((HIDDEN,), jnp.float32)
    inp["dec_W1"] = _lin(ks[20], HIDDEN, HIDDEN)
    inp["dec_b1"] = jnp.zeros((HIDDEN,), jnp.float32)
    inp["dec_W2"] = _lin(ks[21], HIDDEN, NODE_DIM)
    inp["dec_b2"] = jnp.zeros((NODE_DIM,), jnp.float32)
    return inp

def reference(node_features, edge_index, edge_features, enc_W1, enc_b1, enc_W2, enc_b2, msg_W0, msg_b0, upd_W0, upd_b0, msg_W1, msg_b1, upd_W1, upd_b1, msg_W2, msg_b2, upd_W2, upd_b2, dec_W1, dec_b1, dec_W2, dec_b2):
    # encoder: Linear -> ReLU -> Linear
    x = jnp.maximum(node_features @ enc_W1 + enc_b1, 0.0) @ enc_W2 + enc_b2
    src = edge_index[0]
    dst = edge_index[1]
    layer_params = [
        (msg_W0, msg_b0, upd_W0, upd_b0),
        (msg_W1, msg_b1, upd_W1, upd_b1),
        (msg_W2, msg_b2, upd_W2, upd_b2),
    ]
    # processor: GraphNet-style message passing layers with residual update
    for (mW, mb, uW, ub) in layer_params:
        m_in = jnp.concatenate([x[src], x[dst], edge_features], axis=-1)  # gather
        m = jnp.maximum(m_in @ mW + mb, 0.0)  # per-edge message MLP
        agg = jax.ops.segment_sum(m, dst, num_segments=N_NODES)  # scatter-add
        u_in = jnp.concatenate([x, agg], axis=-1)
        x = x + jnp.maximum(u_in @ uW + ub, 0.0)  # node update + residual
    # decoder: Linear -> ReLU -> Linear
    out = jnp.maximum(x @ dec_W1 + dec_b1, 0.0) @ dec_W2 + dec_b2
    return out

if __name__ == "__main__":
    import jax
    _d = setup_inputs()
    print(jax.jit(kernel)(*tuple(_d.values())))

</pallas_src>

<mosaic_0001>
#map = affine_map<(d0, d1) -> (0, 0)>
#map1 = affine_map<(d0, d1) -> (0, 0, 0)>
module attributes {stable_mosaic.version = 14 : i64} {
  func.func @_sc_edge(%arg0: i32, %arg1: i32, %arg2: memref<10000x128xf32, #tpu.memory_space<hbm>>, %arg3: memref<10000x128xf32, #tpu.memory_space<hbm>>, %arg4: memref<320000x128xf32, #tpu.memory_space<hbm>>, %arg5: memref<8000x2x40xi32, #tpu.memory_space<hbm>>, %arg6: memref<2x10240x128xf32, #tpu.memory_space<hbm>>, %arg7: memref<2x40xi32, #tpu.memory_space<vmem>>, %arg8: memref<2x40xi32, #tpu.memory_space<vmem>>, %arg9: memref<40x128xf32, #tpu.memory_space<vmem>>, %arg10: memref<40x128xf32, #tpu.memory_space<vmem>>, %arg11: memref<40x128xf32, #tpu.memory_space<vmem>>, %arg12: memref<40x128xf32, #tpu.memory_space<vmem>>, %arg13: memref<40x128xf32, #tpu.memory_space<vmem>>, %arg14: memref<40x128xf32, #tpu.memory_space<vmem>>, %arg15: memref<10240x128xf32, #tpu.memory_space<vmem_shared>>, %arg16: memref<!tpu.dma_semaphore, #tpu.memory_space<semaphore_mem>>, %arg17: memref<!tpu.dma_semaphore, #tpu.memory_space<semaphore_mem>>, %arg18: memref<!tpu.dma_semaphore, #tpu.memory_space<semaphore_mem>>, %arg19: memref<!tpu.dma_semaphore, #tpu.memory_space<semaphore_mem>>, %arg20: memref<!tpu.dma_semaphore, #tpu.memory_space<semaphore_mem>>, %arg21: memref<!tpu.dma_semaphore, #tpu.memory_space<semaphore_mem>>, %arg22: memref<!tpu.dma_semaphore, #tpu.memory_space<semaphore_mem>>, %arg23: memref<!tpu.dma_semaphore, #tpu.memory_space<semaphore_mem>>) attributes {dimension_semantics = [#tpu.dimension_semantics<core_parallel>, #tpu.dimension_semantics<subcore_parallel>], iteration_bounds = array<i64: 2, 16>, scalar_prefetch = 0 : i64, scratch_operands = 17 : i64, tpu.core_type = #tpu.core_type<sc_vector_subcore>, window_params = [{transform_indices = #map}, {transform_indices = #map}, {transform_indices = #map}, {transform_indices = #map1}, {transform_indices = #map1}]} {
    %mul3A = arith.constant 2 : i32
    %mul3A_0 = arith.muli %arg1, %mul3A : i32
    %add3A = arith.addi %mul3A_0, %arg0 : i32
    %mul3A_1 = arith.constant 250 : i32
    %mul3A_2 = arith.muli %add3A, %mul3A_1 : i32
    %mul3A_3 = arith.constant 10000 : i32
    %mul3A_4 = arith.muli %add3A, %mul3A_3 : i32
    %scan3A = arith.constant 0 : i32
    %scan3A_5 = arith.constant 0 : i32
    %scan3A_6 = arith.constant 40 : i32
    %scan3A_7 = arith.addi %scan3A_5, %scan3A_6 : i32
    %scan3A_8 = arith.constant 1 : i32
    scf.for %scan3A_58 = %scan3A_5 to %scan3A_7 step %scan3A_8  : i32 {
      %broadcast_in_dim3A = arith.constant 0.000000e+00 : f32
      %broadcast_in_dim3A_59 = vector.broadcast %broadcast_in_dim3A : f32 to vector<16xf32>
      %swap3A = arith.index_cast %scan3A_58 : i32 to index
      %swap3A_60 = arith.constant 0 : index
      %swap3A_61 = tpu.vector_load %arg9[%swap3A, %swap3A_60] {strides = array<i32>} : memref<40x128xf32, #tpu.memory_space<vmem>>, vector<1x16xf32>,
      %swap3A_62 = vector.shape_cast %swap3A_61 : vector<1x16xf32> to vector<16xf32>
      %swap3A_63 = vector.shape_cast %broadcast_in_dim3A_59 : vector<16xf32> to vector<1x16xf32>
      tpu.vector_store %arg9[%swap3A, %swap3A_60], %swap3A_63 {strides = array<i32>} : memref<40x128xf32, #tpu.memory_space<vmem>>, vector<1x16xf32>,
      %broadcast_in_dim3A_64 = arith.constant 0.000000e+00 : f32
      %broadcast_in_dim3A_65 = vector.broadcast %broadcast_in_dim3A_64 : f32 to vector<16xf32>
      %swap3A_66 = arith.index_cast %scan3A_58 : i32 to index
      %swap3A_67 = arith.constant 16 : index
      %swap3A_68 = tpu.vector_load %arg9[%swap3A_66, %swap3A_67] {strides = array<i32>} : memref<40x128xf32, #tpu.memory_space<vmem>>, vector<1x16xf32>,
      %swap3A_69 = vector.shape_cast %swap3A_68 : vector<1x16xf32> to vector<16xf32>
      %swap3A_70 = vector.shape_cast %broadcast_in_dim3A_65 : vector<16xf32> to vector<1x16xf32>
      tpu.vector_store %arg9[%swap3A_66, %swap3A_67], %swap3A_70 {strides = array<i32>} : memref<40x128xf32, #tpu.memory_space<vmem>>, vector<1x16xf32>,
      %broadcast_in_dim3A_71 = arith.constant 0.000000e+00 : f32
      %broadcast_in_dim3A_72 = vector.broadcast %broadcast_in_dim3A_71 : f32 to vector<16xf32>
      %swap3A_73 = arith.index_cast %scan3A_58 : i32 to index
      %swap3A_74 = arith.constant 32 : index
      %swap3A_75 = tpu.vector_load %arg9[%swap3A_73, %swap3A_74] {strides = array<i32>} : memref<40x128xf32, #tpu.memory_space<vmem>>, vector<1x16xf32>,
      %swap3A_76 = vector.shape_cast %swap3A_75 : vector<1x16xf32> to vector<16xf32>
      %swap3A_77 = vector.shape_cast %broadcast_in_dim3A_72 : vector<16xf32> to vector<1x16xf32>
      tpu.vector_store %arg9[%swap3A_73, %swap3A_74], %swap3A_77 {strides = array<i32>} : memref<40x128xf32, #tpu.memory_space<vmem>>, vector<1x16xf32>,
      %broadcast_in_dim3A_78 = arith.constant 0.000000e+00 : f32
      %broadcast_in_dim3A_79 = vector.broadcast %broadcast_in_dim3A_78 : f32 to vector<16xf32>
      %swap3A_80 = arith.index_cast %scan3A_58 : i32 to index
      %swap3A_81 = arith.constant 48 : index
      %swap3A_82 = tpu.vector_load %arg9[%swap3A_80, %swap3A_81] {strides = array<i32>} : memref<40x128xf32, #tpu.memory_space<vmem>>, vector<1x16xf32>,
      %swap3A_83 = vector.shape_cast %swap3A_82 : vector<1x16xf32> to vector<16xf32>
      %swap3A_84 = vector.shape_cast %broadcast_in_dim3A_79 : vector<16xf32> to vector<1x16xf32>
      tpu.vector_store %arg9[%swap3A_80, %swap3A_81], %swap3A_84 {strides = array<i32>} : memref<40x128xf32, #tpu.memory_space<vmem>>, vector<1x16xf32>,
      %broadcast_in_dim3A_85 = arith.constant 0.000000e+00 : f32
      %broadcast_in_dim3A_86 = vector.broadcast %broadcast_in_dim3A_85 : f32 to vector<16xf32>
      %swap3A_87 = arith.index_cast %scan3A_58 : i32 to index
      %swap3A_88 = arith.constant 64 : index
      %swap3A_89 = tpu.vector_load %arg9[%swap3A_87, %swap3A_88] {strides = array<i32>} : memref<40x128xf32, #tpu.memory_space<vmem>>, vector<1x16xf32>,
      %swap3A_90 = vector.shape_cast %swap3A_89 : vector<1x16xf32> to vector<16xf32>
      %swap3A_91 = vector.shape_cast %broadcast_in_dim3A_86 : vector<16xf32> to vector<1x16xf32>
      tpu.vector_store %arg9[%swap3A_87, %swap3A_88], %swap3A_91 {strides = array<i32>} : memref<40x128xf32, #tpu.memory_space<vmem>>, vector<1x16xf32>,
      %broadcast_in_dim3A_92 = arith.constant 0.000000e+00 : f32
      %broadcast_in_dim3A_93 = vector.broadcast %broadcast_in_dim3A_92 : f32 to vector<16xf32>
      %swap3A_94 = arith.index_cast %scan3A_58 : i32 to index
      %swap3A_95 = arith.constant 80 : index
      %swap3A_96 = tpu.vector_load %arg9[%swap3A_94, %swap3A_95] {strides = array<i32>} : memref<40x128xf32, #tpu.memory_space<vmem>>, vector<1x16xf32>,
      %swap3A_97 = vector.shape_cast %swap3A_96 : vector<1x16xf32> to vector<16xf32>
      %swap3A_98 = vector.shape_cast %broadcast_in_dim3A_93 : vector<16xf32> to vector<1x16xf32>
      tpu.vector_store %arg9[%swap3A_94, %swap3A_95], %swap3A_98 {strides = array<i32>} : memref<40x128xf32, #tpu.memory_space<vmem>>, vector<1x16xf32>,
      %broadcast_in_dim3A_99 = arith.constant 0.000000e+00 : f32
      %broadcast_in_dim3A_100 = vector.broadcast %broadcast_in_dim3A_99 : f32 to vector<16xf32>
      %swap3A_101 = arith.index_cast %scan3A_58 : i32 to index
      %swap3A_102 = arith.constant 96 : index
      %swap3A_103 = tpu.vector_load %arg9[%swap3A_101, %swap3A_102] {strides = array<i32>} : memref<40x128xf32, #tpu.memory_space<vmem>>, vector<1x16xf32>,
      %swap3A_104 = vector.shape_cast %swap3A_103 : vector<1x16xf32> to vector<16xf32>
      %swap3A_105 = vector.shape_cast %broadcast_in_dim3A_100 : vector<16xf32> to vector<1x16xf32>
      tpu.vector_store %arg9[%swap3A_101, %swap3A_102], %swap3A_105 {strides = array<i32>} : memref<40x128xf32, #tpu.memory_space<vmem>>, vector<1x16xf32>,
      %broadcast_in_dim3A_106 = arith.constant 0.000000e+00 : f32
      %broadcast_in_dim3A_107 = vector.broadcast %broadcast_in_dim3A_106 : f32 to vector<16xf32>
      %swap3A_108 = arith.index_cast %scan3A_58 : i32 to index
      %swap3A_109 = arith.constant 112 : index
      %swap3A_110 = tpu.vector_load %arg9[%swap3A_108, %swap3A_109] {strides = array<i32>} : memref<40x128xf32, #tpu.memory_space<vmem>>, vector<1x16xf32>,
      %swap3A_111 = vector.shape_cast %swap3A_110 : vector<1x16xf32> to vector<16xf32>
      %swap3A_112 = vector.shape_cast %broadcast_in_dim3A_107 : vector<16xf32> to vector<1x16xf32>
      tpu.vector_store %arg9[%swap3A_108, %swap3A_109], %swap3A_112 {strides = array<i32>} : memref<40x128xf32, #tpu.memory_space<vmem>>, vector<1x16xf32>,
    }
    %scan3A_9 = arith.constant 40 : i32
    %scan3A_10 = arith.constant 0 : i32
    %scan3A_11 = arith.constant 0 : i32
    %scan3A_12 = arith.constant 16 : i32
    %scan3A_13 = arith.addi %scan3A_11, %scan3A_12 : i32
    %scan3A_14 = arith.constant 1 : i32
    scf.for %scan3A_58 = %scan3A_11 to %scan3A_13 step %scan3A_14  : i32 {
      %mul3A_59 = arith.constant 640 : i32
      %mul3A_60 = arith.muli %arg1, %mul3A_59 : i32
      %mul3A_61 = arith.constant 40 : i32
      %mul3A_62 = arith.muli %scan3A_58, %mul3A_61 : i32
      %add3A_63 = arith.addi %mul3A_60, %mul3A_62 : i32
      %multiple_of3A = tpu.assume_multiple %add3A_63, 40 : i32
      "tpu.region"() ({
        %run_scoped3A = tpu.sem_alloc : memref<!tpu.dma_semaphore, #tpu.memory_space<semaphore_mem>>
        %dma_start3A_64 = arith.constant 0 : i32
        %dma_start3A_65 = tpu.memref_slice %arg15[%multiple_of3A, %dma_start3A_64] : memref<10240x128xf32, #tpu.memory_space<vmem_shared>> -> memref<40x128xf32, #tpu.memory_space<vmem_shared>>
        %dma_start3A_66 = arith.constant 0 : i32
        %dma_start3A_67 = tpu.memref_slice %arg15[%multiple_of3A, %dma_start3A_66] : memref<10240x128xf32, #tpu.memory_space<vmem_shared>> -> memref<40x128xf32, #tpu.memory_space<vmem_shared>>
        tpu.enqueue_dma source(%arg9 : memref<40x128xf32, #tpu.memory_space<vmem>>) target(%dma_start3A_67 : memref<40x128xf32, #tpu.memory_space<vmem_shared>>) target_semaphore(%run_scoped3A : memref<!tpu.dma_semaphore, #tpu.memory_space<semaphore_mem>>)
        %dma_wait3A = arith.constant 0 : i32
        %dma_wait3A_68 = tpu.memref_slice %arg15[%multiple_of3A, %dma_wait3A] : memref<10240x128xf32, #tpu.memory_space<vmem_shared>> -> memref<40x128xf32, #tpu.memory_space<vmem_shared>>
        %dma_wait3A_69 = arith.constant 0 : i32
        %dma_wait3A_70 = tpu.memref_slice %arg15[%multiple_of3A, %dma_wait3A_69] : memref<10240x128xf32, #tpu.memory_space<vmem_shared>> -> memref<40x128xf32, #tpu.memory_space<vmem_shared>>
        tpu.wait_dma2 semaphore(%run_scoped3A : memref<!tpu.dma_semaphore, #tpu.memory_space<semaphore_mem>>) src(%arg9 : memref<40x128xf32, #tpu.memory_space<vmem>>) dst(%dma_wait3A_70 : memref<40x128xf32, #tpu.memory_space<vmem_shared>>)
        tpu.yield
      }) : () -> ()
    }
    %scan3A_15 = arith.constant 16 : i32
    %barrier3A = arith.constant 0 : index
    tpu.barrier barrier_id(%barrier3A)
    "tpu.region"() ({
      %run_scoped3A = tpu.sem_alloc : memref<!tpu.dma_semaphore, #tpu.memory_space<semaphore_mem>>
      %dma_start3A_58 = arith.constant 0 : i32
      %dma_start3A_59 = arith.constant 0 : i32
      %dma_start3A_60 = tpu.memref_slice %arg5[%mul3A_2, %dma_start3A_58, %dma_start3A_59] : memref<8000x2x40xi32, #tpu.memory_space<hbm>> -> memref<1x2x40xi32, #tpu.memory_space<hbm>>
      %dma_start3A_61 = tpu.memref_squeeze %dma_start3A_60 : memref<1x2x40xi32, #tpu.memory_space<hbm>> -> memref<2x40xi32, #tpu.memory_space<hbm>>
      %dma_start3A_62 = arith.constant 0 : i32
      %dma_start3A_63 = arith.constant 0 : i32
      %dma_start3A_64 = tpu.memref_slice %arg5[%mul3A_2, %dma_start3A_62, %dma_start3A_63] : memref<8000x2x40xi32, #tpu.memory_space<hbm>> -> memref<1x2x40xi32, #tpu.memory_space<hbm>>
      %dma_start3A_65 = tpu.memref_squeeze %dma_start3A_64 : memref<1x2x40xi32, #tpu.memory_space<hbm>> -> memref<2x40xi32, #tpu.memory_space<hbm>>
      tpu.enqueue_dma source(%dma_start3A_65 : memref<2x40xi32, #tpu.memory_space<hbm>>) target(%arg7 : memref<2x40xi32, #tpu.memory_space<vmem>>) target_semaphore(%run_scoped3A : memref<!tpu.dma_semaphore, #tpu.memory_space<semaphore_mem>>)
      %dma_wait3A = arith.constant 0 : i32
      %dma_wait3A_66 = arith.constant 0 : i32
      %dma_wait3A_67 = tpu.memref_slice %arg5[%mul3A_2, %dma_wait3A, %dma_wait3A_66] : memref<8000x2x40xi32, #tpu.memory_space<hbm>> -> memref<1x2x40xi32, #tpu.memory_space<hbm>>
      %dma_wait3A_68 = tpu.memref_squeeze %dma_wait3A_67 : memref<1x2x40xi32, #tpu.memory_space<hbm>> -> memref<2x40xi32, #tpu.memory_space<hbm>>
      %dma_wait3A_69 = arith.constant 0 : i32
      %dma_wait3A_70 = arith.constant 0 : i32
      %dma_wait3A_71 = tpu.memref_slice %arg5[%mul3A_2, %dma_wait3A_69, %dma_wait3A_70] : memref<8000x2x40xi32, #tpu.memory_space<hbm>> -> memref<1x2x40xi32, #tpu.memory_space<hbm>>
      %dma_wait3A_72 = tpu.memref_squeeze %dma_wait3A_71 : memref<1x2x40xi32, #tpu.memory_space<hbm>> -> memref<2x40xi32, #tpu.memory_space<hbm>>
      tpu.wait_dma2 semaphore(%run_scoped3A : memref<!tpu.dma_semaphore, #tpu.memory_space<semaphore_mem>>) src(%dma_wait3A_72 : memref<2x40xi32, #tpu.memory_space<hbm>>) dst(%arg7 : memref<2x40xi32, #tpu.memory_space<vmem>>)
      tpu.yield
    }) : () -> ()
    %add3A_16 = arith.constant 1 : i32
    %add3A_17 = arith.addi %mul3A_2, %add3A_16 : i32
    %dma_start3A = arith.constant 0 : i32
    %dma_start3A_18 = arith.constant 0 : i32
    %dma_start3A_19 = tpu.memref_slice %arg5[%add3A_17, %dma_start3A, %dma_start3A_18] : memref<8000x2x40xi32, #tpu.memory_space<hbm>> -> memref<1x2x40xi32, #tpu.memory_space<hbm>>
    %dma_start3A_20 = tpu.memref_squeeze %dma_start3A_19 : memref<1x2x40xi32, #tpu.memory_space<hbm>> -> memref<2x40xi32, #tpu.memory_space<hbm>>
    %dma_start3A_21 = arith.constant 0 : i32
    %dma_start3A_22 = arith.constant 0 : i32
    %dma_start3A_23 = tpu.memref_slice %arg5[%add3A_17, %dma_start3A_21, %dma_start3A_22] : memref<8000x2x40xi32, #tpu.memory_space<hbm>> -> memref<1x2x40xi32, #tpu.memory_space<hbm>>
    %dma_start3A_24 = tpu.memref_squeeze %dma_start3A_23 : memref<1x2x40xi32, #tpu.memory_space<hbm>> -> memref<2x40xi32, #tpu.memory_space<hbm>>
    tpu.enqueue_dma source(%dma_start3A_24 : memref<2x40xi32, #tpu.memory_space<hbm>>) target(%arg8 : memref<2x40xi32, #tpu.memory_space<vmem>>) target_semaphore(%arg17 : memref<!tpu.dma_semaphore, #tpu.memory_space<semaphore_mem>>)
    %dma_start3A_25 = arith.constant 0 : i32
    %dma_start3A_26 = arith.constant 0 : i32
    %dma_start3A_27 = tpu.memref_slice %arg7[%dma_start3A_25, %dma_start3A_26] : memref<2x40xi32, #tpu.memory_space<vmem>> -> memref<1x40xi32, #tpu.memory_space<vmem>>
    %dma_start3A_28 = tpu.memref_squeeze %dma_start3A_27 : memref<1x40xi32, #tpu.memory_space<vmem>> -> memref<40xi32, #tpu.memory_space<vmem>>
    %dma_start3A_29 = arith.constant 0 : i32
    %dma_start3A_30 = arith.constant 0 : i32
    %dma_start3A_31 = tpu.memref_slice %arg2[%dma_start3A_29, %dma_start3A_30] : memref<10000x128xf32, #tpu.memory_space<hbm>> -> memref<10000x128xf32, #tpu.memory_space<hbm>>
    tpu.enqueue_indirect_dma source(%dma_start3A_31 : memref<10000x128xf32, #tpu.memory_space<hbm>>) target(%arg9 : memref<40x128xf32, #tpu.memory_space<vmem>>) offsets(%dma_start3A_28 : memref<40xi32, #tpu.memory_space<vmem>>) semaphore(%arg18 : memref<!tpu.dma_semaphore, #tpu.memory_space<semaphore_mem>>)
    %dma_start3A_32 = arith.constant 1 : i32
    %dma_start3A_33 = arith.constant 0 : i32
    %dma_start3A_34 = tpu.memref_slice %arg7[%dma_start3A_32, %dma_start3A_33] : memref<2x40xi32, #tpu.memory_space<vmem>> -> memref<1x40xi32, #tpu.memory_space<vmem>>
    %dma_start3A_35 = tpu.memref_squeeze %dma_start3A_34 : memref<1x40xi32, #tpu.memory_space<vmem>> -> memref<40xi32, #tpu.memory_space<vmem>>
    %dma_start3A_36 = arith.constant 0 : i32
    %dma_start3A_37 = arith.constant 0 : i32
    %dma_start3A_38 = tpu.memref_slice %arg3[%dma_start3A_36, %dma_start3A_37] : memref<10000x128xf32, #tpu.memory_space<hbm>> -> memref<10000x128xf32, #tpu.memory_space<hbm>>
    tpu.enqueue_indirect_dma source(%dma_start3A_38 : memref<10000x128xf32, #tpu.memory_space<hbm>>) target(%arg11 : memref<40x128xf32, #tpu.memory_space<vmem>>) offsets(%dma_start3A_35 : memref<40xi32, #tpu.memory_space<vmem>>) semaphore(%arg20 : memref<!tpu.dma_semaphore, #tpu.memory_space<semaphore_mem>>)
    %add3A_39 = arith.constant 0 : i32
    %add3A_40 = arith.addi %mul3A_4, %add3A_39 : i32
    %dma_start3A_41 = arith.constant 0 : i32
    %dma_start3A_42 = tpu.memref_slice %arg4[%add3A_40, %dma_start3A_41] : memref<320000x128xf32, #tpu.memory_space<hbm>> -> memref<40x128xf32, #tpu.memory_space<hbm>>
    %dma_start3A_43 = arith.constant 0 : i32
    %dma_start3A_44 = tpu.memref_slice %arg4[%add3A_40, %dma_start3A_43] : memref<320000x128xf32, #tpu.memory_space<hbm>> -> memref<40x128xf32, #tpu.memory_space<hbm>>
    tpu.enqueue_dma source(%dma_start3A_44 : memref<40x128xf32, #tpu.memory_space<hbm>>) target(%arg13 : memref<40x128xf32, #tpu.memory_space<vmem>>) target_semaphore(%arg22 : memref<!tpu.dma_semaphore, #tpu.memory_space<semaphore_mem>>)
    %scan3A_45 = arith.constant 0 : i32
    %scan3A_46 = arith.constant 0 : i32
    %scan3A_47 = arith.constant 125 : i32
    %scan3A_48 = arith.addi %scan3A_46, %scan3A_47 : i32
    %scan3A_49 = arith.constant 1 : i32
    scf.for %scan3A_58 = %scan3A_46 to %scan3A_48 step %scan3A_49  : i32 {
      %mul3A_59 = arith.constant 2 : i32
      %mul3A_60 = arith.muli %mul3A_59, %scan3A_58 : i32
      %add3A_61 = arith.constant 1 : i32
      %add3A_62 = arith.addi %mul3A_60, %add3A_61 : i32
      %lt3A = arith.constant 250 : i32
      %lt3A_63 = arith.cmpi slt, %add3A_62, %lt3A : i32
      %convert_element_type3A = arith.extui %lt3A_63 : i1 to i32
      %cond3A = arith.constant 0 : i32
      %cond3A_64 = arith.cmpi ne, %convert_element_type3A, %cond3A : i32
      scf.if %cond3A_64 {
        %dma_wait3A_138 = arith.constant 0 : i32
        %dma_wait3A_139 = arith.constant 0 : i32
        %dma_wait3A_140 = tpu.memref_slice %arg5[%mul3A_2, %dma_wait3A_138, %dma_wait3A_139] : memref<8000x2x40xi32, #tpu.memory_space<hbm>> -> memref<1x2x40xi32, #tpu.memory_space<hbm>>
        %dma_wait3A_141 = tpu.memref_squeeze %dma_wait3A_140 : memref<1x2x40xi32, #tpu.memory_space<hbm>> -> memref<2x40xi32, #tpu.memory_space<hbm>>
        %dma_wait3A_142 = arith.constant 0 : i32
        %dma_wait3A_143 = arith.constant 0 : i32
        %dma_wait3A_144 = tpu.memref_slice %arg5[%mul3A_2, %dma_wait3A_142, %dma_wait3A_143] : memref<8000x2x40xi32, #tpu.memory_space<hbm>> -> memref<1x2x40xi32, #tpu.memory_space<hbm>>
        %dma_wait3A_145 = tpu.memref_squeeze %dma_wait3A_144 : memref<1x2x40xi32, #tpu.memory_space<hbm>> -> memref<2x40xi32, #tpu.memory_space<hbm>>
        tpu.wait_dma2 semaphore(%arg17 : memref<!tpu.dma_semaphore, #tpu.memory_space<semaphore_mem>>) src(%dma_wait3A_145 : memref<2x40xi32, #tpu.memory_space<hbm>>) dst(%arg8 : memref<2x40xi32, #tpu.memory_space<vmem>>)
        %add3A_146 = arith.constant 1 : i32
        %add3A_147 = arith.addi %mul3A_60, %add3A_146 : i32
        %dma_start3A_148 = arith.constant 0 : i32
        %dma_start3A_149 = arith.constant 0 : i32
        %dma_start3A_150 = tpu.memref_slice %arg8[%dma_start3A_148, %dma_start3A_149] : memref<2x40xi32, #tpu.memory_space<vmem>> -> memref<1x40xi32, #tpu.memory_space<vmem>>
        %dma_start3A_151 = tpu.memref_squeeze %dma_start3A_150 : memref<1x40xi32, #tpu.memory_space<vmem>> -> memref<40xi32, #tpu.memory_space<vmem>>
        %dma_start3A_152 = arith.constant 0 : i32
        %dma_start3A_153 = arith.constant 0 : i32
        %dma_start3A_154 = tpu.memref_slice %arg2[%dma_start3A_152, %dma_start3A_153] : memref<10000x128xf32, #tpu.memory_space<hbm>> -> memref<10000x128xf32, #tpu.memory_space<hbm>>
        tpu.enqueue_indirect_dma source(%dma_start3A_154 : memref<10000x128xf32, #tpu.memory_space<hbm>>) target(%arg10 : memref<40x128xf32, #tpu.memory_space<vmem>>) offsets(%dma_start3A_151 : memref<40xi32, #tpu.memory_space<vmem>>) semaphore(%arg19 : memref<!tpu.dma_semaphore, #tpu.memory_space<semaphore_mem>>)
        %dma_start3A_155 = arith.constant 1 : i32
        %dma_start3A_156 = arith.constant 0 : i32
        %dma_start3A_157 = tpu.memref_slice %arg8[%dma_start3A_155, %dma_start3A_156] : memref<2x40xi32, #tpu.memory_space<vmem>> -> memref<1x40xi32, #tpu.memory_space<vmem>>
        %dma_start3A_158 = tpu.memref_squeeze %dma_start3A_157 : memref<1x40xi32, #tpu.memory_space<vmem>> -> memref<40xi32, #tpu.memory_space<vmem>>
        %dma_start3A_159 = arith.constant 0 : i32
        %dma_start3A_160 = arith.constant 0 : i32
        %dma_start3A_161 = tpu.memref_slice %arg3[%dma_start3A_159, %dma_start3A_160] : memref<10000x128xf32, #tpu.memory_space<hbm>> -> memref<10000x128xf32, #tpu.memory_space<hbm>>
        tpu.enqueue_indirect_dma source(%dma_start3A_161 : memref<10000x128xf32, #tpu.memory_space<hbm>>) target(%arg12 : memref<40x128xf32, #tpu.memory_space<vmem>>) offsets(%dma_start3A_158 : memref<40xi32, #tpu.memory_space<vmem>>) semaphore(%arg21 : memref<!tpu.dma_semaphore, #tpu.memory_space<semaphore_mem>>)
        %mul3A_162 = arith.constant 40 : i32
        %mul3A_163 = arith.muli %add3A_147, %mul3A_162 : i32
        %add3A_164 = arith.addi %mul3A_4, %mul3A_163 : i32
        %dma_start3A_165 = arith.constant 0 : i32
        %dma_start3A_166 = tpu.memref_slice %arg4[%add3A_164, %dma_start3A_165] : memref<320000x128xf32, #tpu.memory_space<hbm>> -> memref<40x128xf32, #tpu.memory_space<hbm>>
        %dma_start3A_167 = arith.constant 0 : i32
        %dma_start3A_168 = tpu.memref_slice %arg4[%add3A_164, %dma_start3A_167] : memref<320000x128xf32, #tpu.memory_space<hbm>> -> memref<40x128xf32, #tpu.memory_space<hbm>>
        tpu.enqueue_dma source(%dma_start3A_168 : memref<40x128xf32, #tpu.memory_space<hbm>>) target(%arg14 : memref<40x128xf32, #tpu.memory_space<vmem>>) target_semaphore(%arg23 : memref<!tpu.dma_semaphore, #tpu.memory_space<semaphore_mem>>)
      } else {
      }
      %dma_wait3A = arith.constant 0 : i32
      %dma_wait3A_65 = arith.constant 0 : i32
      %dma_wait3A_66 = tpu.memref_slice %arg7[%dma_wait3A, %dma_wait3A_65] : memref<2x40xi32, #tpu.memory_space<vmem>> -> memref<1x40xi32, #tpu.memory_space<vmem>>
      %dma_wait3A_67 = tpu.memref_squeeze %dma_wait3A_66 : memref<1x40xi32, #tpu.memory_space<vmem>> -> memref<40xi32, #tpu.memory_space<vmem>>
      %dma_wait3A_68 = arith.constant 0 : i32
      %dma_wait3A_69 = arith.constant 0 : i32
      %dma_wait3A_70 = tpu.memref_slice %arg2[%dma_wait3A_68, %dma_wait3A_69] : memref<10000x128xf32, #tpu.memory_space<hbm>> -> memref<10000x128xf32, #tpu.memory_space<hbm>>
      tpu.wait_indirect_dma semaphore(%arg18 : memref<!tpu.dma_semaphore, #tpu.memory_space<semaphore_mem>>) src(%dma_wait3A_70 : memref<10000x128xf32, #tpu.memory_space<hbm>>) dst(%arg9 : memref<40x128xf32, #tpu.memory_space<vmem>>)
      %dma_wait3A_71 = arith.constant 1 : i32
      %dma_wait3A_72 = arith.constant 0 : i32
      %dma_wait3A_73 = tpu.memref_slice %arg7[%dma_wait3A_71, %dma_wait3A_72] : memref<2x40xi32, #tpu.memory_space<vmem>> -> memref<1x40xi32, #tpu.memory_space<vmem>>
      %dma_wait3A_74 = tpu.memref_squeeze %dma_wait3A_73 : memref<1x40xi32, #tpu.memory_space<vmem>> -> memref<40xi32, #tpu.memory_space<vmem>>
      %dma_wait3A_75 = arith.constant 0 : i32
      %dma_wait3A_76 = arith.constant 0 : i32
      %dma_wait3A_77 = tpu.memref_slice %arg3[%dma_wait3A_75, %dma_wait3A_76] : memref<10000x128xf32, #tpu.memory_space<hbm>> -> memref<10000x128xf32, #tpu.memory_space<hbm>>
      tpu.wait_indirect_dma semaphore(%arg20 : memref<!tpu.dma_semaphore, #tpu.memory_space<semaphore_mem>>) src(%dma_wait3A_77 : memref<10000x128xf32, #tpu.memory_space<hbm>>) dst(%arg11 : memref<40x128xf32, #tpu.memory_space<vmem>>)
      %dma_wait3A_78 = arith.constant 0 : i32
      %dma_wait3A_79 = tpu.memref_slice %arg4[%mul3A_4, %dma_wait3A_78] : memref<320000x128xf32, #tpu.memory_space<hbm>> -> memref<40x128xf32, #tpu.memory_space<hbm>>
      %dma_wait3A_80 = arith.constant 0 : i32
      %dma_wait3A_81 = tpu.memref_slice %arg4[%mul3A_4, %dma_wait3A_80] : memref<320000x128xf32, #tpu.memory_space<hbm>> -> memref<40x128xf32, #tpu.memory_space<hbm>>
      tpu.wait_dma2 semaphore(%arg22 : memref<!tpu.dma_semaphore, #tpu.memory_space<semaphore_mem>>) src(%dma_wait3A_81 : memref<40x128xf32, #tpu.memory_space<hbm>>) dst(%arg13 : memref<40x128xf32, #tpu.memory_space<vmem>>)
      %scan3A_82 = arith.constant 0 : i32
      %scan3A_83 = arith.constant 0 : i32
      %scan3A_84 = arith.constant 20 : i32
      %scan3A_85 = arith.addi %scan3A_83, %scan3A_84 : i32
      %scan3A_86 = arith.constant 1 : i32
      scf.for %scan3A_138 = %scan3A_83 to %scan3A_85 step %scan3A_86  : i32 {
        %mul3A_139 = arith.constant 2 : i32
        %mul3A_140 = arith.muli %mul3A_139, %scan3A_138 : i32
        %add3A_141 = arith.constant 0 : i32
        %add3A_142 = arith.addi %mul3A_140, %add3A_141 : i32
        %get3A = arith.index_cast %add3A_142 : i32 to index
        %get3A_143 = arith.constant 0 : index
        %get3A_144 = tpu.vector_load %arg9[%get3A, %get3A_143] {strides = array<i32>} : memref<40x128xf32, #tpu.memory_space<vmem>>, vector<1x16xf32>,
        %get3A_145 = vector.shape_cast %get3A_144 : vector<1x16xf32> to vector<16xf32>
        %get3A_146 = arith.index_cast %add3A_142 : i32 to index
        %get3A_147 = arith.constant 0 : index
        %get3A_148 = tpu.vector_load %arg11[%get3A_146, %get3A_147] {strides = array<i32>} : memref<40x128xf32, #tpu.memory_space<vmem>>, vector<1x16xf32>,
        %get3A_149 = vector.shape_cast %get3A_148 : vector<1x16xf32> to vector<16xf32>
        %add3A_150 = arith.addf %get3A_145, %get3A_149 : vector<16xf32>
        %get3A_151 = arith.index_cast %add3A_142 : i32 to index
        %get3A_152 = arith.constant 0 : index
        %get3A_153 = tpu.vector_load %arg13[%get3A_151, %get3A_152] {strides = array<i32>} : memref<40x128xf32, #tpu.memory_space<vmem>>, vector<1x16xf32>,
        %get3A_154 = vector.shape_cast %get3A_153 : vector<1x16xf32> to vector<16xf32>
        %add3A_155 = arith.addf %add3A_150, %get3A_154 : vector<16xf32>
        %max3A = arith.constant 0.000000e+00 : f32
        %max3A_156 = vector.broadcast %max3A : f32 to vector<16xf32>
        %max3A_157 = arith.maximumf %add3A_155, %max3A_156 : vector<16xf32>
        %swap3A = arith.index_cast %add3A_142 : i32 to index
        %swap3A_158 = arith.constant 0 : index
        %swap3A_159 = tpu.vector_load %arg9[%swap3A, %swap3A_158] {strides = array<i32>} : memref<40x128xf32, #tpu.memory_space<vmem>>, vector<1x16xf32>,
        %swap3A_160 = vector.shape_cast %swap3A_159 : vector<1x16xf32> to vector<16xf32>
        %swap3A_161 = vector.shape_cast %max3A_157 : vector<16xf32> to vector<1x16xf32>
        tpu.vector_store %arg9[%swap3A, %swap3A_158], %swap3A_161 {strides = array<i32>} : memref<40x128xf32, #tpu.memory_space<vmem>>, vector<1x16xf32>,
        %get3A_162 = arith.index_cast %add3A_142 : i32 to index
        %get3A_163 = arith.constant 16 : index
        %get3A_164 = tpu.vector_load %arg9[%get3A_162, %get3A_163] {strides = array<i32>} : memref<40x128xf32, #tpu.memory_space<vmem>>, vector<1x16xf32>,
        %get3A_165 = vector.shape_cast %get3A_164 : vector<1x16xf32> to vector<16xf32>
        %get3A_166 = arith.index_cast %add3A_142 : i32 to index
        %get3A_167 = arith.constant 16 : index
        %get3A_168 = tpu.vector_load %arg11[%get3A_166, %get3A_167] {strides = array<i32>} : memref<40x128xf32, #tpu.memory_space<vmem>>, vector<1x16xf32>,
        %get3A_169 = vector.shape_cast %get3A_168 : vector<1x16xf32> to vector<16xf32>
        %add3A_170 = arith.addf %get3A_165, %get3A_169 : vector<16xf32>
        %get3A_171 = arith.index_cast %add3A_142 : i32 to index
        %get3A_172 = arith.constant 16 : index
        %get3A_173 = tpu.vector_load %arg13[%get3A_171, %get3A_172] {strides = array<i32>} : memref<40x128xf32, #tpu.memory_space<vmem>>, vector<1x16xf32>,
        %get3A_174 = vector.shape_cast %get3A_173 : vector<1x16xf32> to vector<16xf32>
        %add3A_175 = arith.addf %add3A_170, %get3A_174 : vector<16xf32>
        %max3A_176 = arith.constant 0.000000e+00 : f32
        %max3A_177 = vector.broadcast %max3A_176 : f32 to vector<16xf32>
        %max3A_178 = arith.maximumf %add3A_175, %max3A_177 : vector<16xf32>
        %swap3A_179 = arith.index_cast %add3A_142 : i32 to index
        %swap3A_180 = arith.constant 16 : index
        %swap3A_181 = tpu.vector_load %arg9[%swap3A_179, %swap3A_180] {strides = array<i32>} : memref<40x128xf32, #tpu.memory_space<vmem>>, vector<1x16xf32>,
        %swap3A_182 = vector.shape_cast %swap3A_181 : vector<1x16xf32> to vector<16xf32>
        %swap3A_183 = vector.shape_cast %max3A_178 : vector<16xf32> to vector<1x16xf32>
        tpu.vector_store %arg9[%swap3A_179, %swap3A_180], %swap3A_183 {strides = array<i32>} : memref<40x128xf32, #tpu.memory_space<vmem>>, vector<1x16xf32>,
        %get3A_184 = arith.index_cast %add3A_142 : i32 to index
        %get3A_185 = arith.constant 32 : index
        %get3A_186 = tpu.vector_load %arg9[%get3A_184, %get3A_185] {strides = array<i32>} : memref<40x128xf32, #tpu.memory_space<vmem>>, vector<1x16xf32>,
        %get3A_187 = vector.shape_cast %get3A_186 : vector<1x16xf32> to vector<16xf32>
        %get3A_188 = arith.index_cast %add3A_142 : i32 to index
        %get3A_189 = arith.constant 32 : index
        %get3A_190 = tpu.vector_load %arg11[%get3A_188, %get3A_189] {strides = array<i32>} : memref<40x128xf32, #tpu.memory_space<vmem>>, vector<1x16xf32>,
        %get3A_191 = vector.shape_cast %get3A_190 : vector<1x16xf32> to vector<16xf32>
        %add3A_192 = arith.addf %get3A_187, %get3A_191 : vector<16xf32>
        %get3A_193 = arith.index_cast %add3A_142 : i32 to index
        %get3A_194 = arith.constant 32 : index
        %get3A_195 = tpu.vector_load %arg13[%get3A_193, %get3A_194] {strides = array<i32>} : memref<40x128xf32, #tpu.memory_space<vmem>>, vector<1x16xf32>,
        %get3A_196 = vector.shape_cast %get3A_195 : vector<1x16xf32> to vector<16xf32>
        %add3A_197 = arith.addf %add3A_192, %get3A_196 : vector<16xf32>
        %max3A_198 = arith.constant 0.000000e+00 : f32
        %max3A_199 = vector.broadcast %max3A_198 : f32 to vector<16xf32>
        %max3A_200 = arith.maximumf %add3A_197, %max3A_199 : vector<16xf32>
        %swap3A_201 = arith.index_cast %add3A_142 : i32 to index
        %swap3A_202 = arith.constant 32 : index
        %swap3A_203 = tpu.vector_load %arg9[%swap3A_201, %swap3A_202] {strides = array<i32>} : memref<40x128xf32, #tpu.memory_space<vmem>>, vector<1x16xf32>,
        %swap3A_204 = vector.shape_cast %swap3A_203 : vector<1x16xf32> to vector<16xf32>
        %swap3A_205 = vector.shape_cast %max3A_200 : vector<16xf32> to vector<1x16xf32>
        tpu.vector_store %arg9[%swap3A_201, %swap3A_202], %swap3A_205 {strides = array<i32>} : memref<40x128xf32, #tpu.memory_space<vmem>>, vector<1x16xf32>,
        %get3A_206 = arith.index_cast %add3A_142 : i32 to index
        %get3A_207 = arith.constant 48 : index
        %get3A_208 = tpu.vector_load %arg9[%get3A_206, %get3A_207] {strides = array<i32>} : memref<40x128xf32, #tpu.memory_space<vmem>>, vector<1x16xf32>,
        %get3A_209 = vector.shape_cast %get3A_208 : vector<1x16xf32> to vector<16xf32>
        %get3A_210 = arith.index_cast %add3A_142 : i32 to index
        %get3A_211 = arith.constant 48 : index
        %get3A_212 = tpu.vector_load %arg11[%get3A_210, %get3A_211] {strides = array<i32>} : memref<40x128xf32, #tpu.memory_space<vmem>>, vector<1x16xf32>,
        %get3A_213 = vector.shape_cast %get3A_212 : vector<1x16xf32> to vector<16xf32>
        %add3A_214 = arith.addf %get3A_209, %get3A_213 : vector<16xf32>
        %get3A_215 = arith.index_cast %add3A_142 : i32 to index
        %get3A_216 = arith.constant 48 : index
        %get3A_217 = tpu.vector_load %arg13[%get3A_215, %get3A_216] {strides = array<i32>} : memref<40x128xf32, #tpu.memory_space<vmem>>, vector<1x16xf32>,
        %get3A_218 = vector.shape_cast %get3A_217 : vector<1x16xf32> to vector<16xf32>
        %add3A_219 = arith.addf %add3A_214, %get3A_218 : vector<16xf32>
        %max3A_220 = arith.constant 0.000000e+00 : f32
        %max3A_221 = vector.broadcast %max3A_220 : f32 to vector<16xf32>
        %max3A_222 = arith.maximumf %add3A_219, %max3A_221 : vector<16xf32>
        %swap3A_223 = arith.index_cast %add3A_142 : i32 to index
        %swap3A_224 = arith.constant 48 : index
        %swap3A_225 = tpu.vector_load %arg9[%swap3A_223, %swap3A_224] {strides = array<i32>} : memref<40x128xf32, #tpu.memory_space<vmem>>, vector<1x16xf32>,
        %swap3A_226 = vector.shape_cast %swap3A_225 : vector<1x16xf32> to vector<16xf32>
        %swap3A_227 = vector.shape_cast %max3A_222 : vector<16xf32> to vector<1x16xf32>
        tpu.vector_store %arg9[%swap3A_223, %swap3A_224], %swap3A_227 {strides = array<i32>} : memref<40x128xf32, #tpu.memory_space<vmem>>, vector<1x16xf32>,
        %get3A_228 = arith.index_cast %add3A_142 : i32 to index
        %get3A_229 = arith.constant 64 : index
        %get3A_230 = tpu.vector_load %arg9[%get3A_228, %get3A_229] {strides = array<i32>} : memref<40x128xf32, #tpu.memory_space<vmem>>, vector<1x16xf32>,
        %get3A_231 = vector.shape_cast %get3A_230 : vector<1x16xf32> to vector<16xf32>
        %get3A_232 = arith.index_cast %add3A_142 : i32 to index
        %get3A_233 = arith.constant 64 : index
        %get3A_234 = tpu.vector_load %arg11[%get3A_232, %get3A_233] {strides = array<i32>} : memref<40x128xf32, #tpu.memory_space<vmem>>, vector<1x16xf32>,
        %get3A_235 = vector.shape_cast %get3A_234 : vector<1x16xf32> to vector<16xf32>
        %add3A_236 = arith.addf %get3A_231, %get3A_235 : vector<16xf32>
        %get3A_237 = arith.index_cast %add3A_142 : i32 to index
        %get3A_238 = arith.constant 64 : index
        %get3A_239 = tpu.vector_load %arg13[%get3A_237, %get3A_238] {strides = array<i32>} : memref<40x128xf32, #tpu.memory_space<vmem>>, vector<1x16xf32>,
        %get3A_240 = vector.shape_cast %get3A_239 : vector<1x16xf32> to vector<16xf32>
        %add3A_241 = arith.addf %add3A_236, %get3A_240 : vector<16xf32>
        %max3A_242 = arith.constant 0.000000e+00 : f32
        %max3A_243 = vector.broadcast %max3A_242 : f32 to vector<16xf32>
        %max3A_244 = arith.maximumf %add3A_241, %max3A_243 : vector<16xf32>
        %swap3A_245 = arith.index_cast %add3A_142 : i32 to index
        %swap3A_246 = arith.constant 64 : index
        %swap3A_247 = tpu.vector_load %arg9[%swap3A_245, %swap3A_246] {strides = array<i32>} : memref<40x128xf32, #tpu.memory_space<vmem>>, vector<1x16xf32>,
        %swap3A_248 = vector.shape_cast %swap3A_247 : vector<1x16xf32> to vector<16xf32>
        %swap3A_249 = vector.shape_cast %max3A_244 : vector<16xf32> to vector<1x16xf32>
        tpu.vector_store %arg9[%swap3A_245, %swap3A_246], %swap3A_249 {strides = array<i32>} : memref<40x128xf32, #tpu.memory_space<vmem>>, vector<1x16xf32>,
        %get3A_250 = arith.index_cast %add3A_142 : i32 to index
        %get3A_251 = arith.constant 80 : index
        %get3A_252 = tpu.vector_load %arg9[%get3A_250, %get3A_251] {strides = array<i32>} : memref<40x128xf32, #tpu.memory_space<vmem>>, vector<1x16xf32>,
        %get3A_253 = vector.shape_cast %get3A_252 : vector<1x16xf32> to vector<16xf32>
        %get3A_254 = arith.index_cast %add3A_142 : i32 to index
        %get3A_255 = arith.constant 80 : index
        %get3A_256 = tpu.vector_load %arg11[%get3A_254, %get3A_255] {strides = array<i32>} : memref<40x128xf32, #tpu.memory_space<vmem>>, vector<1x16xf32>,
        %get3A_257 = vector.shape_cast %get3A_256 : vector<1x16xf32> to vector<16xf32>
        %add3A_258 = arith.addf %get3A_253, %get3A_257 : vector<16xf32>
        %get3A_259 = arith.index_cast %add3A_142 : i32 to index
        %get3A_260 = arith.constant 80 : index
        %get3A_261 = tpu.vector_load %arg13[%get3A_259, %get3A_260] {strides = array<i32>} : memref<40x128xf32, #tpu.memory_space<vmem>>, vector<1x16xf32>,
        %get3A_262 = vector.shape_cast %get3A_261 : vector<1x16xf32> to vector<16xf32>
        %add3A_263 = arith.addf %add3A_258, %get3A_262 : vector<16xf32>
        %max3A_264 = arith.constant 0.000000e+00 : f32
        %max3A_265 = vector.broadcast %max3A_264 : f32 to vector<16xf32>
        %max3A_266 = arith.maximumf %add3A_263, %max3A_265 : vector<16xf32>
        %swap3A_267 = arith.index_cast %add3A_142 : i32 to index
        %swap3A_268 = arith.constant 80 : index
        %swap3A_269 = tpu.vector_load %arg9[%swap3A_267, %swap3A_268] {strides = array<i32>} : memref<40x128xf32, #tpu.memory_space<vmem>>, vector<1x16xf32>,
        %swap3A_270 = vector.shape_cast %swap3A_269 : vector<1x16xf32> to vector<16xf32>
        %swap3A_271 = vector.shape_cast %max3A_266 : vector<16xf32> to vector<1x16xf32>
        tpu.vector_store %arg9[%swap3A_267, %swap3A_268], %swap3A_271 {strides = array<i32>} : memref<40x128xf32, #tpu.memory_space<vmem>>, vector<1x16xf32>,
        %get3A_272 = arith.index_cast %add3A_142 : i32 to index
        %get3A_273 = arith.constant 96 : index
        %get3A_274 = tpu.vector_load %arg9[%get3A_272, %get3A_273] {strides = array<i32>} : memref<40x128xf32, #tpu.memory_space<vmem>>, vector<1x16xf32>,
        %get3A_275 = vector.shape_cast %get3A_274 : vector<1x16xf32> to vector<16xf32>
        %get3A_276 = arith.index_cast %add3A_142 : i32 to index
        %get3A_277 = arith.constant 96 : index
        %get3A_278 = tpu.vector_load %arg11[%get3A_276, %get3A_277] {strides = array<i32>} : memref<40x128xf32, #tpu.memory_space<vmem>>, vector<1x16xf32>,
        %get3A_279 = vector.shape_cast %get3A_278 : vector<1x16xf32> to vector<16xf32>
        %add3A_280 = arith.addf %get3A_275, %get3A_279 : vector<16xf32>
        %get3A_281 = arith.index_cast %add3A_142 : i32 to index
        %get3A_282 = arith.constant 96 : index
        %get3A_283 = tpu.vector_load %arg13[%get3A_281, %get3A_282] {strides = array<i32>} : memref<40x128xf32, #tpu.memory_space<vmem>>, vector<1x16xf32>,
        %get3A_284 = vector.shape_cast %get3A_283 : vector<1x16xf32> to vector<16xf32>
        %add3A_285 = arith.addf %add3A_280, %get3A_284 : vector<16xf32>
        %max3A_286 = arith.constant 0.000000e+00 : f32
        %max3A_287 = vector.broadcast %max3A_286 : f32 to vector<16xf32>
        %max3A_288 = arith.maximumf %add3A_285, %max3A_287 : vector<16xf32>
        %swap3A_289 = arith.index_cast %add3A_142 : i32 to index
        %swap3A_290 = arith.constant 96 : index
        %swap3A_291 = tpu.vector_load %arg9[%swap3A_289, %swap3A_290] {strides = array<i32>} : memref<40x128xf32, #tpu.memory_space<vmem>>, vector<1x16xf32>,
        %swap3A_292 = vector.shape_cast %swap3A_291 : vector<1x16xf32> to vector<16xf32>
        %swap3A_293 = vector.shape_cast %max3A_288 : vector<16xf32> to vector<1x16xf32>
        tpu.vector_store %arg9[%swap3A_289, %swap3A_290], %swap3A_293 {strides = array<i32>} : memref<40x128xf32, #tpu.memory_space<vmem>>, vector<1x16xf32>,
        %get3A_294 = arith.index_cast %add3A_142 : i32 to index
        %get3A_295 = arith.constant 112 : index
        %get3A_296 = tpu.vector_load %arg9[%get3A_294, %get3A_295] {strides = array<i32>} : memref<40x128xf32, #tpu.memory_space<vmem>>, vector<1x16xf32>,
        %get3A_297 = vector.shape_cast %get3A_296 : vector<1x16xf32> to vector<16xf32>
        %get3A_298 = arith.index_cast %add3A_142 : i32 to index
        %get3A_299 = arith.constant 112 : index
        %get3A_300 = tpu.vector_load %arg11[%get3A_298, %get3A_299] {strides = array<i32>} : memref<40x128xf32, #tpu.memory_space<vmem>>, vector<1x16xf32>,
        %get3A_301 = vector.shape_cast %get3A_300 : vector<1x16xf32> to vector<16xf32>
        %add3A_302 = arith.addf %get3A_297, %get3A_301 : vector<16xf32>
        %get3A_303 = arith.index_cast %add3A_142 : i32 to index
        %get3A_304 = arith.constant 112 : index
        %get3A_305 = tpu.vector_load %arg13[%get3A_303, %get3A_304] {strides = array<i32>} : memref<40x128xf32, #tpu.memory_space<vmem>>, vector<1x16xf32>,
        %get3A_306 = vector.shape_cast %get3A_305 : vector<1x16xf32> to vector<16xf32>
        %add3A_307 = arith.addf %add3A_302, %get3A_306 : vector<16xf32>
        %max3A_308 = arith.constant 0.000000e+00 : f32
        %max3A_309 = vector.broadcast %max3A_308 : f32 to vector<16xf32>
        %max3A_310 = arith.maximumf %add3A_307, %max3A_309 : vector<16xf32>
        %swap3A_311 = arith.index_cast %add3A_142 : i32 to index
        %swap3A_312 = arith.constant 112 : index
        %swap3A_313 = tpu.vector_load %arg9[%swap3A_311, %swap3A_312] {strides = array<i32>} : memref<40x128xf32, #tpu.memory_space<vmem>>, vector<1x16xf32>,
        %swap3A_314 = vector.shape_cast %swap3A_313 : vector<1x16xf32> to vector<16xf32>
        %swap3A_315 = vector.shape_cast %max3A_310 : vector<16xf32> to vector<1x16xf32>
        tpu.vector_store %arg9[%swap3A_311, %swap3A_312], %swap3A_315 {strides = array<i32>} : memref<40x128xf32, #tpu.memory_space<vmem>>, vector<1x16xf32>,
        %mul3A_316 = arith.constant 2 : i32
        %mul3A_317 = arith.muli %mul3A_316, %scan3A_138 : i32
        %add3A_318 = arith.constant 1 : i32
        %add3A_319 = arith.addi %mul3A_317, %add3A_318 : i32
        %get3A_320 = arith.index_cast %add3A_319 : i32 to index
        %get3A_321 = arith.constant 0 : index
        %get3A_322 = tpu.vector_load %arg9[%get3A_320, %get3A_321] {strides = array<i32>} : memref<40x128xf32, #tpu.memory_space<vmem>>, vector<1x16xf32>,
        %get3A_323 = vector.shape_cast %get3A_322 : vector<1x16xf32> to vector<16xf32>
        %get3A_324 = arith.index_cast %add3A_319 : i32 to index
        %get3A_325 = arith.constant 0 : index
        %get3A_326 = tpu.vector_load %arg11[%get3A_324, %get3A_325] {strides = array<i32>} : memref<40x128xf32, #tpu.memory_space<vmem>>, vector<1x16xf32>,
        %get3A_327 = vector.shape_cast %get3A_326 : vector<1x16xf32> to vector<16xf32>
        %add3A_328 = arith.addf %get3A_323, %get3A_327 : vector<16xf32>
        %get3A_329 = arith.index_cast %add3A_319 : i32 to index
        %get3A_330 = arith.constant 0 : index
        %get3A_331 = tpu.vector_load %arg13[%get3A_329, %get3A_330] {strides = array<i32>} : memref<40x128xf32, #tpu.memory_space<vmem>>, vector<1x16xf32>,
        %get3A_332 = vector.shape_cast %get3A_331 : vector<1x16xf32> to vector<16xf32>
        %add3A_333 = arith.addf %add3A_328, %get3A_332 : vector<16xf32>
        %max3A_334 = arith.constant 0.000000e+00 : f32
        %max3A_335 = vector.broadcast %max3A_334 : f32 to vector<16xf32>
        %max3A_336 = arith.maximumf %add3A_333, %max3A_335 : vector<16xf32>
        %swap3A_337 = arith.index_cast %add3A_319 : i32 to index
        %swap3A_338 = arith.constant 0 : index
        %swap3A_339 = tpu.vector_load %arg9[%swap3A_337, %swap3A_338] {strides = array<i32>} : memref<40x128xf32, #tpu.memory_space<vmem>>, vector<1x16xf32>,
        %swap3A_340 = vector.shape_cast %swap3A_339 : vector<1x16xf32> to vector<16xf32>
        %swap3A_341 = vector.shape_cast %max3A_336 : vector<16xf32> to vector<1x16xf32>
        tpu.vector_store %arg9[%swap3A_337, %swap3A_338], %swap3A_341 {strides = array<i32>} : memref<40x128xf32, #tpu.memory_space<vmem>>, vector<1x16xf32>,
        %get3A_342 = arith.index_cast %add3A_319 : i32 to index
        %get3A_343 = arith.constant 16 : index
        %get3A_344 = tpu.vector_load %arg9[%get3A_342, %get3A_343] {strides = array<i32>} : memref<40x128xf32, #tpu.memory_space<vmem>>, vector<1x16xf32>,
        %get3A_345 = vector.shape_cast %get3A_344 : vector<1x16xf32> to vector<16xf32>
        %get3A_346 = arith.index_cast %add3A_319 : i32 to index
        %get3A_347 = arith.constant 16 : index
        %get3A_348 = tpu.vector_load %arg11[%get3A_346, %get3A_347] {strides = array<i32>} : memref<40x128xf32, #tpu.memory_space<vmem>>, vector<1x16xf32>,
        %get3A_349 = vector.shape_cast %get3A_348 : vector<1x16xf32> to vector<16xf32>
        %add3A_350 = arith.addf %get3A_345, %get3A_349 : vector<16xf32>
        %get3A_351 = arith.index_cast %add3A_319 : i32 to index
        %get3A_352 = arith.constant 16 : index
        %get3A_353 = tpu.vector_load %arg13[%get3A_351, %get3A_352] {strides = array<i32>} : memref<40x128xf32, #tpu.memory_space<vmem>>, vector<1x16xf32>,
        %get3A_354 = vector.shape_cast %get3A_353 : vector<1x16xf32> to vector<16xf32>
        %add3A_355 = arith.addf %add3A_350, %get3A_354 : vector<16xf32>
        %max3A_356 = arith.constant 0.000000e+00 : f32
        %max3A_357 = vector.broadcast %max3A_356 : f32 to vector<16xf32>
        %max3A_358 = arith.maximumf %add3A_355, %max3A_357 : vector<16xf32>
        %swap3A_359 = arith.index_cast %add3A_319 : i32 to index
        %swap3A_360 = arith.constant 16 : index
        %swap3A_361 = tpu.vector_load %arg9[%swap3A_359, %swap3A_360] {strides = array<i32>} : memref<40x128xf32, #tpu.memory_space<vmem>>, vector<1x16xf32>,
        %swap3A_362 = vector.shape_cast %swap3A_361 : vector<1x16xf32> to vector<16xf32>
        %swap3A_363 = vector.shape_cast %max3A_358 : vector<16xf32> to vector<1x16xf32>
        tpu.vector_store %arg9[%swap3A_359, %swap3A_360], %swap3A_363 {strides = array<i32>} : memref<40x128xf32, #tpu.memory_space<vmem>>, vector<1x16xf32>,
        %get3A_364 = arith.index_cast %add3A_319 : i32 to index
        %get3A_365 = arith.constant 32 : index
        %get3A_366 = tpu.vector_load %arg9[%get3A_364, %get3A_365] {strides = array<i32>} : memref<40x128xf32, #tpu.memory_space<vmem>>, vector<1x16xf32>,
        %get3A_367 = vector.shape_cast %get3A_366 : vector<1x16xf32> to vector<16xf32>
        %get3A_368 = arith.index_cast %add3A_319 : i32 to index
        %get3A_369 = arith.constant 32 : index
        %get3A_370 = tpu.vector_load %arg11[%get3A_368, %get3A_369] {strides = array<i32>} : memref<40x128xf32, #tpu.memory_space<vmem>>, vector<1x16xf32>,
        %get3A_371 = vector.shape_cast %get3A_370 : vector<1x16xf32> to vector<16xf32>
        %add3A_372 = arith.addf %get3A_367, %get3A_371 : vector<16xf32>
        %get3A_373 = arith.index_cast %add3A_319 : i32 to index
        %get3A_374 = arith.constant 32 : index
        %get3A_375 = tpu.vector_load %arg13[%get3A_373, %get3A_374] {strides = array<i32>} : memref<40x128xf32, #tpu.memory_space<vmem>>, vector<1x16xf32>,
        %get3A_376 = vector.shape_cast %get3A_375 : vector<1x16xf32> to vector<16xf32>
        %add3A_377 = arith.addf %add3A_372, %get3A_376 : vector<16xf32>
        %max3A_378 = arith.constant 0.000000e+00 : f32
        %max3A_379 = vector.broadcast %max3A_378 : f32 to vector<16xf32>
        %max3A_380 = arith.maximumf %add3A_377, %max3A_379 : vector<16xf32>
        %swap3A_381 = arith.index_cast %add3A_319 : i32 to index
        %swap3A_382 = arith.constant 32 : index
        %swap3A_383 = tpu.vector_load %arg9[%swap3A_381, %swap3A_382] {strides = array<i32>} : memref<40x128xf32, #tpu.memory_space<vmem>>, vector<1x16xf32>,
        %swap3A_384 = vector.shape_cast %swap3A_383 : vector<1x16xf32> to vector<16xf32>
        %swap3A_385 = vector.shape_cast %max3A_380 : vector<16xf32> to vector<1x16xf32>
        tpu.vector_store %arg9[%swap3A_381, %swap3A_382], %swap3A_385 {strides = array<i32>} : memref<40x128xf32, #tpu.memory_space<vmem>>, vector<1x16xf32>,
        %get3A_386 = arith.index_cast %add3A_319 : i32 to index
        %get3A_387 = arith.constant 48 : index
        %get3A_388 = tpu.vector_load %arg9[%get3A_386, %get3A_387] {strides = array<i32>} : memref<40x128xf32, #tpu.memory_space<vmem>>, vector<1x16xf32>,
        %get3A_389 = vector.shape_cast %get3A_388 : vector<1x16xf32> to vector<16xf32>
        %get3A_390 = arith.index_cast %add3A_319 : i32 to index
        %get3A_391 = arith.constant 48 : index
        %get3A_392 = tpu.vector_load %arg11[%get3A_390, %get3A_391] {strides = array<i32>} : memref<40x128xf32, #tpu.memory_space<vmem>>, vector<1x16xf32>,
        %get3A_393 = vector.shape_cast %get3A_392 : vector<1x16xf32> to vector<16xf32>
        %add3A_394 = arith.addf %get3A_389, %get3A_393 : vector<16xf32>
        %get3A_395 = arith.index_cast %add3A_319 : i32 to index
        %get3A_396 = arith.constant 48 : index
        %get3A_397 = tpu.vector_load %arg13[%get3A_395, %get3A_396] {strides = array<i32>} : memref<40x128xf32, #tpu.memory_space<vmem>>, vector<1x16xf32>,
        %get3A_398 = vector.shape_cast %get3A_397 : vector<1x16xf32> to vector<16xf32>
        %add3A_399 = arith.addf %add3A_394, %get3A_398 : vector<16xf32>
        %max3A_400 = arith.constant 0.000000e+00 : f32
        %max3A_401 = vector.broadcast %max3A_400 : f32 to vector<16xf32>
        %max3A_402 = arith.maximumf %add3A_399, %max3A_401 : vector<16xf32>
        %swap3A_403 = arith.index_cast %add3A_319 : i32 to index
        %swap3A_404 = arith.constant 48 : index
        %swap3A_405 = tpu.vector_load %arg9[%swap3A_403, %swap3A_404] {strides = array<i32>} : memref<40x128xf32, #tpu.memory_space<vmem>>, vector<1x16xf32>,
        %swap3A_406 = vector.shape_cast %swap3A_405 : vector<1x16xf32> to vector<16xf32>
        %swap3A_407 = vector.shape_cast %max3A_402 : vector<16xf32> to vector<1x16xf32>
        tpu.vector_store %arg9[%swap3A_403, %swap3A_404], %swap3A_407 {strides = array<i32>} : memref<40x128xf32, #tpu.memory_space<vmem>>, vector<1x16xf32>,
        %get3A_408 = arith.index_cast %add3A_319 : i32 to index
        %get3A_409 = arith.constant 64 : index
        %get3A_410 = tpu.vector_load %arg9[%get3A_408, %get3A_409] {strides = array<i32>} : memref<40x128xf32, #tpu.memory_space<vmem>>, vector<1x16xf32>,
        %get3A_411 = vector.shape_cast %get3A_410 : vector<1x16xf32> to vector<16xf32>
        %get3A_412 = arith.index_cast %add3A_319 : i32 to index
        %get3A_413 = arith.constant 64 : index
        %get3A_414 = tpu.vector_load %arg11[%get3A_412, %get3A_413] {strides = array<i32>} : memref<40x128xf32, #tpu.memory_space<vmem>>, vector<1x16xf32>,
        %get3A_415 = vector.shape_cast %get3A_414 : vector<1x16xf32> to vector<16xf32>
        %add3A_416 = arith.addf %get3A_411, %get3A_415 : vector<16xf32>
        %get3A_417 = arith.index_cast %add3A_319 : i32 to index
        %get3A_418 = arith.constant 64 : index
        %get3A_419 = tpu.vector_load %arg13[%get3A_417, %get3A_418] {strides = array<i32>} : memref<40x128xf32, #tpu.memory_space<vmem>>, vector<1x16xf32>,
        %get3A_420 = vector.shape_cast %get3A_419 : vector<1x16xf32> to vector<16xf32>
        %add3A_421 = arith.addf %add3A_416, %get3A_420 : vector<16xf32>
        %max3A_422 = arith.constant 0.000000e+00 : f32
        %max3A_423 = vector.broadcast %max3A_422 : f32 to vector<16xf32>
        %max3A_424 = arith.maximumf %add3A_421, %max3A_423 : vector<16xf32>
        %swap3A_425 = arith.index_cast %add3A_319 : i32 to index
        %swap3A_426 = arith.constant 64 : index
        %swap3A_427 = tpu.vector_load %arg9[%swap3A_425, %swap3A_426] {strides = array<i32>} : memref<40x128xf32, #tpu.memory_space<vmem>>, vector<1x16xf32>,
        %swap3A_428 = vector.shape_cast %swap3A_427 : vector<1x16xf32> to vector<16xf32>
        %swap3A_429 = vector.shape_cast %max3A_424 : vector<16xf32> to vector<1x16xf32>
        tpu.vector_store %arg9[%swap3A_425, %swap3A_426], %swap3A_429 {strides = array<i32>} : memref<40x128xf32, #tpu.memory_space<vmem>>, vector<1x16xf32>,
        %get3A_430 = arith.index_cast %add3A_319 : i32 to index
        %get3A_431 = arith.constant 80 : index
        %get3A_432 = tpu.vector_load %arg9[%get3A_430, %get3A_431] {strides = array<i32>} : memref<40x128xf32, #tpu.memory_space<vmem>>, vector<1x16xf32>,
        %get3A_433 = vector.shape_cast %get3A_432 : vector<1x16xf32> to vector<16xf32>
        %get3A_434 = arith.index_cast %add3A_319 : i32 to index
        %get3A_435 = arith.constant 80 : index
        %get3A_436 = tpu.vector_load %arg11[%get3A_434, %get3A_435] {strides = array<i32>} : memref<40x128xf32, #tpu.memory_space<vmem>>, vector<1x16xf32>,
        %get3A_437 = vector.shape_cast %get3A_436 : vector<1x16xf32> to vector<16xf32>
        %add3A_438 = arith.addf %get3A_433, %get3A_437 : vector<16xf32>
        %get3A_439 = arith.index_cast %add3A_319 : i32 to index
        %get3A_440 = arith.constant 80 : index
        %get3A_441 = tpu.vector_load %arg13[%get3A_439, %get3A_440] {strides = array<i32>} : memref<40x128xf32, #tpu.memory_space<vmem>>, vector<1x16xf32>,
        %get3A_442 = vector.shape_cast %get3A_441 : vector<1x16xf32> to vector<16xf32>
        %add3A_443 = arith.addf %add3A_438, %get3A_442 : vector<16xf32>
        %max3A_444 = arith.constant 0.000000e+00 : f32
        %max3A_445 = vector.broadcast %max3A_444 : f32 to vector<16xf32>
        %max3A_446 = arith.maximumf %add3A_443, %max3A_445 : vector<16xf32>
        %swap3A_447 = arith.index_cast %add3A_319 : i32 to index
        %swap3A_448 = arith.constant 80 : index
        %swap3A_449 = tpu.vector_load %arg9[%swap3A_447, %swap3A_448] {strides = array<i32>} : memref<40x128xf32, #tpu.memory_space<vmem>>, vector<1x16xf32>,
        %swap3A_450 = vector.shape_cast %swap3A_449 : vector<1x16xf32> to vector<16xf32>
        %swap3A_451 = vector.shape_cast %max3A_446 : vector<16xf32> to vector<1x16xf32>
        tpu.vector_store %arg9[%swap3A_447, %swap3A_448], %swap3A_451 {strides = array<i32>} : memref<40x128xf32, #tpu.memory_space<vmem>>, vector<1x16xf32>,
        %get3A_452 = arith.index_cast %add3A_319 : i32 to index
        %get3A_453 = arith.constant 96 : index
        %get3A_454 = tpu.vector_load %arg9[%get3A_452, %get3A_453] {strides = array<i32>} : memref<40x128xf32, #tpu.memory_space<vmem>>, vector<1x16xf32>,
        %get3A_455 = vector.shape_cast %get3A_454 : vector<1x16xf32> to vector<16xf32>
        %get3A_456 = arith.index_cast %add3A_319 : i32 to index
        %get3A_457 = arith.constant 96 : index
        %get3A_458 = tpu.vector_load %arg11[%get3A_456, %get3A_457] {strides = array<i32>} : memref<40x128xf32, #tpu.memory_space<vmem>>, vector<1x16xf32>,
        %get3A_459 = vector.shape_cast %get3A_458 : vector<1x16xf32> to vector<16xf32>
        %add3A_460 = arith.addf %get3A_455, %get3A_459 : vector<16xf32>
        %get3A_461 = arith.index_cast %add3A_319 : i32 to index
        %get3A_462 = arith.constant 96 : index
        %get3A_463 = tpu.vector_load %arg13[%get3A_461, %get3A_462] {strides = array<i32>} : memref<40x128xf32, #tpu.memory_space<vmem>>, vector<1x16xf32>,
        %get3A_464 = vector.shape_cast %get3A_463 : vector<1x16xf32> to vector<16xf32>
        %add3A_465 = arith.addf %add3A_460, %get3A_464 : vector<16xf32>
        %max3A_466 = arith.constant 0.000000e+00 : f32
        %max3A_467 = vector.broadcast %max3A_466 : f32 to vector<16xf32>
        %max3A_468 = arith.maximumf %add3A_465, %max3A_467 : vector<16xf32>
        %swap3A_469 = arith.index_cast %add3A_319 : i32 to index
        %swap3A_470 = arith.constant 96 : index
        %swap3A_471 = tpu.vector_load %arg9[%swap3A_469, %swap3A_470] {strides = array<i32>} : memref<40x128xf32, #tpu.memory_space<vmem>>, vector<1x16xf32>,
        %swap3A_472 = vector.shape_cast %swap3A_471 : vector<1x16xf32> to vector<16xf32>
        %swap3A_473 = vector.shape_cast %max3A_468 : vector<16xf32> to vector<1x16xf32>
        tpu.vector_store %arg9[%swap3A_469, %swap3A_470], %swap3A_473 {strides = array<i32>} : memref<40x128xf32, #tpu.memory_space<vmem>>, vector<1x16xf32>,
        %get3A_474 = arith.index_cast %add3A_319 : i32 to index
        %get3A_475 = arith.constant 112 : index
        %get3A_476 = tpu.vector_load %arg9[%get3A_474, %get3A_475] {strides = array<i32>} : memref<40x128xf32, #tpu.memory_space<vmem>>, vector<1x16xf32>,
        %get3A_477 = vector.shape_cast %get3A_476 : vector<1x16xf32> to vector<16xf32>
        %get3A_478 = arith.index_cast %add3A_319 : i32 to index
        %get3A_479 = arith.constant 112 : index
        %get3A_480 = tpu.vector_load %arg11[%get3A_478, %get3A_479] {strides = array<i32>} : memref<40x128xf32, #tpu.memory_space<vmem>>, vector<1x16xf32>,
        %get3A_481 = vector.shape_cast %get3A_480 : vector<1x16xf32> to vector<16xf32>
        %add3A_482 = arith.addf %get3A_477, %get3A_481 : vector<16xf32>
        %get3A_483 = arith.index_cast %add3A_319 : i32 to index
        %get3A_484 = arith.constant 112 : index
        %get3A_485 = tpu.vector_load %arg13[%get3A_483, %get3A_484] {strides = array<i32>} : memref<40x128xf32, #tpu.memory_space<vmem>>, vector<1x16xf32>,
        %get3A_486 = vector.shape_cast %get3A_485 : vector<1x16xf32> to vector<16xf32>
        %add3A_487 = arith.addf %add3A_482, %get3A_486 : vector<16xf32>
        %max3A_488 = arith.constant 0.000000e+00 : f32
        %max3A_489 = vector.broadcast %max3A_488 : f32 to vector<16xf32>
        %max3A_490 = arith.maximumf %add3A_487, %max3A_489 : vector<16xf32>
        %swap3A_491 = arith.index_cast %add3A_319 : i32 to index
        %swap3A_492 = arith.constant 112 : index
        %swap3A_493 = tpu.vector_load %arg9[%swap3A_491, %swap3A_492] {strides = array<i32>} : memref<40x128xf32, #tpu.memory_space<vmem>>, vector<1x16xf32>,
        %swap3A_494 = vector.shape_cast %swap3A_493 : vector<1x16xf32> to vector<16xf32>
        %swap3A_495 = vector.shape_cast %max3A_490 : vector<16xf32> to vector<1x16xf32>
        tpu.vector_store %arg9[%swap3A_491, %swap3A_492], %swap3A_495 {strides = array<i32>} : memref<40x128xf32, #tpu.memory_space<vmem>>, vector<1x16xf32>,
      }
      %scan3A_87 = arith.constant 20 : i32
      %run_scoped3A = arith.constant 1 : i32
      "tpu.region"() ({
        %run_scoped3A_138 = tpu.sem_alloc : memref<!tpu.dma_semaphore, #tpu.memory_space<semaphore_mem>>
        %dma_start3A_139 = arith.constant 0 : i32
        %dma_start3A_140 = tpu.memref_slice %arg7[%run_scoped3A, %dma_start3A_139] : memref<2x40xi32, #tpu.memory_space<vmem>> -> memref<1x40xi32, #tpu.memory_space<vmem>>
        %dma_start3A_141 = tpu.memref_squeeze %dma_start3A_140 : memref<1x40xi32, #tpu.memory_space<vmem>> -> memref<40xi32, #tpu.memory_space<vmem>>
        %dma_start3A_142 = arith.constant 0 : i32
        %dma_start3A_143 = arith.constant 0 : i32
        %dma_start3A_144 = tpu.memref_slice %arg15[%dma_start3A_142, %dma_start3A_143] : memref<10240x128xf32, #tpu.memory_space<vmem_shared>> -> memref<10240x128xf32, #tpu.memory_space<vmem_shared>>
        tpu.enqueue_indirect_dma source(%arg9 : memref<40x128xf32, #tpu.memory_space<vmem>>) target(%dma_start3A_144 : memref<10240x128xf32, #tpu.memory_space<vmem_shared>>) offsets(%dma_start3A_141 : memref<40xi32, #tpu.memory_space<vmem>>) semaphore(%run_scoped3A_138 : memref<!tpu.dma_semaphore, #tpu.memory_space<semaphore_mem>>) {add = true}
        %dma_wait3A_145 = arith.constant 0 : i32
        %dma_wait3A_146 = tpu.memref_slice %arg7[%run_scoped3A, %dma_wait3A_145] : memref<2x40xi32, #tpu.memory_space<vmem>> -> memref<1x40xi32, #tpu.memory_space<vmem>>
        %dma_wait3A_147 = tpu.memref_squeeze %dma_wait3A_146 : memref<1x40xi32, #tpu.memory_space<vmem>> -> memref<40xi32, #tpu.memory_space<vmem>>
        %dma_wait3A_148 = arith.constant 0 : i32
        %dma_wait3A_149 = arith.constant 0 : i32
        %dma_wait3A_150 = tpu.memref_slice %arg15[%dma_wait3A_148, %dma_wait3A_149] : memref<10240x128xf32, #tpu.memory_space<vmem_shared>> -> memref<10240x128xf32, #tpu.memory_space<vmem_shared>>
        tpu.wait_indirect_dma semaphore(%run_scoped3A_138 : memref<!tpu.dma_semaphore, #tpu.memory_space<semaphore_mem>>) src(%arg9 : memref<40x128xf32, #tpu.memory_space<vmem>>) dst(%dma_wait3A_150 : memref<10240x128xf32, #tpu.memory_space<vmem_shared>>)
        tpu.yield
      }) : () -> ()
      %add3A_88 = arith.constant 2 : i32
      %add3A_89 = arith.addi %mul3A_60, %add3A_88 : i32
      %lt3A_90 = arith.constant 250 : i32
      %lt3A_91 = arith.cmpi slt, %add3A_89, %lt3A_90 : i32
      %convert_element_type3A_92 = arith.extui %lt3A_91 : i1 to i32
      %cond3A_93 = arith.constant 0 : i32
      %cond3A_94 = arith.cmpi ne, %convert_element_type3A_92, %cond3A_93 : i32
      scf.if %cond3A_94 {
        %add3A_138 = arith.addi %mul3A_2, %mul3A_60 : i32
        %add3A_139 = arith.constant 2 : i32
        %add3A_140 = arith.addi %add3A_138, %add3A_139 : i32
        %dma_start3A_141 = arith.constant 0 : i32
        %dma_start3A_142 = arith.constant 0 : i32
        %dma_start3A_143 = tpu.memref_slice %arg5[%add3A_140, %dma_start3A_141, %dma_start3A_142] : memref<8000x2x40xi32, #tpu.memory_space<hbm>> -> memref<1x2x40xi32, #tpu.memory_space<hbm>>
        %dma_start3A_144 = tpu.memref_squeeze %dma_start3A_143 : memref<1x2x40xi32, #tpu.memory_space<hbm>> -> memref<2x40xi32, #tpu.memory_space<hbm>>
        %dma_start3A_145 = arith.constant 0 : i32
        %dma_start3A_146 = arith.constant 0 : i32
        %dma_start3A_147 = tpu.memref_slice %arg5[%add3A_140, %dma_start3A_145, %dma_start3A_146] : memref<8000x2x40xi32, #tpu.memory_space<hbm>> -> memref<1x2x40xi32, #tpu.memory_space<hbm>>
        %dma_start3A_148 = tpu.memref_squeeze %dma_start3A_147 : memref<1x2x40xi32, #tpu.memory_space<hbm>> -> memref<2x40xi32, #tpu.memory_space<hbm>>
        tpu.enqueue_dma source(%dma_start3A_148 : memref<2x40xi32, #tpu.memory_space<hbm>>) target(%arg7 : memref<2x40xi32, #tpu.memory_space<vmem>>) target_semaphore(%arg16 : memref<!tpu.dma_semaphore, #tpu.memory_space<semaphore_mem>>)
      } else {
      }
      %mul3A_95 = arith.constant 2 : i32
      %mul3A_96 = arith.muli %mul3A_95, %scan3A_58 : i32
      %add3A_97 = arith.constant 1 : i32
      %add3A_98 = arith.addi %mul3A_96, %add3A_97 : i32
      %add3A_99 = arith.constant 1 : i32
      %add3A_100 = arith.addi %add3A_98, %add3A_99 : i32
      %lt3A_101 = arith.constant 250 : i32
      %lt3A_102 = arith.cmpi slt, %add3A_100, %lt3A_101 : i32
      %convert_element_type3A_103 = arith.extui %lt3A_102 : i1 to i32
      %cond3A_104 = arith.constant 0 : i32
      %cond3A_105 = arith.cmpi ne, %convert_element_type3A_103, %cond3A_104 : i32
      scf.if %cond3A_105 {
        %dma_wait3A_138 = arith.constant 0 : i32
        %dma_wait3A_139 = arith.constant 0 : i32
        %dma_wait3A_140 = tpu.memref_slice %arg5[%mul3A_2, %dma_wait3A_138, %dma_wait3A_139] : memref<8000x2x40xi32, #tpu.memory_space<hbm>> -> memref<1x2x40xi32, #tpu.memory_space<hbm>>
        %dma_wait3A_141 = tpu.memref_squeeze %dma_wait3A_140 : memref<1x2x40xi32, #tpu.memory_space<hbm>> -> memref<2x40xi32, #tpu.memory_space<hbm>>
        %dma_wait3A_142 = arith.constant 0 : i32
        %dma_wait3A_143 = arith.constant 0 : i32
        %dma_wait3A_144 = tpu.memref_slice %arg5[%mul3A_2, %dma_wait3A_142, %dma_wait3A_143] : memref<8000x2x40xi32, #tpu.memory_space<hbm>> -> memref<1x2x40xi32, #tpu.memory_space<hbm>>
        %dma_wait3A_145 = tpu.memref_squeeze %dma_wait3A_144 : memref<1x2x40xi32, #tpu.memory_space<hbm>> -> memref<2x40xi32, #tpu.memory_space<hbm>>
        tpu.wait_dma2 semaphore(%arg16 : memref<!tpu.dma_semaphore, #tpu.memory_space<semaphore_mem>>) src(%dma_wait3A_145 : memref<2x40xi32, #tpu.memory_space<hbm>>) dst(%arg7 : memref<2x40xi32, #tpu.memory_space<vmem>>)
        %add3A_146 = arith.constant 1 : i32
        %add3A_147 = arith.addi %add3A_98, %add3A_146 : i32
        %dma_start3A_148 = arith.constant 0 : i32
        %dma_start3A_149 = arith.constant 0 : i32
        %dma_start3A_150 = tpu.memref_slice %arg7[%dma_start3A_148, %dma_start3A_149] : memref<2x40xi32, #tpu.memory_space<vmem>> -> memref<1x40xi32, #tpu.memory_space<vmem>>
        %dma_start3A_151 = tpu.memref_squeeze %dma_start3A_150 : memref<1x40xi32, #tpu.memory_space<vmem>> -> memref<40xi32, #tpu.memory_space<vmem>>
        %dma_start3A_152 = arith.constant 0 : i32
        %dma_start3A_153 = arith.constant 0 : i32
        %dma_start3A_154 = tpu.memref_slice %arg2[%dma_start3A_152, %dma_start3A_153] : memref<10000x128xf32, #tpu.memory_space<hbm>> -> memref<10000x128xf32, #tpu.memory_space<hbm>>
        tpu.enqueue_indirect_dma source(%dma_start3A_154 : memref<10000x128xf32, #tpu.memory_space<hbm>>) target(%arg9 : memref<40x128xf32, #tpu.memory_space<vmem>>) offsets(%dma_start3A_151 : memref<40xi32, #tpu.memory_space<vmem>>) semaphore(%arg18 : memref<!tpu.dma_semaphore, #tpu.memory_space<semaphore_mem>>)
        %dma_start3A_155 = arith.constant 1 : i32
        %dma_start3A_156 = arith.constant 0 : i32
        %dma_start3A_157 = tpu.memref_slice %arg7[%dma_start3A_155, %dma_start3A_156] : memref<2x40xi32, #tpu.memory_space<vmem>> -> memref<1x40xi32, #tpu.memory_space<vmem>>
        %dma_start3A_158 = tpu.memref_squeeze %dma_start3A_157 : memref<1x40xi32, #tpu.memory_space<vmem>> -> memref<40xi32, #tpu.memory_space<vmem>>
        %dma_start3A_159 = arith.constant 0 : i32
        %dma_start3A_160 = arith.constant 0 : i32
        %dma_start3A_161 = tpu.memref_slice %arg3[%dma_start3A_159, %dma_start3A_160] : memref<10000x128xf32, #tpu.memory_space<hbm>> -> memref<10000x128xf32, #tpu.memory_space<hbm>>
        tpu.enqueue_indirect_dma source(%dma_start3A_161 : memref<10000x128xf32, #tpu.memory_space<hbm>>) target(%arg11 : memref<40x128xf32, #tpu.memory_space<vmem>>) offsets(%dma_start3A_158 : memref<40xi32, #tpu.memory_space<vmem>>) semaphore(%arg20 : memref<!tpu.dma_semaphore, #tpu.memory_space<semaphore_mem>>)
        %mul3A_162 = arith.constant 40 : i32
        %mul3A_163 = arith.muli %add3A_147, %mul3A_162 : i32
        %add3A_164 = arith.addi %mul3A_4, %mul3A_163 : i32
        %dma_start3A_165 = arith.constant 0 : i32
        %dma_start3A_166 = tpu.memref_slice %arg4[%add3A_164, %dma_start3A_165] : memref<320000x128xf32, #tpu.memory_space<hbm>> -> memref<40x128xf32, #tpu.memory_space<hbm>>
        %dma_start3A_167 = arith.constant 0 : i32
        %dma_start3A_168 = tpu.memref_slice %arg4[%add3A_164, %dma_start3A_167] : memref<320000x128xf32, #tpu.memory_space<hbm>> -> memref<40x128xf32, #tpu.memory_space<hbm>>
        tpu.enqueue_dma source(%dma_start3A_168 : memref<40x128xf32, #tpu.memory_space<hbm>>) target(%arg13 : memref<40x128xf32, #tpu.memory_space<vmem>>) target_semaphore(%arg22 : memref<!tpu.dma_semaphore, #tpu.memory_space<semaphore_mem>>)
      } else {
      }
      %dma_wait3A_106 = arith.constant 0 : i32
      %dma_wait3A_107 = arith.constant 0 : i32
      %dma_wait3A_108 = tpu.memref_slice %arg8[%dma_wait3A_106, %dma_wait3A_107] : memref<2x40xi32, #tpu.memory_space<vmem>> -> memref<1x40xi32, #tpu.memory_space<vmem>>
      %dma_wait3A_109 = tpu.memref_squeeze %dma_wait3A_108 : memref<1x40xi32, #tpu.memory_space<vmem>> -> memref<40xi32, #tpu.memory_space<vmem>>
      %dma_wait3A_110 = arith.constant 0 : i32
      %dma_wait3A_111 = arith.constant 0 : i32
      %dma_wait3A_112 = tpu.memref_slice %arg2[%dma_wait3A_110, %dma_wait3A_111] : memref<10000x128xf32, #tpu.memory_space<hbm>> -> memref<10000x128xf32, #tpu.memory_space<hbm>>
      tpu.wait_indirect_dma semaphore(%arg19 : memref<!tpu.dma_semaphore, #tpu.memory_space<semaphore_mem>>) src(%dma_wait3A_112 : memref<10000x128xf32, #tpu.memory_space<hbm>>) dst(%arg10 : memref<40x128xf32, #tpu.memory_space<vmem>>)
      %dma_wait3A_113 = arith.constant 1 : i32
      %dma_wait3A_114 = arith.constant 0 : i32
      %dma_wait3A_115 = tpu.memref_slice %arg8[%dma_wait3A_113, %dma_wait3A_114] : memref<2x40xi32, #tpu.memory_space<vmem>> -> memref<1x40xi32, #tpu.memory_space<vmem>>
      %dma_wait3A_116 = tpu.memref_squeeze %dma_wait3A_115 : memref<1x40xi32, #tpu.memory_space<vmem>> -> memref<40xi32, #tpu.memory_space<vmem>>
      %dma_wait3A_117 = arith.constant 0 : i32
      %dma_wait3A_118 = arith.constant 0 : i32
      %dma_wait3A_119 = tpu.memref_slice %arg3[%dma_wait3A_117, %dma_wait3A_118] : memref<10000x128xf32, #tpu.memory_space<hbm>> -> memref<10000x128xf32, #tpu.memory_space<hbm>>
      tpu.wait_indirect_dma semaphore(%arg21 : memref<!tpu.dma_semaphore, #tpu.memory_space<semaphore_mem>>) src(%dma_wait3A_119 : memref<10000x128xf32, #tpu.memory_space<hbm>>) dst(%arg12 : memref<40x128xf32, #tpu.memory_space<vmem>>)
      %dma_wait3A_120 = arith.constant 0 : i32
      %dma_wait3A_121 = tpu.memref_slice %arg4[%mul3A_4, %dma_wait3A_120] : memref<320000x128xf32, #tpu.memory_space<hbm>> -> memref<40x128xf32, #tpu.memory_space<hbm>>
      %dma_wait3A_122 = arith.constant 0 : i32
      %dma_wait3A_123 = tpu.memref_slice %arg4[%mul3A_4, %dma_wait3A_122] : memref<320000x128xf32, #tpu.memory_space<hbm>> -> memref<40x128xf32, #tpu.memory_space<hbm>>
      tpu.wait_dma2 semaphore(%arg23 : memref<!tpu.dma_semaphore, #tpu.memory_space<semaphore_mem>>) src(%dma_wait3A_123 : memref<40x128xf32, #tpu.memory_space<hbm>>) dst(%arg14 : memref<40x128xf32, #tpu.memory_space<vmem>>)
      %scan3A_124 = arith.constant 0 : i32
      %scan3A_125 = arith.constant 0 : i32
      %scan3A_126 = arith.constant 20 : i32
      %scan3A_127 = arith.addi %scan3A_125, %scan3A_126 : i32
      %scan3A_128 = arith.constant 1 : i32
      scf.for %scan3A_138 = %scan3A_125 to %scan3A_127 step %scan3A_128  : i32 {
        %mul3A_139 = arith.constant 2 : i32
        %mul3A_140 = arith.muli %mul3A_139, %scan3A_138 : i32
        %add3A_141 = arith.constant 0 : i32
        %add3A_142 = arith.addi %mul3A_140, %add3A_141 : i32
        %get3A = arith.index_cast %add3A_142 : i32 to index
        %get3A_143 = arith.constant 0 : index
        %get3A_144 = tpu.vector_load %arg10[%get3A, %get3A_143] {strides = array<i32>} : memref<40x128xf32, #tpu.memory_space<vmem>>, vector<1x16xf32>,
        %get3A_145 = vector.shape_cast %get3A_144 : vector<1x16xf32> to vector<16xf32>
        %get3A_146 = arith.index_cast %add3A_142 : i32 to index
        %get3A_147 = arith.constant 0 : index
        %get3A_148 = tpu.vector_load %arg12[%get3A_146, %get3A_147] {strides = array<i32>} : memref<40x128xf32, #tpu.memory_space<vmem>>, vector<1x16xf32>,
        %get3A_149 = vector.shape_cast %get3A_148 : vector<1x16xf32> to vector<16xf32>
        %add3A_150 = arith.addf %get3A_145, %get3A_149 : vector<16xf32>
        %get3A_151 = arith.index_cast %add3A_142 : i32 to index
        %get3A_152 = arith.constant 0 : index
        %get3A_153 = tpu.vector_load %arg14[%get3A_151, %get3A_152] {strides = array<i32>} : memref<40x128xf32, #tpu.memory_space<vmem>>, vector<1x16xf32>,
        %get3A_154 = vector.shape_cast %get3A_153 : vector<1x16xf32> to vector<16xf32>
        %add3A_155 = arith.addf %add3A_150, %get3A_154 : vector<16xf32>
        %max3A = arith.constant 0.000000e+00 : f32
        %max3A_156 = vector.broadcast %max3A : f32 to vector<16xf32>
        %max3A_157 = arith.maximumf %add3A_155, %max3A_156 : vector<16xf32>
        %swap3A = arith.index_cast %add3A_142 : i32 to index
        %swap3A_158 = arith.constant 0 : index
        %swap3A_159 = tpu.vector_load %arg10[%swap3A, %swap3A_158] {strides = array<i32>} : memref<40x128xf32, #tpu.memory_space<vmem>>, vector<1x16xf32>,
        %swap3A_160 = vector.shape_cast %swap3A_159 : vector<1x16xf32> to vector<16xf32>
        %swap3A_161 = vector.shape_cast %max3A_157 : vector<16xf32> to vector<1x16xf32>
        tpu.vector_store %arg10[%swap3A, %swap3A_158], %swap3A_161 {strides = array<i32>} : memref<40x128xf32, #tpu.memory_space<vmem>>, vector<1x16xf32>,
        %get3A_162 = arith.index_cast %add3A_142 : i32 to index
        %get3A_163 = arith.constant 16 : index
        %get3A_164 = tpu.vector_load %arg10[%get3A_162, %get3A_163] {strides = array<i32>} : memref<40x128xf32, #tpu.memory_space<vmem>>, vector<1x16xf32>,
        %get3A_165 = vector.shape_cast %get3A_164 : vector<1x16xf32> to vector<16xf32>
        %get3A_166 = arith.index_cast %add3A_142 : i32 to index
        %get3A_167 = arith.constant 16 : index
        %get3A_168 = tpu.vector_load %arg12[%get3A_166, %get3A_167] {strides = array<i32>} : memref<40x128xf32, #tpu.memory_space<vmem>>, vector<1x16xf32>,
        %get3A_169 = vector.shape_cast %get3A_168 : vector<1x16xf32> to vector<16xf32>
        %add3A_170 = arith.addf %get3A_165, %get3A_169 : vector<16xf32>
        %get3A_171 = arith.index_cast %add3A_142 : i32 to index
        %get3A_172 = arith.constant 16 : index
        %get3A_173 = tpu.vector_load %arg14[%get3A_171, %get3A_172] {strides = array<i32>} : memref<40x128xf32, #tpu.memory_space<vmem>>, vector<1x16xf32>,
        %get3A_174 = vector.shape_cast %get3A_173 : vector<1x16xf32> to vector<16xf32>
        %add3A_175 = arith.addf %add3A_170, %get3A_174 : vector<16xf32>
        %max3A_176 = arith.constant 0.000000e+00 : f32
        %max3A_177 = vector.broadcast %max3A_176 : f32 to vector<16xf32>
        %max3A_178 = arith.maximumf %add3A_175, %max3A_177 : vector<16xf32>
        %swap3A_179 = arith.index_cast %add3A_142 : i32 to index
        %swap3A_180 = arith.constant 16 : index
        %swap3A_181 = tpu.vector_load %arg10[%swap3A_179, %swap3A_180] {strides = array<i32>} : memref<40x128xf32, #tpu.memory_space<vmem>>, vector<1x16xf32>,
        %swap3A_182 = vector.shape_cast %swap3A_181 : vector<1x16xf32> to vector<16xf32>
        %swap3A_183 = vector.shape_cast %max3A_178 : vector<16xf32> to vector<1x16xf32>
        tpu.vector_store %arg10[%swap3A_179, %swap3A_180], %swap3A_183 {strides = array<i32>} : memref<40x128xf32, #tpu.memory_space<vmem>>, vector<1x16xf32>,
        %get3A_184 = arith.index_cast %add3A_142 : i32 to index
        %get3A_185 = arith.constant 32 : index
        %get3A_186 = tpu.vector_load %arg10[%get3A_184, %get3A_185] {strides = array<i32>} : memref<40x128xf32, #tpu.memory_space<vmem>>, vector<1x16xf32>,
        %get3A_187 = vector.shape_cast %get3A_186 : vector<1x16xf32> to vector<16xf32>
        %get3A_188 = arith.index_cast %add3A_142 : i32 to index
        %get3A_189 = arith.constant 32 : index
        %get3A_190 = tpu.vector_load %arg12[%get3A_188, %get3A_189] {strides = array<i32>} : memref<40x128xf32, #tpu.memory_space<vmem>>, vector<1x16xf32>,
        %get3A_191 = vector.shape_cast %get3A_190 : vector<1x16xf32> to vector<16xf32>
        %add3A_192 = arith.addf %get3A_187, %get3A_191 : vector<16xf32>
        %get3A_193 = arith.index_cast %add3A_142 : i32 to index
        %get3A_194 = arith.constant 32 : index
        %get3A_195 = tpu.vector_load %arg14[%get3A_193, %get3A_194] {strides = array<i32>} : memref<40x128xf32, #tpu.memory_space<vmem>>, vector<1x16xf32>,
        %get3A_196 = vector.shape_cast %get3A_195 : vector<1x16xf32> to vector<16xf32>
        %add3A_197 = arith.addf %add3A_192, %get3A_196 : vector<16xf32>
        %max3A_198 = arith.constant 0.000000e+00 : f32
        %max3A_199 = vector.broadcast %max3A_198 : f32 to vector<16xf32>
        %max3A_200 = arith.maximumf %add3A_197, %max3A_199 : vector<16xf32>
        %swap3A_201 = arith.index_cast %add3A_142 : i32 to index
        %swap3A_202 = arith.constant 32 : index
        %swap3A_203 = tpu.vector_load %arg10[%swap3A_201, %swap3A_202] {strides = array<i32>} : memref<40x128xf32, #tpu.memory_space<vmem>>, vector<1x16xf32>,
        %swap3A_204 = vector.shape_cast %swap3A_203 : vector<1x16xf32> to vector<16xf32>
        %swap3A_205 = vector.shape_cast %max3A_200 : vector<16xf32> to vector<1x16xf32>
        tpu.vector_store %arg10[%swap3A_201, %swap3A_202], %swap3A_205 {strides = array<i32>} : memref<40x128xf32, #tpu.memory_space<vmem>>, vector<1x16xf32>,
        %get3A_206 = arith.index_cast %add3A_142 : i32 to index
        %get3A_207 = arith.constant 48 : index
        %get3A_208 = tpu.vector_load %arg10[%get3A_206, %get3A_207] {strides = array<i32>} : memref<40x128xf32, #tpu.memory_space<vmem>>, vector<1x16xf32>,
        %get3A_209 = vector.shape_cast %get3A_208 : vector<1x16xf32> to vector<16xf32>
        %get3A_210 = arith.index_cast %add3A_142 : i32 to index
        %get3A_211 = arith.constant 48 : index
        %get3A_212 = tpu.vector_load %arg12[%get3A_210, %get3A_211] {strides = array<i32>} : memref<40x128xf32, #tpu.memory_space<vmem>>, vector<1x16xf32>,
        %get3A_213 = vector.shape_cast %get3A_212 : vector<1x16xf32> to vector<16xf32>
        %add3A_214 = arith.addf %get3A_209, %get3A_213 : vector<16xf32>
        %get3A_215 = arith.index_cast %add3A_142 : i32 to index
        %get3A_216 = arith.constant 48 : index
        %get3A_217 = tpu.vector_load %arg14[%get3A_215, %get3A_216] {strides = array<i32>} : memref<40x128xf32, #tpu.memory_space<vmem>>, vector<1x16xf32>,
        %get3A_218 = vector.shape_cast %get3A_217 : vector<1x16xf32> to vector<16xf32>
        %add3A_219 = arith.addf %add3A_214, %get3A_218 : vector<16xf32>
        %max3A_220 = arith.constant 0.000000e+00 : f32
        %max3A_221 = vector.broadcast %max3A_220 : f32 to vector<16xf32>
        %max3A_222 = arith.maximumf %add3A_219, %max3A_221 : vector<16xf32>
        %swap3A_223 = arith.index_cast %add3A_142 : i32 to index
        %swap3A_224 = arith.constant 48 : index
        %swap3A_225 = tpu.vector_load %arg10[%swap3A_223, %swap3A_224] {strides = array<i32>} : memref<40x128xf32, #tpu.memory_space<vmem>>, vector<1x16xf32>,
        %swap3A_226 = vector.shape_cast %swap3A_225 : vector<1x16xf32> to vector<16xf32>
        %swap3A_227 = vector.shape_cast %max3A_222 : vector<16xf32> to vector<1x16xf32>
        tpu.vector_store %arg10[%swap3A_223, %swap3A_224], %swap3A_227 {strides = array<i32>} : memref<40x128xf32, #tpu.memory_space<vmem>>, vector<1x16xf32>,
        %get3A_228 = arith.index_cast %add3A_142 : i32 to index
        %get3A_229 = arith.constant 64 : index
        %get3A_230 = tpu.vector_load %arg10[%get3A_228, %get3A_229] {strides = array<i32>} : memref<40x128xf32, #tpu.memory_space<vmem>>, vector<1x16xf32>,
        %get3A_231 = vector.shape_cast %get3A_230 : vector<1x16xf32> to vector<16xf32>
        %get3A_232 = arith.index_cast %add3A_142 : i32 to index
        %get3A_233 = arith.constant 64 : index
        %get3A_234 = tpu.vector_load %arg12[%get3A_232, %get3A_233] {strides = array<i32>} : memref<40x128xf32, #tpu.memory_space<vmem>>, vector<1x16xf32>,
        %get3A_235 = vector.shape_cast %get3A_234 : vector<1x16xf32> to vector<16xf32>
        %add3A_236 = arith.addf %get3A_231, %get3A_235 : vector<16xf32>
        %get3A_237 = arith.index_cast %add3A_142 : i32 to index
        %get3A_238 = arith.constant 64 : index
        %get3A_239 = tpu.vector_load %arg14[%get3A_237, %get3A_238] {strides = array<i32>} : memref<40x128xf32, #tpu.memory_space<vmem>>, vector<1x16xf32>,
        %get3A_240 = vector.shape_cast %get3A_239 : vector<1x16xf32> to vector<16xf32>
        %add3A_241 = arith.addf %add3A_236, %get3A_240 : vector<16xf32>
        %max3A_242 = arith.constant 0.000000e+00 : f32
        %max3A_243 = vector.broadcast %max3A_242 : f32 to vector<16xf32>
        %max3A_244 = arith.maximumf %add3A_241, %max3A_243 : vector<16xf32>
        %swap3A_245 = arith.index_cast %add3A_142 : i32 to index
        %swap3A_246 = arith.constant 64 : index
        %swap3A_247 = tpu.vector_load %arg10[%swap3A_245, %swap3A_246] {strides = array<i32>} : memref<40x128xf32, #tpu.memory_space<vmem>>, vector<1x16xf32>,
        %swap3A_248 = vector.shape_cast %swap3A_247 : vector<1x16xf32> to vector<16xf32>
        %swap3A_249 = vector.shape_cast %max3A_244 : vector<16xf32> to vector<1x16xf32>
        tpu.vector_store %arg10[%swap3A_245, %swap3A_246], %swap3A_249 {strides = array<i32>} : memref<40x128xf32, #tpu.memory_space<vmem>>, vector<1x16xf32>,
        %get3A_250 = arith.index_cast %add3A_142 : i32 to index
        %get3A_251 = arith.constant 80 : index
        %get3A_252 = tpu.vector_load %arg10[%get3A_250, %get3A_251] {strides = array<i32>} : memref<40x128xf32, #tpu.memory_space<vmem>>, vector<1x16xf32>,
        %get3A_253 = vector.shape_cast %get3A_252 : vector<1x16xf32> to vector<16xf32>
        %get3A_254 = arith.index_cast %add3A_142 : i32 to index
        %get3A_255 = arith.constant 80 : index
        %get3A_256 = tpu.vector_load %arg12[%get3A_254, %get3A_255] {strides = array<i32>} : memref<40x128xf32, #tpu.memory_space<vmem>>, vector<1x16xf32>,
        %get3A_257 = vector.shape_cast %get3A_256 : vector<1x16xf32> to vector<16xf32>
        %add3A_258 = arith.addf %get3A_253, %get3A_257 : vector<16xf32>
        %get3A_259 = arith.index_cast %add3A_142 : i32 to index
        %get3A_260 = arith.constant 80 : index
        %get3A_261 = tpu.vector_load %arg14[%get3A_259, %get3A_260] {strides = array<i32>} : memref<40x128xf32, #tpu.memory_space<vmem>>, vector<1x16xf32>,
        %get3A_262 = vector.shape_cast %get3A_261 : vector<1x16xf32> to vector<16xf32>
        %add3A_263 = arith.addf %add3A_258, %get3A_262 : vector<16xf32>
        %max3A_264 = arith.constant 0.000000e+00 : f32
        %max3A_265 = vector.broadcast %max3A_264 : f32 to vector<16xf32>
        %max3A_266 = arith.maximumf %add3A_263, %max3A_265 : vector<16xf32>
        %swap3A_267 = arith.index_cast %add3A_142 : i32 to index
        %swap3A_268 = arith.constant 80 : index
        %swap3A_269 = tpu.vector_load %arg10[%swap3A_267, %swap3A_268] {strides = array<i32>} : memref<40x128xf32, #tpu.memory_space<vmem>>, vector<1x16xf32>,
        %swap3A_270 = vector.shape_cast %swap3A_269 : vector<1x16xf32> to vector<16xf32>
        %swap3A_271 = vector.shape_cast %max3A_266 : vector<16xf32> to vector<1x16xf32>
        tpu.vector_store %arg10[%swap3A_267, %swap3A_268], %swap3A_271 {strides = array<i32>} : memref<40x128xf32, #tpu.memory_space<vmem>>, vector<1x16xf32>,
        %get3A_272 = arith.index_cast %add3A_142 : i32 to index
        %get3A_273 = arith.constant 96 : index
        %get3A_274 = tpu.vector_load %arg10[%get3A_272, %get3A_273] {strides = array<i32>} : memref<40x128xf32, #tpu.memory_space<vmem>>, vector<1x16xf32>,
        %get3A_275 = vector.shape_cast %get3A_274 : vector<1x16xf32> to vector<16xf32>
        %get3A_276 = arith.index_cast %add3A_142 : i32 to index
        %get3A_277 = arith.constant 96 : index
        %get3A_278 = tpu.vector_load %arg12[%get3A_276, %get3A_277] {strides = array<i32>} : memref<40x128xf32, #tpu.memory_space<vmem>>, vector<1x16xf32>,
        %get3A_279 = vector.shape_cast %get3A_278 : vector<1x16xf32> to vector<16xf32>
        %add3A_280 = arith.addf %get3A_275, %get3A_279 : vector<16xf32>
        %get3A_281 = arith.index_cast %add3A_142 : i32 to index
        %get3A_282 = arith.constant 96 : index
        %get3A_283 = tpu.vector_load %arg14[%get3A_281, %get3A_282] {strides = array<i32>} : memref<40x128xf32, #tpu.memory_space<vmem>>, vector<1x16xf32>,
        %get3A_284 = vector.shape_cast %get3A_283 : vector<1x16xf32> to vector<16xf32>
        %add3A_285 = arith.addf %add3A_280, %get3A_284 : vector<16xf32>
        %max3A_286 = arith.constant 0.000000e+00 : f32
        %max3A_287 = vector.broadcast %max3A_286 : f32 to vector<16xf32>
        %max3A_288 = arith.maximumf %add3A_285, %max3A_287 : vector<16xf32>
        %swap3A_289 = arith.index_cast %add3A_142 : i32 to index
        %swap3A_290 = arith.constant 96 : index
        %swap3A_291 = tpu.vector_load %arg10[%swap3A_289, %swap3A_290] {strides = array<i32>} : memref<40x128xf32, #tpu.memory_space<vmem>>, vector<1x16xf32>,
        %swap3A_292 = vector.shape_cast %swap3A_291 : vector<1x16xf32> to vector<16xf32>
        %swap3A_293 = vector.shape_cast %max3A_288 : vector<16xf32> to vector<1x16xf32>
        tpu.vector_store %arg10[%swap3A_289, %swap3A_290], %swap3A_293 {strides = array<i32>} : memref<40x128xf32, #tpu.memory_space<vmem>>, vector<1x16xf32>,
        %get3A_294 = arith.index_cast %add3A_142 : i32 to index
        %get3A_295 = arith.constant 112 : index
        %get3A_296 = tpu.vector_load %arg10[%get3A_294, %get3A_295] {strides = array<i32>} : memref<40x128xf32, #tpu.memory_space<vmem>>, vector<1x16xf32>,
        %get3A_297 = vector.shape_cast %get3A_296 : vector<1x16xf32> to vector<16xf32>
        %get3A_298 = arith.index_cast %add3A_142 : i32 to index
        %get3A_299 = arith.constant 112 : index
        %get3A_300 = tpu.vector_load %arg12[%get3A_298, %get3A_299] {strides = array<i32>} : memref<40x128xf32, #tpu.memory_space<vmem>>, vector<1x16xf32>,
        %get3A_301 = vector.shape_cast %get3A_300 : vector<1x16xf32> to vector<16xf32>
        %add3A_302 = arith.addf %get3A_297, %get3A_301 : vector<16xf32>
        %get3A_303 = arith.index_cast %add3A_142 : i32 to index
        %get3A_304 = arith.constant 112 : index
        %get3A_305 = tpu.vector_load %arg14[%get3A_303, %get3A_304] {strides = array<i32>} : memref<40x128xf32, #tpu.memory_space<vmem>>, vector<1x16xf32>,
        %get3A_306 = vector.shape_cast %get3A_305 : vector<1x16xf32> to vector<16xf32>
        %add3A_307 = arith.addf %add3A_302, %get3A_306 : vector<16xf32>
        %max3A_308 = arith.constant 0.000000e+00 : f32
        %max3A_309 = vector.broadcast %max3A_308 : f32 to vector<16xf32>
        %max3A_310 = arith.maximumf %add3A_307, %max3A_309 : vector<16xf32>
        %swap3A_311 = arith.index_cast %add3A_142 : i32 to index
        %swap3A_312 = arith.constant 112 : index
        %swap3A_313 = tpu.vector_load %arg10[%swap3A_311, %swap3A_312] {strides = array<i32>} : memref<40x128xf32, #tpu.memory_space<vmem>>, vector<1x16xf32>,
        %swap3A_314 = vector.shape_cast %swap3A_313 : vector<1x16xf32> to vector<16xf32>
        %swap3A_315 = vector.shape_cast %max3A_310 : vector<16xf32> to vector<1x16xf32>
        tpu.vector_store %arg10[%swap3A_311, %swap3A_312], %swap3A_315 {strides = array<i32>} : memref<40x128xf32, #tpu.memory_space<vmem>>, vector<1x16xf32>,
        %mul3A_316 = arith.constant 2 : i32
        %mul3A_317 = arith.muli %mul3A_316, %scan3A_138 : i32
        %add3A_318 = arith.constant 1 : i32
        %add3A_319 = arith.addi %mul3A_317, %add3A_318 : i32
        %get3A_320 = arith.index_cast %add3A_319 : i32 to index
        %get3A_321 = arith.constant 0 : index
        %get3A_322 = tpu.vector_load %arg10[%get3A_320, %get3A_321] {strides = array<i32>} : memref<40x128xf32, #tpu.memory_space<vmem>>, vector<1x16xf32>,
        %get3A_323 = vector.shape_cast %get3A_322 : vector<1x16xf32> to vector<16xf32>
        %get3A_324 = arith.index_cast %add3A_319 : i32 to index
        %get3A_325 = arith.constant 0 : index
        %get3A_326 = tpu.vector_load %arg12[%get3A_324, %get3A_325] {strides = array<i32>} : memref<40x128xf32, #tpu.memory_space<vmem>>, vector<1x16xf32>,
        %get3A_327 = vector.shape_cast %get3A_326 : vector<1x16xf32> to vector<16xf32>
        %add3A_328 = arith.addf %get3A_323, %get3A_327 : vector<16xf32>
        %get3A_329 = arith.index_cast %add3A_319 : i32 to index
        %get3A_330 = arith.constant 0 : index
        %get3A_331 = tpu.vector_load %arg14[%get3A_329, %get3A_330] {strides = array<i32>} : memref<40x128xf32, #tpu.memory_space<vmem>>, vector<1x16xf32>,
        %get3A_332 = vector.shape_cast %get3A_331 : vector<1x16xf32> to vector<16xf32>
        %add3A_333 = arith.addf %add3A_328, %get3A_332 : vector<16xf32>
        %max3A_334 = arith.constant 0.000000e+00 : f32
        %max3A_335 = vector.broadcast %max3A_334 : f32 to vector<16xf32>
        %max3A_336 = arith.maximumf %add3A_333, %max3A_335 : vector<16xf32>
        %swap3A_337 = arith.index_cast %add3A_319 : i32 to index
        %swap3A_338 = arith.constant 0 : index
        %swap3A_339 = tpu.vector_load %arg10[%swap3A_337, %swap3A_338] {strides = array<i32>} : memref<40x128xf32, #tpu.memory_space<vmem>>, vector<1x16xf32>,
        %swap3A_340 = vector.shape_cast %swap3A_339 : vector<1x16xf32> to vector<16xf32>
        %swap3A_341 = vector.shape_cast %max3A_336 : vector<16xf32> to vector<1x16xf32>
        tpu.vector_store %arg10[%swap3A_337, %swap3A_338], %swap3A_341 {strides = array<i32>} : memref<40x128xf32, #tpu.memory_space<vmem>>, vector<1x16xf32>,
        %get3A_342 = arith.index_cast %add3A_319 : i32 to index
        %get3A_343 = arith.constant 16 : index
        %get3A_344 = tpu.vector_load %arg10[%get3A_342, %get3A_343] {strides = array<i32>} : memref<40x128xf32, #tpu.memory_space<vmem>>, vector<1x16xf32>,
        %get3A_345 = vector.shape_cast %get3A_344 : vector<1x16xf32> to vector<16xf32>
        %get3A_346 = arith.index_cast %add3A_319 : i32 to index
        %get3A_347 = arith.constant 16 : index
        %get3A_348 = tpu.vector_load %arg12[%get3A_346, %get3A_347] {strides = array<i32>} : memref<40x128xf32, #tpu.memory_space<vmem>>, vector<1x16xf32>,
        %get3A_349 = vector.shape_cast %get3A_348 : vector<1x16xf32> to vector<16xf32>
        %add3A_350 = arith.addf %get3A_345, %get3A_349 : vector<16xf32>
        %get3A_351 = arith.index_cast %add3A_319 : i32 to index
        %get3A_352 = arith.constant 16 : index
        %get3A_353 = tpu.vector_load %arg14[%get3A_351, %get3A_352] {strides = array<i32>} : memref<40x128xf32, #tpu.memory_space<vmem>>, vector<1x16xf32>,
        %get3A_354 = vector.shape_cast %get3A_353 : vector<1x16xf32> to vector<16xf32>
        %add3A_355 = arith.addf %add3A_350, %get3A_354 : vector<16xf32>
        %max3A_356 = arith.constant 0.000000e+00 : f32
        %max3A_357 = vector.broadcast %max3A_356 : f32 to vector<16xf32>
        %max3A_358 = arith.maximumf %add3A_355, %max3A_357 : vector<16xf32>
        %swap3A_359 = arith.index_cast %add3A_319 : i32 to index
        %swap3A_360 = arith.constant 16 : index
        %swap3A_361 = tpu.vector_load %arg10[%swap3A_359, %swap3A_360] {strides = array<i32>} : memref<40x128xf32, #tpu.memory_space<vmem>>, vector<1x16xf32>,
        %swap3A_362 = vector.shape_cast %swap3A_361 : vector<1x16xf32> to vector<16xf32>
        %swap3A_363 = vector.shape_cast %max3A_358 : vector<16xf32> to vector<1x16xf32>
        tpu.vector_store %arg10[%swap3A_359, %swap3A_360], %swap3A_363 {strides = array<i32>} : memref<40x128xf32, #tpu.memory_space<vmem>>, vector<1x16xf32>,
        %get3A_364 = arith.index_cast %add3A_319 : i32 to index
        %get3A_365 = arith.constant 32 : index
        %get3A_366 = tpu.vector_load %arg10[%get3A_364, %get3A_365] {strides = array<i32>} : memref<40x128xf32, #tpu.memory_space<vmem>>, vector<1x16xf32>,
        %get3A_367 = vector.shape_cast %get3A_366 : vector<1x16xf32> to vector<16xf32>
        %get3A_368 = arith.index_cast %add3A_319 : i32 to index
        %get3A_369 = arith.constant 32 : index
        %get3A_370 = tpu.vector_load %arg12[%get3A_368, %get3A_369] {strides = array<i32>} : memref<40x128xf32, #tpu.memory_space<vmem>>, vector<1x16xf32>,
        %get3A_371 = vector.shape_cast %get3A_370 : vector<1x16xf32> to vector<16xf32>
        %add3A_372 = arith.addf %get3A_367, %get3A_371 : vector<16xf32>
        %get3A_373 = arith.index_cast %add3A_319 : i32 to index
        %get3A_374 = arith.constant 32 : index
        %get3A_375 = tpu.vector_load %arg14[%get3A_373, %get3A_374] {strides = array<i32>} : memref<40x128xf32, #tpu.memory_space<vmem>>, vector<1x16xf32>,
        %get3A_376 = vector.shape_cast %get3A_375 : vector<1x16xf32> to vector<16xf32>
        %add3A_377 = arith.addf %add3A_372, %get3A_376 : vector<16xf32>
        %max3A_378 = arith.constant 0.000000e+00 : f32
        %max3A_379 = vector.broadcast %max3A_378 : f32 to vector<16xf32>
        %max3A_380 = arith.maximumf %add3A_377, %max3A_379 : vector<16xf32>
        %swap3A_381 = arith.index_cast %add3A_319 : i32 to index
        %swap3A_382 = arith.constant 32 : index
        %swap3A_383 = tpu.vector_load %arg10[%swap3A_381, %swap3A_382] {strides = array<i32>} : memref<40x128xf32, #tpu.memory_space<vmem>>, vector<1x16xf32>,
        %swap3A_384 = vector.shape_cast %swap3A_383 : vector<1x16xf32> to vector<16xf32>
        %swap3A_385 = vector.shape_cast %max3A_380 : vector<16xf32> to vector<1x16xf32>
        tpu.vector_store %arg10[%swap3A_381, %swap3A_382], %swap3A_385 {strides = array<i32>} : memref<40x128xf32, #tpu.memory_space<vmem>>, vector<1x16xf32>,
        %get3A_386 = arith.index_cast %add3A_319 : i32 to index
        %get3A_387 = arith.constant 48 : index
        %get3A_388 = tpu.vector_load %arg10[%get3A_386, %get3A_387] {strides = array<i32>} : memref<40x128xf32, #tpu.memory_space<vmem>>, vector<1x16xf32>,
        %get3A_389 = vector.shape_cast %get3A_388 : vector<1x16xf32> to vector<16xf32>
        %get3A_390 = arith.index_cast %add3A_319 : i32 to index
        %get3A_391 = arith.constant 48 : index
        %get3A_392 = tpu.vector_load %arg12[%get3A_390, %get3A_391] {strides = array<i32>} : memref<40x128xf32, #tpu.memory_space<vmem>>, vector<1x16xf32>,
        %get3A_393 = vector.shape_cast %get3A_392 : vector<1x16xf32> to vector<16xf32>
        %add3A_394 = arith.addf %get3A_389, %get3A_393 : vector<16xf32>
        %get3A_395 = arith.index_cast %add3A_319 : i32 to index
        %get3A_396 = arith.constant 48 : index
        %get3A_397 = tpu.vector_load %arg14[%get3A_395, %get3A_396] {strides = array<i32>} : memref<40x128xf32, #tpu.memory_space<vmem>>, vector<1x16xf32>,
        %get3A_398 = vector.shape_cast %get3A_397 : vector<1x16xf32> to vector<16xf32>
        %add3A_399 = arith.addf %add3A_394, %get3A_398 : vector<16xf32>
        %max3A_400 = arith.constant 0.000000e+00 : f32
        %max3A_401 = vector.broadcast %max3A_400 : f32 to vector<16xf32>
        %max3A_402 = arith.maximumf %add3A_399, %max3A_401 : vector<16xf32>
        %swap3A_403 = arith.index_cast %add3A_319 : i32 to index
        %swap3A_404 = arith.constant 48 : index
        %swap3A_405 = tpu.vector_load %arg10[%swap3A_403, %swap3A_404] {strides = array<i32>} : memref<40x128xf32, #tpu.memory_space<vmem>>, vector<1x16xf32>,
        %swap3A_406 = vector.shape_cast %swap3A_405 : vector<1x16xf32> to vector<16xf32>
        %swap3A_407 = vector.shape_cast %max3A_402 : vector<16xf32> to vector<1x16xf32>
        tpu.vector_store %arg10[%swap3A_403, %swap3A_404], %swap3A_407 {strides = array<i32>} : memref<40x128xf32, #tpu.memory_space<vmem>>, vector<1x16xf32>,
        %get3A_408 = arith.index_cast %add3A_319 : i32 to index
        %get3A_409 = arith.constant 64 : index
        %get3A_410 = tpu.vector_load %arg10[%get3A_408, %get3A_409] {strides = array<i32>} : memref<40x128xf32, #tpu.memory_space<vmem>>, vector<1x16xf32>,
        %get3A_411 = vector.shape_cast %get3A_410 : vector<1x16xf32> to vector<16xf32>
        %get3A_412 = arith.index_cast %add3A_319 : i32 to index
        %get3A_413 = arith.constant 64 : index
        %get3A_414 = tpu.vector_load %arg12[%get3A_412, %get3A_413] {strides = array<i32>} : memref<40x128xf32, #tpu.memory_space<vmem>>, vector<1x16xf32>,
        %get3A_415 = vector.shape_cast %get3A_414 : vector<1x16xf32> to vector<16xf32>
        %add3A_416 = arith.addf %get3A_411, %get3A_415 : vector<16xf32>
        %get3A_417 = arith.index_cast %add3A_319 : i32 to index
        %get3A_418 = arith.constant 64 : index
        %get3A_419 = tpu.vector_load %arg14[%get3A_417, %get3A_418] {strides = array<i32>} : memref<40x128xf32, #tpu.memory_space<vmem>>, vector<1x16xf32>,
        %get3A_420 = vector.shape_cast %get3A_419 : vector<1x16xf32> to vector<16xf32>
        %add3A_421 = arith.addf %add3A_416, %get3A_420 : vector<16xf32>
        %max3A_422 = arith.constant 0.000000e+00 : f32
        %max3A_423 = vector.broadcast %max3A_422 : f32 to vector<16xf32>
        %max3A_424 = arith.maximumf %add3A_421, %max3A_423 : vector<16xf32>
        %swap3A_425 = arith.index_cast %add3A_319 : i32 to index
        %swap3A_426 = arith.constant 64 : index
        %swap3A_427 = tpu.vector_load %arg10[%swap3A_425, %swap3A_426] {strides = array<i32>} : memref<40x128xf32, #tpu.memory_space<vmem>>, vector<1x16xf32>,
        %swap3A_428 = vector.shape_cast %swap3A_427 : vector<1x16xf32> to vector<16xf32>
        %swap3A_429 = vector.shape_cast %max3A_424 : vector<16xf32> to vector<1x16xf32>
        tpu.vector_store %arg10[%swap3A_425, %swap3A_426], %swap3A_429 {strides = array<i32>} : memref<40x128xf32, #tpu.memory_space<vmem>>, vector<1x16xf32>,
        %get3A_430 = arith.index_cast %add3A_319 : i32 to index
        %get3A_431 = arith.constant 80 : index
        %get3A_432 = tpu.vector_load %arg10[%get3A_430, %get3A_431] {strides = array<i32>} : memref<40x128xf32, #tpu.memory_space<vmem>>, vector<1x16xf32>,
        %get3A_433 = vector.shape_cast %get3A_432 : vector<1x16xf32> to vector<16xf32>
        %get3A_434 = arith.index_cast %add3A_319 : i32 to index
        %get3A_435 = arith.constant 80 : index
        %get3A_436 = tpu.vector_load %arg12[%get3A_434, %get3A_435] {strides = array<i32>} : memref<40x128xf32, #tpu.memory_space<vmem>>, vector<1x16xf32>,
        %get3A_437 = vector.shape_cast %get3A_436 : vector<1x16xf32> to vector<16xf32>
        %add3A_438 = arith.addf %get3A_433, %get3A_437 : vector<16xf32>
        %get3A_439 = arith.index_cast %add3A_319 : i32 to index
        %get3A_440 = arith.constant 80 : index
        %get3A_441 = tpu.vector_load %arg14[%get3A_439, %get3A_440] {strides = array<i32>} : memref<40x128xf32, #tpu.memory_space<vmem>>, vector<1x16xf32>,
        %get3A_442 = vector.shape_cast %get3A_441 : vector<1x16xf32> to vector<16xf32>
        %add3A_443 = arith.addf %add3A_438, %get3A_442 : vector<16xf32>
        %max3A_444 = arith.constant 0.000000e+00 : f32
        %max3A_445 = vector.broadcast %max3A_444 : f32 to vector<16xf32>
        %max3A_446 = arith.maximumf %add3A_443, %max3A_445 : vector<16xf32>
        %swap3A_447 = arith.index_cast %add3A_319 : i32 to index
        %swap3A_448 = arith.constant 80 : index
        %swap3A_449 = tpu.vector_load %arg10[%swap3A_447, %swap3A_448] {strides = array<i32>} : memref<40x128xf32, #tpu.memory_space<vmem>>, vector<1x16xf32>,
        %swap3A_450 = vector.shape_cast %swap3A_449 : vector<1x16xf32> to vector<16xf32>
        %swap3A_451 = vector.shape_cast %max3A_446 : vector<16xf32> to vector<1x16xf32>
        tpu.vector_store %arg10[%swap3A_447, %swap3A_448], %swap3A_451 {strides = array<i32>} : memref<40x128xf32, #tpu.memory_space<vmem>>, vector<1x16xf32>,
        %get3A_452 = arith.index_cast %add3A_319 : i32 to index
        %get3A_453 = arith.constant 96 : index
        %get3A_454 = tpu.vector_load %arg10[%get3A_452, %get3A_453] {strides = array<i32>} : memref<40x128xf32, #tpu.memory_space<vmem>>, vector<1x16xf32>,
        %get3A_455 = vector.shape_cast %get3A_454 : vector<1x16xf32> to vector<16xf32>
        %get3A_456 = arith.index_cast %add3A_319 : i32 to index
        %get3A_457 = arith.constant 96 : index
        %get3A_458 = tpu.vector_load %arg12[%get3A_456, %get3A_457] {strides = array<i32>} : memref<40x128xf32, #tpu.memory_space<vmem>>, vector<1x16xf32>,
        %get3A_459 = vector.shape_cast %get3A_458 : vector<1x16xf32> to vector<16xf32>
        %add3A_460 = arith.addf %get3A_455, %get3A_459 : vector<16xf32>
        %get3A_461 = arith.index_cast %add3A_319 : i32 to index
        %get3A_462 = arith.constant 96 : index
        %get3A_463 = tpu.vector_load %arg14[%get3A_461, %get3A_462] {strides = array<i32>} : memref<40x128xf32, #tpu.memory_space<vmem>>, vector<1x16xf32>,
        %get3A_464 = vector.shape_cast %get3A_463 : vector<1x16xf32> to vector<16xf32>
        %add3A_465 = arith.addf %add3A_460, %get3A_464 : vector<16xf32>
        %max3A_466 = arith.constant 0.000000e+00 : f32
        %max3A_467 = vector.broadcast %max3A_466 : f32 to vector<16xf32>
        %max3A_468 = arith.maximumf %add3A_465, %max3A_467 : vector<16xf32>
        %swap3A_469 = arith.index_cast %add3A_319 : i32 to index
        %swap3A_470 = arith.constant 96 : index
        %swap3A_471 = tpu.vector_load %arg10[%swap3A_469, %swap3A_470] {strides = array<i32>} : memref<40x128xf32, #tpu.memory_space<vmem>>, vector<1x16xf32>,
        %swap3A_472 = vector.shape_cast %swap3A_471 : vector<1x16xf32> to vector<16xf32>
        %swap3A_473 = vector.shape_cast %max3A_468 : vector<16xf32> to vector<1x16xf32>
        tpu.vector_store %arg10[%swap3A_469, %swap3A_470], %swap3A_473 {strides = array<i32>} : memref<40x128xf32, #tpu.memory_space<vmem>>, vector<1x16xf32>,
        %get3A_474 = arith.index_cast %add3A_319 : i32 to index
        %get3A_475 = arith.constant 112 : index
        %get3A_476 = tpu.vector_load %arg10[%get3A_474, %get3A_475] {strides = array<i32>} : memref<40x128xf32, #tpu.memory_space<vmem>>, vector<1x16xf32>,
        %get3A_477 = vector.shape_cast %get3A_476 : vector<1x16xf32> to vector<16xf32>
        %get3A_478 = arith.index_cast %add3A_319 : i32 to index
        %get3A_479 = arith.constant 112 : index
        %get3A_480 = tpu.vector_load %arg12[%get3A_478, %get3A_479] {strides = array<i32>} : memref<40x128xf32, #tpu.memory_space<vmem>>, vector<1x16xf32>,
        %get3A_481 = vector.shape_cast %get3A_480 : vector<1x16xf32> to vector<16xf32>
        %add3A_482 = arith.addf %get3A_477, %get3A_481 : vector<16xf32>
        %get3A_483 = arith.index_cast %add3A_319 : i32 to index
        %get3A_484 = arith.constant 112 : index
        %get3A_485 = tpu.vector_load %arg14[%get3A_483, %get3A_484] {strides = array<i32>} : memref<40x128xf32, #tpu.memory_space<vmem>>, vector<1x16xf32>,
        %get3A_486 = vector.shape_cast %get3A_485 : vector<1x16xf32> to vector<16xf32>
        %add3A_487 = arith.addf %add3A_482, %get3A_486 : vector<16xf32>
        %max3A_488 = arith.constant 0.000000e+00 : f32
        %max3A_489 = vector.broadcast %max3A_488 : f32 to vector<16xf32>
        %max3A_490 = arith.maximumf %add3A_487, %max3A_489 : vector<16xf32>
        %swap3A_491 = arith.index_cast %add3A_319 : i32 to index
        %swap3A_492 = arith.constant 112 : index
        %swap3A_493 = tpu.vector_load %arg10[%swap3A_491, %swap3A_492] {strides = array<i32>} : memref<40x128xf32, #tpu.memory_space<vmem>>, vector<1x16xf32>,
        %swap3A_494 = vector.shape_cast %swap3A_493 : vector<1x16xf32> to vector<16xf32>
        %swap3A_495 = vector.shape_cast %max3A_490 : vector<16xf32> to vector<1x16xf32>
        tpu.vector_store %arg10[%swap3A_491, %swap3A_492], %swap3A_495 {strides = array<i32>} : memref<40x128xf32, #tpu.memory_space<vmem>>, vector<1x16xf32>,
      }
      %scan3A_129 = arith.constant 20 : i32
      %run_scoped3A_130 = arith.constant 1 : i32
      "tpu.region"() ({
        %run_scoped3A_138 = tpu.sem_alloc : memref<!tpu.dma_semaphore, #tpu.memory_space<semaphore_mem>>
        %dma_start3A_139 = arith.constant 0 : i32
        %dma_start3A_140 = tpu.memref_slice %arg8[%run_scoped3A_130, %dma_start3A_139] : memref<2x40xi32, #tpu.memory_space<vmem>> -> memref<1x40xi32, #tpu.memory_space<vmem>>
        %dma_start3A_141 = tpu.memref_squeeze %dma_start3A_140 : memref<1x40xi32, #tpu.memory_space<vmem>> -> memref<40xi32, #tpu.memory_space<vmem>>
        %dma_start3A_142 = arith.constant 0 : i32
        %dma_start3A_143 = arith.constant 0 : i32
        %dma_start3A_144 = tpu.memref_slice %arg15[%dma_start3A_142, %dma_start3A_143] : memref<10240x128xf32, #tpu.memory_space<vmem_shared>> -> memref<10240x128xf32, #tpu.memory_space<vmem_shared>>
        tpu.enqueue_indirect_dma source(%arg10 : memref<40x128xf32, #tpu.memory_space<vmem>>) target(%dma_start3A_144 : memref<10240x128xf32, #tpu.memory_space<vmem_shared>>) offsets(%dma_start3A_141 : memref<40xi32, #tpu.memory_space<vmem>>) semaphore(%run_scoped3A_138 : memref<!tpu.dma_semaphore, #tpu.memory_space<semaphore_mem>>) {add = true}
        %dma_wait3A_145 = arith.constant 0 : i32
        %dma_wait3A_146 = tpu.memref_slice %arg8[%run_scoped3A_130, %dma_wait3A_145] : memref<2x40xi32, #tpu.memory_space<vmem>> -> memref<1x40xi32, #tpu.memory_space<vmem>>
        %dma_wait3A_147 = tpu.memref_squeeze %dma_wait3A_146 : memref<1x40xi32, #tpu.memory_space<vmem>> -> memref<40xi32, #tpu.memory_space<vmem>>
        %dma_wait3A_148 = arith.constant 0 : i32
        %dma_wait3A_149 = arith.constant 0 : i32
        %dma_wait3A_150 = tpu.memref_slice %arg15[%dma_wait3A_148, %dma_wait3A_149] : memref<10240x128xf32, #tpu.memory_space<vmem_shared>> -> memref<10240x128xf32, #tpu.memory_space<vmem_shared>>
        tpu.wait_indirect_dma semaphore(%run_scoped3A_138 : memref<!tpu.dma_semaphore, #tpu.memory_space<semaphore_mem>>) src(%arg10 : memref<40x128xf32, #tpu.memory_space<vmem>>) dst(%dma_wait3A_150 : memref<10240x128xf32, #tpu.memory_space<vmem_shared>>)
        tpu.yield
      }) : () -> ()
      %add3A_131 = arith.constant 2 : i32
      %add3A_132 = arith.addi %add3A_98, %add3A_131 : i32
      %lt3A_133 = arith.constant 250 : i32
      %lt3A_134 = arith.cmpi slt, %add3A_132, %lt3A_133 : i32
      %convert_element_type3A_135 = arith.extui %lt3A_134 : i1 to i32
      %cond3A_136 = arith.constant 0 : i32
      %cond3A_137 = arith.cmpi ne, %convert_element_type3A_135, %cond3A_136 : i32
      scf.if %cond3A_137 {
        %add3A_138 = arith.addi %mul3A_2, %add3A_98 : i32
        %add3A_139 = arith.constant 2 : i32
        %add3A_140 = arith.addi %add3A_138, %add3A_139 : i32
        %dma_start3A_141 = arith.constant 0 : i32
        %dma_start3A_142 = arith.constant 0 : i32
        %dma_start3A_143 = tpu.memref_slice %arg5[%add3A_140, %dma_start3A_141, %dma_start3A_142] : memref<8000x2x40xi32, #tpu.memory_space<hbm>> -> memref<1x2x40xi32, #tpu.memory_space<hbm>>
        %dma_start3A_144 = tpu.memref_squeeze %dma_start3A_143 : memref<1x2x40xi32, #tpu.memory_space<hbm>> -> memref<2x40xi32, #tpu.memory_space<hbm>>
        %dma_start3A_145 = arith.constant 0 : i32
        %dma_start3A_146 = arith.constant 0 : i32
        %dma_start3A_147 = tpu.memref_slice %arg5[%add3A_140, %dma_start3A_145, %dma_start3A_146] : memref<8000x2x40xi32, #tpu.memory_space<hbm>> -> memref<1x2x40xi32, #tpu.memory_space<hbm>>
        %dma_start3A_148 = tpu.memref_squeeze %dma_start3A_147 : memref<1x2x40xi32, #tpu.memory_space<hbm>> -> memref<2x40xi32, #tpu.memory_space<hbm>>
        tpu.enqueue_dma source(%dma_start3A_148 : memref<2x40xi32, #tpu.memory_space<hbm>>) target(%arg8 : memref<2x40xi32, #tpu.memory_space<vmem>>) target_semaphore(%arg17 : memref<!tpu.dma_semaphore, #tpu.memory_space<semaphore_mem>>)
      } else {
      }
    }
    %scan3A_50 = arith.constant 125 : i32
    %barrier3A_51 = arith.constant 0 : index
    tpu.barrier barrier_id(%barrier3A_51)
    %scan3A_52 = arith.constant 0 : i32
    %scan3A_53 = arith.constant 0 : i32
    %scan3A_54 = arith.constant 16 : i32
    %scan3A_55 = arith.addi %scan3A_53, %scan3A_54 : i32
    %scan3A_56 = arith.constant 1 : i32
    scf.for %scan3A_58 = %scan3A_53 to %scan3A_55 step %scan3A_56  : i32 {
      %mul3A_59 = arith.constant 640 : i32
      %mul3A_60 = arith.muli %arg1, %mul3A_59 : i32
      %mul3A_61 = arith.constant 40 : i32
      %mul3A_62 = arith.muli %scan3A_58, %mul3A_61 : i32
      %add3A_63 = arith.addi %mul3A_60, %mul3A_62 : i32
      %multiple_of3A = tpu.assume_multiple %add3A_63, 40 : i32
      "tpu.region"() ({
        %run_scoped3A = tpu.sem_alloc : memref<!tpu.dma_semaphore, #tpu.memory_space<semaphore_mem>>
        %dma_start3A_64 = arith.constant 0 : i32
        %dma_start3A_65 = tpu.memref_slice %arg15[%multiple_of3A, %dma_start3A_64] : memref<10240x128xf32, #tpu.memory_space<vmem_shared>> -> memref<40x128xf32, #tpu.memory_space<vmem_shared>>
        %dma_start3A_66 = arith.constant 0 : i32
        %dma_start3A_67 = tpu.memref_slice %arg15[%multiple_of3A, %dma_start3A_66] : memref<10240x128xf32, #tpu.memory_space<vmem_shared>> -> memref<40x128xf32, #tpu.memory_space<vmem_shared>>
        tpu.enqueue_dma source(%dma_start3A_67 : memref<40x128xf32, #tpu.memory_space<vmem_shared>>) target(%arg9 : memref<40x128xf32, #tpu.memory_space<vmem>>) target_semaphore(%run_scoped3A : memref<!tpu.dma_semaphore, #tpu.memory_space<semaphore_mem>>)
        %dma_wait3A = arith.constant 0 : i32
        %dma_wait3A_68 = tpu.memref_slice %arg15[%multiple_of3A, %dma_wait3A] : memref<10240x128xf32, #tpu.memory_space<vmem_shared>> -> memref<40x128xf32, #tpu.memory_space<vmem_shared>>
        %dma_wait3A_69 = arith.constant 0 : i32
        %dma_wait3A_70 = tpu.memref_slice %arg15[%multiple_of3A, %dma_wait3A_69] : memref<10240x128xf32, #tpu.memory_space<vmem_shared>> -> memref<40x128xf32, #tpu.memory_space<vmem_shared>>
        tpu.wait_dma2 semaphore(%run_scoped3A : memref<!tpu.dma_semaphore, #tpu.memory_space<semaphore_mem>>) src(%dma_wait3A_70 : memref<40x128xf32, #tpu.memory_space<vmem_shared>>) dst(%arg9 : memref<40x128xf32, #tpu.memory_space<vmem>>)
        tpu.yield
      }) : () -> ()
      "tpu.region"() ({
        %run_scoped3A = tpu.sem_alloc : memref<!tpu.dma_semaphore, #tpu.memory_space<semaphore_mem>>
        %dma_start3A_64 = arith.constant 0 : i32
        %dma_start3A_65 = tpu.memref_slice %arg6[%arg0, %multiple_of3A, %dma_start3A_64] : memref<2x10240x128xf32, #tpu.memory_space<hbm>> -> memref<1x40x128xf32, #tpu.memory_space<hbm>>
        %dma_start3A_66 = tpu.memref_squeeze %dma_start3A_65 : memref<1x40x128xf32, #tpu.memory_space<hbm>> -> memref<40x128xf32, #tpu.memory_space<hbm>>
        %dma_start3A_67 = arith.constant 0 : i32
        %dma_start3A_68 = tpu.memref_slice %arg6[%arg0, %multiple_of3A, %dma_start3A_67] : memref<2x10240x128xf32, #tpu.memory_space<hbm>> -> memref<1x40x128xf32, #tpu.memory_space<hbm>>
        %dma_start3A_69 = tpu.memref_squeeze %dma_start3A_68 : memref<1x40x128xf32, #tpu.memory_space<hbm>> -> memref<40x128xf32, #tpu.memory_space<hbm>>
        tpu.enqueue_dma source(%arg9 : memref<40x128xf32, #tpu.memory_space<vmem>>) target(%dma_start3A_69 : memref<40x128xf32, #tpu.memory_space<hbm>>) target_semaphore(%run_scoped3A : memref<!tpu.dma_semaphore, #tpu.memory_space<semaphore_mem>>)
        %dma_wait3A = arith.constant 0 : i32
        %dma_wait3A_70 = tpu.memref_slice %arg6[%arg0, %multiple_of3A, %dma_wait3A] : memref<2x10240x128xf32, #tpu.memory_space<hbm>> -> memref<1x40x128xf32, #tpu.memory_space<hbm>>
        %dma_wait3A_71 = tpu.memref_squeeze %dma_wait3A_70 : memref<1x40x128xf32, #tpu.memory_space<hbm>> -> memref<40x128xf32, #tpu.memory_space<hbm>>
        %dma_wait3A_72 = arith.constant 0 : i32
        %dma_wait3A_73 = tpu.memref_slice %arg6[%arg0, %multiple_of3A, %dma_wait3A_72] : memref<2x10240x128xf32, #tpu.memory_space<hbm>> -> memref<1x40x128xf32, #tpu.memory_space<hbm>>
        %dma_wait3A_74 = tpu.memref_squeeze %dma_wait3A_73 : memref<1x40x128xf32, #tpu.memory_space<hbm>> -> memref<40x128xf32, #tpu.memory_space<hbm>>
        tpu.wait_dma2 semaphore(%run_scoped3A : memref<!tpu.dma_semaphore, #tpu.memory_space<semaphore_mem>>) src(%arg9 : memref<40x128xf32, #tpu.memory_space<vmem>>) dst(%dma_wait3A_74 : memref<40x128xf32, #tpu.memory_space<hbm>>)
        tpu.yield
      }) : () -> ()
    }
    %scan3A_57 = arith.constant 16 : i32
    return
  }
}

#map = affine_map<(d0, d1) -> (0, 0)>
#map1 = affine_map<(d0, d1) -> (0, 0, 0)>
module attributes {stable_mosaic.version = 14 : i64} {
  func.func @_sc_edge(%arg0: i32, %arg1: i32, %arg2: memref<10000x128xf32, #tpu.memory_space<hbm>>, %arg3: memref<10000x128xf32, #tpu.memory_space<hbm>>, %arg4: memref<320000x128xf32, #tpu.memory_space<hbm>>, %arg5: memref<8000x2x40xi32, #tpu.memory_space<hbm>>, %arg6: memref<2x10240x128xf32, #tpu.memory_space<hbm>>, %arg7: memref<2x40xi32, #tpu.memory_space<vmem>>, %arg8: memref<2x40xi32, #tpu.memory_space<vmem>>, %arg9: memref<40x128xf32, #tpu.memory_space<vmem>>, %arg10: memref<40x128xf32, #tpu.memory_space<vmem>>, %arg11: memref<40x128xf32, #tpu.memory_space<vmem>>, %arg12: memref<40x128xf32, #tpu.memory_space<vmem>>, %arg13: memref<40x128xf32, #tpu.memory_space<vmem>>, %arg14: memref<40x128xf32, #tpu.memory_space<vmem>>, %arg15: memref<10240x128xf32, #tpu.memory_space<vmem_shared>>, %arg16: memref<!tpu.dma_semaphore, #tpu.memory_space<semaphore_mem>>, %arg17: memref<!tpu.dma_semaphore, #tpu.memory_space<semaphore_mem>>, %arg18: memref<!tpu.dma_semaphore, #tpu.memory_space<semaphore_mem>>, %arg19: memref<!tpu.dma_semaphore, #tpu.memory_space<semaphore_mem>>, %arg20: memref<!tpu.dma_semaphore, #tpu.memory_space<semaphore_mem>>, %arg21: memref<!tpu.dma_semaphore, #tpu.memory_space<semaphore_mem>>, %arg22: memref<!tpu.dma_semaphore, #tpu.memory_space<semaphore_mem>>, %arg23: memref<!tpu.dma_semaphore, #tpu.memory_space<semaphore_mem>>) attributes {dimension_semantics = [#tpu.dimension_semantics<core_parallel>, #tpu.dimension_semantics<subcore_parallel>], iteration_bounds = array<i64: 2, 16>, scalar_prefetch = 0 : i64, scratch_operands = 17 : i64, tpu.core_type = #tpu.core_type<sc_vector_subcore>, window_params = [{transform_indices = #map}, {transform_indices = #map}, {transform_indices = #map}, {transform_indices = #map1}, {transform_indices = #map1}]} {
    %mul3A = arith.constant 2 : i32
    %mul3A_0 = arith.muli %arg1, %mul3A : i32
    %add3A = arith.addi %mul3A_0, %arg0 : i32
    %mul3A_1 = arith.constant 250 : i32
    %mul3A_2 = arith.muli %add3A, %mul3A_1 : i32
    %mul3A_3 = arith.constant 10000 : i32
    %mul3A_4 = arith.muli %add3A, %mul3A_3 : i32
    %scan3A = arith.constant 0 : i32
    %scan3A_5 = arith.constant 0 : i32
    %scan3A_6 = arith.constant 40 : i32
    %scan3A_7 = arith.addi %scan3A_5, %scan3A_6 : i32
    %scan3A_8 = arith.constant 1 : i32
    scf.for %scan3A_58 = %scan3A_5 to %scan3A_7 step %scan3A_8  : i32 {
      %broadcast_in_dim3A = arith.constant 0.000000e+00 : f32
      %broadcast_in_dim3A_59 = vector.broadcast %broadcast_in_dim3A : f32 to vector<16xf32>
      %swap3A = arith.index_cast %scan3A_58 : i32 to index
      %swap3A_60 = arith.constant 0 : index
      %swap3A_61 = tpu.vector_load %arg9[%swap3A, %swap3A_60] {strides = array<i32>} : memref<40x128xf32, #tpu.memory_space<vmem>>, vector<1x16xf32>,
      %swap3A_62 = vector.shape_cast %swap3A_61 : vector<1x16xf32> to vector<16xf32>
      %swap3A_63 = vector.shape_cast %broadcast_in_dim3A_59 : vector<16xf32> to vector<1x16xf32>
      tpu.vector_store %arg9[%swap3A, %swap3A_60], %swap3A_63 {strides = array<i32>} : memref<40x128xf32, #tpu.memory_space<vmem>>, vector<1x16xf32>,
      %broadcast_in_dim3A_64 = arith.constant 0.000000e+00 : f32
      %broadcast_in_dim3A_65 = vector.broadcast %broadcast_in_dim3A_64 : f32 to vector<16xf32>
      %swap3A_66 = arith.index_cast %scan3A_58 : i32 to index
      %swap3A_67 = arith.constant 16 : index
      %swap3A_68 = tpu.vector_load %arg9[%swap3A_66, %swap3A_67] {strides = array<i32>} : memref<40x128xf32, #tpu.memory_space<vmem>>, vector<1x16xf32>,
      %swap3A_69 = vector.shape_cast %swap3A_68 : vector<1x16xf32> to vector<16xf32>
      %swap3A_70 = vector.shape_cast %broadcast_in_dim3A_65 : vector<16xf32> to vector<1x16xf32>
      tpu.vector_store %arg9[%swap3A_66, %swap3A_67], %swap3A_70 {strides = array<i32>} : memref<40x128xf32, #tpu.memory_space<vmem>>, vector<1x16xf32>,
      %broadcast_in_dim3A_71 = arith.constant 0.000000e+00 : f32
      %broadcast_in_dim3A_72 = vector.broadcast %broadcast_in_dim3A_71 : f32 to vector<16xf32>
      %swap3A_73 = arith.index_cast %scan3A_58 : i32 to index
      %swap3A_74 = arith.constant 32 : index
      %swap3A_75 = tpu.vector_load %arg9[%swap3A_73, %swap3A_74] {strides = array<i32>} : memref<40x128xf32, #tpu.memory_space<vmem>>, vector<1x16xf32>,
      %swap3A_76 = vector.shape_cast %swap3A_75 : vector<1x16xf32> to vector<16xf32>
      %swap3A_77 = vector.shape_cast %broadcast_in_dim3A_72 : vector<16xf32> to vector<1x16xf32>
      tpu.vector_store %arg9[%swap3A_73, %swap3A_74], %swap3A_77 {strides = array<i32>} : memref<40x128xf32, #tpu.memory_space<vmem>>, vector<1x16xf32>,
      %broadcast_in_dim3A_78 = arith.constant 0.000000e+00 : f32
      %broadcast_in_dim3A_79 = vector.broadcast %broadcast_in_dim3A_78 : f32 to vector<16xf32>
      %swap3A_80 = arith.index_cast %scan3A_58 : i32 to index
      %swap3A_81 = arith.constant 48 : index
      %swap3A_82 = tpu.vector_load %arg9[%swap3A_80, %swap3A_81] {strides = array<i32>} : memref<40x128xf32, #tpu.memory_space<vmem>>, vector<1x16xf32>,
      %swap3A_83 = vector.shape_cast %swap3A_82 : vector<1x16xf32> to vector<16xf32>
      %swap3A_84 = vector.shape_cast %broadcast_in_dim3A_79 : vector<16xf32> to vector<1x16xf32>
      tpu.vector_store %arg9[%swap3A_80, %swap3A_81], %swap3A_84 {strides = array<i32>} : memref<40x128xf32, #tpu.memory_space<vmem>>, vector<1x16xf32>,
      %broadcast_in_dim3A_85 = arith.constant 0.000000e+00 : f32
      %broadcast_in_dim3A_86 = vector.broadcast %broadcast_in_dim3A_85 : f32 to vector<16xf32>
      %swap3A_87 = arith.index_cast %scan3A_58 : i32 to index
      %swap3A_88 = arith.constant 64 : index
      %swap3A_89 = tpu.vector_load %arg9[%swap3A_87, %swap3A_88] {strides = array<i32>} : memref<40x128xf32, #tpu.memory_space<vmem>>, vector<1x16xf32>,
      %swap3A_90 = vector.shape_cast %swap3A_89 : vector<1x16xf32> to vector<16xf32>
      %swap3A_91 = vector.shape_cast %broadcast_in_dim3A_86 : vector<16xf32> to vector<1x16xf32>
      tpu.vector_store %arg9[%swap3A_87, %swap3A_88], %swap3A_91 {strides = array<i32>} : memref<40x128xf32, #tpu.memory_space<vmem>>, vector<1x16xf32>,
      %broadcast_in_dim3A_92 = arith.constant 0.000000e+00 : f32
      %broadcast_in_dim3A_93 = vector.broadcast %broadcast_in_dim3A_92 : f32 to vector<16xf32>
      %swap3A_94 = arith.index_cast %scan3A_58 : i32 to index
      %swap3A_95 = arith.constant 80 : index
      %swap3A_96 = tpu.vector_load %arg9[%swap3A_94, %swap3A_95] {strides = array<i32>} : memref<40x128xf32, #tpu.memory_space<vmem>>, vector<1x16xf32>,
      %swap3A_97 = vector.shape_cast %swap3A_96 : vector<1x16xf32> to vector<16xf32>
      %swap3A_98 = vector.shape_cast %broadcast_in_dim3A_93 : vector<16xf32> to vector<1x16xf32>
      tpu.vector_store %arg9[%swap3A_94, %swap3A_95], %swap3A_98 {strides = array<i32>} : memref<40x128xf32, #tpu.memory_space<vmem>>, vector<1x16xf32>,
      %broadcast_in_dim3A_99 = arith.constant 0.000000e+00 : f32
      %broadcast_in_dim3A_100 = vector.broadcast %broadcast_in_dim3A_99 : f32 to vector<16xf32>
      %swap3A_101 = arith.index_cast %scan3A_58 : i32 to index
      %swap3A_102 = arith.constant 96 : index
      %swap3A_103 = tpu.vector_load %arg9[%swap3A_101, %swap3A_102] {strides = array<i32>} : memref<40x128xf32, #tpu.memory_space<vmem>>, vector<1x16xf32>,
      %swap3A_104 = vector.shape_cast %swap3A_103 : vector<1x16xf32> to vector<16xf32>
      %swap3A_105 = vector.shape_cast %broadcast_in_dim3A_100 : vector<16xf32> to vector<1x16xf32>
      tpu.vector_store %arg9[%swap3A_101, %swap3A_102], %swap3A_105 {strides = array<i32>} : memref<40x128xf32, #tpu.memory_space<vmem>>, vector<1x16xf32>,
      %broadcast_in_dim3A_106 = arith.constant 0.000000e+00 : f32
      %broadcast_in_dim3A_107 = vector.broadcast %broadcast_in_dim3A_106 : f32 to vector<16xf32>
      %swap3A_108 = arith.index_cast %scan3A_58 : i32 to index
      %swap3A_109 = arith.constant 112 : index
      %swap3A_110 = tpu.vector_load %arg9[%swap3A_108, %swap3A_109] {strides = array<i32>} : memref<40x128xf32, #tpu.memory_space<vmem>>, vector<1x16xf32>,
      %swap3A_111 = vector.shape_cast %swap3A_110 : vector<1x16xf32> to vector<16xf32>
      %swap3A_112 = vector.shape_cast %broadcast_in_dim3A_107 : vector<16xf32> to vector<1x16xf32>
      tpu.vector_store %arg9[%swap3A_108, %swap3A_109], %swap3A_112 {strides = array<i32>} : memref<40x128xf32, #tpu.memory_space<vmem>>, vector<1x16xf32>,
    }
    %scan3A_9 = arith.constant 40 : i32
    %scan3A_10 = arith.constant 0 : i32
    %scan3A_11 = arith.constant 0 : i32
    %scan3A_12 = arith.constant 16 : i32
    %scan3A_13 = arith.addi %scan3A_11, %scan3A_12 : i32
    %scan3A_14 = arith.constant 1 : i32
    scf.for %scan3A_58 = %scan3A_11 to %scan3A_13 step %scan3A_14  : i32 {
      %mul3A_59 = arith.constant 640 : i32
      %mul3A_60 = arith.muli %arg1, %mul3A_59 : i32
      %mul3A_61 = arith.constant 40 : i32
      %mul3A_62 = arith.muli %scan3A_58, %mul3A_61 : i32
      %add3A_63 = arith.addi %mul3A_60, %mul3A_62 : i32
      %multiple_of3A = tpu.assume_multiple %add3A_63, 40 : i32
      "tpu.region"() ({
        %run_scoped3A = tpu.sem_alloc : memref<!tpu.dma_semaphore, #tpu.memory_space<semaphore_mem>>
        %dma_start3A_64 = arith.constant 0 : i32
        %dma_start3A_65 = tpu.memref_slice %arg15[%multiple_of3A, %dma_start3A_64] : memref<10240x128xf32, #tpu.memory_space<vmem_shared>> -> memref<40x128xf32, #tpu.memory_space<vmem_shared>>
        %dma_start3A_66 = arith.constant 0 : i32
        %dma_start3A_67 = tpu.memref_slice %arg15[%multiple_of3A, %dma_start3A_66] : memref<10240x128xf32, #tpu.memory_space<vmem_shared>> -> memref<40x128xf32, #tpu.memory_space<vmem_shared>>
        tpu.enqueue_dma source(%arg9 : memref<40x128xf32, #tpu.memory_space<vmem>>) target(%dma_start3A_67 : memref<40x128xf32, #tpu.memory_space<vmem_shared>>) target_semaphore(%run_scoped3A : memref<!tpu.dma_semaphore, #tpu.memory_space<semaphore_mem>>)
        %dma_wait3A = arith.constant 0 : i32
        %dma_wait3A_68 = tpu.memref_slice %arg15[%multiple_of3A, %dma_wait3A] : memref<10240x128xf32, #tpu.memory_space<vmem_shared>> -> memref<40x128xf32, #tpu.memory_space<vmem_shared>>
        %dma_wait3A_69 = arith.constant 0 : i32
        %dma_wait3A_70 = tpu.memref_slice %arg15[%multiple_of3A, %dma_wait3A_69] : memref<10240x128xf32, #tpu.memory_space<vmem_shared>> -> memref<40x128xf32, #tpu.memory_space<vmem_shared>>
        tpu.wait_dma2 semaphore(%run_scoped3A : memref<!tpu.dma_semaphore, #tpu.memory_space<semaphore_mem>>) src(%arg9 : memref<40x128xf32, #tpu.memory_space<vmem>>) dst(%dma_wait3A_70 : memref<40x128xf32, #tpu.memory_space<vmem_shared>>)
        tpu.yield
      }) : () -> ()
    }
    %scan3A_15 = arith.constant 16 : i32
    %barrier3A = arith.constant 0 : index
    tpu.barrier barrier_id(%barrier3A)
    "tpu.region"() ({
      %run_scoped3A = tpu.sem_alloc : memref<!tpu.dma_semaphore, #tpu.memory_space<semaphore_mem>>
      %dma_start3A_58 = arith.constant 0 : i32
      %dma_start3A_59 = arith.constant 0 : i32
      %dma_start3A_60 = tpu.memref_slice %arg5[%mul3A_2, %dma_start3A_58, %dma_start3A_59] : memref<8000x2x40xi32, #tpu.memory_space<hbm>> -> memref<1x2x40xi32, #tpu.memory_space<hbm>>
      %dma_start3A_61 = tpu.memref_squeeze %dma_start3A_60 : memref<1x2x40xi32, #tpu.memory_space<hbm>> -> memref<2x40xi32, #tpu.memory_space<hbm>>
      %dma_start3A_62 = arith.constant 0 : i32
      %dma_start3A_63 = arith.constant 0 : i32
      %dma_start3A_64 = tpu.memref_slice %arg5[%mul3A_2, %dma_start3A_62, %dma_start3A_63] : memref<8000x2x40xi32, #tpu.memory_space<hbm>> -> memref<1x2x40xi32, #tpu.memory_space<hbm>>
      %dma_start3A_65 = tpu.memref_squeeze %dma_start3A_64 : memref<1x2x40xi32, #tpu.memory_space<hbm>> -> memref<2x40xi32, #tpu.memory_space<hbm>>
      tpu.enqueue_dma source(%dma_start3A_65 : memref<2x40xi32, #tpu.memory_space<hbm>>) target(%arg7 : memref<2x40xi32, #tpu.memory_space<vmem>>) target_semaphore(%run_scoped3A : memref<!tpu.dma_semaphore, #tpu.memory_space<semaphore_mem>>)
      %dma_wait3A = arith.constant 0 : i32
      %dma_wait3A_66 = arith.constant 0 : i32
      %dma_wait3A_67 = tpu.memref_slice %arg5[%mul3A_2, %dma_wait3A, %dma_wait3A_66] : memref<8000x2x40xi32, #tpu.memory_space<hbm>> -> memref<1x2x40xi32, #tpu.memory_space<hbm>>
      %dma_wait3A_68 = tpu.memref_squeeze %dma_wait3A_67 : memref<1x2x40xi32, #tpu.memory_space<hbm>> -> memref<2x40xi32, #tpu.memory_space<hbm>>
      %dma_wait3A_69 = arith.constant 0 : i32
      %dma_wait3A_70 = arith.constant 0 : i32
      %dma_wait3A_71 = tpu.memref_slice %arg5[%mul3A_2, %dma_wait3A_69, %dma_wait3A_70] : memref<8000x2x40xi32, #tpu.memory_space<hbm>> -> memref<1x2x40xi32, #tpu.memory_space<hbm>>
      %dma_wait3A_72 = tpu.memref_squeeze %dma_wait3A_71 : memref<1x2x40xi32, #tpu.memory_space<hbm>> -> memref<2x40xi32, #tpu.memory_space<hbm>>
      tpu.wait_dma2 semaphore(%run_scoped3A : memref<!tpu.dma_semaphore, #tpu.memory_space<semaphore_mem>>) src(%dma_wait3A_72 : memref<2x40xi32, #tpu.memory_space<hbm>>) dst(%arg7 : memref<2x40xi32, #tpu.memory_space<vmem>>)
      tpu.yield
    }) : () -> ()
    %add3A_16 = arith.constant 1 : i32
    %add3A_17 = arith.addi %mul3A_2, %add3A_16 : i32
    %dma_start3A = arith.constant 0 : i32
    %dma_start3A_18 = arith.constant 0 : i32
    %dma_start3A_19 = tpu.memref_slice %arg5[%add3A_17, %dma_start3A, %dma_start3A_18] : memref<8000x2x40xi32, #tpu.memory_space<hbm>> -> memref<1x2x40xi32, #tpu.memory_space<hbm>>
    %dma_start3A_20 = tpu.memref_squeeze %dma_start3A_19 : memref<1x2x40xi32, #tpu.memory_space<hbm>> -> memref<2x40xi32, #tpu.memory_space<hbm>>
    %dma_start3A_21 = arith.constant 0 : i32
    %dma_start3A_22 = arith.constant 0 : i32
    %dma_start3A_23 = tpu.memref_slice %arg5[%add3A_17, %dma_start3A_21, %dma_start3A_22] : memref<8000x2x40xi32, #tpu.memory_space<hbm>> -> memref<1x2x40xi32, #tpu.memory_space<hbm>>
    %dma_start3A_24 = tpu.memref_squeeze %dma_start3A_23 : memref<1x2x40xi32, #tpu.memory_space<hbm>> -> memref<2x40xi32, #tpu.memory_space<hbm>>
    tpu.enqueue_dma source(%dma_start3A_24 : memref<2x40xi32, #tpu.memory_space<hbm>>) target(%arg8 : memref<2x40xi32, #tpu.memory_space<vmem>>) target_semaphore(%arg17 : memref<!tpu.dma_semaphore, #tpu.memory_space<semaphore_mem>>)
    %dma_start3A_25 = arith.constant 0 : i32
    %dma_start3A_26 = arith.constant 0 : i32
    %dma_start3A_27 = tpu.memref_slice %arg7[%dma_start3A_25, %dma_start3A_26] : memref<2x40xi32, #tpu.memory_space<vmem>> -> memref<1x40xi32, #tpu.memory_space<vmem>>
    %dma_start3A_28 = tpu.memref_squeeze %dma_start3A_27 : memref<1x40xi32, #tpu.memory_space<vmem>> -> memref<40xi32, #tpu.memory_space<vmem>>
    %dma_start3A_29 = arith.constant 0 : i32
    %dma_start3A_30 = arith.constant 0 : i32
    %dma_start3A_31 = tpu.memref_slice %arg2[%dma_start3A_29, %dma_start3A_30] : memref<10000x128xf32, #tpu.memory_space<hbm>> -> memref<10000x128xf32, #tpu.memory_space<hbm>>
    tpu.enqueue_indirect_dma source(%dma_start3A_31 : memref<10000x128xf32, #tpu.memory_space<hbm>>) target(%arg9 : memref<40x128xf32, #tpu.memory_space<vmem>>) offsets(%dma_start3A_28 : memref<40xi32, #tpu.memory_space<vmem>>) semaphore(%arg18 : memref<!tpu.dma_semaphore, #tpu.memory_space<semaphore_mem>>)
    %dma_start3A_32 = arith.constant 1 : i32
    %dma_start3A_33 = arith.constant 0 : i32
    %dma_start3A_34 = tpu.memref_slice %arg7[%dma_start3A_32, %dma_start3A_33] : memref<2x40xi32, #tpu.memory_space<vmem>> -> memref<1x40xi32, #tpu.memory_space<vmem>>
    %dma_start3A_35 = tpu.memref_squeeze %dma_start3A_34 : memref<1x40xi32, #tpu.memory_space<vmem>> -> memref<40xi32, #tpu.memory_space<vmem>>
    %dma_start3A_36 = arith.constant 0 : i32
    %dma_start3A_37 = arith.constant 0 : i32
    %dma_start3A_38 = tpu.memref_slice %arg3[%dma_start3A_36, %dma_start3A_37] : memref<10000x128xf32, #tpu.memory_space<hbm>> -> memref<10000x128xf32, #tpu.memory_space<hbm>>
    tpu.enqueue_indirect_dma source(%dma_start3A_38 : memref<10000x128xf32, #tpu.memory_space<hbm>>) target(%arg11 : memref<40x128xf32, #tpu.memory_space<vmem>>) offsets(%dma_start3A_35 : memref<40xi32, #tpu.memory_space<vmem>>) semaphore(%arg20 : memref<!tpu.dma_semaphore, #tpu.memory_space<semaphore_mem>>)
    %add3A_39 = arith.constant 0 : i32
    %add3A_40 = arith.addi %mul3A_4, %add3A_39 : i32
    %dma_start3A_41 = arith.constant 0 : i32
    %dma_start3A_42 = tpu.memref_slice %arg4[%add3A_40, %dma_start3A_41] : memref<320000x128xf32, #tpu.memory_space<hbm>> -> memref<40x128xf32, #tpu.memory_space<hbm>>
    %dma_start3A_43 = arith.constant 0 : i32
    %dma_start3A_44 = tpu.memref_slice %arg4[%add3A_40, %dma_start3A_43] : memref<320000x128xf32, #tpu.memory_space<hbm>> -> memref<40x128xf32, #tpu.memory_space<hbm>>
    tpu.enqueue_dma source(%dma_start3A_44 : memref<40x128xf32, #tpu.memory_space<hbm>>) target(%arg13 : memref<40x128xf32, #tpu.memory_space<vmem>>) target_semaphore(%arg22 : memref<!tpu.dma_semaphore, #tpu.memory_space<semaphore_mem>>)
    %scan3A_45 = arith.constant 0 : i32
    %scan3A_46 = arith.constant 0 : i32
    %scan3A_47 = arith.constant 125 : i32
    %scan3A_48 = arith.addi %scan3A_46, %scan3A_47 : i32
    %scan3A_49 = arith.constant 1 : i32
    scf.for %scan3A_58 = %scan3A_46 to %scan3A_48 step %scan3A_49  : i32 {
      %mul3A_59 = arith.constant 2 : i32
      %mul3A_60 = arith.muli %mul3A_59, %scan3A_58 : i32
      %add3A_61 = arith.constant 1 : i32
      %add3A_62 = arith.addi %mul3A_60, %add3A_61 : i32
      %lt3A = arith.constant 250 : i32
      %lt3A_63 = arith.cmpi slt, %add3A_62, %lt3A : i32
      %convert_element_type3A = arith.extui %lt3A_63 : i1 to i32
      %cond3A = arith.constant 0 : i32
      %cond3A_64 = arith.cmpi ne, %convert_element_type3A, %cond3A : i32
      scf.if %cond3A_64 {
        %dma_wait3A_138 = arith.constant 0 : i32
        %dma_wait3A_139 = arith.constant 0 : i32
        %dma_wait3A_140 = tpu.memref_slice %arg5[%mul3A_2, %dma_wait3A_138, %dma_wait3A_139] : memref<8000x2x40xi32, #tpu.memory_space<hbm>> -> memref<1x2x40xi32, #tpu.memory_space<hbm>>
        %dma_wait3A_141 = tpu.memref_squeeze %dma_wait3A_140 : memref<1x2x40xi32, #tpu.memory_space<hbm>> -> memref<2x40xi32, #tpu.memory_space<hbm>>
        %dma_wait3A_142 = arith.constant 0 : i32
        %dma_wait3A_143 = arith.constant 0 : i32
        %dma_wait3A_144 = tpu.memref_slice %arg5[%mul3A_2, %dma_wait3A_142, %dma_wait3A_143] : memref<8000x2x40xi32, #tpu.memory_space<hbm>> -> memref<1x2x40xi32, #tpu.memory_space<hbm>>
        %dma_wait3A_145 = tpu.memref_squeeze %dma_wait3A_144 : memref<1x2x40xi32, #tpu.memory_space<hbm>> -> memref<2x40xi32, #tpu.memory_space<hbm>>
        tpu.wait_dma2 semaphore(%arg17 : memref<!tpu.dma_semaphore, #tpu.memory_space<semaphore_mem>>) src(%dma_wait3A_145 : memref<2x40xi32, #tpu.memory_space<hbm>>) dst(%arg8 : memref<2x40xi32, #tpu.memory_space<vmem>>)
        %add3A_146 = arith.constant 1 : i32
        %add3A_147 = arith.addi %mul3A_60, %add3A_146 : i32
        %dma_start3A_148 = arith.constant 0 : i32
        %dma_start3A_149 = arith.constant 0 : i32
        %dma_start3A_150 = tpu.memref_slice %arg8[%dma_start3A_148, %dma_start3A_149] : memref<2x40xi32, #tpu.memory_space<vmem>> -> memref<1x40xi32, #tpu.memory_space<vmem>>
        %dma_start3A_151 = tpu.memref_squeeze %dma_start3A_150 : memref<1x40xi32, #tpu.memory_space<vmem>> -> memref<40xi32, #tpu.memory_space<vmem>>
        %dma_start3A_152 = arith.constant 0 : i32
        %dma_start3A_153 = arith.constant 0 : i32
        %dma_start3A_154 = tpu.memref_slice %arg2[%dma_start3A_152, %dma_start3A_153] : memref<10000x128xf32, #tpu.memory_space<hbm>> -> memref<10000x128xf32, #tpu.memory_space<hbm>>
        tpu.enqueue_indirect_dma source(%dma_start3A_154 : memref<10000x128xf32, #tpu.memory_space<hbm>>) target(%arg10 : memref<40x128xf32, #tpu.memory_space<vmem>>) offsets(%dma_start3A_151 : memref<40xi32, #tpu.memory_space<vmem>>) semaphore(%arg19 : memref<!tpu.dma_semaphore, #tpu.memory_space<semaphore_mem>>)
        %dma_start3A_155 = arith.constant 1 : i32
        %dma_start3A_156 = arith.constant 0 : i32
        %dma_start3A_157 = tpu.memref_slice %arg8[%dma_start3A_155, %dma_start3A_156] : memref<2x40xi32, #tpu.memory_space<vmem>> -> memref<1x40xi32, #tpu.memory_space<vmem>>
        %dma_start3A_158 = tpu.memref_squeeze %dma_start3A_157 : memref<1x40xi32, #tpu.memory_space<vmem>> -> memref<40xi32, #tpu.memory_space<vmem>>
        %dma_start3A_159 = arith.constant 0 : i32
        %dma_start3A_160 = arith.constant 0 : i32
        %dma_start3A_161 = tpu.memref_slice %arg3[%dma_start3A_159, %dma_start3A_160] : memref<10000x128xf32, #tpu.memory_space<hbm>> -> memref<10000x128xf32, #tpu.memory_space<hbm>>
        tpu.enqueue_indirect_dma source(%dma_start3A_161 : memref<10000x128xf32, #tpu.memory_space<hbm>>) target(%arg12 : memref<40x128xf32, #tpu.memory_space<vmem>>) offsets(%dma_start3A_158 : memref<40xi32, #tpu.memory_space<vmem>>) semaphore(%arg21 : memref<!tpu.dma_semaphore, #tpu.memory_space<semaphore_mem>>)
        %mul3A_162 = arith.constant 40 : i32
        %mul3A_163 = arith.muli %add3A_147, %mul3A_162 : i32
        %add3A_164 = arith.addi %mul3A_4, %mul3A_163 : i32
        %dma_start3A_165 = arith.constant 0 : i32
        %dma_start3A_166 = tpu.memref_slice %arg4[%add3A_164, %dma_start3A_165] : memref<320000x128xf32, #tpu.memory_space<hbm>> -> memref<40x128xf32, #tpu.memory_space<hbm>>
        %dma_start3A_167 = arith.constant 0 : i32
        %dma_start3A_168 = tpu.memref_slice %arg4[%add3A_164, %dma_start3A_167] : memref<320000x128xf32, #tpu.memory_space<hbm>> -> memref<40x128xf32, #tpu.memory_space<hbm>>
        tpu.enqueue_dma source(%dma_start3A_168 : memref<40x128xf32, #tpu.memory_space<hbm>>) target(%arg14 : memref<40x128xf32, #tpu.memory_space<vmem>>) target_semaphore(%arg23 : memref<!tpu.dma_semaphore, #tpu.memory_space<semaphore_mem>>)
      } else {
      }
      %dma_wait3A = arith.constant 0 : i32
      %dma_wait3A_65 = arith.constant 0 : i32
      %dma_wait3A_66 = tpu.memref_slice %arg7[%dma_wait3A, %dma_wait3A_65] : memref<2x40xi32, #tpu.memory_space<vmem>> -> memref<1x40xi32, #tpu.memory_space<vmem>>
      %dma_wait3A_67 = tpu.memref_squeeze %dma_wait3A_66 : memref<1x40xi32, #tpu.memory_space<vmem>> -> memref<40xi32, #tpu.memory_space<vmem>>
      %dma_wait3A_68 = arith.constant 0 : i32
      %dma_wait3A_69 = arith.constant 0 : i32
      %dma_wait3A_70 = tpu.memref_slice %arg2[%dma_wait3A_68, %dma_wait3A_69] : memref<10000x128xf32, #tpu.memory_space<hbm>> -> memref<10000x128xf32, #tpu.memory_space<hbm>>
      tpu.wait_indirect_dma semaphore(%arg18 : memref<!tpu.dma_semaphore, #tpu.memory_space<semaphore_mem>>) src(%dma_wait3A_70 : memref<10000x128xf32, #tpu.memory_space<hbm>>) dst(%arg9 : memref<40x128xf32, #tpu.memory_space<vmem>>)
      %dma_wait3A_71 = arith.constant 1 : i32
      %dma_wait3A_72 = arith.constant 0 : i32
      %dma_wait3A_73 = tpu.memref_slice %arg7[%dma_wait3A_71, %dma_wait3A_72] : memref<2x40xi32, #tpu.memory_space<vmem>> -> memref<1x40xi32, #tpu.memory_space<vmem>>
      %dma_wait3A_74 = tpu.memref_squeeze %dma_wait3A_73 : memref<1x40xi32, #tpu.memory_space<vmem>> -> memref<40xi32, #tpu.memory_space<vmem>>
      %dma_wait3A_75 = arith.constant 0 : i32
      %dma_wait3A_76 = arith.constant 0 : i32
      %dma_wait3A_77 = tpu.memref_slice %arg3[%dma_wait3A_75, %dma_wait3A_76] : memref<10000x128xf32, #tpu.memory_space<hbm>> -> memref<10000x128xf32, #tpu.memory_space<hbm>>
      tpu.wait_indirect_dma semaphore(%arg20 : memref<!tpu.dma_semaphore, #tpu.memory_space<semaphore_mem>>) src(%dma_wait3A_77 : memref<10000x128xf32, #tpu.memory_space<hbm>>) dst(%arg11 : memref<40x128xf32, #tpu.memory_space<vmem>>)
      %dma_wait3A_78 = arith.constant 0 : i32
      %dma_wait3A_79 = tpu.memref_slice %arg4[%mul3A_4, %dma_wait3A_78] : memref<320000x128xf32, #tpu.memory_space<hbm>> -> memref<40x128xf32, #tpu.memory_space<hbm>>
      %dma_wait3A_80 = arith.constant 0 : i32
      %dma_wait3A_81 = tpu.memref_slice %arg4[%mul3A_4, %dma_wait3A_80] : memref<320000x128xf32, #tpu.memory_space<hbm>> -> memref<40x128xf32, #tpu.memory_space<hbm>>
      tpu.wait_dma2 semaphore(%arg22 : memref<!tpu.dma_semaphore, #tpu.memory_space<semaphore_mem>>) src(%dma_wait3A_81 : memref<40x128xf32, #tpu.memory_space<hbm>>) dst(%arg13 : memref<40x128xf32, #tpu.memory_space<vmem>>)
      %scan3A_82 = arith.constant 0 : i32
      %scan3A_83 = arith.constant 0 : i32
      %scan3A_84 = arith.constant 20 : i32
      %scan3A_85 = arith.addi %scan3A_83, %scan3A_84 : i32
      %scan3A_86 = arith.constant 1 : i32
      scf.for %scan3A_138 = %scan3A_83 to %scan3A_85 step %scan3A_86  : i32 {
        %mul3A_139 = arith.constant 2 : i32
        %mul3A_140 = arith.muli %mul3A_139, %scan3A_138 : i32
        %add3A_141 = arith.constant 0 : i32
        %add3A_142 = arith.addi %mul3A_140, %add3A_141 : i32
        %get3A = arith.index_cast %add3A_142 : i32 to index
        %get3A_143 = arith.constant 0 : index
        %get3A_144 = tpu.vector_load %arg9[%get3A, %get3A_143] {strides = array<i32>} : memref<40x128xf32, #tpu.memory_space<vmem>>, vector<1x16xf32>,
        %get3A_145 = vector.shape_cast %get3A_144 : vector<1x16xf32> to vector<16xf32>
        %get3A_146 = arith.index_cast %add3A_142 : i32 to index
        %get3A_147 = arith.constant 0 : index
        %get3A_148 = tpu.vector_load %arg11[%get3A_146, %get3A_147] {strides = array<i32>} : memref<40x128xf32, #tpu.memory_space<vmem>>, vector<1x16xf32>,
        %get3A_149 = vector.shape_cast %get3A_148 : vector<1x16xf32> to vector<16xf32>
        %add3A_150 = arith.addf %get3A_145, %get3A_149 : vector<16xf32>
        %get3A_151 = arith.index_cast %add3A_142 : i32 to index
        %get3A_152 = arith.constant 0 : index
        %get3A_153 = tpu.vector_load %arg13[%get3A_151, %get3A_152] {strides = array<i32>} : memref<40x128xf32, #tpu.memory_space<vmem>>, vector<1x16xf32>,
        %get3A_154 = vector.shape_cast %get3A_153 : vector<1x16xf32> to vector<16xf32>
        %add3A_155 = arith.addf %add3A_150, %get3A_154 : vector<16xf32>
        %max3A = arith.constant 0.000000e+00 : f32
        %max3A_156 = vector.broadcast %max3A : f32 to vector<16xf32>
        %max3A_157 = arith.maximumf %add3A_155, %max3A_156 : vector<16xf32>
        %swap3A = arith.index_cast %add3A_142 : i32 to index
        %swap3A_158 = arith.constant 0 : index
        %swap3A_159 = tpu.vector_load %arg9[%swap3A, %swap3A_158] {strides = array<i32>} : memref<40x128xf32, #tpu.memory_space<vmem>>, vector<1x16xf32>,
        %swap3A_160 = vector.shape_cast %swap3A_159 : vector<1x16xf32> to vector<16xf32>
        %swap3A_161 = vector.shape_cast %max3A_157 : vector<16xf32> to vector<1x16xf32>
        tpu.vector_store %arg9[%swap3A, %swap3A_158], %swap3A_161 {strides = array<i32>} : memref<40x128xf32, #tpu.memory_space<vmem>>, vector<1x16xf32>,
        %get3A_162 = arith.index_cast %add3A_142 : i32 to index
        %get3A_163 = arith.constant 16 : index
        %get3A_164 = tpu.vector_load %arg9[%get3A_162, %get3A_163] {strides = array<i32>} : memref<40x128xf32, #tpu.memory_space<vmem>>, vector<1x16xf32>,
        %get3A_165 = vector.shape_cast %get3A_164 : vector<1x16xf32> to vector<16xf32>
        %get3A_166 = arith.index_cast %add3A_142 : i32 to index
        %get3A_167 = arith.constant 16 : index
        %get3A_168 = tpu.vector_load %arg11[%get3A_166, %get3A_167] {strides = array<i32>} : memref<40x128xf32, #tpu.memory_space<vmem>>, vector<1x16xf32>,
        %get3A_169 = vector.shape_cast %get3A_168 : vector<1x16xf32> to vector<16xf32>
        %add3A_170 = arith.addf %get3A_165, %get3A_169 : vector<16xf32>
        %get3A_171 = arith.index_cast %add3A_142 : i32 to index
        %get3A_172 = arith.constant 16 : index
        %get3A_173 = tpu.vector_load %arg13[%get3A_171, %get3A_172] {strides = array<i32>} : memref<40x128xf32, #tpu.memory_space<vmem>>, vector<1x16xf32>,
        %get3A_174 = vector.shape_cast %get3A_173 : vector<1x16xf32> to vector<16xf32>
        %add3A_175 = arith.addf %add3A_170, %get3A_174 : vector<16xf32>
        %max3A_176 = arith.constant 0.000000e+00 : f32
        %max3A_177 = vector.broadcast %max3A_176 : f32 to vector<16xf32>
        %max3A_178 = arith.maximumf %add3A_175, %max3A_177 : vector<16xf32>
        %swap3A_179 = arith.index_cast %add3A_142 : i32 to index
        %swap3A_180 = arith.constant 16 : index
        %swap3A_181 = tpu.vector_load %arg9[%swap3A_179, %swap3A_180] {strides = array<i32>} : memref<40x128xf32, #tpu.memory_space<vmem>>, vector<1x16xf32>,
        %swap3A_182 = vector.shape_cast %swap3A_181 : vector<1x16xf32> to vector<16xf32>
        %swap3A_183 = vector.shape_cast %max3A_178 : vector<16xf32> to vector<1x16xf32>
        tpu.vector_store %arg9[%swap3A_179, %swap3A_180], %swap3A_183 {strides = array<i32>} : memref<40x128xf32, #tpu.memory_space<vmem>>, vector<1x16xf32>,
        %get3A_184 = arith.index_cast %add3A_142 : i32 to index
        %get3A_185 = arith.constant 32 : index
        %get3A_186 = tpu.vector_load %arg9[%get3A_184, %get3A_185] {strides = array<i32>} : memref<40x128xf32, #tpu.memory_space<vmem>>, vector<1x16xf32>,
        %get3A_187 = vector.shape_cast %get3A_186 : vector<1x16xf32> to vector<16xf32>
        %get3A_188 = arith.index_cast %add3A_142 : i32 to index
        %get3A_189 = arith.constant 32 : index
        %get3A_190 = tpu.vector_load %arg11[%get3A_188, %get3A_189] {strides = array<i32>} : memref<40x128xf32, #tpu.memory_space<vmem>>, vector<1x16xf32>,
        %get3A_191 = vector.shape_cast %get3A_190 : vector<1x16xf32> to vector<16xf32>
        %add3A_192 = arith.addf %get3A_187, %get3A_191 : vector<16xf32>
        %get3A_193 = arith.index_cast %add3A_142 : i32 to index
        %get3A_194 = arith.constant 32 : index
        %get3A_195 = tpu.vector_load %arg13[%get3A_193, %get3A_194] {strides = array<i32>} : memref<40x128xf32, #tpu.memory_space<vmem>>, vector<1x16xf32>,
        %get3A_196 = vector.shape_cast %get3A_195 : vector<1x16xf32> to vector<16xf32>
        %add3A_197 = arith.addf %add3A_192, %get3A_196 : vector<16xf32>
        %max3A_198 = arith.constant 0.000000e+00 : f32
        %max3A_199 = vector.broadcast %max3A_198 : f32 to vector<16xf32>
        %max3A_200 = arith.maximumf %add3A_197, %max3A_199 : vector<16xf32>
        %swap3A_201 = arith.index_cast %add3A_142 : i32 to index
        %swap3A_202 = arith.constant 32 : index
        %swap3A_203 = tpu.vector_load %arg9[%swap3A_201, %swap3A_202] {strides = array<i32>} : memref<40x128xf32, #tpu.memory_space<vmem>>, vector<1x16xf32>,
        %swap3A_204 = vector.shape_cast %swap3A_203 : vector<1x16xf32> to vector<16xf32>
        %swap3A_205 = vector.shape_cast %max3A_200 : vector<16xf32> to vector<1x16xf32>
        tpu.vector_store %arg9[%swap3A_201, %swap3A_202], %swap3A_205 {strides = array<i32>} : memref<40x128xf32, #tpu.memory_space<vmem>>, vector<1x16xf32>,
        %get3A_206 = arith.index_cast %add3A_142 : i32 to index
        %get3A_207 = arith.constant 48 : index
        %get3A_208 = tpu.vector_load %arg9[%get3A_206, %get3A_207] {strides = array<i32>} : memref<40x128xf32, #tpu.memory_space<vmem>>, vector<1x16xf32>,
        %get3A_209 = vector.shape_cast %get3A_208 : vector<1x16xf32> to vector<16xf32>
        %get3A_210 = arith.index_cast %add3A_142 : i32 to index
        %get3A_211 = arith.constant 48 : index
        %get3A_212 = tpu.vector_load %arg11[%get3A_210, %get3A_211] {strides = array<i32>} : memref<40x128xf32, #tpu.memory_space<vmem>>, vector<1x16xf32>,
        %get3A_213 = vector.shape_cast %get3A_212 : vector<1x16xf32> to vector<16xf32>
        %add3A_214 = arith.addf %get3A_209, %get3A_213 : vector<16xf32>
        %get3A_215 = arith.index_cast %add3A_142 : i32 to index
        %get3A_216 = arith.constant 48 : index
        %get3A_217 = tpu.vector_load %arg13[%get3A_215, %get3A_216] {strides = array<i32>} : memref<40x128xf32, #tpu.memory_space<vmem>>, vector<1x16xf32>,
        %get3A_218 = vector.shape_cast %get3A_217 : vector<1x16xf32> to vector<16xf32>
        %add3A_219 = arith.addf %add3A_214, %get3A_218 : vector<16xf32>
        %max3A_220 = arith.constant 0.000000e+00 : f32
        %max3A_221 = vector.broadcast %max3A_220 : f32 to vector<16xf32>
        %max3A_222 = arith.maximumf %add3A_219, %max3A_221 : vector<16xf32>
        %swap3A_223 = arith.index_cast %add3A_142 : i32 to index
        %swap3A_224 = arith.constant 48 : index
        %swap3A_225 = tpu.vector_load %arg9[%swap3A_223, %swap3A_224] {strides = array<i32>} : memref<40x128xf32, #tpu.memory_space<vmem>>, vector<1x16xf32>,
        %swap3A_226 = vector.shape_cast %swap3A_225 : vector<1x16xf32> to vector<16xf32>
        %swap3A_227 = vector.shape_cast %max3A_222 : vector<16xf32> to vector<1x16xf32>
        tpu.vector_store %arg9[%swap3A_223, %swap3A_224], %swap3A_227 {strides = array<i32>} : memref<40x128xf32, #tpu.memory_space<vmem>>, vector<1x16xf32>,
        %get3A_228 = arith.index_cast %add3A_142 : i32 to index
        %get3A_229 = arith.constant 64 : index
        %get3A_230 = tpu.vector_load %arg9[%get3A_228, %get3A_229] {strides = array<i32>} : memref<40x128xf32, #tpu.memory_space<vmem>>, vector<1x16xf32>,
        %get3A_231 = vector.shape_cast %get3A_230 : vector<1x16xf32> to vector<16xf32>
        %get3A_232 = arith.index_cast %add3A_142 : i32 to index
        %get3A_233 = arith.constant 64 : index
        %get3A_234 = tpu.vector_load %arg11[%get3A_232, %get3A_233] {strides = array<i32>} : memref<40x128xf32, #tpu.memory_space<vmem>>, vector<1x16xf32>,
        %get3A_235 = vector.shape_cast %get3A_234 : vector<1x16xf32> to vector<16xf32>
        %add3A_236 = arith.addf %get3A_231, %get3A_235 : vector<16xf32>
        %get3A_237 = arith.index_cast %add3A_142 : i32 to index
        %get3A_238 = arith.constant 64 : index
        %get3A_239 = tpu.vector_load %arg13[%get3A_237, %get3A_238] {strides = array<i32>} : memref<40x128xf32, #tpu.memory_space<vmem>>, vector<1x16xf32>,
        %get3A_240 = vector.shape_cast %get3A_239 : vector<1x16xf32> to vector<16xf32>
        %add3A_241 = arith.addf %add3A_236, %get3A_240 : vector<16xf32>
        %max3A_242 = arith.constant 0.000000e+00 : f32
        %max3A_243 = vector.broadcast %max3A_242 : f32 to vector<16xf32>
        %max3A_244 = arith.maximumf %add3A_241, %max3A_243 : vector<16xf32>
        %swap3A_245 = arith.index_cast %add3A_142 : i32 to index
        %swap3A_246 = arith.constant 64 : index
        %swap3A_247 = tpu.vector_load %arg9[%swap3A_245, %swap3A_246] {strides = array<i32>} : memref<40x128xf32, #tpu.memory_space<vmem>>, vector<1x16xf32>,
        %swap3A_248 = vector.shape_cast %swap3A_247 : vector<1x16xf32> to vector<16xf32>
        %swap3A_249 = vector.shape_cast %max3A_244 : vector<16xf32> to vector<1x16xf32>
        tpu.vector_store %arg9[%swap3A_245, %swap3A_246], %swap3A_249 {strides = array<i32>} : memref<40x128xf32, #tpu.memory_space<vmem>>, vector<1x16xf32>,
        %get3A_250 = arith.index_cast %add3A_142 : i32 to index
        %get3A_251 = arith.constant 80 : index
        %get3A_252 = tpu.vector_load %arg9[%get3A_250, %get3A_251] {strides = array<i32>} : memref<40x128xf32, #tpu.memory_space<vmem>>, vector<1x16xf32>,
        %get3A_253 = vector.shape_cast %get3A_252 : vector<1x16xf32> to vector<16xf32>
        %get3A_254 = arith.index_cast %add3A_142 : i32 to index
        %get3A_255 = arith.constant 80 : index
        %get3A_256 = tpu.vector_load %arg11[%get3A_254, %get3A_255] {strides = array<i32>} : memref<40x128xf32, #tpu.memory_space<vmem>>, vector<1x16xf32>,
        %get3A_257 = vector.shape_cast %get3A_256 : vector<1x16xf32> to vector<16xf32>
        %add3A_258 = arith.addf %get3A_253, %get3A_257 : vector<16xf32>
        %get3A_259 = arith.index_cast %add3A_142 : i32 to index
        %get3A_260 = arith.constant 80 : index
        %get3A_261 = tpu.vector_load %arg13[%get3A_259, %get3A_260] {strides = array<i32>} : memref<40x128xf32, #tpu.memory_space<vmem>>, vector<1x16xf32>,
        %get3A_262 = vector.shape_cast %get3A_261 : vector<1x16xf32> to vector<16xf32>
        %add3A_263 = arith.addf %add3A_258, %get3A_262 : vector<16xf32>
        %max3A_264 = arith.constant 0.000000e+00 : f32
        %max3A_265 = vector.broadcast %max3A_264 : f32 to vector<16xf32>
        %max3A_266 = arith.maximumf %add3A_263, %max3A_265 : vector<16xf32>
        %swap3A_267 = arith.index_cast %add3A_142 : i32 to index
        %swap3A_268 = arith.constant 80 : index
        %swap3A_269 = tpu.vector_load %arg9[%swap3A_267, %swap3A_268] {strides = array<i32>} : memref<40x128xf32, #tpu.memory_space<vmem>>, vector<1x16xf32>,
        %swap3A_270 = vector.shape_cast %swap3A_269 : vector<1x16xf32> to vector<16xf32>
        %swap3A_271 = vector.shape_cast %max3A_266 : vector<16xf32> to vector<1x16xf32>
        tpu.vector_store %arg9[%swap3A_267, %swap3A_268], %swap3A_271 {strides = array<i32>} : memref<40x128xf32, #tpu.memory_space<vmem>>, vector<1x16xf32>,
        %get3A_272 = arith.index_cast %add3A_142 : i32 to index
        %get3A_273 = arith.constant 96 : index
        %get3A_274 = tpu.vector_load %arg9[%get3A_272, %get3A_273] {strides = array<i32>} : memref<40x128xf32, #tpu.memory_space<vmem>>, vector<1x16xf32>,
        %get3A_275 = vector.shape_cast %get3A_274 : vector<1x16xf32> to vector<16xf32>
        %get3A_276 = arith.index_cast %add3A_142 : i32 to index
        %get3A_277 = arith.constant 96 : index
        %get3A_278 = tpu.vector_load %arg11[%get3A_276, %get3A_277] {strides = array<i32>} : memref<40x128xf32, #tpu.memory_space<vmem>>, vector<1x16xf32>,
        %get3A_279 = vector.shape_cast %get3A_278 : vector<1x16xf32> to vector<16xf32>
        %add3A_280 = arith.addf %get3A_275, %get3A_279 : vector<16xf32>
        %get3A_281 = arith.index_cast %add3A_142 : i32 to index
        %get3A_282 = arith.constant 96 : index
        %get3A_283 = tpu.vector_load %arg13[%get3A_281, %get3A_282] {strides = array<i32>} : memref<40x128xf32, #tpu.memory_space<vmem>>, vector<1x16xf32>,
        %get3A_284 = vector.shape_cast %get3A_283 : vector<1x16xf32> to vector<16xf32>
        %add3A_285 = arith.addf %add3A_280, %get3A_284 : vector<16xf32>
        %max3A_286 = arith.constant 0.000000e+00 : f32
        %max3A_287 = vector.broadcast %max3A_286 : f32 to vector<16xf32>
        %max3A_288 = arith.maximumf %add3A_285, %max3A_287 : vector<16xf32>
        %swap3A_289 = arith.index_cast %add3A_142 : i32 to index
        %swap3A_290 = arith.constant 96 : index
        %swap3A_291 = tpu.vector_load %arg9[%swap3A_289, %swap3A_290] {strides = array<i32>} : memref<40x128xf32, #tpu.memory_space<vmem>>, vector<1x16xf32>,
        %swap3A_292 = vector.shape_cast %swap3A_291 : vector<1x16xf32> to vector<16xf32>
        %swap3A_293 = vector.shape_cast %max3A_288 : vector<16xf32> to vector<1x16xf32>
        tpu.vector_store %arg9[%swap3A_289, %swap3A_290], %swap3A_293 {strides = array<i32>} : memref<40x128xf32, #tpu.memory_space<vmem>>, vector<1x16xf32>,
        %get3A_294 = arith.index_cast %add3A_142 : i32 to index
        %get3A_295 = arith.constant 112 : index
        %get3A_296 = tpu.vector_load %arg9[%get3A_294, %get3A_295] {strides = array<i32>} : memref<40x128xf32, #tpu.memory_space<vmem>>, vector<1x16xf32>,
        %get3A_297 = vector.shape_cast %get3A_296 : vector<1x16xf32> to vector<16xf32>
        %get3A_298 = arith.index_cast %add3A_142 : i32 to index
        %get3A_299 = arith.constant 112 : index
        %get3A_300 = tpu.vector_load %arg11[%get3A_298, %get3A_299] {strides = array<i32>} : memref<40x128xf32, #tpu.memory_space<vmem>>, vector<1x16xf32>,
        %get3A_301 = vector.shape_cast %get3A_300 : vector<1x16xf32> to vector<16xf32>
        %add3A_302 = arith.addf %get3A_297, %get3A_301 : vector<16xf32>
        %get3A_303 = arith.index_cast %add3A_142 : i32 to index
        %get3A_304 = arith.constant 112 : index
        %get3A_305 = tpu.vector_load %arg13[%get3A_303, %get3A_304] {strides = array<i32>} : memref<40x128xf32, #tpu.memory_space<vmem>>, vector<1x16xf32>,
        %get3A_306 = vector.shape_cast %get3A_305 : vector<1x16xf32> to vector<16xf32>
        %add3A_307 = arith.addf %add3A_302, %get3A_306 : vector<16xf32>
        %max3A_308 = arith.constant 0.000000e+00 : f32
        %max3A_309 = vector.broadcast %max3A_308 : f32 to vector<16xf32>
        %max3A_310 = arith.maximumf %add3A_307, %max3A_309 : vector<16xf32>
        %swap3A_311 = arith.index_cast %add3A_142 : i32 to index
        %swap3A_312 = arith.constant 112 : index
        %swap3A_313 = tpu.vector_load %arg9[%swap3A_311, %swap3A_312] {strides = array<i32>} : memref<40x128xf32, #tpu.memory_space<vmem>>, vector<1x16xf32>,
        %swap3A_314 = vector.shape_cast %swap3A_313 : vector<1x16xf32> to vector<16xf32>
        %swap3A_315 = vector.shape_cast %max3A_310 : vector<16xf32> to vector<1x16xf32>
        tpu.vector_store %arg9[%swap3A_311, %swap3A_312], %swap3A_315 {strides = array<i32>} : memref<40x128xf32, #tpu.memory_space<vmem>>, vector<1x16xf32>,
        %mul3A_316 = arith.constant 2 : i32
        %mul3A_317 = arith.muli %mul3A_316, %scan3A_138 : i32
        %add3A_318 = arith.constant 1 : i32
        %add3A_319 = arith.addi %mul3A_317, %add3A_318 : i32
        %get3A_320 = arith.index_cast %add3A_319 : i32 to index
        %get3A_321 = arith.constant 0 : index
        %get3A_322 = tpu.vector_load %arg9[%get3A_320, %get3A_321] {strides = array<i32>} : memref<40x128xf32, #tpu.memory_space<vmem>>, vector<1x16xf32>,
        %get3A_323 = vector.shape_cast %get3A_322 : vector<1x16xf32> to vector<16xf32>
        %get3A_324 = arith.index_cast %add3A_319 : i32 to index
        %get3A_325 = arith.constant 0 : index
        %get3A_326 = tpu.vector_load %arg11[%get3A_324, %get3A_325] {strides = array<i32>} : memref<40x128xf32, #tpu.memory_space<vmem>>, vector<1x16xf32>,
        %get3A_327 = vector.shape_cast %get3A_326 : vector<1x16xf32> to vector<16xf32>
        %add3A_328 = arith.addf %get3A_323, %get3A_327 : vector<16xf32>
        %get3A_329 = arith.index_cast %add3A_319 : i32 to index
        %get3A_330 = arith.constant 0 : index
        %get3A_331 = tpu.vector_load %arg13[%get3A_329, %get3A_330] {strides = array<i32>} : memref<40x128xf32, #tpu.memory_space<vmem>>, vector<1x16xf32>,
        %get3A_332 = vector.shape_cast %get3A_331 : vector<1x16xf32> to vector<16xf32>
        %add3A_333 = arith.addf %add3A_328, %get3A_332 : vector<16xf32>
        %max3A_334 = arith.constant 0.000000e+00 : f32
        %max3A_335 = vector.broadcast %max3A_334 : f32 to vector<16xf32>
        %max3A_336 = arith.maximumf %add3A_333, %max3A_335 : vector<16xf32>
        %swap3A_337 = arith.index_cast %add3A_319 : i32 to index
        %swap3A_338 = arith.constant 0 : index
        %swap3A_339 = tpu.vector_load %arg9[%swap3A_337, %swap3A_338] {strides = array<i32>} : memref<40x128xf32, #tpu.memory_space<vmem>>, vector<1x16xf32>,
        %swap3A_340 = vector.shape_cast %swap3A_339 : vector<1x16xf32> to vector<16xf32>
        %swap3A_341 = vector.shape_cast %max3A_336 : vector<16xf32> to vector<1x16xf32>
        tpu.vector_store %arg9[%swap3A_337, %swap3A_338], %swap3A_341 {strides = array<i32>} : memref<40x128xf32, #tpu.memory_space<vmem>>, vector<1x16xf32>,
        %get3A_342 = arith.index_cast %add3A_319 : i32 to index
        %get3A_343 = arith.constant 16 : index
        %get3A_344 = tpu.vector_load %arg9[%get3A_342, %get3A_343] {strides = array<i32>} : memref<40x128xf32, #tpu.memory_space<vmem>>, vector<1x16xf32>,
        %get3A_345 = vector.shape_cast %get3A_344 : vector<1x16xf32> to vector<16xf32>
        %get3A_346 = arith.index_cast %add3A_319 : i32 to index
        %get3A_347 = arith.constant 16 : index
        %get3A_348 = tpu.vector_load %arg11[%get3A_346, %get3A_347] {strides = array<i32>} : memref<40x128xf32, #tpu.memory_space<vmem>>, vector<1x16xf32>,
        %get3A_349 = vector.shape_cast %get3A_348 : vector<1x16xf32> to vector<16xf32>
        %add3A_350 = arith.addf %get3A_345, %get3A_349 : vector<16xf32>
        %get3A_351 = arith.index_cast %add3A_319 : i32 to index
        %get3A_352 = arith.constant 16 : index
        %get3A_353 = tpu.vector_load %arg13[%get3A_351, %get3A_352] {strides = array<i32>} : memref<40x128xf32, #tpu.memory_space<vmem>>, vector<1x16xf32>,
        %get3A_354 = vector.shape_cast %get3A_353 : vector<1x16xf32> to vector<16xf32>
        %add3A_355 = arith.addf %add3A_350, %get3A_354 : vector<16xf32>
        %max3A_356 = arith.constant 0.000000e+00 : f32
        %max3A_357 = vector.broadcast %max3A_356 : f32 to vector<16xf32>
        %max3A_358 = arith.maximumf %add3A_355, %max3A_357 : vector<16xf32>
        %swap3A_359 = arith.index_cast %add3A_319 : i32 to index
        %swap3A_360 = arith.constant 16 : index
        %swap3A_361 = tpu.vector_load %arg9[%swap3A_359, %swap3A_360] {strides = array<i32>} : memref<40x128xf32, #tpu.memory_space<vmem>>, vector<1x16xf32>,
        %swap3A_362 = vector.shape_cast %swap3A_361 : vector<1x16xf32> to vector<16xf32>
        %swap3A_363 = vector.shape_cast %max3A_358 : vector<16xf32> to vector<1x16xf32>
        tpu.vector_store %arg9[%swap3A_359, %swap3A_360], %swap3A_363 {strides = array<i32>} : memref<40x128xf32, #tpu.memory_space<vmem>>, vector<1x16xf32>,
        %get3A_364 = arith.index_cast %add3A_319 : i32 to index
        %get3A_365 = arith.constant 32 : index
        %get3A_366 = tpu.vector_load %arg9[%get3A_364, %get3A_365] {strides = array<i32>} : memref<40x128xf32, #tpu.memory_space<vmem>>, vector<1x16xf32>,
        %get3A_367 = vector.shape_cast %get3A_366 : vector<1x16xf32> to vector<16xf32>
        %get3A_368 = arith.index_cast %add3A_319 : i32 to index
        %get3A_369 = arith.constant 32 : index
        %get3A_370 = tpu.vector_load %arg11[%get3A_368, %get3A_369] {strides = array<i32>} : memref<40x128xf32, #tpu.memory_space<vmem>>, vector<1x16xf32>,
        %get3A_371 = vector.shape_cast %get3A_370 : vector<1x16xf32> to vector<16xf32>
        %add3A_372 = arith.addf %get3A_367, %get3A_371 : vector<16xf32>
        %get3A_373 = arith.index_cast %add3A_319 : i32 to index
        %get3A_374 = arith.constant 32 : index
        %get3A_375 = tpu.vector_load %arg13[%get3A_373, %get3A_374] {strides = array<i32>} : memref<40x128xf32, #tpu.memory_space<vmem>>, vector<1x16xf32>,
        %get3A_376 = vector.shape_cast %get3A_375 : vector<1x16xf32> to vector<16xf32>
        %add3A_377 = arith.addf %add3A_372, %get3A_376 : vector<16xf32>
        %max3A_378 = arith.constant 0.000000e+00 : f32
        %max3A_379 = vector.broadcast %max3A_378 : f32 to vector<16xf32>
        %max3A_380 = arith.maximumf %add3A_377, %max3A_379 : vector<16xf32>
        %swap3A_381 = arith.index_cast %add3A_319 : i32 to index
        %swap3A_382 = arith.constant 32 : index
        %swap3A_383 = tpu.vector_load %arg9[%swap3A_381, %swap3A_382] {strides = array<i32>} : memref<40x128xf32, #tpu.memory_space<vmem>>, vector<1x16xf32>,
        %swap3A_384 = vector.shape_cast %swap3A_383 : vector<1x16xf32> to vector<16xf32>
        %swap3A_385 = vector.shape_cast %max3A_380 : vector<16xf32> to vector<1x16xf32>
        tpu.vector_store %arg9[%swap3A_381, %swap3A_382], %swap3A_385 {strides = array<i32>} : memref<40x128xf32, #tpu.memory_space<vmem>>, vector<1x16xf32>,
        %get3A_386 = arith.index_cast %add3A_319 : i32 to index
        %get3A_387 = arith.constant 48 : index
        %get3A_388 = tpu.vector_load %arg9[%get3A_386, %get3A_387] {strides = array<i32>} : memref<40x128xf32, #tpu.memory_space<vmem>>, vector<1x16xf32>,
        %get3A_389 = vector.shape_cast %get3A_388 : vector<1x16xf32> to vector<16xf32>
        %get3A_390 = arith.index_cast %add3A_319 : i32 to index
        %get3A_391 = arith.constant 48 : index
        %get3A_392 = tpu.vector_load %arg11[%get3A_390, %get3A_391] {strides = array<i32>} : memref<40x128xf32, #tpu.memory_space<vmem>>, vector<1x16xf32>,
        %get3A_393 = vector.shape_cast %get3A_392 : vector<1x16xf32> to vector<16xf32>
        %add3A_394 = arith.addf %get3A_389, %get3A_393 : vector<16xf32>
        %get3A_395 = arith.index_cast %add3A_319 : i32 to index
        %get3A_396 = arith.constant 48 : index
        %get3A_397 = tpu.vector_load %arg13[%get3A_395, %get3A_396] {strides = array<i32>} : memref<40x128xf32, #tpu.memory_space<vmem>>, vector<1x16xf32>,
        %get3A_398 = vector.shape_cast %get3A_397 : vector<1x16xf32> to vector<16xf32>
        %add3A_399 = arith.addf %add3A_394, %get3A_398 : vector<16xf32>
        %max3A_400 = arith.constant 0.000000e+00 : f32
        %max3A_401 = vector.broadcast %max3A_400 : f32 to vector<16xf32>
        %max3A_402 = arith.maximumf %add3A_399, %max3A_401 : vector<16xf32>
        %swap3A_403 = arith.index_cast %add3A_319 : i32 to index
        %swap3A_404 = arith.constant 48 : index
        %swap3A_405 = tpu.vector_load %arg9[%swap3A_403, %swap3A_404] {strides = array<i32>} : memref<40x128xf32, #tpu.memory_space<vmem>>, vector<1x16xf32>,
        %swap3A_406 = vector.shape_cast %swap3A_405 : vector<1x16xf32> to vector<16xf32>
        %swap3A_407 = vector.shape_cast %max3A_402 : vector<16xf32> to vector<1x16xf32>
        tpu.vector_store %arg9[%swap3A_403, %swap3A_404], %swap3A_407 {strides = array<i32>} : memref<40x128xf32, #tpu.memory_space<vmem>>, vector<1x16xf32>,
        %get3A_408 = arith.index_cast %add3A_319 : i32 to index
        %get3A_409 = arith.constant 64 : index
        %get3A_410 = tpu.vector_load %arg9[%get3A_408, %get3A_409] {strides = array<i32>} : memref<40x128xf32, #tpu.memory_space<vmem>>, vector<1x16xf32>,
        %get3A_411 = vector.shape_cast %get3A_410 : vector<1x16xf32> to vector<16xf32>
        %get3A_412 = arith.index_cast %add3A_319 : i32 to index
        %get3A_413 = arith.constant 64 : index
        %get3A_414 = tpu.vector_load %arg11[%get3A_412, %get3A_413] {strides = array<i32>} : memref<40x128xf32, #tpu.memory_space<vmem>>, vector<1x16xf32>,
        %get3A_415 = vector.shape_cast %get3A_414 : vector<1x16xf32> to vector<16xf32>
        %add3A_416 = arith.addf %get3A_411, %get3A_415 : vector<16xf32>
        %get3A_417 = arith.index_cast %add3A_319 : i32 to index
        %get3A_418 = arith.constant 64 : index
        %get3A_419 = tpu.vector_load %arg13[%get3A_417, %get3A_418] {strides = array<i32>} : memref<40x128xf32, #tpu.memory_space<vmem>>, vector<1x16xf32>,
        %get3A_420 = vector.shape_cast %get3A_419 : vector<1x16xf32> to vector<16xf32>
        %add3A_421 = arith.addf %add3A_416, %get3A_420 : vector<16xf32>
        %max3A_422 = arith.constant 0.000000e+00 : f32
        %max3A_423 = vector.broadcast %max3A_422 : f32 to vector<16xf32>
        %max3A_424 = arith.maximumf %add3A_421, %max3A_423 : vector<16xf32>
        %swap3A_425 = arith.index_cast %add3A_319 : i32 to index
        %swap3A_426 = arith.constant 64 : index
        %swap3A_427 = tpu.vector_load %arg9[%swap3A_425, %swap3A_426] {strides = array<i32>} : memref<40x128xf32, #tpu.memory_space<vmem>>, vector<1x16xf32>,
        %swap3A_428 = vector.shape_cast %swap3A_427 : vector<1x16xf32> to vector<16xf32>
        %swap3A_429 = vector.shape_cast %max3A_424 : vector<16xf32> to vector<1x16xf32>
        tpu.vector_store %arg9[%swap3A_425, %swap3A_426], %swap3A_429 {strides = array<i32>} : memref<40x128xf32, #tpu.memory_space<vmem>>, vector<1x16xf32>,
        %get3A_430 = arith.index_cast %add3A_319 : i32 to index
        %get3A_431 = arith.constant 80 : index
        %get3A_432 = tpu.vector_load %arg9[%get3A_430, %get3A_431] {strides = array<i32>} : memref<40x128xf32, #tpu.memory_space<vmem>>, vector<1x16xf32>,
        %get3A_433 = vector.shape_cast %get3A_432 : vector<1x16xf32> to vector<16xf32>
        %get3A_434 = arith.index_cast %add3A_319 : i32 to index
        %get3A_435 = arith.constant 80 : index
        %get3A_436 = tpu.vector_load %arg11[%get3A_434, %get3A_435] {strides = array<i32>} : memref<40x128xf32, #tpu.memory_space<vmem>>, vector<1x16xf32>,
        %get3A_437 = vector.shape_cast %get3A_436 : vector<1x16xf32> to vector<16xf32>
        %add3A_438 = arith.addf %get3A_433, %get3A_437 : vector<16xf32>
        %get3A_439 = arith.index_cast %add3A_319 : i32 to index
        %get3A_440 = arith.constant 80 : index
        %get3A_441 = tpu.vector_load %arg13[%get3A_439, %get3A_440] {strides = array<i32>} : memref<40x128xf32, #tpu.memory_space<vmem>>, vector<1x16xf32>,
        %get3A_442 = vector.shape_cast %get3A_441 : vector<1x16xf32> to vector<16xf32>
        %add3A_443 = arith.addf %add3A_438, %get3A_442 : vector<16xf32>
        %max3A_444 = arith.constant 0.000000e+00 : f32
        %max3A_445 = vector.broadcast %max3A_444 : f32 to vector<16xf32>
        %max3A_446 = arith.maximumf %add3A_443, %max3A_445 : vector<16xf32>
        %swap3A_447 = arith.index_cast %add3A_319 : i32 to index
        %swap3A_448 = arith.constant 80 : index
        %swap3A_449 = tpu.vector_load %arg9[%swap3A_447, %swap3A_448] {strides = array<i32>} : memref<40x128xf32, #tpu.memory_space<vmem>>, vector<1x16xf32>,
        %swap3A_450 = vector.shape_cast %swap3A_449 : vector<1x16xf32> to vector<16xf32>
        %swap3A_451 = vector.shape_cast %max3A_446 : vector<16xf32> to vector<1x16xf32>
        tpu.vector_store %arg9[%swap3A_447, %swap3A_448], %swap3A_451 {strides = array<i32>} : memref<40x128xf32, #tpu.memory_space<vmem>>, vector<1x16xf32>,
        %get3A_452 = arith.index_cast %add3A_319 : i32 to index
        %get3A_453 = arith.constant 96 : index
        %get3A_454 = tpu.vector_load %arg9[%get3A_452, %get3A_453] {strides = array<i32>} : memref<40x128xf32, #tpu.memory_space<vmem>>, vector<1x16xf32>,
        %get3A_455 = vector.shape_cast %get3A_454 : vector<1x16xf32> to vector<16xf32>
        %get3A_456 = arith.index_cast %add3A_319 : i32 to index
        %get3A_457 = arith.constant 96 : index
        %get3A_458 = tpu.vector_load %arg11[%get3A_456, %get3A_457] {strides = array<i32>} : memref<40x128xf32, #tpu.memory_space<vmem>>, vector<1x16xf32>,
        %get3A_459 = vector.shape_cast %get3A_458 : vector<1x16xf32> to vector<16xf32>
        %add3A_460 = arith.addf %get3A_455, %get3A_459 : vector<16xf32>
        %get3A_461 = arith.index_cast %add3A_319 : i32 to index
        %get3A_462 = arith.constant 96 : index
        %get3A_463 = tpu.vector_load %arg13[%get3A_461, %get3A_462] {strides = array<i32>} : memref<40x128xf32, #tpu.memory_space<vmem>>, vector<1x16xf32>,
        %get3A_464 = vector.shape_cast %get3A_463 : vector<1x16xf32> to vector<16xf32>
        %add3A_465 = arith.addf %add3A_460, %get3A_464 : vector<16xf32>
        %max3A_466 = arith.constant 0.000000e+00 : f32
        %max3A_467 = vector.broadcast %max3A_466 : f32 to vector<16xf32>
        %max3A_468 = arith.maximumf %add3A_465, %max3A_467 : vector<16xf32>
        %swap3A_469 = arith.index_cast %add3A_319 : i32 to index
        %swap3A_470 = arith.constant 96 : index
        %swap3A_471 = tpu.vector_load %arg9[%swap3A_469, %swap3A_470] {strides = array<i32>} : memref<40x128xf32, #tpu.memory_space<vmem>>, vector<1x16xf32>,
        %swap3A_472 = vector.shape_cast %swap3A_471 : vector<1x16xf32> to vector<16xf32>
        %swap3A_473 = vector.shape_cast %max3A_468 : vector<16xf32> to vector<1x16xf32>
        tpu.vector_store %arg9[%swap3A_469, %swap3A_470], %swap3A_473 {strides = array<i32>} : memref<40x128xf32, #tpu.memory_space<vmem>>, vector<1x16xf32>,
        %get3A_474 = arith.index_cast %add3A_319 : i32 to index
        %get3A_475 = arith.constant 112 : index
        %get3A_476 = tpu.vector_load %arg9[%get3A_474, %get3A_475] {strides = array<i32>} : memref<40x128xf32, #tpu.memory_space<vmem>>, vector<1x16xf32>,
        %get3A_477 = vector.shape_cast %get3A_476 : vector<1x16xf32> to vector<16xf32>
        %get3A_478 = arith.index_cast %add3A_319 : i32 to index
        %get3A_479 = arith.constant 112 : index
        %get3A_480 = tpu.vector_load %arg11[%get3A_478, %get3A_479] {strides = array<i32>} : memref<40x128xf32, #tpu.memory_space<vmem>>, vector<1x16xf32>,
        %get3A_481 = vector.shape_cast %get3A_480 : vector<1x16xf32> to vector<16xf32>
        %add3A_482 = arith.addf %get3A_477, %get3A_481 : vector<16xf32>
        %get3A_483 = arith.index_cast %add3A_319 : i32 to index
        %get3A_484 = arith.constant 112 : index
        %get3A_485 = tpu.vector_load %arg13[%get3A_483, %get3A_484] {strides = array<i32>} : memref<40x128xf32, #tpu.memory_space<vmem>>, vector<1x16xf32>,
        %get3A_486 = vector.shape_cast %get3A_485 : vector<1x16xf32> to vector<16xf32>
        %add3A_487 = arith.addf %add3A_482, %get3A_486 : vector<16xf32>
        %max3A_488 = arith.constant 0.000000e+00 : f32
        %max3A_489 = vector.broadcast %max3A_488 : f32 to vector<16xf32>
        %max3A_490 = arith.maximumf %add3A_487, %max3A_489 : vector<16xf32>
        %swap3A_491 = arith.index_cast %add3A_319 : i32 to index
        %swap3A_492 = arith.constant 112 : index
        %swap3A_493 = tpu.vector_load %arg9[%swap3A_491, %swap3A_492] {strides = array<i32>} : memref<40x128xf32, #tpu.memory_space<vmem>>, vector<1x16xf32>,
        %swap3A_494 = vector.shape_cast %swap3A_493 : vector<1x16xf32> to vector<16xf32>
        %swap3A_495 = vector.shape_cast %max3A_490 : vector<16xf32> to vector<1x16xf32>
        tpu.vector_store %arg9[%swap3A_491, %swap3A_492], %swap3A_495 {strides = array<i32>} : memref<40x128xf32, #tpu.memory_space<vmem>>, vector<1x16xf32>,
      }
      %scan3A_87 = arith.constant 20 : i32
      %run_scoped3A = arith.constant 1 : i32
      "tpu.region"() ({
        %run_scoped3A_138 = tpu.sem_alloc : memref<!tpu.dma_semaphore, #tpu.memory_space<semaphore_mem>>
        %dma_start3A_139 = arith.constant 0 : i32
        %dma_start3A_140 = tpu.memref_slice %arg7[%run_scoped3A, %dma_start3A_139] : memref<2x40xi32, #tpu.memory_space<vmem>> -> memref<1x40xi32, #tpu.memory_space<vmem>>
        %dma_start3A_141 = tpu.memref_squeeze %dma_start3A_140 : memref<1x40xi32, #tpu.memory_space<vmem>> -> memref<40xi32, #tpu.memory_space<vmem>>
        %dma_start3A_142 = arith.constant 0 : i32
        %dma_start3A_143 = arith.constant 0 : i32
        %dma_start3A_144 = tpu.memref_slice %arg15[%dma_start3A_142, %dma_start3A_143] : memref<10240x128xf32, #tpu.memory_space<vmem_shared>> -> memref<10240x128xf32, #tpu.memory_space<vmem_shared>>
        tpu.enqueue_indirect_dma source(%arg9 : memref<40x128xf32, #tpu.memory_space<vmem>>) target(%dma_start3A_144 : memref<10240x128xf32, #tpu.memory_space<vmem_shared>>) offsets(%dma_start3A_141 : memref<40xi32, #tpu.memory_space<vmem>>) semaphore(%run_scoped3A_138 : memref<!tpu.dma_semaphore, #tpu.memory_space<semaphore_mem>>) {add = true}
        %dma_wait3A_145 = arith.constant 0 : i32
        %dma_wait3A_146 = tpu.memref_slice %arg7[%run_scoped3A, %dma_wait3A_145] : memref<2x40xi32, #tpu.memory_space<vmem>> -> memref<1x40xi32, #tpu.memory_space<vmem>>
        %dma_wait3A_147 = tpu.memref_squeeze %dma_wait3A_146 : memref<1x40xi32, #tpu.memory_space<vmem>> -> memref<40xi32, #tpu.memory_space<vmem>>
        %dma_wait3A_148 = arith.constant 0 : i32
        %dma_wait3A_149 = arith.constant 0 : i32
        %dma_wait3A_150 = tpu.memref_slice %arg15[%dma_wait3A_148, %dma_wait3A_149] : memref<10240x128xf32, #tpu.memory_space<vmem_shared>> -> memref<10240x128xf32, #tpu.memory_space<vmem_shared>>
        tpu.wait_indirect_dma semaphore(%run_scoped3A_138 : memref<!tpu.dma_semaphore, #tpu.memory_space<semaphore_mem>>) src(%arg9 : memref<40x128xf32, #tpu.memory_space<vmem>>) dst(%dma_wait3A_150 : memref<10240x128xf32, #tpu.memory_space<vmem_shared>>)
        tpu.yield
      }) : () -> ()
      %add3A_88 = arith.constant 2 : i32
      %add3A_89 = arith.addi %mul3A_60, %add3A_88 : i32
      %lt3A_90 = arith.constant 250 : i32
      %lt3A_91 = arith.cmpi slt, %add3A_89, %lt3A_90 : i32
      %convert_element_type3A_92 = arith.extui %lt3A_91 : i1 to i32
      %cond3A_93 = arith.constant 0 : i32
      %cond3A_94 = arith.cmpi ne, %convert_element_type3A_92, %cond3A_93 : i32
      scf.if %cond3A_94 {
        %add3A_138 = arith.addi %mul3A_2, %mul3A_60 : i32
        %add3A_139 = arith.constant 2 : i32
        %add3A_140 = arith.addi %add3A_138, %add3A_139 : i32
        %dma_start3A_141 = arith.constant 0 : i32
        %dma_start3A_142 = arith.constant 0 : i32
        %dma_start3A_143 = tpu.memref_slice %arg5[%add3A_140, %dma_start3A_141, %dma_start3A_142] : memref<8000x2x40xi32, #tpu.memory_space<hbm>> -> memref<1x2x40xi32, #tpu.memory_space<hbm>>
        %dma_start3A_144 = tpu.memref_squeeze %dma_start3A_143 : memref<1x2x40xi32, #tpu.memory_space<hbm>> -> memref<2x40xi32, #tpu.memory_space<hbm>>
        %dma_start3A_145 = arith.constant 0 : i32
        %dma_start3A_146 = arith.constant 0 : i32
        %dma_start3A_147 = tpu.memref_slice %arg5[%add3A_140, %dma_start3A_145, %dma_start3A_146] : memref<8000x2x40xi32, #tpu.memory_space<hbm>> -> memref<1x2x40xi32, #tpu.memory_space<hbm>>
        %dma_start3A_148 = tpu.memref_squeeze %dma_start3A_147 : memref<1x2x40xi32, #tpu.memory_space<hbm>> -> memref<2x40xi32, #tpu.memory_space<hbm>>
        tpu.enqueue_dma source(%dma_start3A_148 : memref<2x40xi32, #tpu.memory_space<hbm>>) target(%arg7 : memref<2x40xi32, #tpu.memory_space<vmem>>) target_semaphore(%arg16 : memref<!tpu.dma_semaphore, #tpu.memory_space<semaphore_mem>>)
      } else {
      }
      %mul3A_95 = arith.constant 2 : i32
      %mul3A_96 = arith.muli %mul3A_95, %scan3A_58 : i32
      %add3A_97 = arith.constant 1 : i32
      %add3A_98 = arith.addi %mul3A_96, %add3A_97 : i32
      %add3A_99 = arith.constant 1 : i32
      %add3A_100 = arith.addi %add3A_98, %add3A_99 : i32
      %lt3A_101 = arith.constant 250 : i32
      %lt3A_102 = arith.cmpi slt, %add3A_100, %lt3A_101 : i32
      %convert_element_type3A_103 = arith.extui %lt3A_102 : i1 to i32
      %cond3A_104 = arith.constant 0 : i32
      %cond3A_105 = arith.cmpi ne, %convert_element_type3A_103, %cond3A_104 : i32
      scf.if %cond3A_105 {
        %dma_wait3A_138 = arith.constant 0 : i32
        %dma_wait3A_139 = arith.constant 0 : i32
        %dma_wait3A_140 = tpu.memref_slice %arg5[%mul3A_2, %dma_wait3A_138, %dma_wait3A_139] : memref<8000x2x40xi32, #tpu.memory_space<hbm>> -> memref<1x2x40xi32, #tpu.memory_space<hbm>>
        %dma_wait3A_141 = tpu.memref_squeeze %dma_wait3A_140 : memref<1x2x40xi32, #tpu.memory_space<hbm>> -> memref<2x40xi32, #tpu.memory_space<hbm>>
        %dma_wait3A_142 = arith.constant 0 : i32
        %dma_wait3A_143 = arith.constant 0 : i32
        %dma_wait3A_144 = tpu.memref_slice %arg5[%mul3A_2, %dma_wait3A_142, %dma_wait3A_143] : memref<8000x2x40xi32, #tpu.memory_space<hbm>> -> memref<1x2x40xi32, #tpu.memory_space<hbm>>
        %dma_wait3A_145 = tpu.memref_squeeze %dma_wait3A_144 : memref<1x2x40xi32, #tpu.memory_space<hbm>> -> memref<2x40xi32, #tpu.memory_space<hbm>>
        tpu.wait_dma2 semaphore(%arg16 : memref<!tpu.dma_semaphore, #tpu.memory_space<semaphore_mem>>) src(%dma_wait3A_145 : memref<2x40xi32, #tpu.memory_space<hbm>>) dst(%arg7 : memref<2x40xi32, #tpu.memory_space<vmem>>)
        %add3A_146 = arith.constant 1 : i32
        %add3A_147 = arith.addi %add3A_98, %add3A_146 : i32
        %dma_start3A_148 = arith.constant 0 : i32
        %dma_start3A_149 = arith.constant 0 : i32
        %dma_start3A_150 = tpu.memref_slice %arg7[%dma_start3A_148, %dma_start3A_149] : memref<2x40xi32, #tpu.memory_space<vmem>> -> memref<1x40xi32, #tpu.memory_space<vmem>>
        %dma_start3A_151 = tpu.memref_squeeze %dma_start3A_150 : memref<1x40xi32, #tpu.memory_space<vmem>> -> memref<40xi32, #tpu.memory_space<vmem>>
        %dma_start3A_152 = arith.constant 0 : i32
        %dma_start3A_153 = arith.constant 0 : i32
        %dma_start3A_154 = tpu.memref_slice %arg2[%dma_start3A_152, %dma_start3A_153] : memref<10000x128xf32, #tpu.memory_space<hbm>> -> memref<10000x128xf32, #tpu.memory_space<hbm>>
        tpu.enqueue_indirect_dma source(%dma_start3A_154 : memref<10000x128xf32, #tpu.memory_space<hbm>>) target(%arg9 : memref<40x128xf32, #tpu.memory_space<vmem>>) offsets(%dma_start3A_151 : memref<40xi32, #tpu.memory_space<vmem>>) semaphore(%arg18 : memref<!tpu.dma_semaphore, #tpu.memory_space<semaphore_mem>>)
        %dma_start3A_155 = arith.constant 1 : i32
        %dma_start3A_156 = arith.constant 0 : i32
        %dma_start3A_157 = tpu.memref_slice %arg7[%dma_start3A_155, %dma_start3A_156] : memref<2x40xi32, #tpu.memory_space<vmem>> -> memref<1x40xi32, #tpu.memory_space<vmem>>
        %dma_start3A_158 = tpu.memref_squeeze %dma_start3A_157 : memref<1x40xi32, #tpu.memory_space<vmem>> -> memref<40xi32, #tpu.memory_space<vmem>>
        %dma_start3A_159 = arith.constant 0 : i32
        %dma_start3A_160 = arith.constant 0 : i32
        %dma_start3A_161 = tpu.memref_slice %arg3[%dma_start3A_159, %dma_start3A_160] : memref<10000x128xf32, #tpu.memory_space<hbm>> -> memref<10000x128xf32, #tpu.memory_space<hbm>>
        tpu.enqueue_indirect_dma source(%dma_start3A_161 : memref<10000x128xf32, #tpu.memory_space<hbm>>) target(%arg11 : memref<40x128xf32, #tpu.memory_space<vmem>>) offsets(%dma_start3A_158 : memref<40xi32, #tpu.memory_space<vmem>>) semaphore(%arg20 : memref<!tpu.dma_semaphore, #tpu.memory_space<semaphore_mem>>)
        %mul3A_162 = arith.constant 40 : i32
        %mul3A_163 = arith.muli %add3A_147, %mul3A_162 : i32
        %add3A_164 = arith.addi %mul3A_4, %mul3A_163 : i32
        %dma_start3A_165 = arith.constant 0 : i32
        %dma_start3A_166 = tpu.memref_slice %arg4[%add3A_164, %dma_start3A_165] : memref<320000x128xf32, #tpu.memory_space<hbm>> -> memref<40x128xf32, #tpu.memory_space<hbm>>
        %dma_start3A_167 = arith.constant 0 : i32
        %dma_start3A_168 = tpu.memref_slice %arg4[%add3A_164, %dma_start3A_167] : memref<320000x128xf32, #tpu.memory_space<hbm>> -> memref<40x128xf32, #tpu.memory_space<hbm>>
        tpu.enqueue_dma source(%dma_start3A_168 : memref<40x128xf32, #tpu.memory_space<hbm>>) target(%arg13 : memref<40x128xf32, #tpu.memory_space<vmem>>) target_semaphore(%arg22 : memref<!tpu.dma_semaphore, #tpu.memory_space<semaphore_mem>>)
      } else {
      }
      %dma_wait3A_106 = arith.constant 0 : i32
      %dma_wait3A_107 = arith.constant 0 : i32
      %dma_wait3A_108 = tpu.memref_slice %arg8[%dma_wait3A_106, %dma_wait3A_107] : memref<2x40xi32, #tpu.memory_space<vmem>> -> memref<1x40xi32, #tpu.memory_space<vmem>>
      %dma_wait3A_109 = tpu.memref_squeeze %dma_wait3A_108 : memref<1x40xi32, #tpu.memory_space<vmem>> -> memref<40xi32, #tpu.memory_space<vmem>>
      %dma_wait3A_110 = arith.constant 0 : i32
      %dma_wait3A_111 = arith.constant 0 : i32
      %dma_wait3A_112 = tpu.memref_slice %arg2[%dma_wait3A_110, %dma_wait3A_111] : memref<10000x128xf32, #tpu.memory_space<hbm>> -> memref<10000x128xf32, #tpu.memory_space<hbm>>
      tpu.wait_indirect_dma semaphore(%arg19 : memref<!tpu.dma_semaphore, #tpu.memory_space<semaphore_mem>>) src(%dma_wait3A_112 : memref<10000x128xf32, #tpu.memory_space<hbm>>) dst(%arg10 : memref<40x128xf32, #tpu.memory_space<vmem>>)
      %dma_wait3A_113 = arith.constant 1 : i32
      %dma_wait3A_114 = arith.constant 0 : i32
      %dma_wait3A_115 = tpu.memref_slice %arg8[%dma_wait3A_113, %dma_wait3A_114] : memref<2x40xi32, #tpu.memory_space<vmem>> -> memref<1x40xi32, #tpu.memory_space<vmem>>
      %dma_wait3A_116 = tpu.memref_squeeze %dma_wait3A_115 : memref<1x40xi32, #tpu.memory_space<vmem>> -> memref<40xi32, #tpu.memory_space<vmem>>
      %dma_wait3A_117 = arith.constant 0 : i32
      %dma_wait3A_118 = arith.constant 0 : i32
      %dma_wait3A_119 = tpu.memref_slice %arg3[%dma_wait3A_117, %dma_wait3A_118] : memref<10000x128xf32, #tpu.memory_space<hbm>> -> memref<10000x128xf32, #tpu.memory_space<hbm>>
      tpu.wait_indirect_dma semaphore(%arg21 : memref<!tpu.dma_semaphore, #tpu.memory_space<semaphore_mem>>) src(%dma_wait3A_119 : memref<10000x128xf32, #tpu.memory_space<hbm>>) dst(%arg12 : memref<40x128xf32, #tpu.memory_space<vmem>>)
      %dma_wait3A_120 = arith.constant 0 : i32
      %dma_wait3A_121 = tpu.memref_slice %arg4[%mul3A_4, %dma_wait3A_120] : memref<320000x128xf32, #tpu.memory_space<hbm>> -> memref<40x128xf32, #tpu.memory_space<hbm>>
      %dma_wait3A_122 = arith.constant 0 : i32
      %dma_wait3A_123 = tpu.memref_slice %arg4[%mul3A_4, %dma_wait3A_122] : memref<320000x128xf32, #tpu.memory_space<hbm>> -> memref<40x128xf32, #tpu.memory_space<hbm>>
      tpu.wait_dma2 semaphore(%arg23 : memref<!tpu.dma_semaphore, #tpu.memory_space<semaphore_mem>>) src(%dma_wait3A_123 : memref<40x128xf32, #tpu.memory_space<hbm>>) dst(%arg14 : memref<40x128xf32, #tpu.memory_space<vmem>>)
      %scan3A_124 = arith.constant 0 : i32
      %scan3A_125 = arith.constant 0 : i32
      %scan3A_126 = arith.constant 20 : i32
      %scan3A_127 = arith.addi %scan3A_125, %scan3A_126 : i32
      %scan3A_128 = arith.constant 1 : i32
      scf.for %scan3A_138 = %scan3A_125 to %scan3A_127 step %scan3A_128  : i32 {
        %mul3A_139 = arith.constant 2 : i32
        %mul3A_140 = arith.muli %mul3A_139, %scan3A_138 : i32
        %add3A_141 = arith.constant 0 : i32
        %add3A_142 = arith.addi %mul3A_140, %add3A_141 : i32
        %get3A = arith.index_cast %add3A_142 : i32 to index
        %get3A_143 = arith.constant 0 : index
        %get3A_144 = tpu.vector_load %arg10[%get3A, %get3A_143] {strides = array<i32>} : memref<40x128xf32, #tpu.memory_space<vmem>>, vector<1x16xf32>,
        %get3A_145 = vector.shape_cast %get3A_144 : vector<1x16xf32> to vector<16xf32>
        %get3A_146 = arith.index_cast %add3A_142 : i32 to index
        %get3A_147 = arith.constant 0 : index
        %get3A_148 = tpu.vector_load %arg12[%get3A_146, %get3A_147] {strides = array<i32>} : memref<40x128xf32, #tpu.memory_space<vmem>>, vector<1x16xf32>,
        %get3A_149 = vector.shape_cast %get3A_148 : vector<1x16xf32> to vector<16xf32>
        %add3A_150 = arith.addf %get3A_145, %get3A_149 : vector<16xf32>
        %get3A_151 = arith.index_cast %add3A_142 : i32 to index
        %get3A_152 = arith.constant 0 : index
        %get3A_153 = tpu.vector_load %arg14[%get3A_151, %get3A_152] {strides = array<i32>} : memref<40x128xf32, #tpu.memory_space<vmem>>, vector<1x16xf32>,
        %get3A_154 = vector.shape_cast %get3A_153 : vector<1x16xf32> to vector<16xf32>
        %add3A_155 = arith.addf %add3A_150, %get3A_154 : vector<16xf32>
        %max3A = arith.constant 0.000000e+00 : f32
        %max3A_156 = vector.broadcast %max3A : f32 to vector<16xf32>
        %max3A_157 = arith.maximumf %add3A_155, %max3A_156 : vector<16xf32>
        %swap3A = arith.index_cast %add3A_142 : i32 to index
        %swap3A_158 = arith.constant 0 : index
        %swap3A_159 = tpu.vector_load %arg10[%swap3A, %swap3A_158] {strides = array<i32>} : memref<40x128xf32, #tpu.memory_space<vmem>>, vector<1x16xf32>,
        %swap3A_160 = vector.shape_cast %swap3A_159 : vector<1x16xf32> to vector<16xf32>
        %swap3A_161 = vector.shape_cast %max3A_157 : vector<16xf32> to vector<1x16xf32>
        tpu.vector_store %arg10[%swap3A, %swap3A_158], %swap3A_161 {strides = array<i32>} : memref<40x128xf32, #tpu.memory_space<vmem>>, vector<1x16xf32>,
        %get3A_162 = arith.index_cast %add3A_142 : i32 to index
        %get3A_163 = arith.constant 16 : index
        %get3A_164 = tpu.vector_load %arg10[%get3A_162, %get3A_163] {strides = array<i32>} : memref<40x128xf32, #tpu.memory_space<vmem>>, vector<1x16xf32>,
        %get3A_165 = vector.shape_cast %get3A_164 : vector<1x16xf32> to vector<16xf32>
        %get3A_166 = arith.index_cast %add3A_142 : i32 to index
        %get3A_167 = arith.constant 16 : index
        %get3A_168 = tpu.vector_load %arg12[%get3A_166, %get3A_167] {strides = array<i32>} : memref<40x128xf32, #tpu.memory_space<vmem>>, vector<1x16xf32>,
        %get3A_169 = vector.shape_cast %get3A_168 : vector<1x16xf32> to vector<16xf32>
        %add3A_170 = arith.addf %get3A_165, %get3A_169 : vector<16xf32>
        %get3A_171 = arith.index_cast %add3A_142 : i32 to index
        %get3A_172 = arith.constant 16 : index
        %get3A_173 = tpu.vector_load %arg14[%get3A_171, %get3A_172] {strides = array<i32>} : memref<40x128xf32, #tpu.memory_space<vmem>>, vector<1x16xf32>,
        %get3A_174 = vector.shape_cast %get3A_173 : vector<1x16xf32> to vector<16xf32>
        %add3A_175 = arith.addf %add3A_170, %get3A_174 : vector<16xf32>
        %max3A_176 = arith.constant 0.000000e+00 : f32
        %max3A_177 = vector.broadcast %max3A_176 : f32 to vector<16xf32>
        %max3A_178 = arith.maximumf %add3A_175, %max3A_177 : vector<16xf32>
        %swap3A_179 = arith.index_cast %add3A_142 : i32 to index
        %swap3A_180 = arith.constant 16 : index
        %swap3A_181 = tpu.vector_load %arg10[%swap3A_179, %swap3A_180] {strides = array<i32>} : memref<40x128xf32, #tpu.memory_space<vmem>>, vector<1x16xf32>,
        %swap3A_182 = vector.shape_cast %swap3A_181 : vector<1x16xf32> to vector<16xf32>
        %swap3A_183 = vector.shape_cast %max3A_178 : vector<16xf32> to vector<1x16xf32>
        tpu.vector_store %arg10[%swap3A_179, %swap3A_180], %swap3A_183 {strides = array<i32>} : memref<40x128xf32, #tpu.memory_space<vmem>>, vector<1x16xf32>,
        %get3A_184 = arith.index_cast %add3A_142 : i32 to index
        %get3A_185 = arith.constant 32 : index
        %get3A_186 = tpu.vector_load %arg10[%get3A_184, %get3A_185] {strides = array<i32>} : memref<40x128xf32, #tpu.memory_space<vmem>>, vector<1x16xf32>,
        %get3A_187 = vector.shape_cast %get3A_186 : vector<1x16xf32> to vector<16xf32>
        %get3A_188 = arith.index_cast %add3A_142 : i32 to index
        %get3A_189 = arith.constant 32 : index
        %get3A_190 = tpu.vector_load %arg12[%get3A_188, %get3A_189] {strides = array<i32>} : memref<40x128xf32, #tpu.memory_space<vmem>>, vector<1x16xf32>,
        %get3A_191 = vector.shape_cast %get3A_190 : vector<1x16xf32> to vector<16xf32>
        %add3A_192 = arith.addf %get3A_187, %get3A_191 : vector<16xf32>
        %get3A_193 = arith.index_cast %add3A_142 : i32 to index
        %get3A_194 = arith.constant 32 : index
        %get3A_195 = tpu.vector_load %arg14[%get3A_193, %get3A_194] {strides = array<i32>} : memref<40x128xf32, #tpu.memory_space<vmem>>, vector<1x16xf32>,
        %get3A_196 = vector.shape_cast %get3A_195 : vector<1x16xf32> to vector<16xf32>
        %add3A_197 = arith.addf %add3A_192, %get3A_196 : vector<16xf32>
        %max3A_198 = arith.constant 0.000000e+00 : f32
        %max3A_199 = vector.broadcast %max3A_198 : f32 to vector<16xf32>
        %max3A_200 = arith.maximumf %add3A_197, %max3A_199 : vector<16xf32>
        %swap3A_201 = arith.index_cast %add3A_142 : i32 to index
        %swap3A_202 = arith.constant 32 : index
        %swap3A_203 = tpu.vector_load %arg10[%swap3A_201, %swap3A_202] {strides = array<i32>} : memref<40x128xf32, #tpu.memory_space<vmem>>, vector<1x16xf32>,
        %swap3A_204 = vector.shape_cast %swap3A_203 : vector<1x16xf32> to vector<16xf32>
        %swap3A_205 = vector.shape_cast %max3A_200 : vector<16xf32> to vector<1x16xf32>
        tpu.vector_store %arg10[%swap3A_201, %swap3A_202], %swap3A_205 {strides = array<i32>} : memref<40x128xf32, #tpu.memory_space<vmem>>, vector<1x16xf32>,
        %get3A_206 = arith.index_cast %add3A_142 : i32 to index
        %get3A_207 = arith.constant 48 : index
        %get3A_208 = tpu.vector_load %arg10[%get3A_206, %get3A_207] {strides = array<i32>} : memref<40x128xf32, #tpu.memory_space<vmem>>, vector<1x16xf32>,
        %get3A_209 = vector.shape_cast %get3A_208 : vector<1x16xf32> to vector<16xf32>
        %get3A_210 = arith.index_cast %add3A_142 : i32 to index
        %get3A_211 = arith.constant 48 : index
        %get3A_212 = tpu.vector_load %arg12[%get3A_210, %get3A_211] {strides = array<i32>} : memref<40x128xf32, #tpu.memory_space<vmem>>, vector<1x16xf32>,
        %get3A_213 = vector.shape_cast %get3A_212 : vector<1x16xf32> to vector<16xf32>
        %add3A_214 = arith.addf %get3A_209, %get3A_213 : vector<16xf32>
        %get3A_215 = arith.index_cast %add3A_142 : i32 to index
        %get3A_216 = arith.constant 48 : index
        %get3A_217 = tpu.vector_load %arg14[%get3A_215, %get3A_216] {strides = array<i32>} : memref<40x128xf32, #tpu.memory_space<vmem>>, vector<1x16xf32>,
        %get3A_218 = vector.shape_cast %get3A_217 : vector<1x16xf32> to vector<16xf32>
        %add3A_219 = arith.addf %add3A_214, %get3A_218 : vector<16xf32>
        %max3A_220 = arith.constant 0.000000e+00 : f32
        %max3A_221 = vector.broadcast %max3A_220 : f32 to vector<16xf32>
        %max3A_222 = arith.maximumf %add3A_219, %max3A_221 : vector<16xf32>
        %swap3A_223 = arith.index_cast %add3A_142 : i32 to index
        %swap3A_224 = arith.constant 48 : index
        %swap3A_225 = tpu.vector_load %arg10[%swap3A_223, %swap3A_224] {strides = array<i32>} : memref<40x128xf32, #tpu.memory_space<vmem>>, vector<1x16xf32>,
        %swap3A_226 = vector.shape_cast %swap3A_225 : vector<1x16xf32> to vector<16xf32>
        %swap3A_227 = vector.shape_cast %max3A_222 : vector<16xf32> to vector<1x16xf32>
        tpu.vector_store %arg10[%swap3A_223, %swap3A_224], %swap3A_227 {strides = array<i32>} : memref<40x128xf32, #tpu.memory_space<vmem>>, vector<1x16xf32>,
        %get3A_228 = arith.index_cast %add3A_142 : i32 to index
        %get3A_229 = arith.constant 64 : index
        %get3A_230 = tpu.vector_load %arg10[%get3A_228, %get3A_229] {strides = array<i32>} : memref<40x128xf32, #tpu.memory_space<vmem>>, vector<1x16xf32>,
        %get3A_231 = vector.shape_cast %get3A_230 : vector<1x16xf32> to vector<16xf32>
        %get3A_232 = arith.index_cast %add3A_142 : i32 to index
        %get3A_233 = arith.constant 64 : index
        %get3A_234 = tpu.vector_load %arg12[%get3A_232, %get3A_233] {strides = array<i32>} : memref<40x128xf32, #tpu.memory_space<vmem>>, vector<1x16xf32>,
        %get3A_235 = vector.shape_cast %get3A_234 : vector<1x16xf32> to vector<16xf32>
        %add3A_236 = arith.addf %get3A_231, %get3A_235 : vector<16xf32>
        %get3A_237 = arith.index_cast %add3A_142 : i32 to index
        %get3A_238 = arith.constant 64 : index
        %get3A_239 = tpu.vector_load %arg14[%get3A_237, %get3A_238] {strides = array<i32>} : memref<40x128xf32, #tpu.memory_space<vmem>>, vector<1x16xf32>,
        %get3A_240 = vector.shape_cast %get3A_239 : vector<1x16xf32> to vector<16xf32>
        %add3A_241 = arith.addf %add3A_236, %get3A_240 : vector<16xf32>
        %max3A_242 = arith.constant 0.000000e+00 : f32
        %max3A_243 = vector.broadcast %max3A_242 : f32 to vector<16xf32>
        %max3A_244 = arith.maximumf %add3A_241, %max3A_243 : vector<16xf32>
        %swap3A_245 = arith.index_cast %add3A_142 : i32 to index
        %swap3A_246 = arith.constant 64 : index
        %swap3A_247 = tpu.vector_load %arg10[%swap3A_245, %swap3A_246] {strides = array<i32>} : memref<40x128xf32, #tpu.memory_space<vmem>>, vector<1x16xf32>,
        %swap3A_248 = vector.shape_cast %swap3A_247 : vector<1x16xf32> to vector<16xf32>
        %swap3A_249 = vector.shape_cast %max3A_244 : vector<16xf32> to vector<1x16xf32>
        tpu.vector_store %arg10[%swap3A_245, %swap3A_246], %swap3A_249 {strides = array<i32>} : memref<40x128xf32, #tpu.memory_space<vmem>>, vector<1x16xf32>,
        %get3A_250 = arith.index_cast %add3A_142 : i32 to index
        %get3A_251 = arith.constant 80 : index
        %get3A_252 = tpu.vector_load %arg10[%get3A_250, %get3A_251] {strides = array<i32>} : memref<40x128xf32, #tpu.memory_space<vmem>>, vector<1x16xf32>,
        %get3A_253 = vector.shape_cast %get3A_252 : vector<1x16xf32> to vector<16xf32>
        %get3A_254 = arith.index_cast %add3A_142 : i32 to index
        %get3A_255 = arith.constant 80 : index
        %get3A_256 = tpu.vector_load %arg12[%get3A_254, %get3A_255] {strides = array<i32>} : memref<40x128xf32, #tpu.memory_space<vmem>>, vector<1x16xf32>,
        %get3A_257 = vector.shape_cast %get3A_256 : vector<1x16xf32> to vector<16xf32>
        %add3A_258 = arith.addf %get3A_253, %get3A_257 : vector<16xf32>
        %get3A_259 = arith.index_cast %add3A_142 : i32 to index
        %get3A_260 = arith.constant 80 : index
        %get3A_261 = tpu.vector_load %arg14[%get3A_259, %get3A_260] {strides = array<i32>} : memref<40x128xf32, #tpu.memory_space<vmem>>, vector<1x16xf32>,
        %get3A_262 = vector.shape_cast %get3A_261 : vector<1x16xf32> to vector<16xf32>
        %add3A_263 = arith.addf %add3A_258, %get3A_262 : vector<16xf32>
        %max3A_264 = arith.constant 0.000000e+00 : f32
        %max3A_265 = vector.broadcast %max3A_264 : f32 to vector<16xf32>
        %max3A_266 = arith.maximumf %add3A_263, %max3A_265 : vector<16xf32>
        %swap3A_267 = arith.index_cast %add3A_142 : i32 to index
        %swap3A_268 = arith.constant 80 : index
        %swap3A_269 = tpu.vector_load %arg10[%swap3A_267, %swap3A_268] {strides = array<i32>} : memref<40x128xf32, #tpu.memory_space<vmem>>, vector<1x16xf32>,
        %swap3A_270 = vector.shape_cast %swap3A_269 : vector<1x16xf32> to vector<16xf32>
        %swap3A_271 = vector.shape_cast %max3A_266 : vector<16xf32> to vector<1x16xf32>
        tpu.vector_store %arg10[%swap3A_267, %swap3A_268], %swap3A_271 {strides = array<i32>} : memref<40x128xf32, #tpu.memory_space<vmem>>, vector<1x16xf32>,
        %get3A_272 = arith.index_cast %add3A_142 : i32 to index
        %get3A_273 = arith.constant 96 : index
        %get3A_274 = tpu.vector_load %arg10[%get3A_272, %get3A_273] {strides = array<i32>} : memref<40x128xf32, #tpu.memory_space<vmem>>, vector<1x16xf32>,
        %get3A_275 = vector.shape_cast %get3A_274 : vector<1x16xf32> to vector<16xf32>
        %get3A_276 = arith.index_cast %add3A_142 : i32 to index
        %get3A_277 = arith.constant 96 : index
        %get3A_278 = tpu.vector_load %arg12[%get3A_276, %get3A_277] {strides = array<i32>} : memref<40x128xf32, #tpu.memory_space<vmem>>, vector<1x16xf32>,
        %get3A_279 = vector.shape_cast %get3A_278 : vector<1x16xf32> to vector<16xf32>
        %add3A_280 = arith.addf %get3A_275, %get3A_279 : vector<16xf32>
        %get3A_281 = arith.index_cast %add3A_142 : i32 to index
        %get3A_282 = arith.constant 96 : index
        %get3A_283 = tpu.vector_load %arg14[%get3A_281, %get3A_282] {strides = array<i32>} : memref<40x128xf32, #tpu.memory_space<vmem>>, vector<1x16xf32>,
        %get3A_284 = vector.shape_cast %get3A_283 : vector<1x16xf32> to vector<16xf32>
        %add3A_285 = arith.addf %add3A_280, %get3A_284 : vector<16xf32>
        %max3A_286 = arith.constant 0.000000e+00 : f32
        %max3A_287 = vector.broadcast %max3A_286 : f32 to vector<16xf32>
        %max3A_288 = arith.maximumf %add3A_285, %max3A_287 : vector<16xf32>
        %swap3A_289 = arith.index_cast %add3A_142 : i32 to index
        %swap3A_290 = arith.constant 96 : index
        %swap3A_291 = tpu.vector_load %arg10[%swap3A_289, %swap3A_290] {strides = array<i32>} : memref<40x128xf32, #tpu.memory_space<vmem>>, vector<1x16xf32>,
        %swap3A_292 = vector.shape_cast %swap3A_291 : vector<1x16xf32> to vector<16xf32>
        %swap3A_293 = vector.shape_cast %max3A_288 : vector<16xf32> to vector<1x16xf32>
        tpu.vector_store %arg10[%swap3A_289, %swap3A_290], %swap3A_293 {strides = array<i32>} : memref<40x128xf32, #tpu.memory_space<vmem>>, vector<1x16xf32>,
        %get3A_294 = arith.index_cast %add3A_142 : i32 to index
        %get3A_295 = arith.constant 112 : index
        %get3A_296 = tpu.vector_load %arg10[%get3A_294, %get3A_295] {strides = array<i32>} : memref<40x128xf32, #tpu.memory_space<vmem>>, vector<1x16xf32>,
        %get3A_297 = vector.shape_cast %get3A_296 : vector<1x16xf32> to vector<16xf32>
        %get3A_298 = arith.index_cast %add3A_142 : i32 to index
        %get3A_299 = arith.constant 112 : index
        %get3A_300 = tpu.vector_load %arg12[%get3A_298, %get3A_299] {strides = array<i32>} : memref<40x128xf32, #tpu.memory_space<vmem>>, vector<1x16xf32>,
        %get3A_301 = vector.shape_cast %get3A_300 : vector<1x16xf32> to vector<16xf32>
        %add3A_302 = arith.addf %get3A_297, %get3A_301 : vector<16xf32>
        %get3A_303 = arith.index_cast %add3A_142 : i32 to index
        %get3A_304 = arith.constant 112 : index
        %get3A_305 = tpu.vector_load %arg14[%get3A_303, %get3A_304] {strides = array<i32>} : memref<40x128xf32, #tpu.memory_space<vmem>>, vector<1x16xf32>,
        %get3A_306 = vector.shape_cast %get3A_305 : vector<1x16xf32> to vector<16xf32>
        %add3A_307 = arith.addf %add3A_302, %get3A_306 : vector<16xf32>
        %max3A_308 = arith.constant 0.000000e+00 : f32
        %max3A_309 = vector.broadcast %max3A_308 : f32 to vector<16xf32>
        %max3A_310 = arith.maximumf %add3A_307, %max3A_309 : vector<16xf32>
        %swap3A_311 = arith.index_cast %add3A_142 : i32 to index
        %swap3A_312 = arith.constant 112 : index
        %swap3A_313 = tpu.vector_load %arg10[%swap3A_311, %swap3A_312] {strides = array<i32>} : memref<40x128xf32, #tpu.memory_space<vmem>>, vector<1x16xf32>,
        %swap3A_314 = vector.shape_cast %swap3A_313 : vector<1x16xf32> to vector<16xf32>
        %swap3A_315 = vector.shape_cast %max3A_310 : vector<16xf32> to vector<1x16xf32>
        tpu.vector_store %arg10[%swap3A_311, %swap3A_312], %swap3A_315 {strides = array<i32>} : memref<40x128xf32, #tpu.memory_space<vmem>>, vector<1x16xf32>,
        %mul3A_316 = arith.constant 2 : i32
        %mul3A_317 = arith.muli %mul3A_316, %scan3A_138 : i32
        %add3A_318 = arith.constant 1 : i32
        %add3A_319 = arith.addi %mul3A_317, %add3A_318 : i32
        %get3A_320 = arith.index_cast %add3A_319 : i32 to index
        %get3A_321 = arith.constant 0 : index
        %get3A_322 = tpu.vector_load %arg10[%get3A_320, %get3A_321] {strides = array<i32>} : memref<40x128xf32, #tpu.memory_space<vmem>>, vector<1x16xf32>,
        %get3A_323 = vector.shape_cast %get3A_322 : vector<1x16xf32> to vector<16xf32>
        %get3A_324 = arith.index_cast %add3A_319 : i32 to index
        %get3A_325 = arith.constant 0 : index
        %get3A_326 = tpu.vector_load %arg12[%get3A_324, %get3A_325] {strides = array<i32>} : memref<40x128xf32, #tpu.memory_space<vmem>>, vector<1x16xf32>,
        %get3A_327 = vector.shape_cast %get3A_326 : vector<1x16xf32> to vector<16xf32>
        %add3A_328 = arith.addf %get3A_323, %get3A_327 : vector<16xf32>
        %get3A_329 = arith.index_cast %add3A_319 : i32 to index
        %get3A_330 = arith.constant 0 : index
        %get3A_331 = tpu.vector_load %arg14[%get3A_329, %get3A_330] {strides = array<i32>} : memref<40x128xf32, #tpu.memory_space<vmem>>, vector<1x16xf32>,
        %get3A_332 = vector.shape_cast %get3A_331 : vector<1x16xf32> to vector<16xf32>
        %add3A_333 = arith.addf %add3A_328, %get3A_332 : vector<16xf32>
        %max3A_334 = arith.constant 0.000000e+00 : f32
        %max3A_335 = vector.broadcast %max3A_334 : f32 to vector<16xf32>
        %max3A_336 = arith.maximumf %add3A_333, %max3A_335 : vector<16xf32>
        %swap3A_337 = arith.index_cast %add3A_319 : i32 to index
        %swap3A_338 = arith.constant 0 : index
        %swap3A_339 = tpu.vector_load %arg10[%swap3A_337, %swap3A_338] {strides = array<i32>} : memref<40x128xf32, #tpu.memory_space<vmem>>, vector<1x16xf32>,
        %swap3A_340 = vector.shape_cast %swap3A_339 : vector<1x16xf32> to vector<16xf32>
        %swap3A_341 = vector.shape_cast %max3A_336 : vector<16xf32> to vector<1x16xf32>
        tpu.vector_store %arg10[%swap3A_337, %swap3A_338], %swap3A_341 {strides = array<i32>} : memref<40x128xf32, #tpu.memory_space<vmem>>, vector<1x16xf32>,
        %get3A_342 = arith.index_cast %add3A_319 : i32 to index
        %get3A_343 = arith.constant 16 : index
        %get3A_344 = tpu.vector_load %arg10[%get3A_342, %get3A_343] {strides = array<i32>} : memref<40x128xf32, #tpu.memory_space<vmem>>, vector<1x16xf32>,
        %get3A_345 = vector.shape_cast %get3A_344 : vector<1x16xf32> to vector<16xf32>
        %get3A_346 = arith.index_cast %add3A_319 : i32 to index
        %get3A_347 = arith.constant 16 : index
        %get3A_348 = tpu.vector_load %arg12[%get3A_346, %get3A_347] {strides = array<i32>} : memref<40x128xf32, #tpu.memory_space<vmem>>, vector<1x16xf32>,
        %get3A_349 = vector.shape_cast %get3A_348 : vector<1x16xf32> to vector<16xf32>
        %add3A_350 = arith.addf %get3A_345, %get3A_349 : vector<16xf32>
        %get3A_351 = arith.index_cast %add3A_319 : i32 to index
        %get3A_352 = arith.constant 16 : index
        %get3A_353 = tpu.vector_load %arg14[%get3A_351, %get3A_352] {strides = array<i32>} : memref<40x128xf32, #tpu.memory_space<vmem>>, vector<1x16xf32>,
        %get3A_354 = vector.shape_cast %get3A_353 : vector<1x16xf32> to vector<16xf32>
        %add3A_355 = arith.addf %add3A_350, %get3A_354 : vector<16xf32>
        %max3A_356 = arith.constant 0.000000e+00 : f32
        %max3A_357 = vector.broadcast %max3A_356 : f32 to vector<16xf32>
        %max3A_358 = arith.maximumf %add3A_355, %max3A_357 : vector<16xf32>
        %swap3A_359 = arith.index_cast %add3A_319 : i32 to index
        %swap3A_360 = arith.constant 16 : index
        %swap3A_361 = tpu.vector_load %arg10[%swap3A_359, %swap3A_360] {strides = array<i32>} : memref<40x128xf32, #tpu.memory_space<vmem>>, vector<1x16xf32>,
        %swap3A_362 = vector.shape_cast %swap3A_361 : vector<1x16xf32> to vector<16xf32>
        %swap3A_363 = vector.shape_cast %max3A_358 : vector<16xf32> to vector<1x16xf32>
        tpu.vector_store %arg10[%swap3A_359, %swap3A_360], %swap3A_363 {strides = array<i32>} : memref<40x128xf32, #tpu.memory_space<vmem>>, vector<1x16xf32>,
        %get3A_364 = arith.index_cast %add3A_319 : i32 to index
        %get3A_365 = arith.constant 32 : index
        %get3A_366 = tpu.vector_load %arg10[%get3A_364, %get3A_365] {strides = array<i32>} : memref<40x128xf32, #tpu.memory_space<vmem>>, vector<1x16xf32>,
        %get3A_367 = vector.shape_cast %get3A_366 : vector<1x16xf32> to vector<16xf32>
        %get3A_368 = arith.index_cast %add3A_319 : i32 to index
        %get3A_369 = arith.constant 32 : index
        %get3A_370 = tpu.vector_load %arg12[%get3A_368, %get3A_369] {strides = array<i32>} : memref<40x128xf32, #tpu.memory_space<vmem>>, vector<1x16xf32>,
        %get3A_371 = vector.shape_cast %get3A_370 : vector<1x16xf32> to vector<16xf32>
        %add3A_372 = arith.addf %get3A_367, %get3A_371 : vector<16xf32>
        %get3A_373 = arith.index_cast %add3A_319 : i32 to index
        %get3A_374 = arith.constant 32 : index
        %get3A_375 = tpu.vector_load %arg14[%get3A_373, %get3A_374] {strides = array<i32>} : memref<40x128xf32, #tpu.memory_space<vmem>>, vector<1x16xf32>,
        %get3A_376 = vector.shape_cast %get3A_375 : vector<1x16xf32> to vector<16xf32>
        %add3A_377 = arith.addf %add3A_372, %get3A_376 : vector<16xf32>
        %max3A_378 = arith.constant 0.000000e+00 : f32
        %max3A_379 = vector.broadcast %max3A_378 : f32 to vector<16xf32>
        %max3A_380 = arith.maximumf %add3A_377, %max3A_379 : vector<16xf32>
        %swap3A_381 = arith.index_cast %add3A_319 : i32 to index
        %swap3A_382 = arith.constant 32 : index
        %swap3A_383 = tpu.vector_load %arg10[%swap3A_381, %swap3A_382] {strides = array<i32>} : memref<40x128xf32, #tpu.memory_space<vmem>>, vector<1x16xf32>,
        %swap3A_384 = vector.shape_cast %swap3A_383 : vector<1x16xf32> to vector<16xf32>
        %swap3A_385 = vector.shape_cast %max3A_380 : vector<16xf32> to vector<1x16xf32>
        tpu.vector_store %arg10[%swap3A_381, %swap3A_382], %swap3A_385 {strides = array<i32>} : memref<40x128xf32, #tpu.memory_space<vmem>>, vector<1x16xf32>,
        %get3A_386 = arith.index_cast %add3A_319 : i32 to index
        %get3A_387 = arith.constant 48 : index
        %get3A_388 = tpu.vector_load %arg10[%get3A_386, %get3A_387] {strides = array<i32>} : memref<40x128xf32, #tpu.memory_space<vmem>>, vector<1x16xf32>,
        %get3A_389 = vector.shape_cast %get3A_388 : vector<1x16xf32> to vector<16xf32>
        %get3A_390 = arith.index_cast %add3A_319 : i32 to index
        %get3A_391 = arith.constant 48 : index
        %get3A_392 = tpu.vector_load %arg12[%get3A_390, %get3A_391] {strides = array<i32>} : memref<40x128xf32, #tpu.memory_space<vmem>>, vector<1x16xf32>,
        %get3A_393 = vector.shape_cast %get3A_392 : vector<1x16xf32> to vector<16xf32>
        %add3A_394 = arith.addf %get3A_389, %get3A_393 : vector<16xf32>
        %get3A_395 = arith.index_cast %add3A_319 : i32 to index
        %get3A_396 = arith.constant 48 : index
        %get3A_397 = tpu.vector_load %arg14[%get3A_395, %get3A_396] {strides = array<i32>} : memref<40x128xf32, #tpu.memory_space<vmem>>, vector<1x16xf32>,
        %get3A_398 = vector.shape_cast %get3A_397 : vector<1x16xf32> to vector<16xf32>
        %add3A_399 = arith.addf %add3A_394, %get3A_398 : vector<16xf32>
        %max3A_400 = arith.constant 0.000000e+00 : f32
        %max3A_401 = vector.broadcast %max3A_400 : f32 to vector<16xf32>
        %max3A_402 = arith.maximumf %add3A_399, %max3A_401 : vector<16xf32>
        %swap3A_403 = arith.index_cast %add3A_319 : i32 to index
        %swap3A_404 = arith.constant 48 : index
        %swap3A_405 = tpu.vector_load %arg10[%swap3A_403, %swap3A_404] {strides = array<i32>} : memref<40x128xf32, #tpu.memory_space<vmem>>, vector<1x16xf32>,
        %swap3A_406 = vector.shape_cast %swap3A_405 : vector<1x16xf32> to vector<16xf32>
        %swap3A_407 = vector.shape_cast %max3A_402 : vector<16xf32> to vector<1x16xf32>
        tpu.vector_store %arg10[%swap3A_403, %swap3A_404], %swap3A_407 {strides = array<i32>} : memref<40x128xf32, #tpu.memory_space<vmem>>, vector<1x16xf32>,
        %get3A_408 = arith.index_cast %add3A_319 : i32 to index
        %get3A_409 = arith.constant 64 : index
        %get3A_410 = tpu.vector_load %arg10[%get3A_408, %get3A_409] {strides = array<i32>} : memref<40x128xf32, #tpu.memory_space<vmem>>, vector<1x16xf32>,
        %get3A_411 = vector.shape_cast %get3A_410 : vector<1x16xf32> to vector<16xf32>
        %get3A_412 = arith.index_cast %add3A_319 : i32 to index
        %get3A_413 = arith.constant 64 : index
        %get3A_414 = tpu.vector_load %arg12[%get3A_412, %get3A_413] {strides = array<i32>} : memref<40x128xf32, #tpu.memory_space<vmem>>, vector<1x16xf32>,
        %get3A_415 = vector.shape_cast %get3A_414 : vector<1x16xf32> to vector<16xf32>
        %add3A_416 = arith.addf %get3A_411, %get3A_415 : vector<16xf32>
        %get3A_417 = arith.index_cast %add3A_319 : i32 to index
        %get3A_418 = arith.constant 64 : index
        %get3A_419 = tpu.vector_load %arg14[%get3A_417, %get3A_418] {strides = array<i32>} : memref<40x128xf32, #tpu.memory_space<vmem>>, vector<1x16xf32>,
        %get3A_420 = vector.shape_cast %get3A_419 : vector<1x16xf32> to vector<16xf32>
        %add3A_421 = arith.addf %add3A_416, %get3A_420 : vector<16xf32>
        %max3A_422 = arith.constant 0.000000e+00 : f32
        %max3A_423 = vector.broadcast %max3A_422 : f32 to vector<16xf32>
        %max3A_424 = arith.maximumf %add3A_421, %max3A_423 : vector<16xf32>
        %swap3A_425 = arith.index_cast %add3A_319 : i32 to index
        %swap3A_426 = arith.constant 64 : index
        %swap3A_427 = tpu.vector_load %arg10[%swap3A_425, %swap3A_426] {strides = array<i32>} : memref<40x128xf32, #tpu.memory_space<vmem>>, vector<1x16xf32>,
        %swap3A_428 = vector.shape_cast %swap3A_427 : vector<1x16xf32> to vector<16xf32>
        %swap3A_429 = vector.shape_cast %max3A_424 : vector<16xf32> to vector<1x16xf32>
        tpu.vector_store %arg10[%swap3A_425, %swap3A_426], %swap3A_429 {strides = array<i32>} : memref<40x128xf32, #tpu.memory_space<vmem>>, vector<1x16xf32>,
        %get3A_430 = arith.index_cast %add3A_319 : i32 to index
        %get3A_431 = arith.constant 80 : index
        %get3A_432 = tpu.vector_load %arg10[%get3A_430, %get3A_431] {strides = array<i32>} : memref<40x128xf32, #tpu.memory_space<vmem>>, vector<1x16xf32>,
        %get3A_433 = vector.shape_cast %get3A_432 : vector<1x16xf32> to vector<16xf32>
        %get3A_434 = arith.index_cast %add3A_319 : i32 to index
        %get3A_435 = arith.constant 80 : index
        %get3A_436 = tpu.vector_load %arg12[%get3A_434, %get3A_435] {strides = array<i32>} : memref<40x128xf32, #tpu.memory_space<vmem>>, vector<1x16xf32>,
        %get3A_437 = vector.shape_cast %get3A_436 : vector<1x16xf32> to vector<16xf32>
        %add3A_438 = arith.addf %get3A_433, %get3A_437 : vector<16xf32>
        %get3A_439 = arith.index_cast %add3A_319 : i32 to index
        %get3A_440 = arith.constant 80 : index
        %get3A_441 = tpu.vector_load %arg14[%get3A_439, %get3A_440] {strides = array<i32>} : memref<40x128xf32, #tpu.memory_space<vmem>>, vector<1x16xf32>,
        %get3A_442 = vector.shape_cast %get3A_441 : vector<1x16xf32> to vector<16xf32>
        %add3A_443 = arith.addf %add3A_438, %get3A_442 : vector<16xf32>
        %max3A_444 = arith.constant 0.000000e+00 : f32
        %max3A_445 = vector.broadcast %max3A_444 : f32 to vector<16xf32>
        %max3A_446 = arith.maximumf %add3A_443, %max3A_445 : vector<16xf32>
        %swap3A_447 = arith.index_cast %add3A_319 : i32 to index
        %swap3A_448 = arith.constant 80 : index
        %swap3A_449 = tpu.vector_load %arg10[%swap3A_447, %swap3A_448] {strides = array<i32>} : memref<40x128xf32, #tpu.memory_space<vmem>>, vector<1x16xf32>,
        %swap3A_450 = vector.shape_cast %swap3A_449 : vector<1x16xf32> to vector<16xf32>
        %swap3A_451 = vector.shape_cast %max3A_446 : vector<16xf32> to vector<1x16xf32>
        tpu.vector_store %arg10[%swap3A_447, %swap3A_448], %swap3A_451 {strides = array<i32>} : memref<40x128xf32, #tpu.memory_space<vmem>>, vector<1x16xf32>,
        %get3A_452 = arith.index_cast %add3A_319 : i32 to index
        %get3A_453 = arith.constant 96 : index
        %get3A_454 = tpu.vector_load %arg10[%get3A_452, %get3A_453] {strides = array<i32>} : memref<40x128xf32, #tpu.memory_space<vmem>>, vector<1x16xf32>,
        %get3A_455 = vector.shape_cast %get3A_454 : vector<1x16xf32> to vector<16xf32>
        %get3A_456 = arith.index_cast %add3A_319 : i32 to index
        %get3A_457 = arith.constant 96 : index
        %get3A_458 = tpu.vector_load %arg12[%get3A_456, %get3A_457] {strides = array<i32>} : memref<40x128xf32, #tpu.memory_space<vmem>>, vector<1x16xf32>,
        %get3A_459 = vector.shape_cast %get3A_458 : vector<1x16xf32> to vector<16xf32>
        %add3A_460 = arith.addf %get3A_455, %get3A_459 : vector<16xf32>
        %get3A_461 = arith.index_cast %add3A_319 : i32 to index
        %get3A_462 = arith.constant 96 : index
        %get3A_463 = tpu.vector_load %arg14[%get3A_461, %get3A_462] {strides = array<i32>} : memref<40x128xf32, #tpu.memory_space<vmem>>, vector<1x16xf32>,
        %get3A_464 = vector.shape_cast %get3A_463 : vector<1x16xf32> to vector<16xf32>
        %add3A_465 = arith.addf %add3A_460, %get3A_464 : vector<16xf32>
        %max3A_466 = arith.constant 0.000000e+00 : f32
        %max3A_467 = vector.broadcast %max3A_466 : f32 to vector<16xf32>
        %max3A_468 = arith.maximumf %add3A_465, %max3A_467 : vector<16xf32>
        %swap3A_469 = arith.index_cast %add3A_319 : i32 to index
        %swap3A_470 = arith.constant 96 : index
        %swap3A_471 = tpu.vector_load %arg10[%swap3A_469, %swap3A_470] {strides = array<i32>} : memref<40x128xf32, #tpu.memory_space<vmem>>, vector<1x16xf32>,
        %swap3A_472 = vector.shape_cast %swap3A_471 : vector<1x16xf32> to vector<16xf32>
        %swap3A_473 = vector.shape_cast %max3A_468 : vector<16xf32> to vector<1x16xf32>
        tpu.vector_store %arg10[%swap3A_469, %swap3A_470], %swap3A_473 {strides = array<i32>} : memref<40x128xf32, #tpu.memory_space<vmem>>, vector<1x16xf32>,
        %get3A_474 = arith.index_cast %add3A_319 : i32 to index
        %get3A_475 = arith.constant 112 : index
        %get3A_476 = tpu.vector_load %arg10[%get3A_474, %get3A_475] {strides = array<i32>} : memref<40x128xf32, #tpu.memory_space<vmem>>, vector<1x16xf32>,
        %get3A_477 = vector.shape_cast %get3A_476 : vector<1x16xf32> to vector<16xf32>
        %get3A_478 = arith.index_cast %add3A_319 : i32 to index
        %get3A_479 = arith.constant 112 : index
        %get3A_480 = tpu.vector_load %arg12[%get3A_478, %get3A_479] {strides = array<i32>} : memref<40x128xf32, #tpu.memory_space<vmem>>, vector<1x16xf32>,
        %get3A_481 = vector.shape_cast %get3A_480 : vector<1x16xf32> to vector<16xf32>
        %add3A_482 = arith.addf %get3A_477, %get3A_481 : vector<16xf32>
        %get3A_483 = arith.index_cast %add3A_319 : i32 to index
        %get3A_484 = arith.constant 112 : index
        %get3A_485 = tpu.vector_load %arg14[%get3A_483, %get3A_484] {strides = array<i32>} : memref<40x128xf32, #tpu.memory_space<vmem>>, vector<1x16xf32>,
        %get3A_486 = vector.shape_cast %get3A_485 : vector<1x16xf32> to vector<16xf32>
        %add3A_487 = arith.addf %add3A_482, %get3A_486 : vector<16xf32>
        %max3A_488 = arith.constant 0.000000e+00 : f32
        %max3A_489 = vector.broadcast %max3A_488 : f32 to vector<16xf32>
        %max3A_490 = arith.maximumf %add3A_487, %max3A_489 : vector<16xf32>
        %swap3A_491 = arith.index_cast %add3A_319 : i32 to index
        %swap3A_492 = arith.constant 112 : index
        %swap3A_493 = tpu.vector_load %arg10[%swap3A_491, %swap3A_492] {strides = array<i32>} : memref<40x128xf32, #tpu.memory_space<vmem>>, vector<1x16xf32>,
        %swap3A_494 = vector.shape_cast %swap3A_493 : vector<1x16xf32> to vector<16xf32>
        %swap3A_495 = vector.shape_cast %max3A_490 : vector<16xf32> to vector<1x16xf32>
        tpu.vector_store %arg10[%swap3A_491, %swap3A_492], %swap3A_495 {strides = array<i32>} : memref<40x128xf32, #tpu.memory_space<vmem>>, vector<1x16xf32>,
      }
      %scan3A_129 = arith.constant 20 : i32
      %run_scoped3A_130 = arith.constant 1 : i32
      "tpu.region"() ({
        %run_scoped3A_138 = tpu.sem_alloc : memref<!tpu.dma_semaphore, #tpu.memory_space<semaphore_mem>>
        %dma_start3A_139 = arith.constant 0 : i32
        %dma_start3A_140 = tpu.memref_slice %arg8[%run_scoped3A_130, %dma_start3A_139] : memref<2x40xi32, #tpu.memory_space<vmem>> -> memref<1x40xi32, #tpu.memory_space<vmem>>
        %dma_start3A_141 = tpu.memref_squeeze %dma_start3A_140 : memref<1x40xi32, #tpu.memory_space<vmem>> -> memref<40xi32, #tpu.memory_space<vmem>>
        %dma_start3A_142 = arith.constant 0 : i32
        %dma_start3A_143 = arith.constant 0 : i32
        %dma_start3A_144 = tpu.memref_slice %arg15[%dma_start3A_142, %dma_start3A_143] : memref<10240x128xf32, #tpu.memory_space<vmem_shared>> -> memref<10240x128xf32, #tpu.memory_space<vmem_shared>>
        tpu.enqueue_indirect_dma source(%arg10 : memref<40x128xf32, #tpu.memory_space<vmem>>) target(%dma_start3A_144 : memref<10240x128xf32, #tpu.memory_space<vmem_shared>>) offsets(%dma_start3A_141 : memref<40xi32, #tpu.memory_space<vmem>>) semaphore(%run_scoped3A_138 : memref<!tpu.dma_semaphore, #tpu.memory_space<semaphore_mem>>) {add = true}
        %dma_wait3A_145 = arith.constant 0 : i32
        %dma_wait3A_146 = tpu.memref_slice %arg8[%run_scoped3A_130, %dma_wait3A_145] : memref<2x40xi32, #tpu.memory_space<vmem>> -> memref<1x40xi32, #tpu.memory_space<vmem>>
        %dma_wait3A_147 = tpu.memref_squeeze %dma_wait3A_146 : memref<1x40xi32, #tpu.memory_space<vmem>> -> memref<40xi32, #tpu.memory_space<vmem>>
        %dma_wait3A_148 = arith.constant 0 : i32
        %dma_wait3A_149 = arith.constant 0 : i32
        %dma_wait3A_150 = tpu.memref_slice %arg15[%dma_wait3A_148, %dma_wait3A_149] : memref<10240x128xf32, #tpu.memory_space<vmem_shared>> -> memref<10240x128xf32, #tpu.memory_space<vmem_shared>>
        tpu.wait_indirect_dma semaphore(%run_scoped3A_138 : memref<!tpu.dma_semaphore, #tpu.memory_space<semaphore_mem>>) src(%arg10 : memref<40x128xf32, #tpu.memory_space<vmem>>) dst(%dma_wait3A_150 : memref<10240x128xf32, #tpu.memory_space<vmem_shared>>)
        tpu.yield
      }) : () -> ()
      %add3A_131 = arith.constant 2 : i32
      %add3A_132 = arith.addi %add3A_98, %add3A_131 : i32
      %lt3A_133 = arith.constant 250 : i32
      %lt3A_134 = arith.cmpi slt, %add3A_132, %lt3A_133 : i32
      %convert_element_type3A_135 = arith.extui %lt3A_134 : i1 to i32
      %cond3A_136 = arith.constant 0 : i32
      %cond3A_137 = arith.cmpi ne, %convert_element_type3A_135, %cond3A_136 : i32
      scf.if %cond3A_137 {
        %add3A_138 = arith.addi %mul3A_2, %add3A_98 : i32
        %add3A_139 = arith.constant 2 : i32
        %add3A_140 = arith.addi %add3A_138, %add3A_139 : i32
        %dma_start3A_141 = arith.constant 0 : i32
        %dma_start3A_142 = arith.constant 0 : i32
        %dma_start3A_143 = tpu.memref_slice %arg5[%add3A_140, %dma_start3A_141, %dma_start3A_142] : memref<8000x2x40xi32, #tpu.memory_space<hbm>> -> memref<1x2x40xi32, #tpu.memory_space<hbm>>
        %dma_start3A_144 = tpu.memref_squeeze %dma_start3A_143 : memref<1x2x40xi32, #tpu.memory_space<hbm>> -> memref<2x40xi32, #tpu.memory_space<hbm>>
        %dma_start3A_145 = arith.constant 0 : i32
        %dma_start3A_146 = arith.constant 0 : i32
        %dma_start3A_147 = tpu.memref_slice %arg5[%add3A_140, %dma_start3A_145, %dma_start3A_146] : memref<8000x2x40xi32, #tpu.memory_space<hbm>> -> memref<1x2x40xi32, #tpu.memory_space<hbm>>
        %dma_start3A_148 = tpu.memref_squeeze %dma_start3A_147 : memref<1x2x40xi32, #tpu.memory_space<hbm>> -> memref<2x40xi32, #tpu.memory_space<hbm>>
        tpu.enqueue_dma source(%dma_start3A_148 : memref<2x40xi32, #tpu.memory_space<hbm>>) target(%arg8 : memref<2x40xi32, #tpu.memory_space<vmem>>) target_semaphore(%arg17 : memref<!tpu.dma_semaphore, #tpu.memory_space<semaphore_mem>>)
      } else {
      }
    }
    %scan3A_50 = arith.constant 125 : i32
    %barrier3A_51 = arith.constant 0 : index
    tpu.barrier barrier_id(%barrier3A_51)
    %scan3A_52 = arith.constant 0 : i32
    %scan3A_53 = arith.constant 0 : i32
    %scan3A_54 = arith.constant 16 : i32
    %scan3A_55 = arith.addi %scan3A_53, %scan3A_54 : i32
    %scan3A_56 = arith.constant 1 : i32
    scf.for %scan3A_58 = %scan3A_53 to %scan3A_55 step %scan3A_56  : i32 {
      %mul3A_59 = arith.constant 640 : i32
      %mul3A_60 = arith.muli %arg1, %mul3A_59 : i32
      %mul3A_61 = arith.constant 40 : i32
      %mul3A_62 = arith.muli %scan3A_58, %mul3A_61 : i32
      %add3A_63 = arith.addi %mul3A_60, %mul3A_62 : i32
      %multiple_of3A = tpu.assume_multiple %add3A_63, 40 : i32
      "tpu.region"() ({
        %run_scoped3A = tpu.sem_alloc : memref<!tpu.dma_semaphore, #tpu.memory_space<semaphore_mem>>
        %dma_start3A_64 = arith.constant 0 : i32
        %dma_start3A_65 = tpu.memref_slice %arg15[%multiple_of3A, %dma_start3A_64] : memref<10240x128xf32, #tpu.memory_space<vmem_shared>> -> memref<40x128xf32, #tpu.memory_space<vmem_shared>>
        %dma_start3A_66 = arith.constant 0 : i32
        %dma_start3A_67 = tpu.memref_slice %arg15[%multiple_of3A, %dma_start3A_66] : memref<10240x128xf32, #tpu.memory_space<vmem_shared>> -> memref<40x128xf32, #tpu.memory_space<vmem_shared>>
        tpu.enqueue_dma source(%dma_start3A_67 : memref<40x128xf32, #tpu.memory_space<vmem_shared>>) target(%arg9 : memref<40x128xf32, #tpu.memory_space<vmem>>) target_semaphore(%run_scoped3A : memref<!tpu.dma_semaphore, #tpu.memory_space<semaphore_mem>>)
        %dma_wait3A = arith.constant 0 : i32
        %dma_wait3A_68 = tpu.memref_slice %arg15[%multiple_of3A, %dma_wait3A] : memref<10240x128xf32, #tpu.memory_space<vmem_shared>> -> memref<40x128xf32, #tpu.memory_space<vmem_shared>>
        %dma_wait3A_69 = arith.constant 0 : i32
        %dma_wait3A_70 = tpu.memref_slice %arg15[%multiple_of3A, %dma_wait3A_69] : memref<10240x128xf32, #tpu.memory_space<vmem_shared>> -> memref<40x128xf32, #tpu.memory_space<vmem_shared>>
        tpu.wait_dma2 semaphore(%run_scoped3A : memref<!tpu.dma_semaphore, #tpu.memory_space<semaphore_mem>>) src(%dma_wait3A_70 : memref<40x128xf32, #tpu.memory_space<vmem_shared>>) dst(%arg9 : memref<40x128xf32, #tpu.memory_space<vmem>>)
        tpu.yield
      }) : () -> ()
      "tpu.region"() ({
        %run_scoped3A = tpu.sem_alloc : memref<!tpu.dma_semaphore, #tpu.memory_space<semaphore_mem>>
        %dma_start3A_64 = arith.constant 0 : i32
        %dma_start3A_65 = tpu.memref_slice %arg6[%arg0, %multiple_of3A, %dma_start3A_64] : memref<2x10240x128xf32, #tpu.memory_space<hbm>> -> memref<1x40x128xf32, #tpu.memory_space<hbm>>
        %dma_start3A_66 = tpu.memref_squeeze %dma_start3A_65 : memref<1x40x128xf32, #tpu.memory_space<hbm>> -> memref<40x128xf32, #tpu.memory_space<hbm>>
        %dma_start3A_67 = arith.constant 0 : i32
        %dma_start3A_68 = tpu.memref_slice %arg6[%arg0, %multiple_of3A, %dma_start3A_67] : memref<2x10240x128xf32, #tpu.memory_space<hbm>> -> memref<1x40x128xf32, #tpu.memory_space<hbm>>
        %dma_start3A_69 = tpu.memref_squeeze %dma_start3A_68 : memref<1x40x128xf32, #tpu.memory_space<hbm>> -> memref<40x128xf32, #tpu.memory_space<hbm>>
        tpu.enqueue_dma source(%arg9 : memref<40x128xf32, #tpu.memory_space<vmem>>) target(%dma_start3A_69 : memref<40x128xf32, #tpu.memory_space<hbm>>) target_semaphore(%run_scoped3A : memref<!tpu.dma_semaphore, #tpu.memory_space<semaphore_mem>>)
        %dma_wait3A = arith.constant 0 : i32
        %dma_wait3A_70 = tpu.memref_slice %arg6[%arg0, %multiple_of3A, %dma_wait3A] : memref<2x10240x128xf32, #tpu.memory_space<hbm>> -> memref<1x40x128xf32, #tpu.memory_space<hbm>>
        %dma_wait3A_71 = tpu.memref_squeeze %dma_wait3A_70 : memref<1x40x128xf32, #tpu.memory_space<hbm>> -> memref<40x128xf32, #tpu.memory_space<hbm>>
        %dma_wait3A_72 = arith.constant 0 : i32
        %dma_wait3A_73 = tpu.memref_slice %arg6[%arg0, %multiple_of3A, %dma_wait3A_72] : memref<2x10240x128xf32, #tpu.memory_space<hbm>> -> memref<1x40x128xf32, #tpu.memory_space<hbm>>
        %dma_wait3A_74 = tpu.memref_squeeze %dma_wait3A_73 : memref<1x40x128xf32, #tpu.memory_space<hbm>> -> memref<40x128xf32, #tpu.memory_space<hbm>>
        tpu.wait_dma2 semaphore(%run_scoped3A : memref<!tpu.dma_semaphore, #tpu.memory_space<semaphore_mem>>) src(%arg9 : memref<40x128xf32, #tpu.memory_space<vmem>>) dst(%dma_wait3A_74 : memref<40x128xf32, #tpu.memory_space<hbm>>)
        tpu.yield
      }) : () -> ()
    }
    %scan3A_57 = arith.constant 16 : i32
    return
  }
}

#map = affine_map<(d0, d1) -> (0, 0)>
#map1 = affine_map<(d0, d1) -> (0, 0, 0)>
module attributes {stable_mosaic.version = 14 : i64} {
  func.func @_sc_edge(%arg0: i32, %arg1: i32, %arg2: memref<10000x128xf32, #tpu.memory_space<hbm>>, %arg3: memref<10000x128xf32, #tpu.memory_space<hbm>>, %arg4: memref<320000x128xf32, #tpu.memory_space<hbm>>, %arg5: memref<8000x2x40xi32, #tpu.memory_space<hbm>>, %arg6: memref<2x10240x128xf32, #tpu.memory_space<hbm>>, %arg7: memref<2x40xi32, #tpu.memory_space<vmem>>, %arg8: memref<2x40xi32, #tpu.memory_space<vmem>>, %arg9: memref<40x128xf32, #tpu.memory_space<vmem>>, %arg10: memref<40x128xf32, #tpu.memory_space<vmem>>, %arg11: memref<40x128xf32, #tpu.memory_space<vmem>>, %arg12: memref<40x128xf32, #tpu.memory_space<vmem>>, %arg13: memref<40x128xf32, #tpu.memory_space<vmem>>, %arg14: memref<40x128xf32, #tpu.memory_space<vmem>>, %arg15: memref<10240x128xf32, #tpu.memory_space<vmem_shared>>, %arg16: memref<!tpu.dma_semaphore, #tpu.memory_space<semaphore_mem>>, %arg17: memref<!tpu.dma_semaphore, #tpu.memory_space<semaphore_mem>>, %arg18: memref<!tpu.dma_semaphore, #tpu.memory_space<semaphore_mem>>, %arg19: memref<!tpu.dma_semaphore, #tpu.memory_space<semaphore_mem>>, %arg20: memref<!tpu.dma_semaphore, #tpu.memory_space<semaphore_mem>>, %arg21: memref<!tpu.dma_semaphore, #tpu.memory_space<semaphore_mem>>, %arg22: memref<!tpu.dma_semaphore, #tpu.memory_space<semaphore_mem>>, %arg23: memref<!tpu.dma_semaphore, #tpu.memory_space<semaphore_mem>>) attributes {dimension_semantics = [#tpu.dimension_semantics<core_parallel>, #tpu.dimension_semantics<subcore_parallel>], iteration_bounds = array<i64: 2, 16>, scalar_prefetch = 0 : i64, scratch_operands = 17 : i64, tpu.core_type = #tpu.core_type<sc_vector_subcore>, window_params = [{transform_indices = #map}, {transform_indices = #map}, {transform_indices = #map}, {transform_indices = #map1}, {transform_indices = #map1}]} {
    %mul3A = arith.constant 2 : i32
    %mul3A_0 = arith.muli %arg1, %mul3A : i32
    %add3A = arith.addi %mul3A_0, %arg0 : i32
    %mul3A_1 = arith.constant 250 : i32
    %mul3A_2 = arith.muli %add3A, %mul3A_1 : i32
    %mul3A_3 = arith.constant 10000 : i32
    %mul3A_4 = arith.muli %add3A, %mul3A_3 : i32
    %scan3A = arith.constant 0 : i32
    %scan3A_5 = arith.constant 0 : i32
    %scan3A_6 = arith.constant 40 : i32
    %scan3A_7 = arith.addi %scan3A_5, %scan3A_6 : i32
    %scan3A_8 = arith.constant 1 : i32
    scf.for %scan3A_58 = %scan3A_5 to %scan3A_7 step %scan3A_8  : i32 {
      %broadcast_in_dim3A = arith.constant 0.000000e+00 : f32
      %broadcast_in_dim3A_59 = vector.broadcast %broadcast_in_dim3A : f32 to vector<16xf32>
      %swap3A = arith.index_cast %scan3A_58 : i32 to index
      %swap3A_60 = arith.constant 0 : index
      %swap3A_61 = tpu.vector_load %arg9[%swap3A, %swap3A_60] {strides = array<i32>} : memref<40x128xf32, #tpu.memory_space<vmem>>, vector<1x16xf32>,
      %swap3A_62 = vector.shape_cast %swap3A_61 : vector<1x16xf32> to vector<16xf32>
      %swap3A_63 = vector.shape_cast %broadcast_in_dim3A_59 : vector<16xf32> to vector<1x16xf32>
      tpu.vector_store %arg9[%swap3A, %swap3A_60], %swap3A_63 {strides = array<i32>} : memref<40x128xf32, #tpu.memory_space<vmem>>, vector<1x16xf32>,
      %broadcast_in_dim3A_64 = arith.constant 0.000000e+00 : f32
      %broadcast_in_dim3A_65 = vector.broadcast %broadcast_in_dim3A_64 : f32 to vector<16xf32>
      %swap3A_66 = arith.index_cast %scan3A_58 : i32 to index
      %swap3A_67 = arith.constant 16 : index
      %swap3A_68 = tpu.vector_load %arg9[%swap3A_66, %swap3A_67] {strides = array<i32>} : memref<40x128xf32, #tpu.memory_space<vmem>>, vector<1x16xf32>,
      %swap3A_69 = vector.shape_cast %swap3A_68 : vector<1x16xf32> to vector<16xf32>
      %swap3A_70 = vector.shape_cast %broadcast_in_dim3A_65 : vector<16xf32> to vector<1x16xf32>
      tpu.vector_store %arg9[%swap3A_66, %swap3A_67], %swap3A_70 {strides = array<i32>} : memref<40x128xf32, #tpu.memory_space<vmem>>, vector<1x16xf32>,
      %broadcast_in_dim3A_71 = arith.constant 0.000000e+00 : f32
      %broadcast_in_dim3A_72 = vector.broadcast %broadcast_in_dim3A_71 : f32 to vector<16xf32>
      %swap3A_73 = arith.index_cast %scan3A_58 : i32 to index
      %swap3A_74 = arith.constant 32 : index
      %swap3A_75 = tpu.vector_load %arg9[%swap3A_73, %swap3A_74] {strides = array<i32>} : memref<40x128xf32, #tpu.memory_space<vmem>>, vector<1x16xf32>,
      %swap3A_76 = vector.shape_cast %swap3A_75 : vector<1x16xf32> to vector<16xf32>
      %swap3A_77 = vector.shape_cast %broadcast_in_dim3A_72 : vector<16xf32> to vector<1x16xf32>
      tpu.vector_store %arg9[%swap3A_73, %swap3A_74], %swap3A_77 {strides = array<i32>} : memref<40x128xf32, #tpu.memory_space<vmem>>, vector<1x16xf32>,
      %broadcast_in_dim3A_78 = arith.constant 0.000000e+00 : f32
      %broadcast_in_dim3A_79 = vector.broadcast %broadcast_in_dim3A_78 : f32 to vector<16xf32>
      %swap3A_80 = arith.index_cast %scan3A_58 : i32 to index
      %swap3A_81 = arith.constant 48 : index
      %swap3A_82 = tpu.vector_load %arg9[%swap3A_80, %swap3A_81] {strides = array<i32>} : memref<40x128xf32, #tpu.memory_space<vmem>>, vector<1x16xf32>,
      %swap3A_83 = vector.shape_cast %swap3A_82 : vector<1x16xf32> to vector<16xf32>
      %swap3A_84 = vector.shape_cast %broadcast_in_dim3A_79 : vector<16xf32> to vector<1x16xf32>
      tpu.vector_store %arg9[%swap3A_80, %swap3A_81], %swap3A_84 {strides = array<i32>} : memref<40x128xf32, #tpu.memory_space<vmem>>, vector<1x16xf32>,
      %broadcast_in_dim3A_85 = arith.constant 0.000000e+00 : f32
      %broadcast_in_dim3A_86 = vector.broadcast %broadcast_in_dim3A_85 : f32 to vector<16xf32>
      %swap3A_87 = arith.index_cast %scan3A_58 : i32 to index
      %swap3A_88 = arith.constant 64 : index
      %swap3A_89 = tpu.vector_load %arg9[%swap3A_87, %swap3A_88] {strides = array<i32>} : memref<40x128xf32, #tpu.memory_space<vmem>>, vector<1x16xf32>,
      %swap3A_90 = vector.shape_cast %swap3A_89 : vector<1x16xf32> to vector<16xf32>
      %swap3A_91 = vector.shape_cast %broadcast_in_dim3A_86 : vector<16xf32> to vector<1x16xf32>
      tpu.vector_store %arg9[%swap3A_87, %swap3A_88], %swap3A_91 {strides = array<i32>} : memref<40x128xf32, #tpu.memory_space<vmem>>, vector<1x16xf32>,
      %broadcast_in_dim3A_92 = arith.constant 0.000000e+00 : f32
      %broadcast_in_dim3A_93 = vector.broadcast %broadcast_in_dim3A_92 : f32 to vector<16xf32>
      %swap3A_94 = arith.index_cast %scan3A_58 : i32 to index
      %swap3A_95 = arith.constant 80 : index
      %swap3A_96 = tpu.vector_load %arg9[%swap3A_94, %swap3A_95] {strides = array<i32>} : memref<40x128xf32, #tpu.memory_space<vmem>>, vector<1x16xf32>,
      %swap3A_97 = vector.shape_cast %swap3A_96 : vector<1x16xf32> to vector<16xf32>
      %swap3A_98 = vector.shape_cast %broadcast_in_dim3A_93 : vector<16xf32> to vector<1x16xf32>
      tpu.vector_store %arg9[%swap3A_94, %swap3A_95], %swap3A_98 {strides = array<i32>} : memref<40x128xf32, #tpu.memory_space<vmem>>, vector<1x16xf32>,
      %broadcast_in_dim3A_99 = arith.constant 0.000000e+00 : f32
      %broadcast_in_dim3A_100 = vector.broadcast %broadcast_in_dim3A_99 : f32 to vector<16xf32>
      %swap3A_101 = arith.index_cast %scan3A_58 : i32 to index
      %swap3A_102 = arith.constant 96 : index
      %swap3A_103 = tpu.vector_load %arg9[%swap3A_101, %swap3A_102] {strides = array<i32>} : memref<40x128xf32, #tpu.memory_space<vmem>>, vector<1x16xf32>,
      %swap3A_104 = vector.shape_cast %swap3A_103 : vector<1x16xf32> to vector<16xf32>
      %swap3A_105 = vector.shape_cast %broadcast_in_dim3A_100 : vector<16xf32> to vector<1x16xf32>
      tpu.vector_store %arg9[%swap3A_101, %swap3A_102], %swap3A_105 {strides = array<i32>} : memref<40x128xf32, #tpu.memory_space<vmem>>, vector<1x16xf32>,
      %broadcast_in_dim3A_106 = arith.constant 0.000000e+00 : f32
      %broadcast_in_dim3A_107 = vector.broadcast %broadcast_in_dim3A_106 : f32 to vector<16xf32>
      %swap3A_108 = arith.index_cast %scan3A_58 : i32 to index
      %swap3A_109 = arith.constant 112 : index
      %swap3A_110 = tpu.vector_load %arg9[%swap3A_108, %swap3A_109] {strides = array<i32>} : memref<40x128xf32, #tpu.memory_space<vmem>>, vector<1x16xf32>,
      %swap3A_111 = vector.shape_cast %swap3A_110 : vector<1x16xf32> to vector<16xf32>
      %swap3A_112 = vector.shape_cast %broadcast_in_dim3A_107 : vector<16xf32> to vector<1x16xf32>
      tpu.vector_store %arg9[%swap3A_108, %swap3A_109], %swap3A_112 {strides = array<i32>} : memref<40x128xf32, #tpu.memory_space<vmem>>, vector<1x16xf32>,
    }
    %scan3A_9 = arith.constant 40 : i32
    %scan3A_10 = arith.constant 0 : i32
    %scan3A_11 = arith.constant 0 : i32
    %scan3A_12 = arith.constant 16 : i32
    %scan3A_13 = arith.addi %scan3A_11, %scan3A_12 : i32
    %scan3A_14 = arith.constant 1 : i32
    scf.for %scan3A_58 = %scan3A_11 to %scan3A_13 step %scan3A_14  : i32 {
      %mul3A_59 = arith.constant 640 : i32
      %mul3A_60 = arith.muli %arg1, %mul3A_59 : i32
      %mul3A_61 = arith.constant 40 : i32
      %mul3A_62 = arith.muli %scan3A_58, %mul3A_61 : i32
      %add3A_63 = arith.addi %mul3A_60, %mul3A_62 : i32
      %multiple_of3A = tpu.assume_multiple %add3A_63, 40 : i32
      "tpu.region"() ({
        %run_scoped3A = tpu.sem_alloc : memref<!tpu.dma_semaphore, #tpu.memory_space<semaphore_mem>>
        %dma_start3A_64 = arith.constant 0 : i32
        %dma_start3A_65 = tpu.memref_slice %arg15[%multiple_of3A, %dma_start3A_64] : memref<10240x128xf32, #tpu.memory_space<vmem_shared>> -> memref<40x128xf32, #tpu.memory_space<vmem_shared>>
        %dma_start3A_66 = arith.constant 0 : i32
        %dma_start3A_67 = tpu.memref_slice %arg15[%multiple_of3A, %dma_start3A_66] : memref<10240x128xf32, #tpu.memory_space<vmem_shared>> -> memref<40x128xf32, #tpu.memory_space<vmem_shared>>
        tpu.enqueue_dma source(%arg9 : memref<40x128xf32, #tpu.memory_space<vmem>>) target(%dma_start3A_67 : memref<40x128xf32, #tpu.memory_space<vmem_shared>>) target_semaphore(%run_scoped3A : memref<!tpu.dma_semaphore, #tpu.memory_space<semaphore_mem>>)
        %dma_wait3A = arith.constant 0 : i32
        %dma_wait3A_68 = tpu.memref_slice %arg15[%multiple_of3A, %dma_wait3A] : memref<10240x128xf32, #tpu.memory_space<vmem_shared>> -> memref<40x128xf32, #tpu.memory_space<vmem_shared>>
        %dma_wait3A_69 = arith.constant 0 : i32
        %dma_wait3A_70 = tpu.memref_slice %arg15[%multiple_of3A, %dma_wait3A_69] : memref<10240x128xf32, #tpu.memory_space<vmem_shared>> -> memref<40x128xf32, #tpu.memory_space<vmem_shared>>
        tpu.wait_dma2 semaphore(%run_scoped3A : memref<!tpu.dma_semaphore, #tpu.memory_space<semaphore_mem>>) src(%arg9 : memref<40x128xf32, #tpu.memory_space<vmem>>) dst(%dma_wait3A_70 : memref<40x128xf32, #tpu.memory_space<vmem_shared>>)
        tpu.yield
      }) : () -> ()
    }
    %scan3A_15 = arith.constant 16 : i32
    %barrier3A = arith.constant 0 : index
    tpu.barrier barrier_id(%barrier3A)
    "tpu.region"() ({
      %run_scoped3A = tpu.sem_alloc : memref<!tpu.dma_semaphore, #tpu.memory_space<semaphore_mem>>
      %dma_start3A_58 = arith.constant 0 : i32
      %dma_start3A_59 = arith.constant 0 : i32
      %dma_start3A_60 = tpu.memref_slice %arg5[%mul3A_2, %dma_start3A_58, %dma_start3A_59] : memref<8000x2x40xi32, #tpu.memory_space<hbm>> -> memref<1x2x40xi32, #tpu.memory_space<hbm>>
      %dma_start3A_61 = tpu.memref_squeeze %dma_start3A_60 : memref<1x2x40xi32, #tpu.memory_space<hbm>> -> memref<2x40xi32, #tpu.memory_space<hbm>>
      %dma_start3A_62 = arith.constant 0 : i32
      %dma_start3A_63 = arith.constant 0 : i32
      %dma_start3A_64 = tpu.memref_slice %arg5[%mul3A_2, %dma_start3A_62, %dma_start3A_63] : memref<8000x2x40xi32, #tpu.memory_space<hbm>> -> memref<1x2x40xi32, #tpu.memory_space<hbm>>
      %dma_start3A_65 = tpu.memref_squeeze %dma_start3A_64 : memref<1x2x40xi32, #tpu.memory_space<hbm>> -> memref<2x40xi32, #tpu.memory_space<hbm>>
      tpu.enqueue_dma source(%dma_start3A_65 : memref<2x40xi32, #tpu.memory_space<hbm>>) target(%arg7 : memref<2x40xi32, #tpu.memory_space<vmem>>) target_semaphore(%run_scoped3A : memref<!tpu.dma_semaphore, #tpu.memory_space<semaphore_mem>>)
      %dma_wait3A = arith.constant 0 : i32
      %dma_wait3A_66 = arith.constant 0 : i32
      %dma_wait3A_67 = tpu.memref_slice %arg5[%mul3A_2, %dma_wait3A, %dma_wait3A_66] : memref<8000x2x40xi32, #tpu.memory_space<hbm>> -> memref<1x2x40xi32, #tpu.memory_space<hbm>>
      %dma_wait3A_68 = tpu.memref_squeeze %dma_wait3A_67 : memref<1x2x40xi32, #tpu.memory_space<hbm>> -> memref<2x40xi32, #tpu.memory_space<hbm>>
      %dma_wait3A_69 = arith.constant 0 : i32
      %dma_wait3A_70 = arith.constant 0 : i32
      %dma_wait3A_71 = tpu.memref_slice %arg5[%mul3A_2, %dma_wait3A_69, %dma_wait3A_70] : memref<8000x2x40xi32, #tpu.memory_space<hbm>> -> memref<1x2x40xi32, #tpu.memory_space<hbm>>
      %dma_wait3A_72 = tpu.memref_squeeze %dma_wait3A_71 : memref<1x2x40xi32, #tpu.memory_space<hbm>> -> memref<2x40xi32, #tpu.memory_space<hbm>>
      tpu.wait_dma2 semaphore(%run_scoped3A : memref<!tpu.dma_semaphore, #tpu.memory_space<semaphore_mem>>) src(%dma_wait3A_72 : memref<2x40xi32, #tpu.memory_space<hbm>>) dst(%arg7 : memref<2x40xi32, #tpu.memory_space<vmem>>)
      tpu.yield
    }) : () -> ()
    %add3A_16 = arith.constant 1 : i32
    %add3A_17 = arith.addi %mul3A_2, %add3A_16 : i32
    %dma_start3A = arith.constant 0 : i32
    %dma_start3A_18 = arith.constant 0 : i32
    %dma_start3A_19 = tpu.memref_slice %arg5[%add3A_17, %dma_start3A, %dma_start3A_18] : memref<8000x2x40xi32, #tpu.memory_space<hbm>> -> memref<1x2x40xi32, #tpu.memory_space<hbm>>
    %dma_start3A_20 = tpu.memref_squeeze %dma_start3A_19 : memref<1x2x40xi32, #tpu.memory_space<hbm>> -> memref<2x40xi32, #tpu.memory_space<hbm>>
    %dma_start3A_21 = arith.constant 0 : i32
    %dma_start3A_22 = arith.constant 0 : i32
    %dma_start3A_23 = tpu.memref_slice %arg5[%add3A_17, %dma_start3A_21, %dma_start3A_22] : memref<8000x2x40xi32, #tpu.memory_space<hbm>> -> memref<1x2x40xi32, #tpu.memory_space<hbm>>
    %dma_start3A_24 = tpu.memref_squeeze %dma_start3A_23 : memref<1x2x40xi32, #tpu.memory_space<hbm>> -> memref<2x40xi32, #tpu.memory_space<hbm>>
    tpu.enqueue_dma source(%dma_start3A_24 : memref<2x40xi32, #tpu.memory_space<hbm>>) target(%arg8 : memref<2x40xi32, #tpu.memory_space<vmem>>) target_semaphore(%arg17 : memref<!tpu.dma_semaphore, #tpu.memory_space<semaphore_mem>>)
    %dma_start3A_25 = arith.constant 0 : i32
    %dma_start3A_26 = arith.constant 0 : i32
    %dma_start3A_27 = tpu.memref_slice %arg7[%dma_start3A_25, %dma_start3A_26] : memref<2x40xi32, #tpu.memory_space<vmem>> -> memref<1x40xi32, #tpu.memory_space<vmem>>
    %dma_start3A_28 = tpu.memref_squeeze %dma_start3A_27 : memref<1x40xi32, #tpu.memory_space<vmem>> -> memref<40xi32, #tpu.memory_space<vmem>>
    %dma_start3A_29 = arith.constant 0 : i32
    %dma_start3A_30 = arith.constant 0 : i32
    %dma_start3A_31 = tpu.memref_slice %arg2[%dma_start3A_29, %dma_start3A_30] : memref<10000x128xf32, #tpu.memory_space<hbm>> -> memref<10000x128xf32, #tpu.memory_space<hbm>>
    tpu.enqueue_indirect_dma source(%dma_start3A_31 : memref<10000x128xf32, #tpu.memory_space<hbm>>) target(%arg9 : memref<40x128xf32, #tpu.memory_space<vmem>>) offsets(%dma_start3A_28 : memref<40xi32, #tpu.memory_space<vmem>>) semaphore(%arg18 : memref<!tpu.dma_semaphore, #tpu.memory_space<semaphore_mem>>)
    %dma_start3A_32 = arith.constant 1 : i32
    %dma_start3A_33 = arith.constant 0 : i32
    %dma_start3A_34 = tpu.memref_slice %arg7[%dma_start3A_32, %dma_start3A_33] : memref<2x40xi32, #tpu.memory_space<vmem>> -> memref<1x40xi32, #tpu.memory_space<vmem>>
    %dma_start3A_35 = tpu.memref_squeeze %dma_start3A_34 : memref<1x40xi32, #tpu.memory_space<vmem>> -> memref<40xi32, #tpu.memory_space<vmem>>
    %dma_start3A_36 = arith.constant 0 : i32
    %dma_start3A_37 = arith.constant 0 : i32
    %dma_start3A_38 = tpu.memref_slice %arg3[%dma_start3A_36, %dma_start3A_37] : memref<10000x128xf32, #tpu.memory_space<hbm>> -> memref<10000x128xf32, #tpu.memory_space<hbm>>
    tpu.enqueue_indirect_dma source(%dma_start3A_38 : memref<10000x128xf32, #tpu.memory_space<hbm>>) target(%arg11 : memref<40x128xf32, #tpu.memory_space<vmem>>) offsets(%dma_start3A_35 : memref<40xi32, #tpu.memory_space<vmem>>) semaphore(%arg20 : memref<!tpu.dma_semaphore, #tpu.memory_space<semaphore_mem>>)
    %add3A_39 = arith.constant 0 : i32
    %add3A_40 = arith.addi %mul3A_4, %add3A_39 : i32
    %dma_start3A_41 = arith.constant 0 : i32
    %dma_start3A_42 = tpu.memref_slice %arg4[%add3A_40, %dma_start3A_41] : memref<320000x128xf32, #tpu.memory_space<hbm>> -> memref<40x128xf32, #tpu.memory_space<hbm>>
    %dma_start3A_43 = arith.constant 0 : i32
    %dma_start3A_44 = tpu.memref_slice %arg4[%add3A_40, %dma_start3A_43] : memref<320000x128xf32, #tpu.memory_space<hbm>> -> memref<40x128xf32, #tpu.memory_space<hbm>>
    tpu.enqueue_dma source(%dma_start3A_44 : memref<40x128xf32, #tpu.memory_space<hbm>>) target(%arg13 : memref<40x128xf32, #tpu.memory_space<vmem>>) target_semaphore(%arg22 : memref<!tpu.dma_semaphore, #tpu.memory_space<semaphore_mem>>)
    %scan3A_45 = arith.constant 0 : i32
    %scan3A_46 = arith.constant 0 : i32
    %scan3A_47 = arith.constant 125 : i32
    %scan3A_48 = arith.addi %scan3A_46, %scan3A_47 : i32
    %scan3A_49 = arith.constant 1 : i32
    scf.for %scan3A_58 = %scan3A_46 to %scan3A_48 step %scan3A_49  : i32 {
      %mul3A_59 = arith.constant 2 : i32
      %mul3A_60 = arith.muli %mul3A_59, %scan3A_58 : i32
      %add3A_61 = arith.constant 1 : i32
      %add3A_62 = arith.addi %mul3A_60, %add3A_61 : i32
      %lt3A = arith.constant 250 : i32
      %lt3A_63 = arith.cmpi slt, %add3A_62, %lt3A : i32
      %convert_element_type3A = arith.extui %lt3A_63 : i1 to i32
      %cond3A = arith.constant 0 : i32
      %cond3A_64 = arith.cmpi ne, %convert_element_type3A, %cond3A : i32
      scf.if %cond3A_64 {
        %dma_wait3A_138 = arith.constant 0 : i32
        %dma_wait3A_139 = arith.constant 0 : i32
        %dma_wait3A_140 = tpu.memref_slice %arg5[%mul3A_2, %dma_wait3A_138, %dma_wait3A_139] : memref<8000x2x40xi32, #tpu.memory_space<hbm>> -> memref<1x2x40xi32, #tpu.memory_space<hbm>>
        %dma_wait3A_141 = tpu.memref_squeeze %dma_wait3A_140 : memref<1x2x40xi32, #tpu.memory_space<hbm>> -> memref<2x40xi32, #tpu.memory_space<hbm>>
        %dma_wait3A_142 = arith.constant 0 : i32
        %dma_wait3A_143 = arith.constant 0 : i32
        %dma_wait3A_144 = tpu.memref_slice %arg5[%mul3A_2, %dma_wait3A_142, %dma_wait3A_143] : memref<8000x2x40xi32, #tpu.memory_space<hbm>> -> memref<1x2x40xi32, #tpu.memory_space<hbm>>
        %dma_wait3A_145 = tpu.memref_squeeze %dma_wait3A_144 : memref<1x2x40xi32, #tpu.memory_space<hbm>> -> memref<2x40xi32, #tpu.memory_space<hbm>>
        tpu.wait_dma2 semaphore(%arg17 : memref<!tpu.dma_semaphore, #tpu.memory_space<semaphore_mem>>) src(%dma_wait3A_145 : memref<2x40xi32, #tpu.memory_space<hbm>>) dst(%arg8 : memref<2x40xi32, #tpu.memory_space<vmem>>)
        %add3A_146 = arith.constant 1 : i32
        %add3A_147 = arith.addi %mul3A_60, %add3A_146 : i32
        %dma_start3A_148 = arith.constant 0 : i32
        %dma_start3A_149 = arith.constant 0 : i32
        %dma_start3A_150 = tpu.memref_slice %arg8[%dma_start3A_148, %dma_start3A_149] : memref<2x40xi32, #tpu.memory_space<vmem>> -> memref<1x40xi32, #tpu.memory_space<vmem>>
        %dma_start3A_151 = tpu.memref_squeeze %dma_start3A_150 : memref<1x40xi32, #tpu.memory_space<vmem>> -> memref<40xi32, #tpu.memory_space<vmem>>
        %dma_start3A_152 = arith.constant 0 : i32
        %dma_start3A_153 = arith.constant 0 : i32
        %dma_start3A_154 = tpu.memref_slice %arg2[%dma_start3A_152, %dma_start3A_153] : memref<10000x128xf32, #tpu.memory_space<hbm>> -> memref<10000x128xf32, #tpu.memory_space<hbm>>
        tpu.enqueue_indirect_dma source(%dma_start3A_154 : memref<10000x128xf32, #tpu.memory_space<hbm>>) target(%arg10 : memref<40x128xf32, #tpu.memory_space<vmem>>) offsets(%dma_start3A_151 : memref<40xi32, #tpu.memory_space<vmem>>) semaphore(%arg19 : memref<!tpu.dma_semaphore, #tpu.memory_space<semaphore_mem>>)
        %dma_start3A_155 = arith.constant 1 : i32
        %dma_start3A_156 = arith.constant 0 : i32
        %dma_start3A_157 = tpu.memref_slice %arg8[%dma_start3A_155, %dma_start3A_156] : memref<2x40xi32, #tpu.memory_space<vmem>> -> memref<1x40xi32, #tpu.memory_space<vmem>>
        %dma_start3A_158 = tpu.memref_squeeze %dma_start3A_157 : memref<1x40xi32, #tpu.memory_space<vmem>> -> memref<40xi32, #tpu.memory_space<vmem>>
        %dma_start3A_159 = arith.constant 0 : i32
        %dma_start3A_160 = arith.constant 0 : i32
        %dma_start3A_161 = tpu.memref_slice %arg3[%dma_start3A_159, %dma_start3A_160] : memref<10000x128xf32, #tpu.memory_space<hbm>> -> memref<10000x128xf32, #tpu.memory_space<hbm>>
        tpu.enqueue_indirect_dma source(%dma_start3A_161 : memref<10000x128xf32, #tpu.memory_space<hbm>>) target(%arg12 : memref<40x128xf32, #tpu.memory_space<vmem>>) offsets(%dma_start3A_158 : memref<40xi32, #tpu.memory_space<vmem>>) semaphore(%arg21 : memref<!tpu.dma_semaphore, #tpu.memory_space<semaphore_mem>>)
        %mul3A_162 = arith.constant 40 : i32
        %mul3A_163 = arith.muli %add3A_147, %mul3A_162 : i32
        %add3A_164 = arith.addi %mul3A_4, %mul3A_163 : i32
        %dma_start3A_165 = arith.constant 0 : i32
        %dma_start3A_166 = tpu.memref_slice %arg4[%add3A_164, %dma_start3A_165] : memref<320000x128xf32, #tpu.memory_space<hbm>> -> memref<40x128xf32, #tpu.memory_space<hbm>>
        %dma_start3A_167 = arith.constant 0 : i32
        %dma_start3A_168 = tpu.memref_slice %arg4[%add3A_164, %dma_start3A_167] : memref<320000x128xf32, #tpu.memory_space<hbm>> -> memref<40x128xf32, #tpu.memory_space<hbm>>
        tpu.enqueue_dma source(%dma_start3A_168 : memref<40x128xf32, #tpu.memory_space<hbm>>) target(%arg14 : memref<40x128xf32, #tpu.memory_space<vmem>>) target_semaphore(%arg23 : memref<!tpu.dma_semaphore, #tpu.memory_space<semaphore_mem>>)
      } else {
      }
      %dma_wait3A = arith.constant 0 : i32
      %dma_wait3A_65 = arith.constant 0 : i32
      %dma_wait3A_66 = tpu.memref_slice %arg7[%dma_wait3A, %dma_wait3A_65] : memref<2x40xi32, #tpu.memory_space<vmem>> -> memref<1x40xi32, #tpu.memory_space<vmem>>
      %dma_wait3A_67 = tpu.memref_squeeze %dma_wait3A_66 : memref<1x40xi32, #tpu.memory_space<vmem>> -> memref<40xi32, #tpu.memory_space<vmem>>
      %dma_wait3A_68 = arith.constant 0 : i32
      %dma_wait3A_69 = arith.constant 0 : i32
      %dma_wait3A_70 = tpu.memref_slice %arg2[%dma_wait3A_68, %dma_wait3A_69] : memref<10000x128xf32, #tpu.memory_space<hbm>> -> memref<10000x128xf32, #tpu.memory_space<hbm>>
      tpu.wait_indirect_dma semaphore(%arg18 : memref<!tpu.dma_semaphore, #tpu.memory_space<semaphore_mem>>) src(%dma_wait3A_70 : memref<10000x128xf32, #tpu.memory_space<hbm>>) dst(%arg9 : memref<40x128xf32, #tpu.memory_space<vmem>>)
      %dma_wait3A_71 = arith.constant 1 : i32
      %dma_wait3A_72 = arith.constant 0 : i32
      %dma_wait3A_73 = tpu.memref_slice %arg7[%dma_wait3A_71, %dma_wait3A_72] : memref<2x40xi32, #tpu.memory_space<vmem>> -> memref<1x40xi32, #tpu.memory_space<vmem>>
      %dma_wait3A_74 = tpu.memref_squeeze %dma_wait3A_73 : memref<1x40xi32, #tpu.memory_space<vmem>> -> memref<40xi32, #tpu.memory_space<vmem>>
      %dma_wait3A_75 = arith.constant 0 : i32
      %dma_wait3A_76 = arith.constant 0 : i32
      %dma_wait3A_77 = tpu.memref_slice %arg3[%dma_wait3A_75, %dma_wait3A_76] : memref<10000x128xf32, #tpu.memory_space<hbm>> -> memref<10000x128xf32, #tpu.memory_space<hbm>>
      tpu.wait_indirect_dma semaphore(%arg20 : memref<!tpu.dma_semaphore, #tpu.memory_space<semaphore_mem>>) src(%dma_wait3A_77 : memref<10000x128xf32, #tpu.memory_space<hbm>>) dst(%arg11 : memref<40x128xf32, #tpu.memory_space<vmem>>)
      %dma_wait3A_78 = arith.constant 0 : i32
      %dma_wait3A_79 = tpu.memref_slice %arg4[%mul3A_4, %dma_wait3A_78] : memref<320000x128xf32, #tpu.memory_space<hbm>> -> memref<40x128xf32, #tpu.memory_space<hbm>>
      %dma_wait3A_80 = arith.constant 0 : i32
      %dma_wait3A_81 = tpu.memref_slice %arg4[%mul3A_4, %dma_wait3A_80] : memref<320000x128xf32, #tpu.memory_space<hbm>> -> memref<40x128xf32, #tpu.memory_space<hbm>>
      tpu.wait_dma2 semaphore(%arg22 : memref<!tpu.dma_semaphore, #tpu.memory_space<semaphore_mem>>) src(%dma_wait3A_81 : memref<40x128xf32, #tpu.memory_space<hbm>>) dst(%arg13 : memref<40x128xf32, #tpu.memory_space<vmem>>)
      %scan3A_82 = arith.constant 0 : i32
      %scan3A_83 = arith.constant 0 : i32
      %scan3A_84 = arith.constant 20 : i32
      %scan3A_85 = arith.addi %scan3A_83, %scan3A_84 : i32
      %scan3A_86 = arith.constant 1 : i32
      scf.for %scan3A_138 = %scan3A_83 to %scan3A_85 step %scan3A_86  : i32 {
        %mul3A_139 = arith.constant 2 : i32
        %mul3A_140 = arith.muli %mul3A_139, %scan3A_138 : i32
        %add3A_141 = arith.constant 0 : i32
        %add3A_142 = arith.addi %mul3A_140, %add3A_141 : i32
        %get3A = arith.index_cast %add3A_142 : i32 to index
        %get3A_143 = arith.constant 0 : index
        %get3A_144 = tpu.vector_load %arg9[%get3A, %get3A_143] {strides = array<i32>} : memref<40x128xf32, #tpu.memory_space<vmem>>, vector<1x16xf32>,
        %get3A_145 = vector.shape_cast %get3A_144 : vector<1x16xf32> to vector<16xf32>
        %get3A_146 = arith.index_cast %add3A_142 : i32 to index
        %get3A_147 = arith.constant 0 : index
        %get3A_148 = tpu.vector_load %arg11[%get3A_146, %get3A_147] {strides = array<i32>} : memref<40x128xf32, #tpu.memory_space<vmem>>, vector<1x16xf32>,
        %get3A_149 = vector.shape_cast %get3A_148 : vector<1x16xf32> to vector<16xf32>
        %add3A_150 = arith.addf %get3A_145, %get3A_149 : vector<16xf32>
        %get3A_151 = arith.index_cast %add3A_142 : i32 to index
        %get3A_152 = arith.constant 0 : index
        %get3A_153 = tpu.vector_load %arg13[%get3A_151, %get3A_152] {strides = array<i32>} : memref<40x128xf32, #tpu.memory_space<vmem>>, vector<1x16xf32>,
        %get3A_154 = vector.shape_cast %get3A_153 : vector<1x16xf32> to vector<16xf32>
        %add3A_155 = arith.addf %add3A_150, %get3A_154 : vector<16xf32>
        %max3A = arith.constant 0.000000e+00 : f32
        %max3A_156 = vector.broadcast %max3A : f32 to vector<16xf32>
        %max3A_157 = arith.maximumf %add3A_155, %max3A_156 : vector<16xf32>
        %swap3A = arith.index_cast %add3A_142 : i32 to index
        %swap3A_158 = arith.constant 0 : index
        %swap3A_159 = tpu.vector_load %arg9[%swap3A, %swap3A_158] {strides = array<i32>} : memref<40x128xf32, #tpu.memory_space<vmem>>, vector<1x16xf32>,
        %swap3A_160 = vector.shape_cast %swap3A_159 : vector<1x16xf32> to vector<16xf32>
        %swap3A_161 = vector.shape_cast %max3A_157 : vector<16xf32> to vector<1x16xf32>
        tpu.vector_store %arg9[%swap3A, %swap3A_158], %swap3A_161 {strides = array<i32>} : memref<40x128xf32, #tpu.memory_space<vmem>>, vector<1x16xf32>,
        %get3A_162 = arith.index_cast %add3A_142 : i32 to index
        %get3A_163 = arith.constant 16 : index
        %get3A_164 = tpu.vector_load %arg9[%get3A_162, %get3A_163] {strides = array<i32>} : memref<40x128xf32, #tpu.memory_space<vmem>>, vector<1x16xf32>,
        %get3A_165 = vector.shape_cast %get3A_164 : vector<1x16xf32> to vector<16xf32>
        %get3A_166 = arith.index_cast %add3A_142 : i32 to index
        %get3A_167 = arith.constant 16 : index
        %get3A_168 = tpu.vector_load %arg11[%get3A_166, %get3A_167] {strides = array<i32>} : memref<40x128xf32, #tpu.memory_space<vmem>>, vector<1x16xf32>,
        %get3A_169 = vector.shape_cast %get3A_168 : vector<1x16xf32> to vector<16xf32>
        %add3A_170 = arith.addf %get3A_165, %get3A_169 : vector<16xf32>
        %get3A_171 = arith.index_cast %add3A_142 : i32 to index
        %get3A_172 = arith.constant 16 : index
        %get3A_173 = tpu.vector_load %arg13[%get3A_171, %get3A_172] {strides = array<i32>} : memref<40x128xf32, #tpu.memory_space<vmem>>, vector<1x16xf32>,
        %get3A_174 = vector.shape_cast %get3A_173 : vector<1x16xf32> to vector<16xf32>
        %add3A_175 = arith.addf %add3A_170, %get3A_174 : vector<16xf32>
        %max3A_176 = arith.constant 0.000000e+00 : f32
        %max3A_177 = vector.broadcast %max3A_176 : f32 to vector<16xf32>
        %max3A_178 = arith.maximumf %add3A_175, %max3A_177 : vector<16xf32>
        %swap3A_179 = arith.index_cast %add3A_142 : i32 to index
        %swap3A_180 = arith.constant 16 : index
        %swap3A_181 = tpu.vector_load %arg9[%swap3A_179, %swap3A_180] {strides = array<i32>} : memref<40x128xf32, #tpu.memory_space<vmem>>, vector<1x16xf32>,
        %swap3A_182 = vector.shape_cast %swap3A_181 : vector<1x16xf32> to vector<16xf32>
        %swap3A_183 = vector.shape_cast %max3A_178 : vector<16xf32> to vector<1x16xf32>
        tpu.vector_store %arg9[%swap3A_179, %swap3A_180], %swap3A_183 {strides = array<i32>} : memref<40x128xf32, #tpu.memory_space<vmem>>, vector<1x16xf32>,
        %get3A_184 = arith.index_cast %add3A_142 : i32 to index
        %get3A_185 = arith.constant 32 : index
        %get3A_186 = tpu.vector_load %arg9[%get3A_184, %get3A_185] {strides = array<i32>} : memref<40x128xf32, #tpu.memory_space<vmem>>, vector<1x16xf32>,
        %get3A_187 = vector.shape_cast %get3A_186 : vector<1x16xf32> to vector<16xf32>
        %get3A_188 = arith.index_cast %add3A_142 : i32 to index
        %get3A_189 = arith.constant 32 : index
        %get3A_190 = tpu.vector_load %arg11[%get3A_188, %get3A_189] {strides = array<i32>} : memref<40x128xf32, #tpu.memory_space<vmem>>, vector<1x16xf32>,
        %get3A_191 = vector.shape_cast %get3A_190 : vector<1x16xf32> to vector<16xf32>
        %add3A_192 = arith.addf %get3A_187, %get3A_191 : vector<16xf32>
        %get3A_193 = arith.index_cast %add3A_142 : i32 to index
        %get3A_194 = arith.constant 32 : index
        %get3A_195 = tpu.vector_load %arg13[%get3A_193, %get3A_194] {strides = array<i32>} : memref<40x128xf32, #tpu.memory_space<vmem>>, vector<1x16xf32>,
        %get3A_196 = vector.shape_cast %get3A_195 : vector<1x16xf32> to vector<16xf32>
        %add3A_197 = arith.addf %add3A_192, %get3A_196 : vector<16xf32>
        %max3A_198 = arith.constant 0.000000e+00 : f32
        %max3A_199 = vector.broadcast %max3A_198 : f32 to vector<16xf32>
        %max3A_200 = arith.maximumf %add3A_197, %max3A_199 : vector<16xf32>
        %swap3A_201 = arith.index_cast %add3A_142 : i32 to index
        %swap3A_202 = arith.constant 32 : index
        %swap3A_203 = tpu.vector_load %arg9[%swap3A_201, %swap3A_202] {strides = array<i32>} : memref<40x128xf32, #tpu.memory_space<vmem>>, vector<1x16xf32>,
        %swap3A_204 = vector.shape_cast %swap3A_203 : vector<1x16xf32> to vector<16xf32>
        %swap3A_205 = vector.shape_cast %max3A_200 : vector<16xf32> to vector<1x16xf32>
        tpu.vector_store %arg9[%swap3A_201, %swap3A_202], %swap3A_205 {strides = array<i32>} : memref<40x128xf32, #tpu.memory_space<vmem>>, vector<1x16xf32>,
        %get3A_206 = arith.index_cast %add3A_142 : i32 to index
        %get3A_207 = arith.constant 48 : index
        %get3A_208 = tpu.vector_load %arg9[%get3A_206, %get3A_207] {strides = array<i32>} : memref<40x128xf32, #tpu.memory_space<vmem>>, vector<1x16xf32>,
        %get3A_209 = vector.shape_cast %get3A_208 : vector<1x16xf32> to vector<16xf32>
        %get3A_210 = arith.index_cast %add3A_142 : i32 to index
        %get3A_211 = arith.constant 48 : index
        %get3A_212 = tpu.vector_load %arg11[%get3A_210, %get3A_211] {strides = array<i32>} : memref<40x128xf32, #tpu.memory_space<vmem>>, vector<1x16xf32>,
        %get3A_213 = vector.shape_cast %get3A_212 : vector<1x16xf32> to vector<16xf32>
        %add3A_214 = arith.addf %get3A_209, %get3A_213 : vector<16xf32>
        %get3A_215 = arith.index_cast %add3A_142 : i32 to index
        %get3A_216 = arith.constant 48 : index
        %get3A_217 = tpu.vector_load %arg13[%get3A_215, %get3A_216] {strides = array<i32>} : memref<40x128xf32, #tpu.memory_space<vmem>>, vector<1x16xf32>,
        %get3A_218 = vector.shape_cast %get3A_217 : vector<1x16xf32> to vector<16xf32>
        %add3A_219 = arith.addf %add3A_214, %get3A_218 : vector<16xf32>
        %max3A_220 = arith.constant 0.000000e+00 : f32
        %max3A_221 = vector.broadcast %max3A_220 : f32 to vector<16xf32>
        %max3A_222 = arith.maximumf %add3A_219, %max3A_221 : vector<16xf32>
        %swap3A_223 = arith.index_cast %add3A_142 : i32 to index
        %swap3A_224 = arith.constant 48 : index
        %swap3A_225 = tpu.vector_load %arg9[%swap3A_223, %swap3A_224] {strides = array<i32>} : memref<40x128xf32, #tpu.memory_space<vmem>>, vector<1x16xf32>,
        %swap3A_226 = vector.shape_cast %swap3A_225 : vector<1x16xf32> to vector<16xf32>
        %swap3A_227 = vector.shape_cast %max3A_222 : vector<16xf32> to vector<1x16xf32>
        tpu.vector_store %arg9[%swap3A_223, %swap3A_224], %swap3A_227 {strides = array<i32>} : memref<40x128xf32, #tpu.memory_space<vmem>>, vector<1x16xf32>,
        %get3A_228 = arith.index_cast %add3A_142 : i32 to index
        %get3A_229 = arith.constant 64 : index
        %get3A_230 = tpu.vector_load %arg9[%get3A_228, %get3A_229] {strides = array<i32>} : memref<40x128xf32, #tpu.memory_space<vmem>>, vector<1x16xf32>,
        %get3A_231 = vector.shape_cast %get3A_230 : vector<1x16xf32> to vector<16xf32>
        %get3A_232 = arith.index_cast %add3A_142 : i32 to index
        %get3A_233 = arith.constant 64 : index
        %get3A_234 = tpu.vector_load %arg11[%get3A_232, %get3A_233] {strides = array<i32>} : memref<40x128xf32, #tpu.memory_space<vmem>>, vector<1x16xf32>,
        %get3A_235 = vector.shape_cast %get3A_234 : vector<1x16xf32> to vector<16xf32>
        %add3A_236 = arith.addf %get3A_231, %get3A_235 : vector<16xf32>
        %get3A_237 = arith.index_cast %add3A_142 : i32 to index
        %get3A_238 = arith.constant 64 : index
        %get3A_239 = tpu.vector_load %arg13[%get3A_237, %get3A_238] {strides = array<i32>} : memref<40x128xf32, #tpu.memory_space<vmem>>, vector<1x16xf32>,
        %get3A_240 = vector.shape_cast %get3A_239 : vector<1x16xf32> to vector<16xf32>
        %add3A_241 = arith.addf %add3A_236, %get3A_240 : vector<16xf32>
        %max3A_242 = arith.constant 0.000000e+00 : f32
        %max3A_243 = vector.broadcast %max3A_242 : f32 to vector<16xf32>
        %max3A_244 = arith.maximumf %add3A_241, %max3A_243 : vector<16xf32>
        %swap3A_245 = arith.index_cast %add3A_142 : i32 to index
        %swap3A_246 = arith.constant 64 : index
        %swap3A_247 = tpu.vector_load %arg9[%swap3A_245, %swap3A_246] {strides = array<i32>} : memref<40x128xf32, #tpu.memory_space<vmem>>, vector<1x16xf32>,
        %swap3A_248 = vector.shape_cast %swap3A_247 : vector<1x16xf32> to vector<16xf32>
        %swap3A_249 = vector.shape_cast %max3A_244 : vector<16xf32> to vector<1x16xf32>
        tpu.vector_store %arg9[%swap3A_245, %swap3A_246], %swap3A_249 {strides = array<i32>} : memref<40x128xf32, #tpu.memory_space<vmem>>, vector<1x16xf32>,
        %get3A_250 = arith.index_cast %add3A_142 : i32 to index
        %get3A_251 = arith.constant 80 : index
        %get3A_252 = tpu.vector_load %arg9[%get3A_250, %get3A_251] {strides = array<i32>} : memref<40x128xf32, #tpu.memory_space<vmem>>, vector<1x16xf32>,
        %get3A_253 = vector.shape_cast %get3A_252 : vector<1x16xf32> to vector<16xf32>
        %get3A_254 = arith.index_cast %add3A_142 : i32 to index
        %get3A_255 = arith.constant 80 : index
        %get3A_256 = tpu.vector_load %arg11[%get3A_254, %get3A_255] {strides = array<i32>} : memref<40x128xf32, #tpu.memory_space<vmem>>, vector<1x16xf32>,
        %get3A_257 = vector.shape_cast %get3A_256 : vector<1x16xf32> to vector<16xf32>
        %add3A_258 = arith.addf %get3A_253, %get3A_257 : vector<16xf32>
        %get3A_259 = arith.index_cast %add3A_142 : i32 to index
        %get3A_260 = arith.constant 80 : index
        %get3A_261 = tpu.vector_load %arg13[%get3A_259, %get3A_260] {strides = array<i32>} : memref<40x128xf32, #tpu.memory_space<vmem>>, vector<1x16xf32>,
        %get3A_262 = vector.shape_cast %get3A_261 : vector<1x16xf32> to vector<16xf32>
        %add3A_263 = arith.addf %add3A_258, %get3A_262 : vector<16xf32>
        %max3A_264 = arith.constant 0.000000e+00 : f32
        %max3A_265 = vector.broadcast %max3A_264 : f32 to vector<16xf32>
        %max3A_266 = arith.maximumf %add3A_263, %max3A_265 : vector<16xf32>
        %swap3A_267 = arith.index_cast %add3A_142 : i32 to index
        %swap3A_268 = arith.constant 80 : index
        %swap3A_269 = tpu.vector_load %arg9[%swap3A_267, %swap3A_268] {strides = array<i32>} : memref<40x128xf32, #tpu.memory_space<vmem>>, vector<1x16xf32>,
        %swap3A_270 = vector.shape_cast %swap3A_269 : vector<1x16xf32> to vector<16xf32>
        %swap3A_271 = vector.shape_cast %max3A_266 : vector<16xf32> to vector<1x16xf32>
        tpu.vector_store %arg9[%swap3A_267, %swap3A_268], %swap3A_271 {strides = array<i32>} : memref<40x128xf32, #tpu.memory_space<vmem>>, vector<1x16xf32>,
        %get3A_272 = arith.index_cast %add3A_142 : i32 to index
        %get3A_273 = arith.constant 96 : index
        %get3A_274 = tpu.vector_load %arg9[%get3A_272, %get3A_273] {strides = array<i32>} : memref<40x128xf32, #tpu.memory_space<vmem>>, vector<1x16xf32>,
        %get3A_275 = vector.shape_cast %get3A_274 : vector<1x16xf32> to vector<16xf32>
        %get3A_276 = arith.index_cast %add3A_142 : i32 to index
        %get3A_277 = arith.constant 96 : index
        %get3A_278 = tpu.vector_load %arg11[%get3A_276, %get3A_277] {strides = array<i32>} : memref<40x128xf32, #tpu.memory_space<vmem>>, vector<1x16xf32>,
        %get3A_279 = vector.shape_cast %get3A_278 : vector<1x16xf32> to vector<16xf32>
        %add3A_280 = arith.addf %get3A_275, %get3A_279 : vector<16xf32>
        %get3A_281 = arith.index_cast %add3A_142 : i32 to index
        %get3A_282 = arith.constant 96 : index
        %get3A_283 = tpu.vector_load %arg13[%get3A_281, %get3A_282] {strides = array<i32>} : memref<40x128xf32, #tpu.memory_space<vmem>>, vector<1x16xf32>,
        %get3A_284 = vector.shape_cast %get3A_283 : vector<1x16xf32> to vector<16xf32>
        %add3A_285 = arith.addf %add3A_280, %get3A_284 : vector<16xf32>
        %max3A_286 = arith.constant 0.000000e+00 : f32
        %max3A_287 = vector.broadcast %max3A_286 : f32 to vector<16xf32>
        %max3A_288 = arith.maximumf %add3A_285, %max3A_287 : vector<16xf32>
        %swap3A_289 = arith.index_cast %add3A_142 : i32 to index
        %swap3A_290 = arith.constant 96 : index
        %swap3A_291 = tpu.vector_load %arg9[%swap3A_289, %swap3A_290] {strides = array<i32>} : memref<40x128xf32, #tpu.memory_space<vmem>>, vector<1x16xf32>,
        %swap3A_292 = vector.shape_cast %swap3A_291 : vector<1x16xf32> to vector<16xf32>
        %swap3A_293 = vector.shape_cast %max3A_288 : vector<16xf32> to vector<1x16xf32>
        tpu.vector_store %arg9[%swap3A_289, %swap3A_290], %swap3A_293 {strides = array<i32>} : memref<40x128xf32, #tpu.memory_space<vmem>>, vector<1x16xf32>,
        %get3A_294 = arith.index_cast %add3A_142 : i32 to index
        %get3A_295 = arith.constant 112 : index
        %get3A_296 = tpu.vector_load %arg9[%get3A_294, %get3A_295] {strides = array<i32>} : memref<40x128xf32, #tpu.memory_space<vmem>>, vector<1x16xf32>,
        %get3A_297 = vector.shape_cast %get3A_296 : vector<1x16xf32> to vector<16xf32>
        %get3A_298 = arith.index_cast %add3A_142 : i32 to index
        %get3A_299 = arith.constant 112 : index
        %get3A_300 = tpu.vector_load %arg11[%get3A_298, %get3A_299] {strides = array<i32>} : memref<40x128xf32, #tpu.memory_space<vmem>>, vector<1x16xf32>,
        %get3A_301 = vector.shape_cast %get3A_300 : vector<1x16xf32> to vector<16xf32>
        %add3A_302 = arith.addf %get3A_297, %get3A_301 : vector<16xf32>
        %get3A_303 = arith.index_cast %add3A_142 : i32 to index
        %get3A_304 = arith.constant 112 : index
        %get3A_305 = tpu.vector_load %arg13[%get3A_303, %get3A_304] {strides = array<i32>} : memref<40x128xf32, #tpu.memory_space<vmem>>, vector<1x16xf32>,
        %get3A_306 = vector.shape_cast %get3A_305 : vector<1x16xf32> to vector<16xf32>
        %add3A_307 = arith.addf %add3A_302, %get3A_306 : vector<16xf32>
        %max3A_308 = arith.constant 0.000000e+00 : f32
        %max3A_309 = vector.broadcast %max3A_308 : f32 to vector<16xf32>
        %max3A_310 = arith.maximumf %add3A_307, %max3A_309 : vector<16xf32>
        %swap3A_311 = arith.index_cast %add3A_142 : i32 to index
        %swap3A_312 = arith.constant 112 : index
        %swap3A_313 = tpu.vector_load %arg9[%swap3A_311, %swap3A_312] {strides = array<i32>} : memref<40x128xf32, #tpu.memory_space<vmem>>, vector<1x16xf32>,
        %swap3A_314 = vector.shape_cast %swap3A_313 : vector<1x16xf32> to vector<16xf32>
        %swap3A_315 = vector.shape_cast %max3A_310 : vector<16xf32> to vector<1x16xf32>
        tpu.vector_store %arg9[%swap3A_311, %swap3A_312], %swap3A_315 {strides = array<i32>} : memref<40x128xf32, #tpu.memory_space<vmem>>, vector<1x16xf32>,
        %mul3A_316 = arith.constant 2 : i32
        %mul3A_317 = arith.muli %mul3A_316, %scan3A_138 : i32
        %add3A_318 = arith.constant 1 : i32
        %add3A_319 = arith.addi %mul3A_317, %add3A_318 : i32
        %get3A_320 = arith.index_cast %add3A_319 : i32 to index
        %get3A_321 = arith.constant 0 : index
        %get3A_322 = tpu.vector_load %arg9[%get3A_320, %get3A_321] {strides = array<i32>} : memref<40x128xf32, #tpu.memory_space<vmem>>, vector<1x16xf32>,
        %get3A_323 = vector.shape_cast %get3A_322 : vector<1x16xf32> to vector<16xf32>
        %get3A_324 = arith.index_cast %add3A_319 : i32 to index
        %get3A_325 = arith.constant 0 : index
        %get3A_326 = tpu.vector_load %arg11[%get3A_324, %get3A_325] {strides = array<i32>} : memref<40x128xf32, #tpu.memory_space<vmem>>, vector<1x16xf32>,
        %get3A_327 = vector.shape_cast %get3A_326 : vector<1x16xf32> to vector<16xf32>
        %add3A_328 = arith.addf %get3A_323, %get3A_327 : vector<16xf32>
        %get3A_329 = arith.index_cast %add3A_319 : i32 to index
        %get3A_330 = arith.constant 0 : index
        %get3A_331 = tpu.vector_load %arg13[%get3A_329, %get3A_330] {strides = array<i32>} : memref<40x128xf32, #tpu.memory_space<vmem>>, vector<1x16xf32>,
        %get3A_332 = vector.shape_cast %get3A_331 : vector<1x16xf32> to vector<16xf32>
        %add3A_333 = arith.addf %add3A_328, %get3A_332 : vector<16xf32>
        %max3A_334 = arith.constant 0.000000e+00 : f32
        %max3A_335 = vector.broadcast %max3A_334 : f32 to vector<16xf32>
        %max3A_336 = arith.maximumf %add3A_333, %max3A_335 : vector<16xf32>
        %swap3A_337 = arith.index_cast %add3A_319 : i32 to index
        %swap3A_338 = arith.constant 0 : index
        %swap3A_339 = tpu.vector_load %arg9[%swap3A_337, %swap3A_338] {strides = array<i32>} : memref<40x128xf32, #tpu.memory_space<vmem>>, vector<1x16xf32>,
        %swap3A_340 = vector.shape_cast %swap3A_339 : vector<1x16xf32> to vector<16xf32>
        %swap3A_341 = vector.shape_cast %max3A_336 : vector<16xf32> to vector<1x16xf32>
        tpu.vector_store %arg9[%swap3A_337, %swap3A_338], %swap3A_341 {strides = array<i32>} : memref<40x128xf32, #tpu.memory_space<vmem>>, vector<1x16xf32>,
        %get3A_342 = arith.index_cast %add3A_319 : i32 to index
        %get3A_343 = arith.constant 16 : index
        %get3A_344 = tpu.vector_load %arg9[%get3A_342, %get3A_343] {strides = array<i32>} : memref<40x128xf32, #tpu.memory_space<vmem>>, vector<1x16xf32>,
        %get3A_345 = vector.shape_cast %get3A_344 : vector<1x16xf32> to vector<16xf32>
        %get3A_346 = arith.index_cast %add3A_319 : i32 to index
        %get3A_347 = arith.constant 16 : index
        %get3A_348 = tpu.vector_load %arg11[%get3A_346, %get3A_347] {strides = array<i32>} : memref<40x128xf32, #tpu.memory_space<vmem>>, vector<1x16xf32>,
        %get3A_349 = vector.shape_cast %get3A_348 : vector<1x16xf32> to vector<16xf32>
        %add3A_350 = arith.addf %get3A_345, %get3A_349 : vector<16xf32>
        %get3A_351 = arith.index_cast %add3A_319 : i32 to index
        %get3A_352 = arith.constant 16 : index
        %get3A_353 = tpu.vector_load %arg13[%get3A_351, %get3A_352] {strides = array<i32>} : memref<40x128xf32, #tpu.memory_space<vmem>>, vector<1x16xf32>,
        %get3A_354 = vector.shape_cast %get3A_353 : vector<1x16xf32> to vector<16xf32>
        %add3A_355 = arith.addf %add3A_350, %get3A_354 : vector<16xf32>
        %max3A_356 = arith.constant 0.000000e+00 : f32
        %max3A_357 = vector.broadcast %max3A_356 : f32 to vector<16xf32>
        %max3A_358 = arith.maximumf %add3A_355, %max3A_357 : vector<16xf32>
        %swap3A_359 = arith.index_cast %add3A_319 : i32 to index
        %swap3A_360 = arith.constant 16 : index
        %swap3A_361 = tpu.vector_load %arg9[%swap3A_359, %swap3A_360] {strides = array<i32>} : memref<40x128xf32, #tpu.memory_space<vmem>>, vector<1x16xf32>,
        %swap3A_362 = vector.shape_cast %swap3A_361 : vector<1x16xf32> to vector<16xf32>
        %swap3A_363 = vector.shape_cast %max3A_358 : vector<16xf32> to vector<1x16xf32>
        tpu.vector_store %arg9[%swap3A_359, %swap3A_360], %swap3A_363 {strides = array<i32>} : memref<40x128xf32, #tpu.memory_space<vmem>>, vector<1x16xf32>,
        %get3A_364 = arith.index_cast %add3A_319 : i32 to index
        %get3A_365 = arith.constant 32 : index
        %get3A_366 = tpu.vector_load %arg9[%get3A_364, %get3A_365] {strides = array<i32>} : memref<40x128xf32, #tpu.memory_space<vmem>>, vector<1x16xf32>,
        %get3A_367 = vector.shape_cast %get3A_366 : vector<1x16xf32> to vector<16xf32>
        %get3A_368 = arith.index_cast %add3A_319 : i32 to index
        %get3A_369 = arith.constant 32 : index
        %get3A_370 = tpu.vector_load %arg11[%get3A_368, %get3A_369] {strides = array<i32>} : memref<40x128xf32, #tpu.memory_space<vmem>>, vector<1x16xf32>,
        %get3A_371 = vector.shape_cast %get3A_370 : vector<1x16xf32> to vector<16xf32>
        %add3A_372 = arith.addf %get3A_367, %get3A_371 : vector<16xf32>
        %get3A_373 = arith.index_cast %add3A_319 : i32 to index
        %get3A_374 = arith.constant 32 : index
        %get3A_375 = tpu.vector_load %arg13[%get3A_373, %get3A_374] {strides = array<i32>} : memref<40x128xf32, #tpu.memory_space<vmem>>, vector<1x16xf32>,
        %get3A_376 = vector.shape_cast %get3A_375 : vector<1x16xf32> to vector<16xf32>
        %add3A_377 = arith.addf %add3A_372, %get3A_376 : vector<16xf32>
        %max3A_378 = arith.constant 0.000000e+00 : f32
        %max3A_379 = vector.broadcast %max3A_378 : f32 to vector<16xf32>
        %max3A_380 = arith.maximumf %add3A_377, %max3A_379 : vector<16xf32>
        %swap3A_381 = arith.index_cast %add3A_319 : i32 to index
        %swap3A_382 = arith.constant 32 : index
        %swap3A_383 = tpu.vector_load %arg9[%swap3A_381, %swap3A_382] {strides = array<i32>} : memref<40x128xf32, #tpu.memory_space<vmem>>, vector<1x16xf32>,
        %swap3A_384 = vector.shape_cast %swap3A_383 : vector<1x16xf32> to vector<16xf32>
        %swap3A_385 = vector.shape_cast %max3A_380 : vector<16xf32> to vector<1x16xf32>
        tpu.vector_store %arg9[%swap3A_381, %swap3A_382], %swap3A_385 {strides = array<i32>} : memref<40x128xf32, #tpu.memory_space<vmem>>, vector<1x16xf32>,
        %get3A_386 = arith.index_cast %add3A_319 : i32 to index
        %get3A_387 = arith.constant 48 : index
        %get3A_388 = tpu.vector_load %arg9[%get3A_386, %get3A_387] {strides = array<i32>} : memref<40x128xf32, #tpu.memory_space<vmem>>, vector<1x16xf32>,
        %get3A_389 = vector.shape_cast %get3A_388 : vector<1x16xf32> to vector<16xf32>
        %get3A_390 = arith.index_cast %add3A_319 : i32 to index
        %get3A_391 = arith.constant 48 : index
        %get3A_392 = tpu.vector_load %arg11[%get3A_390, %get3A_391] {strides = array<i32>} : memref<40x128xf32, #tpu.memory_space<vmem>>, vector<1x16xf32>,
        %get3A_393 = vector.shape_cast %get3A_392 : vector<1x16xf32> to vector<16xf32>
        %add3A_394 = arith.addf %get3A_389, %get3A_393 : vector<16xf32>
        %get3A_395 = arith.index_cast %add3A_319 : i32 to index
        %get3A_396 = arith.constant 48 : index
        %get3A_397 = tpu.vector_load %arg13[%get3A_395, %get3A_396] {strides = array<i32>} : memref<40x128xf32, #tpu.memory_space<vmem>>, vector<1x16xf32>,
        %get3A_398 = vector.shape_cast %get3A_397 : vector<1x16xf32> to vector<16xf32>
        %add3A_399 = arith.addf %add3A_394, %get3A_398 : vector<16xf32>
        %max3A_400 = arith.constant 0.000000e+00 : f32
        %max3A_401 = vector.broadcast %max3A_400 : f32 to vector<16xf32>
        %max3A_402 = arith.maximumf %add3A_399, %max3A_401 : vector<16xf32>
        %swap3A_403 = arith.index_cast %add3A_319 : i32 to index
        %swap3A_404 = arith.constant 48 : index
        %swap3A_405 = tpu.vector_load %arg9[%swap3A_403, %swap3A_404] {strides = array<i32>} : memref<40x128xf32, #tpu.memory_space<vmem>>, vector<1x16xf32>,
        %swap3A_406 = vector.shape_cast %swap3A_405 : vector<1x16xf32> to vector<16xf32>
        %swap3A_407 = vector.shape_cast %max3A_402 : vector<16xf32> to vector<1x16xf32>
        tpu.vector_store %arg9[%swap3A_403, %swap3A_404], %swap3A_407 {strides = array<i32>} : memref<40x128xf32, #tpu.memory_space<vmem>>, vector<1x16xf32>,
        %get3A_408 = arith.index_cast %add3A_319 : i32 to index
        %get3A_409 = arith.constant 64 : index
        %get3A_410 = tpu.vector_load %arg9[%get3A_408, %get3A_409] {strides = array<i32>} : memref<40x128xf32, #tpu.memory_space<vmem>>, vector<1x16xf32>,
        %get3A_411 = vector.shape_cast %get3A_410 : vector<1x16xf32> to vector<16xf32>
        %get3A_412 = arith.index_cast %add3A_319 : i32 to index
        %get3A_413 = arith.constant 64 : index
        %get3A_414 = tpu.vector_load %arg11[%get3A_412, %get3A_413] {strides = array<i32>} : memref<40x128xf32, #tpu.memory_space<vmem>>, vector<1x16xf32>,
        %get3A_415 = vector.shape_cast %get3A_414 : vector<1x16xf32> to vector<16xf32>
        %add3A_416 = arith.addf %get3A_411, %get3A_415 : vector<16xf32>
        %get3A_417 = arith.index_cast %add3A_319 : i32 to index
        %get3A_418 = arith.constant 64 : index
        %get3A_419 = tpu.vector_load %arg13[%get3A_417, %get3A_418] {strides = array<i32>} : memref<40x128xf32, #tpu.memory_space<vmem>>, vector<1x16xf32>,
        %get3A_420 = vector.shape_cast %get3A_419 : vector<1x16xf32> to vector<16xf32>
        %add3A_421 = arith.addf %add3A_416, %get3A_420 : vector<16xf32>
        %max3A_422 = arith.constant 0.000000e+00 : f32
        %max3A_423 = vector.broadcast %max3A_422 : f32 to vector<16xf32>
        %max3A_424 = arith.maximumf %add3A_421, %max3A_423 : vector<16xf32>
        %swap3A_425 = arith.index_cast %add3A_319 : i32 to index
        %swap3A_426 = arith.constant 64 : index
        %swap3A_427 = tpu.vector_load %arg9[%swap3A_425, %swap3A_426] {strides = array<i32>} : memref<40x128xf32, #tpu.memory_space<vmem>>, vector<1x16xf32>,
        %swap3A_428 = vector.shape_cast %swap3A_427 : vector<1x16xf32> to vector<16xf32>
        %swap3A_429 = vector.shape_cast %max3A_424 : vector<16xf32> to vector<1x16xf32>
        tpu.vector_store %arg9[%swap3A_425, %swap3A_426], %swap3A_429 {strides = array<i32>} : memref<40x128xf32, #tpu.memory_space<vmem>>, vector<1x16xf32>,
        %get3A_430 = arith.index_cast %add3A_319 : i32 to index
        %get3A_431 = arith.constant 80 : index
        %get3A_432 = tpu.vector_load %arg9[%get3A_430, %get3A_431] {strides = array<i32>} : memref<40x128xf32, #tpu.memory_space<vmem>>, vector<1x16xf32>,
        %get3A_433 = vector.shape_cast %get3A_432 : vector<1x16xf32> to vector<16xf32>
        %get3A_434 = arith.index_cast %add3A_319 : i32 to index
        %get3A_435 = arith.constant 80 : index
        %get3A_436 = tpu.vector_load %arg11[%get3A_434, %get3A_435] {strides = array<i32>} : memref<40x128xf32, #tpu.memory_space<vmem>>, vector<1x16xf32>,
        %get3A_437 = vector.shape_cast %get3A_436 : vector<1x16xf32> to vector<16xf32>
        %add3A_438 = arith.addf %get3A_433, %get3A_437 : vector<16xf32>
        %get3A_439 = arith.index_cast %add3A_319 : i32 to index
        %get3A_440 = arith.constant 80 : index
        %get3A_441 = tpu.vector_load %arg13[%get3A_439, %get3A_440] {strides = array<i32>} : memref<40x128xf32, #tpu.memory_space<vmem>>, vector<1x16xf32>,
        %get3A_442 = vector.shape_cast %get3A_441 : vector<1x16xf32> to vector<16xf32>
        %add3A_443 = arith.addf %add3A_438, %get3A_442 : vector<16xf32>
        %max3A_444 = arith.constant 0.000000e+00 : f32
        %max3A_445 = vector.broadcast %max3A_444 : f32 to vector<16xf32>
        %max3A_446 = arith.maximumf %add3A_443, %max3A_445 : vector<16xf32>
        %swap3A_447 = arith.index_cast %add3A_319 : i32 to index
        %swap3A_448 = arith.constant 80 : index
        %swap3A_449 = tpu.vector_load %arg9[%swap3A_447, %swap3A_448] {strides = array<i32>} : memref<40x128xf32, #tpu.memory_space<vmem>>, vector<1x16xf32>,
        %swap3A_450 = vector.shape_cast %swap3A_449 : vector<1x16xf32> to vector<16xf32>
        %swap3A_451 = vector.shape_cast %max3A_446 : vector<16xf32> to vector<1x16xf32>
        tpu.vector_store %arg9[%swap3A_447, %swap3A_448], %swap3A_451 {strides = array<i32>} : memref<40x128xf32, #tpu.memory_space<vmem>>, vector<1x16xf32>,
        %get3A_452 = arith.index_cast %add3A_319 : i32 to index
        %get3A_453 = arith.constant 96 : index
        %get3A_454 = tpu.vector_load %arg9[%get3A_452, %get3A_453] {strides = array<i32>} : memref<40x128xf32, #tpu.memory_space<vmem>>, vector<1x16xf32>,
        %get3A_455 = vector.shape_cast %get3A_454 : vector<1x16xf32> to vector<16xf32>
        %get3A_456 = arith.index_cast %add3A_319 : i32 to index
        %get3A_457 = arith.constant 96 : index
        %get3A_458 = tpu.vector_load %arg11[%get3A_456, %get3A_457] {strides = array<i32>} : memref<40x128xf32, #tpu.memory_space<vmem>>, vector<1x16xf32>,
        %get3A_459 = vector.shape_cast %get3A_458 : vector<1x16xf32> to vector<16xf32>
        %add3A_460 = arith.addf %get3A_455, %get3A_459 : vector<16xf32>
        %get3A_461 = arith.index_cast %add3A_319 : i32 to index
        %get3A_462 = arith.constant 96 : index
        %get3A_463 = tpu.vector_load %arg13[%get3A_461, %get3A_462] {strides = array<i32>} : memref<40x128xf32, #tpu.memory_space<vmem>>, vector<1x16xf32>,
        %get3A_464 = vector.shape_cast %get3A_463 : vector<1x16xf32> to vector<16xf32>
        %add3A_465 = arith.addf %add3A_460, %get3A_464 : vector<16xf32>
        %max3A_466 = arith.constant 0.000000e+00 : f32
        %max3A_467 = vector.broadcast %max3A_466 : f32 to vector<16xf32>
        %max3A_468 = arith.maximumf %add3A_465, %max3A_467 : vector<16xf32>
        %swap3A_469 = arith.index_cast %add3A_319 : i32 to index
        %swap3A_470 = arith.constant 96 : index
        %swap3A_471 = tpu.vector_load %arg9[%swap3A_469, %swap3A_470] {strides = array<i32>} : memref<40x128xf32, #tpu.memory_space<vmem>>, vector<1x16xf32>,
        %swap3A_472 = vector.shape_cast %swap3A_471 : vector<1x16xf32> to vector<16xf32>
        %swap3A_473 = vector.shape_cast %max3A_468 : vector<16xf32> to vector<1x16xf32>
        tpu.vector_store %arg9[%swap3A_469, %swap3A_470], %swap3A_473 {strides = array<i32>} : memref<40x128xf32, #tpu.memory_space<vmem>>, vector<1x16xf32>,
        %get3A_474 = arith.index_cast %add3A_319 : i32 to index
        %get3A_475 = arith.constant 112 : index
        %get3A_476 = tpu.vector_load %arg9[%get3A_474, %get3A_475] {strides = array<i32>} : memref<40x128xf32, #tpu.memory_space<vmem>>, vector<1x16xf32>,
        %get3A_477 = vector.shape_cast %get3A_476 : vector<1x16xf32> to vector<16xf32>
        %get3A_478 = arith.index_cast %add3A_319 : i32 to index
        %get3A_479 = arith.constant 112 : index
        %get3A_480 = tpu.vector_load %arg11[%get3A_478, %get3A_479] {strides = array<i32>} : memref<40x128xf32, #tpu.memory_space<vmem>>, vector<1x16xf32>,
        %get3A_481 = vector.shape_cast %get3A_480 : vector<1x16xf32> to vector<16xf32>
        %add3A_482 = arith.addf %get3A_477, %get3A_481 : vector<16xf32>
        %get3A_483 = arith.index_cast %add3A_319 : i32 to index
        %get3A_484 = arith.constant 112 : index
        %get3A_485 = tpu.vector_load %arg13[%get3A_483, %get3A_484] {strides = array<i32>} : memref<40x128xf32, #tpu.memory_space<vmem>>, vector<1x16xf32>,
        %get3A_486 = vector.shape_cast %get3A_485 : vector<1x16xf32> to vector<16xf32>
        %add3A_487 = arith.addf %add3A_482, %get3A_486 : vector<16xf32>
        %max3A_488 = arith.constant 0.000000e+00 : f32
        %max3A_489 = vector.broadcast %max3A_488 : f32 to vector<16xf32>
        %max3A_490 = arith.maximumf %add3A_487, %max3A_489 : vector<16xf32>
        %swap3A_491 = arith.index_cast %add3A_319 : i32 to index
        %swap3A_492 = arith.constant 112 : index
        %swap3A_493 = tpu.vector_load %arg9[%swap3A_491, %swap3A_492] {strides = array<i32>} : memref<40x128xf32, #tpu.memory_space<vmem>>, vector<1x16xf32>,
        %swap3A_494 = vector.shape_cast %swap3A_493 : vector<1x16xf32> to vector<16xf32>
        %swap3A_495 = vector.shape_cast %max3A_490 : vector<16xf32> to vector<1x16xf32>
        tpu.vector_store %arg9[%swap3A_491, %swap3A_492], %swap3A_495 {strides = array<i32>} : memref<40x128xf32, #tpu.memory_space<vmem>>, vector<1x16xf32>,
      }
      %scan3A_87 = arith.constant 20 : i32
      %run_scoped3A = arith.constant 1 : i32
      "tpu.region"() ({
        %run_scoped3A_138 = tpu.sem_alloc : memref<!tpu.dma_semaphore, #tpu.memory_space<semaphore_mem>>
        %dma_start3A_139 = arith.constant 0 : i32
        %dma_start3A_140 = tpu.memref_slice %arg7[%run_scoped3A, %dma_start3A_139] : memref<2x40xi32, #tpu.memory_space<vmem>> -> memref<1x40xi32, #tpu.memory_space<vmem>>
        %dma_start3A_141 = tpu.memref_squeeze %dma_start3A_140 : memref<1x40xi32, #tpu.memory_space<vmem>> -> memref<40xi32, #tpu.memory_space<vmem>>
        %dma_start3A_142 = arith.constant 0 : i32
        %dma_start3A_143 = arith.constant 0 : i32
        %dma_start3A_144 = tpu.memref_slice %arg15[%dma_start3A_142, %dma_start3A_143] : memref<10240x128xf32, #tpu.memory_space<vmem_shared>> -> memref<10240x128xf32, #tpu.memory_space<vmem_shared>>
        tpu.enqueue_indirect_dma source(%arg9 : memref<40x128xf32, #tpu.memory_space<vmem>>) target(%dma_start3A_144 : memref<10240x128xf32, #tpu.memory_space<vmem_shared>>) offsets(%dma_start3A_141 : memref<40xi32, #tpu.memory_space<vmem>>) semaphore(%run_scoped3A_138 : memref<!tpu.dma_semaphore, #tpu.memory_space<semaphore_mem>>) {add = true}
        %dma_wait3A_145 = arith.constant 0 : i32
        %dma_wait3A_146 = tpu.memref_slice %arg7[%run_scoped3A, %dma_wait3A_145] : memref<2x40xi32, #tpu.memory_space<vmem>> -> memref<1x40xi32, #tpu.memory_space<vmem>>
        %dma_wait3A_147 = tpu.memref_squeeze %dma_wait3A_146 : memref<1x40xi32, #tpu.memory_space<vmem>> -> memref<40xi32, #tpu.memory_space<vmem>>
        %dma_wait3A_148 = arith.constant 0 : i32
        %dma_wait3A_149 = arith.constant 0 : i32
        %dma_wait3A_150 = tpu.memref_slice %arg15[%dma_wait3A_148, %dma_wait3A_149] : memref<10240x128xf32, #tpu.memory_space<vmem_shared>> -> memref<10240x128xf32, #tpu.memory_space<vmem_shared>>
        tpu.wait_indirect_dma semaphore(%run_scoped3A_138 : memref<!tpu.dma_semaphore, #tpu.memory_space<semaphore_mem>>) src(%arg9 : memref<40x128xf32, #tpu.memory_space<vmem>>) dst(%dma_wait3A_150 : memref<10240x128xf32, #tpu.memory_space<vmem_shared>>)
        tpu.yield
      }) : () -> ()
      %add3A_88 = arith.constant 2 : i32
      %add3A_89 = arith.addi %mul3A_60, %add3A_88 : i32
      %lt3A_90 = arith.constant 250 : i32
      %lt3A_91 = arith.cmpi slt, %add3A_89, %lt3A_90 : i32
      %convert_element_type3A_92 = arith.extui %lt3A_91 : i1 to i32
      %cond3A_93 = arith.constant 0 : i32
      %cond3A_94 = arith.cmpi ne, %convert_element_type3A_92, %cond3A_93 : i32
      scf.if %cond3A_94 {
        %add3A_138 = arith.addi %mul3A_2, %mul3A_60 : i32
        %add3A_139 = arith.constant 2 : i32
        %add3A_140 = arith.addi %add3A_138, %add3A_139 : i32
        %dma_start3A_141 = arith.constant 0 : i32
        %dma_start3A_142 = arith.constant 0 : i32
        %dma_start3A_143 = tpu.memref_slice %arg5[%add3A_140, %dma_start3A_141, %dma_start3A_142] : memref<8000x2x40xi32, #tpu.memory_space<hbm>> -> memref<1x2x40xi32, #tpu.memory_space<hbm>>
        %dma_start3A_144 = tpu.memref_squeeze %dma_start3A_143 : memref<1x2x40xi32, #tpu.memory_space<hbm>> -> memref<2x40xi32, #tpu.memory_space<hbm>>
        %dma_start3A_145 = arith.constant 0 : i32
        %dma_start3A_146 = arith.constant 0 : i32
        %dma_start3A_147 = tpu.memref_slice %arg5[%add3A_140, %dma_start3A_145, %dma_start3A_146] : memref<8000x2x40xi32, #tpu.memory_space<hbm>> -> memref<1x2x40xi32, #tpu.memory_space<hbm>>
        %dma_start3A_148 = tpu.memref_squeeze %dma_start3A_147 : memref<1x2x40xi32, #tpu.memory_space<hbm>> -> memref<2x40xi32, #tpu.memory_space<hbm>>
        tpu.enqueue_dma source(%dma_start3A_148 : memref<2x40xi32, #tpu.memory_space<hbm>>) target(%arg7 : memref<2x40xi32, #tpu.memory_space<vmem>>) target_semaphore(%arg16 : memref<!tpu.dma_semaphore, #tpu.memory_space<semaphore_mem>>)
      } else {
      }
      %mul3A_95 = arith.constant 2 : i32
      %mul3A_96 = arith.muli %mul3A_95, %scan3A_58 : i32
      %add3A_97 = arith.constant 1 : i32
      %add3A_98 = arith.addi %mul3A_96, %add3A_97 : i32
      %add3A_99 = arith.constant 1 : i32
      %add3A_100 = arith.addi %add3A_98, %add3A_99 : i32
      %lt3A_101 = arith.constant 250 : i32
      %lt3A_102 = arith.cmpi slt, %add3A_100, %lt3A_101 : i32
      %convert_element_type3A_103 = arith.extui %lt3A_102 : i1 to i32
      %cond3A_104 = arith.constant 0 : i32
      %cond3A_105 = arith.cmpi ne, %convert_element_type3A_103, %cond3A_104 : i32
      scf.if %cond3A_105 {
        %dma_wait3A_138 = arith.constant 0 : i32
        %dma_wait3A_139 = arith.constant 0 : i32
        %dma_wait3A_140 = tpu.memref_slice %arg5[%mul3A_2, %dma_wait3A_138, %dma_wait3A_139] : memref<8000x2x40xi32, #tpu.memory_space<hbm>> -> memref<1x2x40xi32, #tpu.memory_space<hbm>>
        %dma_wait3A_141 = tpu.memref_squeeze %dma_wait3A_140 : memref<1x2x40xi32, #tpu.memory_space<hbm>> -> memref<2x40xi32, #tpu.memory_space<hbm>>
        %dma_wait3A_142 = arith.constant 0 : i32
        %dma_wait3A_143 = arith.constant 0 : i32
        %dma_wait3A_144 = tpu.memref_slice %arg5[%mul3A_2, %dma_wait3A_142, %dma_wait3A_143] : memref<8000x2x40xi32, #tpu.memory_space<hbm>> -> memref<1x2x40xi32, #tpu.memory_space<hbm>>
        %dma_wait3A_145 = tpu.memref_squeeze %dma_wait3A_144 : memref<1x2x40xi32, #tpu.memory_space<hbm>> -> memref<2x40xi32, #tpu.memory_space<hbm>>
        tpu.wait_dma2 semaphore(%arg16 : memref<!tpu.dma_semaphore, #tpu.memory_space<semaphore_mem>>) src(%dma_wait3A_145 : memref<2x40xi32, #tpu.memory_space<hbm>>) dst(%arg7 : memref<2x40xi32, #tpu.memory_space<vmem>>)
        %add3A_146 = arith.constant 1 : i32
        %add3A_147 = arith.addi %add3A_98, %add3A_146 : i32
        %dma_start3A_148 = arith.constant 0 : i32
        %dma_start3A_149 = arith.constant 0 : i32
        %dma_start3A_150 = tpu.memref_slice %arg7[%dma_start3A_148, %dma_start3A_149] : memref<2x40xi32, #tpu.memory_space<vmem>> -> memref<1x40xi32, #tpu.memory_space<vmem>>
        %dma_start3A_151 = tpu.memref_squeeze %dma_start3A_150 : memref<1x40xi32, #tpu.memory_space<vmem>> -> memref<40xi32, #tpu.memory_space<vmem>>
        %dma_start3A_152 = arith.constant 0 : i32
        %dma_start3A_153 = arith.constant 0 : i32
        %dma_start3A_154 = tpu.memref_slice %arg2[%dma_start3A_152, %dma_start3A_153] : memref<10000x128xf32, #tpu.memory_space<hbm>> -> memref<10000x128xf32, #tpu.memory_space<hbm>>
        tpu.enqueue_indirect_dma source(%dma_start3A_154 : memref<10000x128xf32, #tpu.memory_space<hbm>>) target(%arg9 : memref<40x128xf32, #tpu.memory_space<vmem>>) offsets(%dma_start3A_151 : memref<40xi32, #tpu.memory_space<vmem>>) semaphore(%arg18 : memref<!tpu.dma_semaphore, #tpu.memory_space<semaphore_mem>>)
        %dma_start3A_155 = arith.constant 1 : i32
        %dma_start3A_156 = arith.constant 0 : i32
        %dma_start3A_157 = tpu.memref_slice %arg7[%dma_start3A_155, %dma_start3A_156] : memref<2x40xi32, #tpu.memory_space<vmem>> -> memref<1x40xi32, #tpu.memory_space<vmem>>
        %dma_start3A_158 = tpu.memref_squeeze %dma_start3A_157 : memref<1x40xi32, #tpu.memory_space<vmem>> -> memref<40xi32, #tpu.memory_space<vmem>>
        %dma_start3A_159 = arith.constant 0 : i32
        %dma_start3A_160 = arith.constant 0 : i32
        %dma_start3A_161 = tpu.memref_slice %arg3[%dma_start3A_159, %dma_start3A_160] : memref<10000x128xf32, #tpu.memory_space<hbm>> -> memref<10000x128xf32, #tpu.memory_space<hbm>>
        tpu.enqueue_indirect_dma source(%dma_start3A_161 : memref<10000x128xf32, #tpu.memory_space<hbm>>) target(%arg11 : memref<40x128xf32, #tpu.memory_space<vmem>>) offsets(%dma_start3A_158 : memref<40xi32, #tpu.memory_space<vmem>>) semaphore(%arg20 : memref<!tpu.dma_semaphore, #tpu.memory_space<semaphore_mem>>)
        %mul3A_162 = arith.constant 40 : i32
        %mul3A_163 = arith.muli %add3A_147, %mul3A_162 : i32
        %add3A_164 = arith.addi %mul3A_4, %mul3A_163 : i32
        %dma_start3A_165 = arith.constant 0 : i32
        %dma_start3A_166 = tpu.memref_slice %arg4[%add3A_164, %dma_start3A_165] : memref<320000x128xf32, #tpu.memory_space<hbm>> -> memref<40x128xf32, #tpu.memory_space<hbm>>
        %dma_start3A_167 = arith.constant 0 : i32
        %dma_start3A_168 = tpu.memref_slice %arg4[%add3A_164, %dma_start3A_167] : memref<320000x128xf32, #tpu.memory_space<hbm>> -> memref<40x128xf32, #tpu.memory_space<hbm>>
        tpu.enqueue_dma source(%dma_start3A_168 : memref<40x128xf32, #tpu.memory_space<hbm>>) target(%arg13 : memref<40x128xf32, #tpu.memory_space<vmem>>) target_semaphore(%arg22 : memref<!tpu.dma_semaphore, #tpu.memory_space<semaphore_mem>>)
      } else {
      }
      %dma_wait3A_106 = arith.constant 0 : i32
      %dma_wait3A_107 = arith.constant 0 : i32
      %dma_wait3A_108 = tpu.memref_slice %arg8[%dma_wait3A_106, %dma_wait3A_107] : memref<2x40xi32, #tpu.memory_space<vmem>> -> memref<1x40xi32, #tpu.memory_space<vmem>>
      %dma_wait3A_109 = tpu.memref_squeeze %dma_wait3A_108 : memref<1x40xi32, #tpu.memory_space<vmem>> -> memref<40xi32, #tpu.memory_space<vmem>>
      %dma_wait3A_110 = arith.constant 0 : i32
      %dma_wait3A_111 = arith.constant 0 : i32
      %dma_wait3A_112 = tpu.memref_slice %arg2[%dma_wait3A_110, %dma_wait3A_111] : memref<10000x128xf32, #tpu.memory_space<hbm>> -> memref<10000x128xf32, #tpu.memory_space<hbm>>
      tpu.wait_indirect_dma semaphore(%arg19 : memref<!tpu.dma_semaphore, #tpu.memory_space<semaphore_mem>>) src(%dma_wait3A_112 : memref<10000x128xf32, #tpu.memory_space<hbm>>) dst(%arg10 : memref<40x128xf32, #tpu.memory_space<vmem>>)
      %dma_wait3A_113 = arith.constant 1 : i32
      %dma_wait3A_114 = arith.constant 0 : i32
      %dma_wait3A_115 = tpu.memref_slice %arg8[%dma_wait3A_113, %dma_wait3A_114] : memref<2x40xi32, #tpu.memory_space<vmem>> -> memref<1x40xi32, #tpu.memory_space<vmem>>
      %dma_wait3A_116 = tpu.memref_squeeze %dma_wait3A_115 : memref<1x40xi32, #tpu.memory_space<vmem>> -> memref<40xi32, #tpu.memory_space<vmem>>
      %dma_wait3A_117 = arith.constant 0 : i32
      %dma_wait3A_118 = arith.constant 0 : i32
      %dma_wait3A_119 = tpu.memref_slice %arg3[%dma_wait3A_117, %dma_wait3A_118] : memref<10000x128xf32, #tpu.memory_space<hbm>> -> memref<10000x128xf32, #tpu.memory_space<hbm>>
      tpu.wait_indirect_dma semaphore(%arg21 : memref<!tpu.dma_semaphore, #tpu.memory_space<semaphore_mem>>) src(%dma_wait3A_119 : memref<10000x128xf32, #tpu.memory_space<hbm>>) dst(%arg12 : memref<40x128xf32, #tpu.memory_space<vmem>>)
      %dma_wait3A_120 = arith.constant 0 : i32
      %dma_wait3A_121 = tpu.memref_slice %arg4[%mul3A_4, %dma_wait3A_120] : memref<320000x128xf32, #tpu.memory_space<hbm>> -> memref<40x128xf32, #tpu.memory_space<hbm>>
      %dma_wait3A_122 = arith.constant 0 : i32
      %dma_wait3A_123 = tpu.memref_slice %arg4[%mul3A_4, %dma_wait3A_122] : memref<320000x128xf32, #tpu.memory_space<hbm>> -> memref<40x128xf32, #tpu.memory_space<hbm>>
      tpu.wait_dma2 semaphore(%arg23 : memref<!tpu.dma_semaphore, #tpu.memory_space<semaphore_mem>>) src(%dma_wait3A_123 : memref<40x128xf32, #tpu.memory_space<hbm>>) dst(%arg14 : memref<40x128xf32, #tpu.memory_space<vmem>>)
      %scan3A_124 = arith.constant 0 : i32
      %scan3A_125 = arith.constant 0 : i32
      %scan3A_126 = arith.constant 20 : i32
      %scan3A_127 = arith.addi %scan3A_125, %scan3A_126 : i32
      %scan3A_128 = arith.constant 1 : i32
      scf.for %scan3A_138 = %scan3A_125 to %scan3A_127 step %scan3A_128  : i32 {
        %mul3A_139 = arith.constant 2 : i32
        %mul3A_140 = arith.muli %mul3A_139, %scan3A_138 : i32
        %add3A_141 = arith.constant 0 : i32
        %add3A_142 = arith.addi %mul3A_140, %add3A_141 : i32
        %get3A = arith.index_cast %add3A_142 : i32 to index
        %get3A_143 = arith.constant 0 : index
        %get3A_144 = tpu.vector_load %arg10[%get3A, %get3A_143] {strides = array<i32>} : memref<40x128xf32, #tpu.memory_space<vmem>>, vector<1x16xf32>,
        %get3A_145 = vector.shape_cast %get3A_144 : vector<1x16xf32> to vector<16xf32>
        %get3A_146 = arith.index_cast %add3A_142 : i32 to index
        %get3A_147 = arith.constant 0 : index
        %get3A_148 = tpu.vector_load %arg12[%get3A_146, %get3A_147] {strides = array<i32>} : memref<40x128xf32, #tpu.memory_space<vmem>>, vector<1x16xf32>,
        %get3A_149 = vector.shape_cast %get3A_148 : vector<1x16xf32> to vector<16xf32>
        %add3A_150 = arith.addf %get3A_145, %get3A_149 : vector<16xf32>
        %get3A_151 = arith.index_cast %add3A_142 : i32 to index
        %get3A_152 = arith.constant 0 : index
        %get3A_153 = tpu.vector_load %arg14[%get3A_151, %get3A_152] {strides = array<i32>} : memref<40x128xf32, #tpu.memory_space<vmem>>, vector<1x16xf32>,
        %get3A_154 = vector.shape_cast %get3A_153 : vector<1x16xf32> to vector<16xf32>
        %add3A_155 = arith.addf %add3A_150, %get3A_154 : vector<16xf32>
        %max3A = arith.constant 0.000000e+00 : f32
        %max3A_156 = vector.broadcast %max3A : f32 to vector<16xf32>
        %max3A_157 = arith.maximumf %add3A_155, %max3A_156 : vector<16xf32>
        %swap3A = arith.index_cast %add3A_142 : i32 to index
        %swap3A_158 = arith.constant 0 : index
        %swap3A_159 = tpu.vector_load %arg10[%swap3A, %swap3A_158] {strides = array<i32>} : memref<40x128xf32, #tpu.memory_space<vmem>>, vector<1x16xf32>,
        %swap3A_160 = vector.shape_cast %swap3A_159 : vector<1x16xf32> to vector<16xf32>
        %swap3A_161 = vector.shape_cast %max3A_157 : vector<16xf32> to vector<1x16xf32>
        tpu.vector_store %arg10[%swap3A, %swap3A_158], %swap3A_161 {strides = array<i32>} : memref<40x128xf32, #tpu.memory_space<vmem>>, vector<1x16xf32>,
        %get3A_162 = arith.index_cast %add3A_142 : i32 to index
        %get3A_163 = arith.constant 16 : index
        %get3A_164 = tpu.vector_load %arg10[%get3A_162, %get3A_163] {strides = array<i32>} : memref<40x128xf32, #tpu.memory_space<vmem>>, vector<1x16xf32>,
        %get3A_165 = vector.shape_cast %get3A_164 : vector<1x16xf32> to vector<16xf32>
        %get3A_166 = arith.index_cast %add3A_142 : i32 to index
        %get3A_167 = arith.constant 16 : index
        %get3A_168 = tpu.vector_load %arg12[%get3A_166, %get3A_167] {strides = array<i32>} : memref<40x128xf32, #tpu.memory_space<vmem>>, vector<1x16xf32>,
        %get3A_169 = vector.shape_cast %get3A_168 : vector<1x16xf32> to vector<16xf32>
        %add3A_170 = arith.addf %get3A_165, %get3A_169 : vector<16xf32>
        %get3A_171 = arith.index_cast %add3A_142 : i32 to index
        %get3A_172 = arith.constant 16 : index
        %get3A_173 = tpu.vector_load %arg14[%get3A_171, %get3A_172] {strides = array<i32>} : memref<40x128xf32, #tpu.memory_space<vmem>>, vector<1x16xf32>,
        %get3A_174 = vector.shape_cast %get3A_173 : vector<1x16xf32> to vector<16xf32>
        %add3A_175 = arith.addf %add3A_170, %get3A_174 : vector<16xf32>
        %max3A_176 = arith.constant 0.000000e+00 : f32
        %max3A_177 = vector.broadcast %max3A_176 : f32 to vector<16xf32>
        %max3A_178 = arith.maximumf %add3A_175, %max3A_177 : vector<16xf32>
        %swap3A_179 = arith.index_cast %add3A_142 : i32 to index
        %swap3A_180 = arith.constant 16 : index
        %swap3A_181 = tpu.vector_load %arg10[%swap3A_179, %swap3A_180] {strides = array<i32>} : memref<40x128xf32, #tpu.memory_space<vmem>>, vector<1x16xf32>,
        %swap3A_182 = vector.shape_cast %swap3A_181 : vector<1x16xf32> to vector<16xf32>
        %swap3A_183 = vector.shape_cast %max3A_178 : vector<16xf32> to vector<1x16xf32>
        tpu.vector_store %arg10[%swap3A_179, %swap3A_180], %swap3A_183 {strides = array<i32>} : memref<40x128xf32, #tpu.memory_space<vmem>>, vector<1x16xf32>,
        %get3A_184 = arith.index_cast %add3A_142 : i32 to index
        %get3A_185 = arith.constant 32 : index
        %get3A_186 = tpu.vector_load %arg10[%get3A_184, %get3A_185] {strides = array<i32>} : memref<40x128xf32, #tpu.memory_space<vmem>>, vector<1x16xf32>,
        %get3A_187 = vector.shape_cast %get3A_186 : vector<1x16xf32> to vector<16xf32>
        %get3A_188 = arith.index_cast %add3A_142 : i32 to index
        %get3A_189 = arith.constant 32 : index
        %get3A_190 = tpu.vector_load %arg12[%get3A_188, %get3A_189] {strides = array<i32>} : memref<40x128xf32, #tpu.memory_space<vmem>>, vector<1x16xf32>,
        %get3A_191 = vector.shape_cast %get3A_190 : vector<1x16xf32> to vector<16xf32>
        %add3A_192 = arith.addf %get3A_187, %get3A_191 : vector<16xf32>
        %get3A_193 = arith.index_cast %add3A_142 : i32 to index
        %get3A_194 = arith.constant 32 : index
        %get3A_195 = tpu.vector_load %arg14[%get3A_193, %get3A_194] {strides = array<i32>} : memref<40x128xf32, #tpu.memory_space<vmem>>, vector<1x16xf32>,
        %get3A_196 = vector.shape_cast %get3A_195 : vector<1x16xf32> to vector<16xf32>
        %add3A_197 = arith.addf %add3A_192, %get3A_196 : vector<16xf32>
        %max3A_198 = arith.constant 0.000000e+00 : f32
        %max3A_199 = vector.broadcast %max3A_198 : f32 to vector<16xf32>
        %max3A_200 = arith.maximumf %add3A_197, %max3A_199 : vector<16xf32>
        %swap3A_201 = arith.index_cast %add3A_142 : i32 to index
        %swap3A_202 = arith.constant 32 : index
        %swap3A_203 = tpu.vector_load %arg10[%swap3A_201, %swap3A_202] {strides = array<i32>} : memref<40x128xf32, #tpu.memory_space<vmem>>, vector<1x16xf32>,
        %swap3A_204 = vector.shape_cast %swap3A_203 : vector<1x16xf32> to vector<16xf32>
        %swap3A_205 = vector.shape_cast %max3A_200 : vector<16xf32> to vector<1x16xf32>
        tpu.vector_store %arg10[%swap3A_201, %swap3A_202], %swap3A_205 {strides = array<i32>} : memref<40x128xf32, #tpu.memory_space<vmem>>, vector<1x16xf32>,
        %get3A_206 = arith.index_cast %add3A_142 : i32 to index
        %get3A_207 = arith.constant 48 : index
        %get3A_208 = tpu.vector_load %arg10[%get3A_206, %get3A_207] {strides = array<i32>} : memref<40x128xf32, #tpu.memory_space<vmem>>, vector<1x16xf32>,
        %get3A_209 = vector.shape_cast %get3A_208 : vector<1x16xf32> to vector<16xf32>
        %get3A_210 = arith.index_cast %add3A_142 : i32 to index
        %get3A_211 = arith.constant 48 : index
        %get3A_212 = tpu.vector_load %arg12[%get3A_210, %get3A_211] {strides = array<i32>} : memref<40x128xf32, #tpu.memory_space<vmem>>, vector<1x16xf32>,
        %get3A_213 = vector.shape_cast %get3A_212 : vector<1x16xf32> to vector<16xf32>
        %add3A_214 = arith.addf %get3A_209, %get3A_213 : vector<16xf32>
        %get3A_215 = arith.index_cast %add3A_142 : i32 to index
        %get3A_216 = arith.constant 48 : index
        %get3A_217 = tpu.vector_load %arg14[%get3A_215, %get3A_216] {strides = array<i32>} : memref<40x128xf32, #tpu.memory_space<vmem>>, vector<1x16xf32>,
        %get3A_218 = vector.shape_cast %get3A_217 : vector<1x16xf32> to vector<16xf32>
        %add3A_219 = arith.addf %add3A_214, %get3A_218 : vector<16xf32>
        %max3A_220 = arith.constant 0.000000e+00 : f32
        %max3A_221 = vector.broadcast %max3A_220 : f32 to vector<16xf32>
        %max3A_222 = arith.maximumf %add3A_219, %max3A_221 : vector<16xf32>
        %swap3A_223 = arith.index_cast %add3A_142 : i32 to index
        %swap3A_224 = arith.constant 48 : index
        %swap3A_225 = tpu.vector_load %arg10[%swap3A_223, %swap3A_224] {strides = array<i32>} : memref<40x128xf32, #tpu.memory_space<vmem>>, vector<1x16xf32>,
        %swap3A_226 = vector.shape_cast %swap3A_225 : vector<1x16xf32> to vector<16xf32>
        %swap3A_227 = vector.shape_cast %max3A_222 : vector<16xf32> to vector<1x16xf32>
        tpu.vector_store %arg10[%swap3A_223, %swap3A_224], %swap3A_227 {strides = array<i32>} : memref<40x128xf32, #tpu.memory_space<vmem>>, vector<1x16xf32>,
        %get3A_228 = arith.index_cast %add3A_142 : i32 to index
        %get3A_229 = arith.constant 64 : index
        %get3A_230 = tpu.vector_load %arg10[%get3A_228, %get3A_229] {strides = array<i32>} : memref<40x128xf32, #tpu.memory_space<vmem>>, vector<1x16xf32>,
        %get3A_231 = vector.shape_cast %get3A_230 : vector<1x16xf32> to vector<16xf32>
        %get3A_232 = arith.index_cast %add3A_142 : i32 to index
        %get3A_233 = arith.constant 64 : index
        %get3A_234 = tpu.vector_load %arg12[%get3A_232, %get3A_233] {strides = array<i32>} : memref<40x128xf32, #tpu.memory_space<vmem>>, vector<1x16xf32>,
        %get3A_235 = vector.shape_cast %get3A_234 : vector<1x16xf32> to vector<16xf32>
        %add3A_236 = arith.addf %get3A_231, %get3A_235 : vector<16xf32>
        %get3A_237 = arith.index_cast %add3A_142 : i32 to index
        %get3A_238 = arith.constant 64 : index
        %get3A_239 = tpu.vector_load %arg14[%get3A_237, %get3A_238] {strides = array<i32>} : memref<40x128xf32, #tpu.memory_space<vmem>>, vector<1x16xf32>,
        %get3A_240 = vector.shape_cast %get3A_239 : vector<1x16xf32> to vector<16xf32>
        %add3A_241 = arith.addf %add3A_236, %get3A_240 : vector<16xf32>
        %max3A_242 = arith.constant 0.000000e+00 : f32
        %max3A_243 = vector.broadcast %max3A_242 : f32 to vector<16xf32>
        %max3A_244 = arith.maximumf %add3A_241, %max3A_243 : vector<16xf32>
        %swap3A_245 = arith.index_cast %add3A_142 : i32 to index
        %swap3A_246 = arith.constant 64 : index
        %swap3A_247 = tpu.vector_load %arg10[%swap3A_245, %swap3A_246] {strides = array<i32>} : memref<40x128xf32, #tpu.memory_space<vmem>>, vector<1x16xf32>,
        %swap3A_248 = vector.shape_cast %swap3A_247 : vector<1x16xf32> to vector<16xf32>
        %swap3A_249 = vector.shape_cast %max3A_244 : vector<16xf32> to vector<1x16xf32>
        tpu.vector_store %arg10[%swap3A_245, %swap3A_246], %swap3A_249 {strides = array<i32>} : memref<40x128xf32, #tpu.memory_space<vmem>>, vector<1x16xf32>,
        %get3A_250 = arith.index_cast %add3A_142 : i32 to index
        %get3A_251 = arith.constant 80 : index
        %get3A_252 = tpu.vector_load %arg10[%get3A_250, %get3A_251] {strides = array<i32>} : memref<40x128xf32, #tpu.memory_space<vmem>>, vector<1x16xf32>,
        %get3A_253 = vector.shape_cast %get3A_252 : vector<1x16xf32> to vector<16xf32>
        %get3A_254 = arith.index_cast %add3A_142 : i32 to index
        %get3A_255 = arith.constant 80 : index
        %get3A_256 = tpu.vector_load %arg12[%get3A_254, %get3A_255] {strides = array<i32>} : memref<40x128xf32, #tpu.memory_space<vmem>>, vector<1x16xf32>,
        %get3A_257 = vector.shape_cast %get3A_256 : vector<1x16xf32> to vector<16xf32>
        %add3A_258 = arith.addf %get3A_253, %get3A_257 : vector<16xf32>
        %get3A_259 = arith.index_cast %add3A_142 : i32 to index
        %get3A_260 = arith.constant 80 : index
        %get3A_261 = tpu.vector_load %arg14[%get3A_259, %get3A_260] {strides = array<i32>} : memref<40x128xf32, #tpu.memory_space<vmem>>, vector<1x16xf32>,
        %get3A_262 = vector.shape_cast %get3A_261 : vector<1x16xf32> to vector<16xf32>
        %add3A_263 = arith.addf %add3A_258, %get3A_262 : vector<16xf32>
        %max3A_264 = arith.constant 0.000000e+00 : f32
        %max3A_265 = vector.broadcast %max3A_264 : f32 to vector<16xf32>
        %max3A_266 = arith.maximumf %add3A_263, %max3A_265 : vector<16xf32>
        %swap3A_267 = arith.index_cast %add3A_142 : i32 to index
        %swap3A_268 = arith.constant 80 : index
        %swap3A_269 = tpu.vector_load %arg10[%swap3A_267, %swap3A_268] {strides = array<i32>} : memref<40x128xf32, #tpu.memory_space<vmem>>, vector<1x16xf32>,
        %swap3A_270 = vector.shape_cast %swap3A_269 : vector<1x16xf32> to vector<16xf32>
        %swap3A_271 = vector.shape_cast %max3A_266 : vector<16xf32> to vector<1x16xf32>
        tpu.vector_store %arg10[%swap3A_267, %swap3A_268], %swap3A_271 {strides = array<i32>} : memref<40x128xf32, #tpu.memory_space<vmem>>, vector<1x16xf32>,
        %get3A_272 = arith.index_cast %add3A_142 : i32 to index
        %get3A_273 = arith.constant 96 : index
        %get3A_274 = tpu.vector_load %arg10[%get3A_272, %get3A_273] {strides = array<i32>} : memref<40x128xf32, #tpu.memory_space<vmem>>, vector<1x16xf32>,
        %get3A_275 = vector.shape_cast %get3A_274 : vector<1x16xf32> to vector<16xf32>
        %get3A_276 = arith.index_cast %add3A_142 : i32 to index
        %get3A_277 = arith.constant 96 : index
        %get3A_278 = tpu.vector_load %arg12[%get3A_276, %get3A_277] {strides = array<i32>} : memref<40x128xf32, #tpu.memory_space<vmem>>, vector<1x16xf32>,
        %get3A_279 = vector.shape_cast %get3A_278 : vector<1x16xf32> to vector<16xf32>
        %add3A_280 = arith.addf %get3A_275, %get3A_279 : vector<16xf32>
        %get3A_281 = arith.index_cast %add3A_142 : i32 to index
        %get3A_282 = arith.constant 96 : index
        %get3A_283 = tpu.vector_load %arg14[%get3A_281, %get3A_282] {strides = array<i32>} : memref<40x128xf32, #tpu.memory_space<vmem>>, vector<1x16xf32>,
        %get3A_284 = vector.shape_cast %get3A_283 : vector<1x16xf32> to vector<16xf32>
        %add3A_285 = arith.addf %add3A_280, %get3A_284 : vector<16xf32>
        %max3A_286 = arith.constant 0.000000e+00 : f32
        %max3A_287 = vector.broadcast %max3A_286 : f32 to vector<16xf32>
        %max3A_288 = arith.maximumf %add3A_285, %max3A_287 : vector<16xf32>
        %swap3A_289 = arith.index_cast %add3A_142 : i32 to index
        %swap3A_290 = arith.constant 96 : index
        %swap3A_291 = tpu.vector_load %arg10[%swap3A_289, %swap3A_290] {strides = array<i32>} : memref<40x128xf32, #tpu.memory_space<vmem>>, vector<1x16xf32>,
        %swap3A_292 = vector.shape_cast %swap3A_291 : vector<1x16xf32> to vector<16xf32>
        %swap3A_293 = vector.shape_cast %max3A_288 : vector<16xf32> to vector<1x16xf32>
        tpu.vector_store %arg10[%swap3A_289, %swap3A_290], %swap3A_293 {strides = array<i32>} : memref<40x128xf32, #tpu.memory_space<vmem>>, vector<1x16xf32>,
        %get3A_294 = arith.index_cast %add3A_142 : i32 to index
        %get3A_295 = arith.constant 112 : index
        %get3A_296 = tpu.vector_load %arg10[%get3A_294, %get3A_295] {strides = array<i32>} : memref<40x128xf32, #tpu.memory_space<vmem>>, vector<1x16xf32>,
        %get3A_297 = vector.shape_cast %get3A_296 : vector<1x16xf32> to vector<16xf32>
        %get3A_298 = arith.index_cast %add3A_142 : i32 to index
        %get3A_299 = arith.constant 112 : index
        %get3A_300 = tpu.vector_load %arg12[%get3A_298, %get3A_299] {strides = array<i32>} : memref<40x128xf32, #tpu.memory_space<vmem>>, vector<1x16xf32>,
        %get3A_301 = vector.shape_cast %get3A_300 : vector<1x16xf32> to vector<16xf32>
        %add3A_302 = arith.addf %get3A_297, %get3A_301 : vector<16xf32>
        %get3A_303 = arith.index_cast %add3A_142 : i32 to index
        %get3A_304 = arith.constant 112 : index
        %get3A_305 = tpu.vector_load %arg14[%get3A_303, %get3A_304] {strides = array<i32>} : memref<40x128xf32, #tpu.memory_space<vmem>>, vector<1x16xf32>,
        %get3A_306 = vector.shape_cast %get3A_305 : vector<1x16xf32> to vector<16xf32>
        %add3A_307 = arith.addf %add3A_302, %get3A_306 : vector<16xf32>
        %max3A_308 = arith.constant 0.000000e+00 : f32
        %max3A_309 = vector.broadcast %max3A_308 : f32 to vector<16xf32>
        %max3A_310 = arith.maximumf %add3A_307, %max3A_309 : vector<16xf32>
        %swap3A_311 = arith.index_cast %add3A_142 : i32 to index
        %swap3A_312 = arith.constant 112 : index
        %swap3A_313 = tpu.vector_load %arg10[%swap3A_311, %swap3A_312] {strides = array<i32>} : memref<40x128xf32, #tpu.memory_space<vmem>>, vector<1x16xf32>,
        %swap3A_314 = vector.shape_cast %swap3A_313 : vector<1x16xf32> to vector<16xf32>
        %swap3A_315 = vector.shape_cast %max3A_310 : vector<16xf32> to vector<1x16xf32>
        tpu.vector_store %arg10[%swap3A_311, %swap3A_312], %swap3A_315 {strides = array<i32>} : memref<40x128xf32, #tpu.memory_space<vmem>>, vector<1x16xf32>,
        %mul3A_316 = arith.constant 2 : i32
        %mul3A_317 = arith.muli %mul3A_316, %scan3A_138 : i32
        %add3A_318 = arith.constant 1 : i32
        %add3A_319 = arith.addi %mul3A_317, %add3A_318 : i32
        %get3A_320 = arith.index_cast %add3A_319 : i32 to index
        %get3A_321 = arith.constant 0 : index
        %get3A_322 = tpu.vector_load %arg10[%get3A_320, %get3A_321] {strides = array<i32>} : memref<40x128xf32, #tpu.memory_space<vmem>>, vector<1x16xf32>,
        %get3A_323 = vector.shape_cast %get3A_322 : vector<1x16xf32> to vector<16xf32>
        %get3A_324 = arith.index_cast %add3A_319 : i32 to index
        %get3A_325 = arith.constant 0 : index
        %get3A_326 = tpu.vector_load %arg12[%get3A_324, %get3A_325] {strides = array<i32>} : memref<40x128xf32, #tpu.memory_space<vmem>>, vector<1x16xf32>,
        %get3A_327 = vector.shape_cast %get3A_326 : vector<1x16xf32> to vector<16xf32>
        %add3A_328 = arith.addf %get3A_323, %get3A_327 : vector<16xf32>
        %get3A_329 = arith.index_cast %add3A_319 : i32 to index
        %get3A_330 = arith.constant 0 : index
        %get3A_331 = tpu.vector_load %arg14[%get3A_329, %get3A_330] {strides = array<i32>} : memref<40x128xf32, #tpu.memory_space<vmem>>, vector<1x16xf32>,
        %get3A_332 = vector.shape_cast %get3A_331 : vector<1x16xf32> to vector<16xf32>
        %add3A_333 = arith.addf %add3A_328, %get3A_332 : vector<16xf32>
        %max3A_334 = arith.constant 0.000000e+00 : f32
        %max3A_335 = vector.broadcast %max3A_334 : f32 to vector<16xf32>
        %max3A_336 = arith.maximumf %add3A_333, %max3A_335 : vector<16xf32>
        %swap3A_337 = arith.index_cast %add3A_319 : i32 to index
        %swap3A_338 = arith.constant 0 : index
        %swap3A_339 = tpu.vector_load %arg10[%swap3A_337, %swap3A_338] {strides = array<i32>} : memref<40x128xf32, #tpu.memory_space<vmem>>, vector<1x16xf32>,
        %swap3A_340 = vector.shape_cast %swap3A_339 : vector<1x16xf32> to vector<16xf32>
        %swap3A_341 = vector.shape_cast %max3A_336 : vector<16xf32> to vector<1x16xf32>
        tpu.vector_store %arg10[%swap3A_337, %swap3A_338], %swap3A_341 {strides = array<i32>} : memref<40x128xf32, #tpu.memory_space<vmem>>, vector<1x16xf32>,
        %get3A_342 = arith.index_cast %add3A_319 : i32 to index
        %get3A_343 = arith.constant 16 : index
        %get3A_344 = tpu.vector_load %arg10[%get3A_342, %get3A_343] {strides = array<i32>} : memref<40x128xf32, #tpu.memory_space<vmem>>, vector<1x16xf32>,
        %get3A_345 = vector.shape_cast %get3A_344 : vector<1x16xf32> to vector<16xf32>
        %get3A_346 = arith.index_cast %add3A_319 : i32 to index
        %get3A_347 = arith.constant 16 : index
        %get3A_348 = tpu.vector_load %arg12[%get3A_346, %get3A_347] {strides = array<i32>} : memref<40x128xf32, #tpu.memory_space<vmem>>, vector<1x16xf32>,
        %get3A_349 = vector.shape_cast %get3A_348 : vector<1x16xf32> to vector<16xf32>
        %add3A_350 = arith.addf %get3A_345, %get3A_349 : vector<16xf32>
        %get3A_351 = arith.index_cast %add3A_319 : i32 to index
        %get3A_352 = arith.constant 16 : index
        %get3A_353 = tpu.vector_load %arg14[%get3A_351, %get3A_352] {strides = array<i32>} : memref<40x128xf32, #tpu.memory_space<vmem>>, vector<1x16xf32>,
        %get3A_354 = vector.shape_cast %get3A_353 : vector<1x16xf32> to vector<16xf32>
        %add3A_355 = arith.addf %add3A_350, %get3A_354 : vector<16xf32>
        %max3A_356 = arith.constant 0.000000e+00 : f32
        %max3A_357 = vector.broadcast %max3A_356 : f32 to vector<16xf32>
        %max3A_358 = arith.maximumf %add3A_355, %max3A_357 : vector<16xf32>
        %swap3A_359 = arith.index_cast %add3A_319 : i32 to index
        %swap3A_360 = arith.constant 16 : index
        %swap3A_361 = tpu.vector_load %arg10[%swap3A_359, %swap3A_360] {strides = array<i32>} : memref<40x128xf32, #tpu.memory_space<vmem>>, vector<1x16xf32>,
        %swap3A_362 = vector.shape_cast %swap3A_361 : vector<1x16xf32> to vector<16xf32>
        %swap3A_363 = vector.shape_cast %max3A_358 : vector<16xf32> to vector<1x16xf32>
        tpu.vector_store %arg10[%swap3A_359, %swap3A_360], %swap3A_363 {strides = array<i32>} : memref<40x128xf32, #tpu.memory_space<vmem>>, vector<1x16xf32>,
        %get3A_364 = arith.index_cast %add3A_319 : i32 to index
        %get3A_365 = arith.constant 32 : index
        %get3A_366 = tpu.vector_load %arg10[%get3A_364, %get3A_365] {strides = array<i32>} : memref<40x128xf32, #tpu.memory_space<vmem>>, vector<1x16xf32>,
        %get3A_367 = vector.shape_cast %get3A_366 : vector<1x16xf32> to vector<16xf32>
        %get3A_368 = arith.index_cast %add3A_319 : i32 to index
        %get3A_369 = arith.constant 32 : index
        %get3A_370 = tpu.vector_load %arg12[%get3A_368, %get3A_369] {strides = array<i32>} : memref<40x128xf32, #tpu.memory_space<vmem>>, vector<1x16xf32>,
        %get3A_371 = vector.shape_cast %get3A_370 : vector<1x16xf32> to vector<16xf32>
        %add3A_372 = arith.addf %get3A_367, %get3A_371 : vector<16xf32>
        %get3A_373 = arith.index_cast %add3A_319 : i32 to index
        %get3A_374 = arith.constant 32 : index
        %get3A_375 = tpu.vector_load %arg14[%get3A_373, %get3A_374] {strides = array<i32>} : memref<40x128xf32, #tpu.memory_space<vmem>>, vector<1x16xf32>,
        %get3A_376 = vector.shape_cast %get3A_375 : vector<1x16xf32> to vector<16xf32>
        %add3A_377 = arith.addf %add3A_372, %get3A_376 : vector<16xf32>
        %max3A_378 = arith.constant 0.000000e+00 : f32
        %max3A_379 = vector.broadcast %max3A_378 : f32 to vector<16xf32>
        %max3A_380 = arith.maximumf %add3A_377, %max3A_379 : vector<16xf32>
        %swap3A_381 = arith.index_cast %add3A_319 : i32 to index
        %swap3A_382 = arith.constant 32 : index
        %swap3A_383 = tpu.vector_load %arg10[%swap3A_381, %swap3A_382] {strides = array<i32>} : memref<40x128xf32, #tpu.memory_space<vmem>>, vector<1x16xf32>,
        %swap3A_384 = vector.shape_cast %swap3A_383 : vector<1x16xf32> to vector<16xf32>
        %swap3A_385 = vector.shape_cast %max3A_380 : vector<16xf32> to vector<1x16xf32>
        tpu.vector_store %arg10[%swap3A_381, %swap3A_382], %swap3A_385 {strides = array<i32>} : memref<40x128xf32, #tpu.memory_space<vmem>>, vector<1x16xf32>,
        %get3A_386 = arith.index_cast %add3A_319 : i32 to index
        %get3A_387 = arith.constant 48 : index
        %get3A_388 = tpu.vector_load %arg10[%get3A_386, %get3A_387] {strides = array<i32>} : memref<40x128xf32, #tpu.memory_space<vmem>>, vector<1x16xf32>,
        %get3A_389 = vector.shape_cast %get3A_388 : vector<1x16xf32> to vector<16xf32>
        %get3A_390 = arith.index_cast %add3A_319 : i32 to index
        %get3A_391 = arith.constant 48 : index
        %get3A_392 = tpu.vector_load %arg12[%get3A_390, %get3A_391] {strides = array<i32>} : memref<40x128xf32, #tpu.memory_space<vmem>>, vector<1x16xf32>,
        %get3A_393 = vector.shape_cast %get3A_392 : vector<1x16xf32> to vector<16xf32>
        %add3A_394 = arith.addf %get3A_389, %get3A_393 : vector<16xf32>
        %get3A_395 = arith.index_cast %add3A_319 : i32 to index
        %get3A_396 = arith.constant 48 : index
        %get3A_397 = tpu.vector_load %arg14[%get3A_395, %get3A_396] {strides = array<i32>} : memref<40x128xf32, #tpu.memory_space<vmem>>, vector<1x16xf32>,
        %get3A_398 = vector.shape_cast %get3A_397 : vector<1x16xf32> to vector<16xf32>
        %add3A_399 = arith.addf %add3A_394, %get3A_398 : vector<16xf32>
        %max3A_400 = arith.constant 0.000000e+00 : f32
        %max3A_401 = vector.broadcast %max3A_400 : f32 to vector<16xf32>
        %max3A_402 = arith.maximumf %add3A_399, %max3A_401 : vector<16xf32>
        %swap3A_403 = arith.index_cast %add3A_319 : i32 to index
        %swap3A_404 = arith.constant 48 : index
        %swap3A_405 = tpu.vector_load %arg10[%swap3A_403, %swap3A_404] {strides = array<i32>} : memref<40x128xf32, #tpu.memory_space<vmem>>, vector<1x16xf32>,
        %swap3A_406 = vector.shape_cast %swap3A_405 : vector<1x16xf32> to vector<16xf32>
        %swap3A_407 = vector.shape_cast %max3A_402 : vector<16xf32> to vector<1x16xf32>
        tpu.vector_store %arg10[%swap3A_403, %swap3A_404], %swap3A_407 {strides = array<i32>} : memref<40x128xf32, #tpu.memory_space<vmem>>, vector<1x16xf32>,
        %get3A_408 = arith.index_cast %add3A_319 : i32 to index
        %get3A_409 = arith.constant 64 : index
        %get3A_410 = tpu.vector_load %arg10[%get3A_408, %get3A_409] {strides = array<i32>} : memref<40x128xf32, #tpu.memory_space<vmem>>, vector<1x16xf32>,
        %get3A_411 = vector.shape_cast %get3A_410 : vector<1x16xf32> to vector<16xf32>
        %get3A_412 = arith.index_cast %add3A_319 : i32 to index
        %get3A_413 = arith.constant 64 : index
        %get3A_414 = tpu.vector_load %arg12[%get3A_412, %get3A_413] {strides = array<i32>} : memref<40x128xf32, #tpu.memory_space<vmem>>, vector<1x16xf32>,
        %get3A_415 = vector.shape_cast %get3A_414 : vector<1x16xf32> to vector<16xf32>
        %add3A_416 = arith.addf %get3A_411, %get3A_415 : vector<16xf32>
        %get3A_417 = arith.index_cast %add3A_319 : i32 to index
        %get3A_418 = arith.constant 64 : index
        %get3A_419 = tpu.vector_load %arg14[%get3A_417, %get3A_418] {strides = array<i32>} : memref<40x128xf32, #tpu.memory_space<vmem>>, vector<1x16xf32>,
        %get3A_420 = vector.shape_cast %get3A_419 : vector<1x16xf32> to vector<16xf32>
        %add3A_421 = arith.addf %add3A_416, %get3A_420 : vector<16xf32>
        %max3A_422 = arith.constant 0.000000e+00 : f32
        %max3A_423 = vector.broadcast %max3A_422 : f32 to vector<16xf32>
        %max3A_424 = arith.maximumf %add3A_421, %max3A_423 : vector<16xf32>
        %swap3A_425 = arith.index_cast %add3A_319 : i32 to index
        %swap3A_426 = arith.constant 64 : index
        %swap3A_427 = tpu.vector_load %arg10[%swap3A_425, %swap3A_426] {strides = array<i32>} : memref<40x128xf32, #tpu.memory_space<vmem>>, vector<1x16xf32>,
        %swap3A_428 = vector.shape_cast %swap3A_427 : vector<1x16xf32> to vector<16xf32>
        %swap3A_429 = vector.shape_cast %max3A_424 : vector<16xf32> to vector<1x16xf32>
        tpu.vector_store %arg10[%swap3A_425, %swap3A_426], %swap3A_429 {strides = array<i32>} : memref<40x128xf32, #tpu.memory_space<vmem>>, vector<1x16xf32>,
        %get3A_430 = arith.index_cast %add3A_319 : i32 to index
        %get3A_431 = arith.constant 80 : index
        %get3A_432 = tpu.vector_load %arg10[%get3A_430, %get3A_431] {strides = array<i32>} : memref<40x128xf32, #tpu.memory_space<vmem>>, vector<1x16xf32>,
        %get3A_433 = vector.shape_cast %get3A_432 : vector<1x16xf32> to vector<16xf32>
        %get3A_434 = arith.index_cast %add3A_319 : i32 to index
        %get3A_435 = arith.constant 80 : index
        %get3A_436 = tpu.vector_load %arg12[%get3A_434, %get3A_435] {strides = array<i32>} : memref<40x128xf32, #tpu.memory_space<vmem>>, vector<1x16xf32>,
        %get3A_437 = vector.shape_cast %get3A_436 : vector<1x16xf32> to vector<16xf32>
        %add3A_438 = arith.addf %get3A_433, %get3A_437 : vector<16xf32>
        %get3A_439 = arith.index_cast %add3A_319 : i32 to index
        %get3A_440 = arith.constant 80 : index
        %get3A_441 = tpu.vector_load %arg14[%get3A_439, %get3A_440] {strides = array<i32>} : memref<40x128xf32, #tpu.memory_space<vmem>>, vector<1x16xf32>,
        %get3A_442 = vector.shape_cast %get3A_441 : vector<1x16xf32> to vector<16xf32>
        %add3A_443 = arith.addf %add3A_438, %get3A_442 : vector<16xf32>
        %max3A_444 = arith.constant 0.000000e+00 : f32
        %max3A_445 = vector.broadcast %max3A_444 : f32 to vector<16xf32>
        %max3A_446 = arith.maximumf %add3A_443, %max3A_445 : vector<16xf32>
        %swap3A_447 = arith.index_cast %add3A_319 : i32 to index
        %swap3A_448 = arith.constant 80 : index
        %swap3A_449 = tpu.vector_load %arg10[%swap3A_447, %swap3A_448] {strides = array<i32>} : memref<40x128xf32, #tpu.memory_space<vmem>>, vector<1x16xf32>,
        %swap3A_450 = vector.shape_cast %swap3A_449 : vector<1x16xf32> to vector<16xf32>
        %swap3A_451 = vector.shape_cast %max3A_446 : vector<16xf32> to vector<1x16xf32>
        tpu.vector_store %arg10[%swap3A_447, %swap3A_448], %swap3A_451 {strides = array<i32>} : memref<40x128xf32, #tpu.memory_space<vmem>>, vector<1x16xf32>,
        %get3A_452 = arith.index_cast %add3A_319 : i32 to index
        %get3A_453 = arith.constant 96 : index
        %get3A_454 = tpu.vector_load %arg10[%get3A_452, %get3A_453] {strides = array<i32>} : memref<40x128xf32, #tpu.memory_space<vmem>>, vector<1x16xf32>,
        %get3A_455 = vector.shape_cast %get3A_454 : vector<1x16xf32> to vector<16xf32>
        %get3A_456 = arith.index_cast %add3A_319 : i32 to index
        %get3A_457 = arith.constant 96 : index
        %get3A_458 = tpu.vector_load %arg12[%get3A_456, %get3A_457] {strides = array<i32>} : memref<40x128xf32, #tpu.memory_space<vmem>>, vector<1x16xf32>,
        %get3A_459 = vector.shape_cast %get3A_458 : vector<1x16xf32> to vector<16xf32>
        %add3A_460 = arith.addf %get3A_455, %get3A_459 : vector<16xf32>
        %get3A_461 = arith.index_cast %add3A_319 : i32 to index
        %get3A_462 = arith.constant 96 : index
        %get3A_463 = tpu.vector_load %arg14[%get3A_461, %get3A_462] {strides = array<i32>} : memref<40x128xf32, #tpu.memory_space<vmem>>, vector<1x16xf32>,
        %get3A_464 = vector.shape_cast %get3A_463 : vector<1x16xf32> to vector<16xf32>
        %add3A_465 = arith.addf %add3A_460, %get3A_464 : vector<16xf32>
        %max3A_466 = arith.constant 0.000000e+00 : f32
        %max3A_467 = vector.broadcast %max3A_466 : f32 to vector<16xf32>
        %max3A_468 = arith.maximumf %add3A_465, %max3A_467 : vector<16xf32>
        %swap3A_469 = arith.index_cast %add3A_319 : i32 to index
        %swap3A_470 = arith.constant 96 : index
        %swap3A_471 = tpu.vector_load %arg10[%swap3A_469, %swap3A_470] {strides = array<i32>} : memref<40x128xf32, #tpu.memory_space<vmem>>, vector<1x16xf32>,
        %swap3A_472 = vector.shape_cast %swap3A_471 : vector<1x16xf32> to vector<16xf32>
        %swap3A_473 = vector.shape_cast %max3A_468 : vector<16xf32> to vector<1x16xf32>
        tpu.vector_store %arg10[%swap3A_469, %swap3A_470], %swap3A_473 {strides = array<i32>} : memref<40x128xf32, #tpu.memory_space<vmem>>, vector<1x16xf32>,
        %get3A_474 = arith.index_cast %add3A_319 : i32 to index
        %get3A_475 = arith.constant 112 : index
        %get3A_476 = tpu.vector_load %arg10[%get3A_474, %get3A_475] {strides = array<i32>} : memref<40x128xf32, #tpu.memory_space<vmem>>, vector<1x16xf32>,
        %get3A_477 = vector.shape_cast %get3A_476 : vector<1x16xf32> to vector<16xf32>
        %get3A_478 = arith.index_cast %add3A_319 : i32 to index
        %get3A_479 = arith.constant 112 : index
        %get3A_480 = tpu.vector_load %arg12[%get3A_478, %get3A_479] {strides = array<i32>} : memref<40x128xf32, #tpu.memory_space<vmem>>, vector<1x16xf32>,
        %get3A_481 = vector.shape_cast %get3A_480 : vector<1x16xf32> to vector<16xf32>
        %add3A_482 = arith.addf %get3A_477, %get3A_481 : vector<16xf32>
        %get3A_483 = arith.index_cast %add3A_319 : i32 to index
        %get3A_484 = arith.constant 112 : index
        %get3A_485 = tpu.vector_load %arg14[%get3A_483, %get3A_484] {strides = array<i32>} : memref<40x128xf32, #tpu.memory_space<vmem>>, vector<1x16xf32>,
        %get3A_486 = vector.shape_cast %get3A_485 : vector<1x16xf32> to vector<16xf32>
        %add3A_487 = arith.addf %add3A_482, %get3A_486 : vector<16xf32>
        %max3A_488 = arith.constant 0.000000e+00 : f32
        %max3A_489 = vector.broadcast %max3A_488 : f32 to vector<16xf32>
        %max3A_490 = arith.maximumf %add3A_487, %max3A_489 : vector<16xf32>
        %swap3A_491 = arith.index_cast %add3A_319 : i32 to index
        %swap3A_492 = arith.constant 112 : index
        %swap3A_493 = tpu.vector_load %arg10[%swap3A_491, %swap3A_492] {strides = array<i32>} : memref<40x128xf32, #tpu.memory_space<vmem>>, vector<1x16xf32>,
        %swap3A_494 = vector.shape_cast %swap3A_493 : vector<1x16xf32> to vector<16xf32>
        %swap3A_495 = vector.shape_cast %max3A_490 : vector<16xf32> to vector<1x16xf32>
        tpu.vector_store %arg10[%swap3A_491, %swap3A_492], %swap3A_495 {strides = array<i32>} : memref<40x128xf32, #tpu.memory_space<vmem>>, vector<1x16xf32>,
      }
      %scan3A_129 = arith.constant 20 : i32
      %run_scoped3A_130 = arith.constant 1 : i32
      "tpu.region"() ({
        %run_scoped3A_138 = tpu.sem_alloc : memref<!tpu.dma_semaphore, #tpu.memory_space<semaphore_mem>>
        %dma_start3A_139 = arith.constant 0 : i32
        %dma_start3A_140 = tpu.memref_slice %arg8[%run_scoped3A_130, %dma_start3A_139] : memref<2x40xi32, #tpu.memory_space<vmem>> -> memref<1x40xi32, #tpu.memory_space<vmem>>
        %dma_start3A_141 = tpu.memref_squeeze %dma_start3A_140 : memref<1x40xi32, #tpu.memory_space<vmem>> -> memref<40xi32, #tpu.memory_space<vmem>>
        %dma_start3A_142 = arith.constant 0 : i32
        %dma_start3A_143 = arith.constant 0 : i32
        %dma_start3A_144 = tpu.memref_slice %arg15[%dma_start3A_142, %dma_start3A_143] : memref<10240x128xf32, #tpu.memory_space<vmem_shared>> -> memref<10240x128xf32, #tpu.memory_space<vmem_shared>>
        tpu.enqueue_indirect_dma source(%arg10 : memref<40x128xf32, #tpu.memory_space<vmem>>) target(%dma_start3A_144 : memref<10240x128xf32, #tpu.memory_space<vmem_shared>>) offsets(%dma_start3A_141 : memref<40xi32, #tpu.memory_space<vmem>>) semaphore(%run_scoped3A_138 : memref<!tpu.dma_semaphore, #tpu.memory_space<semaphore_mem>>) {add = true}
        %dma_wait3A_145 = arith.constant 0 : i32
        %dma_wait3A_146 = tpu.memref_slice %arg8[%run_scoped3A_130, %dma_wait3A_145] : memref<2x40xi32, #tpu.memory_space<vmem>> -> memref<1x40xi32, #tpu.memory_space<vmem>>
        %dma_wait3A_147 = tpu.memref_squeeze %dma_wait3A_146 : memref<1x40xi32, #tpu.memory_space<vmem>> -> memref<40xi32, #tpu.memory_space<vmem>>
        %dma_wait3A_148 = arith.constant 0 : i32
        %dma_wait3A_149 = arith.constant 0 : i32
        %dma_wait3A_150 = tpu.memref_slice %arg15[%dma_wait3A_148, %dma_wait3A_149] : memref<10240x128xf32, #tpu.memory_space<vmem_shared>> -> memref<10240x128xf32, #tpu.memory_space<vmem_shared>>
        tpu.wait_indirect_dma semaphore(%run_scoped3A_138 : memref<!tpu.dma_semaphore, #tpu.memory_space<semaphore_mem>>) src(%arg10 : memref<40x128xf32, #tpu.memory_space<vmem>>) dst(%dma_wait3A_150 : memref<10240x128xf32, #tpu.memory_space<vmem_shared>>)
        tpu.yield
      }) : () -> ()
      %add3A_131 = arith.constant 2 : i32
      %add3A_132 = arith.addi %add3A_98, %add3A_131 : i32
      %lt3A_133 = arith.constant 250 : i32
      %lt3A_134 = arith.cmpi slt, %add3A_132, %lt3A_133 : i32
      %convert_element_type3A_135 = arith.extui %lt3A_134 : i1 to i32
      %cond3A_136 = arith.constant 0 : i32
      %cond3A_137 = arith.cmpi ne, %convert_element_type3A_135, %cond3A_136 : i32
      scf.if %cond3A_137 {
        %add3A_138 = arith.addi %mul3A_2, %add3A_98 : i32
        %add3A_139 = arith.constant 2 : i32
        %add3A_140 = arith.addi %add3A_138, %add3A_139 : i32
        %dma_start3A_141 = arith.constant 0 : i32
        %dma_start3A_142 = arith.constant 0 : i32
        %dma_start3A_143 = tpu.memref_slice %arg5[%add3A_140, %dma_start3A_141, %dma_start3A_142] : memref<8000x2x40xi32, #tpu.memory_space<hbm>> -> memref<1x2x40xi32, #tpu.memory_space<hbm>>
        %dma_start3A_144 = tpu.memref_squeeze %dma_start3A_143 : memref<1x2x40xi32, #tpu.memory_space<hbm>> -> memref<2x40xi32, #tpu.memory_space<hbm>>
        %dma_start3A_145 = arith.constant 0 : i32
        %dma_start3A_146 = arith.constant 0 : i32
        %dma_start3A_147 = tpu.memref_slice %arg5[%add3A_140, %dma_start3A_145, %dma_start3A_146] : memref<8000x2x40xi32, #tpu.memory_space<hbm>> -> memref<1x2x40xi32, #tpu.memory_space<hbm>>
        %dma_start3A_148 = tpu.memref_squeeze %dma_start3A_147 : memref<1x2x40xi32, #tpu.memory_space<hbm>> -> memref<2x40xi32, #tpu.memory_space<hbm>>
        tpu.enqueue_dma source(%dma_start3A_148 : memref<2x40xi32, #tpu.memory_space<hbm>>) target(%arg8 : memref<2x40xi32, #tpu.memory_space<vmem>>) target_semaphore(%arg17 : memref<!tpu.dma_semaphore, #tpu.memory_space<semaphore_mem>>)
      } else {
      }
    }
    %scan3A_50 = arith.constant 125 : i32
    %barrier3A_51 = arith.constant 0 : index
    tpu.barrier barrier_id(%barrier3A_51)
    %scan3A_52 = arith.constant 0 : i32
    %scan3A_53 = arith.constant 0 : i32
    %scan3A_54 = arith.constant 16 : i32
    %scan3A_55 = arith.addi %scan3A_53, %scan3A_54 : i32
    %scan3A_56 = arith.constant 1 : i32
    scf.for %scan3A_58 = %scan3A_53 to %scan3A_55 step %scan3A_56  : i32 {
      %mul3A_59 = arith.constant 640 : i32
      %mul3A_60 = arith.muli %arg1, %mul3A_59 : i32
      %mul3A_61 = arith.constant 40 : i32
      %mul3A_62 = arith.muli %scan3A_58, %mul3A_61 : i32
      %add3A_63 = arith.addi %mul3A_60, %mul3A_62 : i32
      %multiple_of3A = tpu.assume_multiple %add3A_63, 40 : i32
      "tpu.region"() ({
        %run_scoped3A = tpu.sem_alloc : memref<!tpu.dma_semaphore, #tpu.memory_space<semaphore_mem>>
        %dma_start3A_64 = arith.constant 0 : i32
        %dma_start3A_65 = tpu.memref_slice %arg15[%multiple_of3A, %dma_start3A_64] : memref<10240x128xf32, #tpu.memory_space<vmem_shared>> -> memref<40x128xf32, #tpu.memory_space<vmem_shared>>
        %dma_start3A_66 = arith.constant 0 : i32
        %dma_start3A_67 = tpu.memref_slice %arg15[%multiple_of3A, %dma_start3A_66] : memref<10240x128xf32, #tpu.memory_space<vmem_shared>> -> memref<40x128xf32, #tpu.memory_space<vmem_shared>>
        tpu.enqueue_dma source(%dma_start3A_67 : memref<40x128xf32, #tpu.memory_space<vmem_shared>>) target(%arg9 : memref<40x128xf32, #tpu.memory_space<vmem>>) target_semaphore(%run_scoped3A : memref<!tpu.dma_semaphore, #tpu.memory_space<semaphore_mem>>)
        %dma_wait3A = arith.constant 0 : i32
        %dma_wait3A_68 = tpu.memref_slice %arg15[%multiple_of3A, %dma_wait3A] : memref<10240x128xf32, #tpu.memory_space<vmem_shared>> -> memref<40x128xf32, #tpu.memory_space<vmem_shared>>
        %dma_wait3A_69 = arith.constant 0 : i32
        %dma_wait3A_70 = tpu.memref_slice %arg15[%multiple_of3A, %dma_wait3A_69] : memref<10240x128xf32, #tpu.memory_space<vmem_shared>> -> memref<40x128xf32, #tpu.memory_space<vmem_shared>>
        tpu.wait_dma2 semaphore(%run_scoped3A : memref<!tpu.dma_semaphore, #tpu.memory_space<semaphore_mem>>) src(%dma_wait3A_70 : memref<40x128xf32, #tpu.memory_space<vmem_shared>>) dst(%arg9 : memref<40x128xf32, #tpu.memory_space<vmem>>)
        tpu.yield
      }) : () -> ()
      "tpu.region"() ({
        %run_scoped3A = tpu.sem_alloc : memref<!tpu.dma_semaphore, #tpu.memory_space<semaphore_mem>>
        %dma_start3A_64 = arith.constant 0 : i32
        %dma_start3A_65 = tpu.memref_slice %arg6[%arg0, %multiple_of3A, %dma_start3A_64] : memref<2x10240x128xf32, #tpu.memory_space<hbm>> -> memref<1x40x128xf32, #tpu.memory_space<hbm>>
        %dma_start3A_66 = tpu.memref_squeeze %dma_start3A_65 : memref<1x40x128xf32, #tpu.memory_space<hbm>> -> memref<40x128xf32, #tpu.memory_space<hbm>>
        %dma_start3A_67 = arith.constant 0 : i32
        %dma_start3A_68 = tpu.memref_slice %arg6[%arg0, %multiple_of3A, %dma_start3A_67] : memref<2x10240x128xf32, #tpu.memory_space<hbm>> -> memref<1x40x128xf32, #tpu.memory_space<hbm>>
        %dma_start3A_69 = tpu.memref_squeeze %dma_start3A_68 : memref<1x40x128xf32, #tpu.memory_space<hbm>> -> memref<40x128xf32, #tpu.memory_space<hbm>>
        tpu.enqueue_dma source(%arg9 : memref<40x128xf32, #tpu.memory_space<vmem>>) target(%dma_start3A_69 : memref<40x128xf32, #tpu.memory_space<hbm>>) target_semaphore(%run_scoped3A : memref<!tpu.dma_semaphore, #tpu.memory_space<semaphore_mem>>)
        %dma_wait3A = arith.constant 0 : i32
        %dma_wait3A_70 = tpu.memref_slice %arg6[%arg0, %multiple_of3A, %dma_wait3A] : memref<2x10240x128xf32, #tpu.memory_space<hbm>> -> memref<1x40x128xf32, #tpu.memory_space<hbm>>
        %dma_wait3A_71 = tpu.memref_squeeze %dma_wait3A_70 : memref<1x40x128xf32, #tpu.memory_space<hbm>> -> memref<40x128xf32, #tpu.memory_space<hbm>>
        %dma_wait3A_72 = arith.constant 0 : i32
        %dma_wait3A_73 = tpu.memref_slice %arg6[%arg0, %multiple_of3A, %dma_wait3A_72] : memref<2x10240x128xf32, #tpu.memory_space<hbm>> -> memref<1x40x128xf32, #tpu.memory_space<hbm>>
        %dma_wait3A_74 = tpu.memref_squeeze %dma_wait3A_73 : memref<1x40x128xf32, #tpu.memory_space<hbm>> -> memref<40x128xf32, #tpu.memory_space<hbm>>
        tpu.wait_dma2 semaphore(%run_scoped3A : memref<!tpu.dma_semaphore, #tpu.memory_space<semaphore_mem>>) src(%arg9 : memref<40x128xf32, #tpu.memory_space<vmem>>) dst(%dma_wait3A_74 : memref<40x128xf32, #tpu.memory_space<hbm>>)
        tpu.yield
      }) : () -> ()
    }
    %scan3A_57 = arith.constant 16 : i32
    return
  }
}

module attributes {stable_mosaic.version = 14 : i64} {
  func.func @_ep3_body(%arg0: i32, %arg1: memref<4000x16xf32, #tpu.memory_space<vmem>>, %arg2: memref<16x128xf32, #tpu.memory_space<vmem>>, %arg3: memref<16x128xf32, #tpu.memory_space<vmem>>, %arg4: memref<16x128xf32, #tpu.memory_space<vmem>>, %arg5: memref<4000x128xf32, #tpu.memory_space<vmem>>, %arg6: memref<4000x128xf32, #tpu.memory_space<vmem>>, %arg7: memref<4000x128xf32, #tpu.memory_space<vmem>>) attributes {dimension_semantics = [#tpu.dimension_semantics<arbitrary>], iteration_bounds = array<i64: 80>, scalar_prefetch = 0 : i64, scratch_operands = 0 : i64, tpu.core_type = #tpu.core_type<tc>, window_params = [{transform_indices = @transform_0, window_bounds = array<i64: 4000, 16>}, {pipeline_mode = #tpu.pipeline_mode<synchronous>, transform_indices = @transform_1, window_bounds = array<i64: 16, 128>}, {pipeline_mode = #tpu.pipeline_mode<synchronous>, transform_indices = @transform_2, window_bounds = array<i64: 16, 128>}, {pipeline_mode = #tpu.pipeline_mode<synchronous>, transform_indices = @transform_3, window_bounds = array<i64: 16, 128>}, {transform_indices = @transform_4, window_bounds = array<i64: 4000, 128>}, {transform_indices = @transform_5, window_bounds = array<i64: 4000, 128>}, {transform_indices = @transform_6, window_bounds = array<i64: 4000, 128>}]} {
    %get3A = arith.constant 0 : index
    %get3A_0 = arith.constant 0 : index
    %get3A_1 = vector.load %arg1[%get3A, %get3A_0] : memref<4000x16xf32, #tpu.memory_space<vmem>>, vector<4000x16xf32>
    %get3A_2 = arith.constant 0 : index
    %get3A_3 = arith.constant 0 : index
    %get3A_4 = vector.load %arg2[%get3A_2, %get3A_3] : memref<16x128xf32, #tpu.memory_space<vmem>>, vector<16x128xf32>
    %dot_general3A = arith.constant dense<0.000000e+00> : vector<4000x128xf32>
    %dot_general3A_5 = tpu.matmul %get3A_1, %get3A_4, %dot_general3A {dimension_numbers = #tpu.dot_dimension_numbers<[1], [0], [0], [1], [0, 0, 1, 1], [], []>, transpose_lhs_hint = false} : vector<4000x16xf32>, vector<16x128xf32>, vector<4000x128xf32> -> vector<4000x128xf32>
    %swap3A = arith.constant 0 : index
    %swap3A_6 = arith.constant 0 : index
    %swap3A_7 = vector.load %arg5[%swap3A, %swap3A_6] : memref<4000x128xf32, #tpu.memory_space<vmem>>, vector<4000x128xf32>
    tpu.vector_store %arg5[%swap3A, %swap3A_6], %dot_general3A_5 {strides = array<i32>} : memref<4000x128xf32, #tpu.memory_space<vmem>>, vector<4000x128xf32>,
    %get3A_8 = arith.constant 0 : index
    %get3A_9 = arith.constant 0 : index
    %get3A_10 = vector.load %arg3[%get3A_8, %get3A_9] : memref<16x128xf32, #tpu.memory_space<vmem>>, vector<16x128xf32>
    %dot_general3A_11 = arith.constant dense<0.000000e+00> : vector<4000x128xf32>
    %dot_general3A_12 = tpu.matmul %get3A_1, %get3A_10, %dot_general3A_11 {dimension_numbers = #tpu.dot_dimension_numbers<[1], [0], [0], [1], [0, 0, 1, 1], [], []>, transpose_lhs_hint = false} : vector<4000x16xf32>, vector<16x128xf32>, vector<4000x128xf32> -> vector<4000x128xf32>
    %swap3A_13 = arith.constant 0 : index
    %swap3A_14 = arith.constant 0 : index
    %swap3A_15 = vector.load %arg6[%swap3A_13, %swap3A_14] : memref<4000x128xf32, #tpu.memory_space<vmem>>, vector<4000x128xf32>
    tpu.vector_store %arg6[%swap3A_13, %swap3A_14], %dot_general3A_12 {strides = array<i32>} : memref<4000x128xf32, #tpu.memory_space<vmem>>, vector<4000x128xf32>,
    %get3A_16 = arith.constant 0 : index
    %get3A_17 = arith.constant 0 : index
    %get3A_18 = vector.load %arg4[%get3A_16, %get3A_17] : memref<16x128xf32, #tpu.memory_space<vmem>>, vector<16x128xf32>
    %dot_general3A_19 = arith.constant dense<0.000000e+00> : vector<4000x128xf32>
    %dot_general3A_20 = tpu.matmul %get3A_1, %get3A_18, %dot_general3A_19 {dimension_numbers = #tpu.dot_dimension_numbers<[1], [0], [0], [1], [0, 0, 1, 1], [], []>, transpose_lhs_hint = false} : vector<4000x16xf32>, vector<16x128xf32>, vector<4000x128xf32> -> vector<4000x128xf32>
    %swap3A_21 = arith.constant 0 : index
    %swap3A_22 = arith.constant 0 : index
    %swap3A_23 = vector.load %arg7[%swap3A_21, %swap3A_22] : memref<4000x128xf32, #tpu.memory_space<vmem>>, vector<4000x128xf32>
    tpu.vector_store %arg7[%swap3A_21, %swap3A_22], %dot_general3A_20 {strides = array<i32>} : memref<4000x128xf32, #tpu.memory_space<vmem>>, vector<4000x128xf32>,
    return
  }
  func.func @transform_0(%arg0: i32) -> (i32, i32) {
    %c0_i32 = arith.constant 0 : i32
    %c0_i32_0 = arith.constant 0 : i32
    return %arg0, %c0_i32 : i32, i32
  }
  func.func @transform_1(%arg0: i32) -> (i32, i32) {
    %c0_i32 = arith.constant 0 : i32
    %c0_i32_0 = arith.constant 0 : i32
    %c0_i32_1 = arith.constant 0 : i32
    return %c0_i32, %c0_i32_0 : i32, i32
  }
  func.func @transform_2(%arg0: i32) -> (i32, i32) {
    %c0_i32 = arith.constant 0 : i32
    %c0_i32_0 = arith.constant 0 : i32
    %c0_i32_1 = arith.constant 0 : i32
    return %c0_i32, %c0_i32_0 : i32, i32
  }
  func.func @transform_3(%arg0: i32) -> (i32, i32) {
    %c0_i32 = arith.constant 0 : i32
    %c0_i32_0 = arith.constant 0 : i32
    %c0_i32_1 = arith.constant 0 : i32
    return %c0_i32, %c0_i32_0 : i32, i32
  }
  func.func @transform_4(%arg0: i32) -> (i32, i32) {
    %c0_i32 = arith.constant 0 : i32
    %c0_i32_0 = arith.constant 0 : i32
    return %arg0, %c0_i32 : i32, i32
  }
  func.func @transform_5(%arg0: i32) -> (i32, i32) {
    %c0_i32 = arith.constant 0 : i32
    %c0_i32_0 = arith.constant 0 : i32
    return %arg0, %c0_i32 : i32, i32
  }
  func.func @transform_6(%arg0: i32) -> (i32, i32) {
    %c0_i32 = arith.constant 0 : i32
    %c0_i32_0 = arith.constant 0 : i32
    return %arg0, %c0_i32 : i32, i32
  }
}

module attributes {stable_mosaic.version = 14 : i64} {
  func.func @_encab_body(%arg0: i32, %arg1: memref<1000x128xf32, #tpu.memory_space<vmem>>, %arg2: memref<128x128xf32, #tpu.memory_space<vmem>>, %arg3: memref<1x128xf32, #tpu.memory_space<vmem>>, %arg4: memref<128x128xf32, #tpu.memory_space<vmem>>, %arg5: memref<1x128xf32, #tpu.memory_space<vmem>>, %arg6: memref<128x128xf32, #tpu.memory_space<vmem>>, %arg7: memref<128x128xf32, #tpu.memory_space<vmem>>, %arg8: memref<1x128xf32, #tpu.memory_space<vmem>>, %arg9: memref<1000x128xf32, #tpu.memory_space<vmem>>, %arg10: memref<1000x128xf32, #tpu.memory_space<vmem>>, %arg11: memref<1000x128xf32, #tpu.memory_space<vmem>>) attributes {dimension_semantics = [#tpu.dimension_semantics<arbitrary>], iteration_bounds = array<i64: 10>, scalar_prefetch = 0 : i64, scratch_operands = 0 : i64, tpu.core_type = #tpu.core_type<tc>, window_params = [{transform_indices = @transform_0, window_bounds = array<i64: 1000, 128>}, {pipeline_mode = #tpu.pipeline_mode<synchronous>, transform_indices = @transform_1, window_bounds = array<i64: 128, 128>}, {pipeline_mode = #tpu.pipeline_mode<synchronous>, transform_indices = @transform_2, window_bounds = array<i64: 1, 128>}, {pipeline_mode = #tpu.pipeline_mode<synchronous>, transform_indices = @transform_3, window_bounds = array<i64: 128, 128>}, {pipeline_mode = #tpu.pipeline_mode<synchronous>, transform_indices = @transform_4, window_bounds = array<i64: 1, 128>}, {pipeline_mode = #tpu.pipeline_mode<synchronous>, transform_indices = @transform_5, window_bounds = array<i64: 128, 128>}, {pipeline_mode = #tpu.pipeline_mode<synchronous>, transform_indices = @transform_6, window_bounds = array<i64: 128, 128>}, {pipeline_mode = #tpu.pipeline_mode<synchronous>, transform_indices = @transform_7, window_bounds = array<i64: 1, 128>}, {transform_indices = @transform_8, window_bounds = array<i64: 1000, 128>}, {transform_indices = @transform_9, window_bounds = array<i64: 1000, 128>}, {transform_indices = @transform_10, window_bounds = array<i64: 1000, 128>}]} {
    %get3A = arith.constant 0 : index
    %get3A_0 = arith.constant 0 : index
    %get3A_1 = vector.load %arg1[%get3A, %get3A_0] : memref<1000x128xf32, #tpu.memory_space<vmem>>, vector<1000x128xf32>
    %get3A_2 = arith.constant 0 : index
    %get3A_3 = arith.constant 0 : index
    %get3A_4 = vector.load %arg2[%get3A_2, %get3A_3] : memref<128x128xf32, #tpu.memory_space<vmem>>, vector<128x128xf32>
    %dot_general3A = arith.constant dense<0.000000e+00> : vector<1000x128xf32>
    %dot_general3A_5 = tpu.matmul %get3A_1, %get3A_4, %dot_general3A {dimension_numbers = #tpu.dot_dimension_numbers<[1], [0], [0], [1], [0, 0, 1, 1], [], []>, transpose_lhs_hint = false} : vector<1000x128xf32>, vector<128x128xf32>, vector<1000x128xf32> -> vector<1000x128xf32>
    %get3A_6 = arith.constant 0 : index
    %get3A_7 = arith.constant 0 : index
    %get3A_8 = vector.load %arg3[%get3A_6, %get3A_7] : memref<1x128xf32, #tpu.memory_space<vmem>>, vector<1x128xf32>
    %add3A = vector.broadcast %get3A_8 : vector<1x128xf32> to vector<1000x128xf32>
    %add3A_9 = arith.addf %dot_general3A_5, %add3A : vector<1000x128xf32>
    %max3A = arith.constant 0.000000e+00 : f32
    %max3A_10 = vector.broadcast %max3A : f32 to vector<1000x128xf32>
    %max3A_11 = arith.maximumf %add3A_9, %max3A_10 : vector<1000x128xf32>
    %get3A_12 = arith.constant 0 : index
    %get3A_13 = arith.constant 0 : index
    %get3A_14 = vector.load %arg4[%get3A_12, %get3A_13] : memref<128x128xf32, #tpu.memory_space<vmem>>, vector<128x128xf32>
    %dot_general3A_15 = arith.constant dense<0.000000e+00> : vector<1000x128xf32>
    %dot_general3A_16 = tpu.matmul %max3A_11, %get3A_14, %dot_general3A_15 {dimension_numbers = #tpu.dot_dimension_numbers<[1], [0], [0], [1], [0, 0, 1, 1], [], []>, transpose_lhs_hint = false} : vector<1000x128xf32>, vector<128x128xf32>, vector<1000x128xf32> -> vector<1000x128xf32>
    %get3A_17 = arith.constant 0 : index
    %get3A_18 = arith.constant 0 : index
    %get3A_19 = vector.load %arg5[%get3A_17, %get3A_18] : memref<1x128xf32, #tpu.memory_space<vmem>>, vector<1x128xf32>
    %add3A_20 = vector.broadcast %get3A_19 : vector<1x128xf32> to vector<1000x128xf32>
    %add3A_21 = arith.addf %dot_general3A_16, %add3A_20 : vector<1000x128xf32>
    %swap3A = arith.constant 0 : index
    %swap3A_22 = arith.constant 0 : index
    %swap3A_23 = vector.load %arg9[%swap3A, %swap3A_22] : memref<1000x128xf32, #tpu.memory_space<vmem>>, vector<1000x128xf32>
    tpu.vector_store %arg9[%swap3A, %swap3A_22], %add3A_21 {strides = array<i32>} : memref<1000x128xf32, #tpu.memory_space<vmem>>, vector<1000x128xf32>,
    %get3A_24 = arith.constant 0 : index
    %get3A_25 = arith.constant 0 : index
    %get3A_26 = vector.load %arg6[%get3A_24, %get3A_25] : memref<128x128xf32, #tpu.memory_space<vmem>>, vector<128x128xf32>
    %dot_general3A_27 = arith.constant dense<0.000000e+00> : vector<1000x128xf32>
    %dot_general3A_28 = tpu.matmul %add3A_21, %get3A_26, %dot_general3A_27 {dimension_numbers = #tpu.dot_dimension_numbers<[1], [0], [0], [1], [0, 0, 1, 1], [], []>, transpose_lhs_hint = false} : vector<1000x128xf32>, vector<128x128xf32>, vector<1000x128xf32> -> vector<1000x128xf32>
    %swap3A_29 = arith.constant 0 : index
    %swap3A_30 = arith.constant 0 : index
    %swap3A_31 = vector.load %arg10[%swap3A_29, %swap3A_30] : memref<1000x128xf32, #tpu.memory_space<vmem>>, vector<1000x128xf32>
    tpu.vector_store %arg10[%swap3A_29, %swap3A_30], %dot_general3A_28 {strides = array<i32>} : memref<1000x128xf32, #tpu.memory_space<vmem>>, vector<1000x128xf32>,
    %get3A_32 = arith.constant 0 : index
    %get3A_33 = arith.constant 0 : index
    %get3A_34 = vector.load %arg7[%get3A_32, %get3A_33] : memref<128x128xf32, #tpu.memory_space<vmem>>, vector<128x128xf32>
    %dot_general3A_35 = arith.constant dense<0.000000e+00> : vector<1000x128xf32>
    %dot_general3A_36 = tpu.matmul %add3A_21, %get3A_34, %dot_general3A_35 {dimension_numbers = #tpu.dot_dimension_numbers<[1], [0], [0], [1], [0, 0, 1, 1], [], []>, transpose_lhs_hint = false} : vector<1000x128xf32>, vector<128x128xf32>, vector<1000x128xf32> -> vector<1000x128xf32>
    %get3A_37 = arith.constant 0 : index
    %get3A_38 = arith.constant 0 : index
    %get3A_39 = vector.load %arg8[%get3A_37, %get3A_38] : memref<1x128xf32, #tpu.memory_space<vmem>>, vector<1x128xf32>
    %add3A_40 = vector.broadcast %get3A_39 : vector<1x128xf32> to vector<1000x128xf32>
    %add3A_41 = arith.addf %dot_general3A_36, %add3A_40 : vector<1000x128xf32>
    %swap3A_42 = arith.constant 0 : index
    %swap3A_43 = arith.constant 0 : index
    %swap3A_44 = vector.load %arg11[%swap3A_42, %swap3A_43] : memref<1000x128xf32, #tpu.memory_space<vmem>>, vector<1000x128xf32>
    tpu.vector_store %arg11[%swap3A_42, %swap3A_43], %add3A_41 {strides = array<i32>} : memref<1000x128xf32, #tpu.memory_space<vmem>>, vector<1000x128xf32>,
    return
  }
  func.func @transform_0(%arg0: i32) -> (i32, i32) {
    %c0_i32 = arith.constant 0 : i32
    %c0_i32_0 = arith.constant 0 : i32
    return %arg0, %c0_i32 : i32, i32
  }
  func.func @transform_1(%arg0: i32) -> (i32, i32) {
    %c0_i32 = arith.constant 0 : i32
    %c0_i32_0 = arith.constant 0 : i32
    %c0_i32_1 = arith.constant 0 : i32
    return %c0_i32, %c0_i32_0 : i32, i32
  }
  func.func @transform_2(%arg0: i32) -> (i32, i32) {
    %c0_i32 = arith.constant 0 : i32
    %c0_i32_0 = arith.constant 0 : i32
    %c0_i32_1 = arith.constant 0 : i32
    return %c0_i32, %c0_i32_0 : i32, i32
  }
  func.func @transform_3(%arg0: i32) -> (i32, i32) {
    %c0_i32 = arith.constant 0 : i32
    %c0_i32_0 = arith.constant 0 : i32
    %c0_i32_1 = arith.constant 0 : i32
    return %c0_i32, %c0_i32_0 : i32, i32
  }
  func.func @transform_4(%arg0: i32) -> (i32, i32) {
    %c0_i32 = arith.constant 0 : i32
    %c0_i32_0 = arith.constant 0 : i32
    %c0_i32_1 = arith.constant 0 : i32
    return %c0_i32, %c0_i32_0 : i32, i32
  }
  func.func @transform_5(%arg0: i32) -> (i32, i32) {
    %c0_i32 = arith.constant 0 : i32
    %c0_i32_0 = arith.constant 0 : i32
    %c0_i32_1 = arith.constant 0 : i32
    return %c0_i32, %c0_i32_0 : i32, i32
  }
  func.func @transform_6(%arg0: i32) -> (i32, i32) {
    %c0_i32 = arith.constant 0 : i32
    %c0_i32_0 = arith.constant 0 : i32
    %c0_i32_1 = arith.constant 0 : i32
    return %c0_i32, %c0_i32_0 : i32, i32
  }
  func.func @transform_7(%arg0: i32) -> (i32, i32) {
    %c0_i32 = arith.constant 0 : i32
    %c0_i32_0 = arith.constant 0 : i32
    %c0_i32_1 = arith.constant 0 : i32
    return %c0_i32, %c0_i32_0 : i32, i32
  }
  func.func @transform_8(%arg0: i32) -> (i32, i32) {
    %c0_i32 = arith.constant 0 : i32
    %c0_i32_0 = arith.constant 0 : i32
    return %arg0, %c0_i32 : i32, i32
  }
  func.func @transform_9(%arg0: i32) -> (i32, i32) {
    %c0_i32 = arith.constant 0 : i32
    %c0_i32_0 = arith.constant 0 : i32
    return %arg0, %c0_i32 : i32, i32
  }
  func.func @transform_10(%arg0: i32) -> (i32, i32) {
    %c0_i32 = arith.constant 0 : i32
    %c0_i32_0 = arith.constant 0 : i32
    return %arg0, %c0_i32 : i32, i32
  }
}

module attributes {stable_mosaic.version = 14 : i64} {
  func.func @_updab_body(%arg0: i32, %arg1: memref<1000x128xf32, #tpu.memory_space<vmem>>, %arg2: memref<1x1000x128xf32, #tpu.memory_space<vmem>>, %arg3: memref<1x1000x128xf32, #tpu.memory_space<vmem>>, %arg4: memref<128x128xf32, #tpu.memory_space<vmem>>, %arg5: memref<128x128xf32, #tpu.memory_space<vmem>>, %arg6: memref<1x128xf32, #tpu.memory_space<vmem>>, %arg7: memref<128x128xf32, #tpu.memory_space<vmem>>, %arg8: memref<128x128xf32, #tpu.memory_space<vmem>>, %arg9: memref<1x128xf32, #tpu.memory_space<vmem>>, %arg10: memref<1000x128xf32, #tpu.memory_space<vmem>>, %arg11: memref<1000x128xf32, #tpu.memory_space<vmem>>, %arg12: memref<1000x128xf32, #tpu.memory_space<vmem>>) attributes {dimension_semantics = [#tpu.dimension_semantics<arbitrary>], iteration_bounds = array<i64: 10>, scalar_prefetch = 0 : i64, scratch_operands = 0 : i64, tpu.core_type = #tpu.core_type<tc>, window_params = [{transform_indices = @transform_0, window_bounds = array<i64: 1000, 128>}, {transform_indices = @transform_1, window_bounds = array<i64: 1, 1000, 128>}, {transform_indices = @transform_2, window_bounds = array<i64: 1, 1000, 128>}, {pipeline_mode = #tpu.pipeline_mode<synchronous>, transform_indices = @transform_3, window_bounds = array<i64: 128, 128>}, {pipeline_mode = #tpu.pipeline_mode<synchronous>, transform_indices = @transform_4, window_bounds = array<i64: 128, 128>}, {pipeline_mode = #tpu.pipeline_mode<synchronous>, transform_indices = @transform_5, window_bounds = array<i64: 1, 128>}, {pipeline_mode = #tpu.pipeline_mode<synchronous>, transform_indices = @transform_6, window_bounds = array<i64: 128, 128>}, {pipeline_mode = #tpu.pipeline_mode<synchronous>, transform_indices = @transform_7, window_bounds = array<i64: 128, 128>}, {pipeline_mode = #tpu.pipeline_mode<synchronous>, transform_indices = @transform_8, window_bounds = array<i64: 1, 128>}, {transform_indices = @transform_9, window_bounds = array<i64: 1000, 128>}, {transform_indices = @transform_10, window_bounds = array<i64: 1000, 128>}, {transform_indices = @transform_11, window_bounds = array<i64: 1000, 128>}]} {
    %get3A = arith.constant 0 : index
    %get3A_0 = arith.constant 0 : index
    %get3A_1 = vector.load %arg1[%get3A, %get3A_0] : memref<1000x128xf32, #tpu.memory_space<vmem>>, vector<1000x128xf32>
    %get3A_2 = arith.constant 0 : index
    %get3A_3 = arith.constant 0 : index
    %get3A_4 = arith.constant 0 : index
    %get3A_5 = vector.load %arg2[%get3A_2, %get3A_3, %get3A_4] : memref<1x1000x128xf32, #tpu.memory_space<vmem>>, vector<1x1000x128xf32>
    %get3A_6 = vector.shape_cast %get3A_5 : vector<1x1000x128xf32> to vector<1000x128xf32>
    %get3A_7 = arith.constant 0 : index
    %get3A_8 = arith.constant 0 : index
    %get3A_9 = arith.constant 0 : index
    %get3A_10 = vector.load %arg3[%get3A_7, %get3A_8, %get3A_9] : memref<1x1000x128xf32, #tpu.memory_space<vmem>>, vector<1x1000x128xf32>
    %get3A_11 = vector.shape_cast %get3A_10 : vector<1x1000x128xf32> to vector<1000x128xf32>
    %add3A = arith.addf %get3A_6, %get3A_11 : vector<1000x128xf32>
    %get3A_12 = arith.constant 0 : index
    %get3A_13 = arith.constant 0 : index
    %get3A_14 = vector.load %arg4[%get3A_12, %get3A_13] : memref<128x128xf32, #tpu.memory_space<vmem>>, vector<128x128xf32>
    %dot_general3A = arith.constant dense<0.000000e+00> : vector<1000x128xf32>
    %dot_general3A_15 = tpu.matmul %get3A_1, %get3A_14, %dot_general3A {dimension_numbers = #tpu.dot_dimension_numbers<[1], [0], [0], [1], [0, 0, 1, 1], [], []>, transpose_lhs_hint = false} : vector<1000x128xf32>, vector<128x128xf32>, vector<1000x128xf32> -> vector<1000x128xf32>
    %get3A_16 = arith.constant 0 : index
    %get3A_17 = arith.constant 0 : index
    %get3A_18 = vector.load %arg5[%get3A_16, %get3A_17] : memref<128x128xf32, #tpu.memory_space<vmem>>, vector<128x128xf32>
    %dot_general3A_19 = arith.constant dense<0.000000e+00> : vector<1000x128xf32>
    %dot_general3A_20 = tpu.matmul %add3A, %get3A_18, %dot_general3A_19 {dimension_numbers = #tpu.dot_dimension_numbers<[1], [0], [0], [1], [0, 0, 1, 1], [], []>, transpose_lhs_hint = false} : vector<1000x128xf32>, vector<128x128xf32>, vector<1000x128xf32> -> vector<1000x128xf32>
    %add3A_21 = arith.addf %dot_general3A_15, %dot_general3A_20 : vector<1000x128xf32>
    %get3A_22 = arith.constant 0 : index
    %get3A_23 = arith.constant 0 : index
    %get3A_24 = vector.load %arg6[%get3A_22, %get3A_23] : memref<1x128xf32, #tpu.memory_space<vmem>>, vector<1x128xf32>
    %add3A_25 = vector.broadcast %get3A_24 : vector<1x128xf32> to vector<1000x128xf32>
    %add3A_26 = arith.addf %add3A_21, %add3A_25 : vector<1000x128xf32>
    %max3A = arith.constant 0.000000e+00 : f32
    %max3A_27 = vector.broadcast %max3A : f32 to vector<1000x128xf32>
    %max3A_28 = arith.maximumf %add3A_26, %max3A_27 : vector<1000x128xf32>
    %add3A_29 = arith.addf %get3A_1, %max3A_28 : vector<1000x128xf32>
    %swap3A = arith.constant 0 : index
    %swap3A_30 = arith.constant 0 : index
    %swap3A_31 = vector.load %arg10[%swap3A, %swap3A_30] : memref<1000x128xf32, #tpu.memory_space<vmem>>, vector<1000x128xf32>
    tpu.vector_store %arg10[%swap3A, %swap3A_30], %add3A_29 {strides = array<i32>} : memref<1000x128xf32, #tpu.memory_space<vmem>>, vector<1000x128xf32>,
    %get3A_32 = arith.constant 0 : index
    %get3A_33 = arith.constant 0 : index
    %get3A_34 = vector.load %arg7[%get3A_32, %get3A_33] : memref<128x128xf32, #tpu.memory_space<vmem>>, vector<128x128xf32>
    %dot_general3A_35 = arith.constant dense<0.000000e+00> : vector<1000x128xf32>
    %dot_general3A_36 = tpu.matmul %add3A_29, %get3A_34, %dot_general3A_35 {dimension_numbers = #tpu.dot_dimension_numbers<[1], [0], [0], [1], [0, 0, 1, 1], [], []>, transpose_lhs_hint = false} : vector<1000x128xf32>, vector<128x128xf32>, vector<1000x128xf32> -> vector<1000x128xf32>
    %swap3A_37 = arith.constant 0 : index
    %swap3A_38 = arith.constant 0 : index
    %swap3A_39 = vector.load %arg11[%swap3A_37, %swap3A_38] : memref<1000x128xf32, #tpu.memory_space<vmem>>, vector<1000x128xf32>
    tpu.vector_store %arg11[%swap3A_37, %swap3A_38], %dot_general3A_36 {strides = array<i32>} : memref<1000x128xf32, #tpu.memory_space<vmem>>, vector<1000x128xf32>,
    %get3A_40 = arith.constant 0 : index
    %get3A_41 = arith.constant 0 : index
    %get3A_42 = vector.load %arg8[%get3A_40, %get3A_41] : memref<128x128xf32, #tpu.memory_space<vmem>>, vector<128x128xf32>
    %dot_general3A_43 = arith.constant dense<0.000000e+00> : vector<1000x128xf32>
    %dot_general3A_44 = tpu.matmul %add3A_29, %get3A_42, %dot_general3A_43 {dimension_numbers = #tpu.dot_dimension_numbers<[1], [0], [0], [1], [0, 0, 1, 1], [], []>, transpose_lhs_hint = false} : vector<1000x128xf32>, vector<128x128xf32>, vector<1000x128xf32> -> vector<1000x128xf32>
    %get3A_45 = arith.constant 0 : index
    %get3A_46 = arith.constant 0 : index
    %get3A_47 = vector.load %arg9[%get3A_45, %get3A_46] : memref<1x128xf32, #tpu.memory_space<vmem>>, vector<1x128xf32>
    %add3A_48 = vector.broadcast %get3A_47 : vector<1x128xf32> to vector<1000x128xf32>
    %add3A_49 = arith.addf %dot_general3A_44, %add3A_48 : vector<1000x128xf32>
    %swap3A_50 = arith.constant 0 : index
    %swap3A_51 = arith.constant 0 : index
    %swap3A_52 = vector.load %arg12[%swap3A_50, %swap3A_51] : memref<1000x128xf32, #tpu.memory_space<vmem>>, vector<1000x128xf32>
    tpu.vector_store %arg12[%swap3A_50, %swap3A_51], %add3A_49 {strides = array<i32>} : memref<1000x128xf32, #tpu.memory_space<vmem>>, vector<1000x128xf32>,
    return
  }
  func.func @transform_0(%arg0: i32) -> (i32, i32) {
    %c0_i32 = arith.constant 0 : i32
    %c0_i32_0 = arith.constant 0 : i32
    return %arg0, %c0_i32 : i32, i32
  }
  func.func @transform_1(%arg0: i32) -> (i32, i32, i32) {
    %c0_i32 = arith.constant 0 : i32
    %c0_i32_0 = arith.constant 0 : i32
    %c0_i32_1 = arith.constant 0 : i32
    return %c0_i32, %arg0, %c0_i32_0 : i32, i32, i32
  }
  func.func @transform_2(%arg0: i32) -> (i32, i32, i32) {
    %c1_i32 = arith.constant 1 : i32
    %c0_i32 = arith.constant 0 : i32
    %c0_i32_0 = arith.constant 0 : i32
    return %c1_i32, %arg0, %c0_i32 : i32, i32, i32
  }
  func.func @transform_3(%arg0: i32) -> (i32, i32) {
    %c0_i32 = arith.constant 0 : i32
    %c0_i32_0 = arith.constant 0 : i32
    %c0_i32_1 = arith.constant 0 : i32
    return %c0_i32, %c0_i32_0 : i32, i32
  }
  func.func @transform_4(%arg0: i32) -> (i32, i32) {
    %c0_i32 = arith.constant 0 : i32
    %c0_i32_0 = arith.constant 0 : i32
    %c0_i32_1 = arith.constant 0 : i32
    return %c0_i32, %c0_i32_0 : i32, i32
  }
  func.func @transform_5(%arg0: i32) -> (i32, i32) {
    %c0_i32 = arith.constant 0 : i32
    %c0_i32_0 = arith.constant 0 : i32
    %c0_i32_1 = arith.constant 0 : i32
    return %c0_i32, %c0_i32_0 : i32, i32
  }
  func.func @transform_6(%arg0: i32) -> (i32, i32) {
    %c0_i32 = arith.constant 0 : i32
    %c0_i32_0 = arith.constant 0 : i32
    %c0_i32_1 = arith.constant 0 : i32
    return %c0_i32, %c0_i32_0 : i32, i32
  }
  func.func @transform_7(%arg0: i32) -> (i32, i32) {
    %c0_i32 = arith.constant 0 : i32
    %c0_i32_0 = arith.constant 0 : i32
    %c0_i32_1 = arith.constant 0 : i32
    return %c0_i32, %c0_i32_0 : i32, i32
  }
  func.func @transform_8(%arg0: i32) -> (i32, i32) {
    %c0_i32 = arith.constant 0 : i32
    %c0_i32_0 = arith.constant 0 : i32
    %c0_i32_1 = arith.constant 0 : i32
    return %c0_i32, %c0_i32_0 : i32, i32
  }
  func.func @transform_9(%arg0: i32) -> (i32, i32) {
    %c0_i32 = arith.constant 0 : i32
    %c0_i32_0 = arith.constant 0 : i32
    return %arg0, %c0_i32 : i32, i32
  }
  func.func @transform_10(%arg0: i32) -> (i32, i32) {
    %c0_i32 = arith.constant 0 : i32
    %c0_i32_0 = arith.constant 0 : i32
    return %arg0, %c0_i32 : i32, i32
  }
  func.func @transform_11(%arg0: i32) -> (i32, i32) {
    %c0_i32 = arith.constant 0 : i32
    %c0_i32_0 = arith.constant 0 : i32
    return %arg0, %c0_i32 : i32, i32
  }
}

module attributes {stable_mosaic.version = 14 : i64} {
  func.func @_upddec_body(%arg0: i32, %arg1: memref<1000x128xf32, #tpu.memory_space<vmem>>, %arg2: memref<1x1000x128xf32, #tpu.memory_space<vmem>>, %arg3: memref<1x1000x128xf32, #tpu.memory_space<vmem>>, %arg4: memref<128x128xf32, #tpu.memory_space<vmem>>, %arg5: memref<128x128xf32, #tpu.memory_space<vmem>>, %arg6: memref<1x128xf32, #tpu.memory_space<vmem>>, %arg7: memref<128x128xf32, #tpu.memory_space<vmem>>, %arg8: memref<1x128xf32, #tpu.memory_space<vmem>>, %arg9: memref<128x128xf32, #tpu.memory_space<vmem>>, %arg10: memref<1x128xf32, #tpu.memory_space<vmem>>, %arg11: memref<1000x128xf32, #tpu.memory_space<vmem>>) attributes {dimension_semantics = [#tpu.dimension_semantics<arbitrary>], iteration_bounds = array<i64: 10>, scalar_prefetch = 0 : i64, scratch_operands = 0 : i64, tpu.core_type = #tpu.core_type<tc>, window_params = [{transform_indices = @transform_0, window_bounds = array<i64: 1000, 128>}, {transform_indices = @transform_1, window_bounds = array<i64: 1, 1000, 128>}, {transform_indices = @transform_2, window_bounds = array<i64: 1, 1000, 128>}, {pipeline_mode = #tpu.pipeline_mode<synchronous>, transform_indices = @transform_3, window_bounds = array<i64: 128, 128>}, {pipeline_mode = #tpu.pipeline_mode<synchronous>, transform_indices = @transform_4, window_bounds = array<i64: 128, 128>}, {pipeline_mode = #tpu.pipeline_mode<synchronous>, transform_indices = @transform_5, window_bounds = array<i64: 1, 128>}, {pipeline_mode = #tpu.pipeline_mode<synchronous>, transform_indices = @transform_6, window_bounds = array<i64: 128, 128>}, {pipeline_mode = #tpu.pipeline_mode<synchronous>, transform_indices = @transform_7, window_bounds = array<i64: 1, 128>}, {pipeline_mode = #tpu.pipeline_mode<synchronous>, transform_indices = @transform_8, window_bounds = array<i64: 128, 128>}, {pipeline_mode = #tpu.pipeline_mode<synchronous>, transform_indices = @transform_9, window_bounds = array<i64: 1, 128>}, {transform_indices = @transform_10, window_bounds = array<i64: 1000, 128>}]} {
    %get3A = arith.constant 0 : index
    %get3A_0 = arith.constant 0 : index
    %get3A_1 = vector.load %arg1[%get3A, %get3A_0] : memref<1000x128xf32, #tpu.memory_space<vmem>>, vector<1000x128xf32>
    %get3A_2 = arith.constant 0 : index
    %get3A_3 = arith.constant 0 : index
    %get3A_4 = arith.constant 0 : index
    %get3A_5 = vector.load %arg2[%get3A_2, %get3A_3, %get3A_4] : memref<1x1000x128xf32, #tpu.memory_space<vmem>>, vector<1x1000x128xf32>
    %get3A_6 = vector.shape_cast %get3A_5 : vector<1x1000x128xf32> to vector<1000x128xf32>
    %get3A_7 = arith.constant 0 : index
    %get3A_8 = arith.constant 0 : index
    %get3A_9 = arith.constant 0 : index
    %get3A_10 = vector.load %arg3[%get3A_7, %get3A_8, %get3A_9] : memref<1x1000x128xf32, #tpu.memory_space<vmem>>, vector<1x1000x128xf32>
    %get3A_11 = vector.shape_cast %get3A_10 : vector<1x1000x128xf32> to vector<1000x128xf32>
    %add3A = arith.addf %get3A_6, %get3A_11 : vector<1000x128xf32>
    %get3A_12 = arith.constant 0 : index
    %get3A_13 = arith.constant 0 : index
    %get3A_14 = vector.load %arg4[%get3A_12, %get3A_13] : memref<128x128xf32, #tpu.memory_space<vmem>>, vector<128x128xf32>
    %dot_general3A = arith.constant dense<0.000000e+00> : vector<1000x128xf32>
    %dot_general3A_15 = tpu.matmul %get3A_1, %get3A_14, %dot_general3A {dimension_numbers = #tpu.dot_dimension_numbers<[1], [0], [0], [1], [0, 0, 1, 1], [], []>, transpose_lhs_hint = false} : vector<1000x128xf32>, vector<128x128xf32>, vector<1000x128xf32> -> vector<1000x128xf32>
    %get3A_16 = arith.constant 0 : index
    %get3A_17 = arith.constant 0 : index
    %get3A_18 = vector.load %arg5[%get3A_16, %get3A_17] : memref<128x128xf32, #tpu.memory_space<vmem>>, vector<128x128xf32>
    %dot_general3A_19 = arith.constant dense<0.000000e+00> : vector<1000x128xf32>
    %dot_general3A_20 = tpu.matmul %add3A, %get3A_18, %dot_general3A_19 {dimension_numbers = #tpu.dot_dimension_numbers<[1], [0], [0], [1], [0, 0, 1, 1], [], []>, transpose_lhs_hint = false} : vector<1000x128xf32>, vector<128x128xf32>, vector<1000x128xf32> -> vector<1000x128xf32>
    %add3A_21 = arith.addf %dot_general3A_15, %dot_general3A_20 : vector<1000x128xf32>
    %get3A_22 = arith.constant 0 : index
    %get3A_23 = arith.constant 0 : index
    %get3A_24 = vector.load %arg6[%get3A_22, %get3A_23] : memref<1x128xf32, #tpu.memory_space<vmem>>, vector<1x128xf32>
    %add3A_25 = vector.broadcast %get3A_24 : vector<1x128xf32> to vector<1000x128xf32>
    %add3A_26 = arith.addf %add3A_21, %add3A_25 : vector<1000x128xf32>
    %max3A = arith.constant 0.000000e+00 : f32
    %max3A_27 = vector.broadcast %max3A : f32 to vector<1000x128xf32>
    %max3A_28 = arith.maximumf %add3A_26, %max3A_27 : vector<1000x128xf32>
    %add3A_29 = arith.addf %get3A_1, %max3A_28 : vector<1000x128xf32>
    %get3A_30 = arith.constant 0 : index
    %get3A_31 = arith.constant 0 : index
    %get3A_32 = vector.load %arg7[%get3A_30, %get3A_31] : memref<128x128xf32, #tpu.memory_space<vmem>>, vector<128x128xf32>
    %dot_general3A_33 = arith.constant dense<0.000000e+00> : vector<1000x128xf32>
    %dot_general3A_34 = tpu.matmul %add3A_29, %get3A_32, %dot_general3A_33 {dimension_numbers = #tpu.dot_dimension_numbers<[1], [0], [0], [1], [0, 0, 1, 1], [], []>, transpose_lhs_hint = false} : vector<1000x128xf32>, vector<128x128xf32>, vector<1000x128xf32> -> vector<1000x128xf32>
    %get3A_35 = arith.constant 0 : index
    %get3A_36 = arith.constant 0 : index
    %get3A_37 = vector.load %arg8[%get3A_35, %get3A_36] : memref<1x128xf32, #tpu.memory_space<vmem>>, vector<1x128xf32>
    %add3A_38 = vector.broadcast %get3A_37 : vector<1x128xf32> to vector<1000x128xf32>
    %add3A_39 = arith.addf %dot_general3A_34, %add3A_38 : vector<1000x128xf32>
    %max3A_40 = arith.constant 0.000000e+00 : f32
    %max3A_41 = vector.broadcast %max3A_40 : f32 to vector<1000x128xf32>
    %max3A_42 = arith.maximumf %add3A_39, %max3A_41 : vector<1000x128xf32>
    %get3A_43 = arith.constant 0 : index
    %get3A_44 = arith.constant 0 : index
    %get3A_45 = vector.load %arg9[%get3A_43, %get3A_44] : memref<128x128xf32, #tpu.memory_space<vmem>>, vector<128x128xf32>
    %dot_general3A_46 = arith.constant dense<0.000000e+00> : vector<1000x128xf32>
    %dot_general3A_47 = tpu.matmul %max3A_42, %get3A_45, %dot_general3A_46 {dimension_numbers = #tpu.dot_dimension_numbers<[1], [0], [0], [1], [0, 0, 1, 1], [], []>, transpose_lhs_hint = false} : vector<1000x128xf32>, vector<128x128xf32>, vector<1000x128xf32> -> vector<1000x128xf32>
    %get3A_48 = arith.constant 0 : index
    %get3A_49 = arith.constant 0 : index
    %get3A_50 = vector.load %arg10[%get3A_48, %get3A_49] : memref<1x128xf32, #tpu.memory_space<vmem>>, vector<1x128xf32>
    %add3A_51 = vector.broadcast %get3A_50 : vector<1x128xf32> to vector<1000x128xf32>
    %add3A_52 = arith.addf %dot_general3A_47, %add3A_51 : vector<1000x128xf32>
    %swap3A = arith.constant 0 : index
    %swap3A_53 = arith.constant 0 : index
    %swap3A_54 = vector.load %arg11[%swap3A, %swap3A_53] : memref<1000x128xf32, #tpu.memory_space<vmem>>, vector<1000x128xf32>
    tpu.vector_store %arg11[%swap3A, %swap3A_53], %add3A_52 {strides = array<i32>} : memref<1000x128xf32, #tpu.memory_space<vmem>>, vector<1000x128xf32>,
    return
  }
  func.func @transform_0(%arg0: i32) -> (i32, i32) {
    %c0_i32 = arith.constant 0 : i32
    %c0_i32_0 = arith.constant 0 : i32
    return %arg0, %c0_i32 : i32, i32
  }
  func.func @transform_1(%arg0: i32) -> (i32, i32, i32) {
    %c0_i32 = arith.constant 0 : i32
    %c0_i32_0 = arith.constant 0 : i32
    %c0_i32_1 = arith.constant 0 : i32
    return %c0_i32, %arg0, %c0_i32_0 : i32, i32, i32
  }
  func.func @transform_2(%arg0: i32) -> (i32, i32, i32) {
    %c1_i32 = arith.constant 1 : i32
    %c0_i32 = arith.constant 0 : i32
    %c0_i32_0 = arith.constant 0 : i32
    return %c1_i32, %arg0, %c0_i32 : i32, i32, i32
  }
  func.func @transform_3(%arg0: i32) -> (i32, i32) {
    %c0_i32 = arith.constant 0 : i32
    %c0_i32_0 = arith.constant 0 : i32
    %c0_i32_1 = arith.constant 0 : i32
    return %c0_i32, %c0_i32_0 : i32, i32
  }
  func.func @transform_4(%arg0: i32) -> (i32, i32) {
    %c0_i32 = arith.constant 0 : i32
    %c0_i32_0 = arith.constant 0 : i32
    %c0_i32_1 = arith.constant 0 : i32
    return %c0_i32, %c0_i32_0 : i32, i32
  }
  func.func @transform_5(%arg0: i32) -> (i32, i32) {
    %c0_i32 = arith.constant 0 : i32
    %c0_i32_0 = arith.constant 0 : i32
    %c0_i32_1 = arith.constant 0 : i32
    return %c0_i32, %c0_i32_0 : i32, i32
  }
  func.func @transform_6(%arg0: i32) -> (i32, i32) {
    %c0_i32 = arith.constant 0 : i32
    %c0_i32_0 = arith.constant 0 : i32
    %c0_i32_1 = arith.constant 0 : i32
    return %c0_i32, %c0_i32_0 : i32, i32
  }
  func.func @transform_7(%arg0: i32) -> (i32, i32) {
    %c0_i32 = arith.constant 0 : i32
    %c0_i32_0 = arith.constant 0 : i32
    %c0_i32_1 = arith.constant 0 : i32
    return %c0_i32, %c0_i32_0 : i32, i32
  }
  func.func @transform_8(%arg0: i32) -> (i32, i32) {
    %c0_i32 = arith.constant 0 : i32
    %c0_i32_0 = arith.constant 0 : i32
    %c0_i32_1 = arith.constant 0 : i32
    return %c0_i32, %c0_i32_0 : i32, i32
  }
  func.func @transform_9(%arg0: i32) -> (i32, i32) {
    %c0_i32 = arith.constant 0 : i32
    %c0_i32_0 = arith.constant 0 : i32
    %c0_i32_1 = arith.constant 0 : i32
    return %c0_i32, %c0_i32_0 : i32, i32
  }
  func.func @transform_10(%arg0: i32) -> (i32, i32) {
    %c0_i32 = arith.constant 0 : i32
    %c0_i32_0 = arith.constant 0 : i32
    return %arg0, %c0_i32 : i32, i32
  }
}

</mosaic_0001>

<sc_bundles>
// kernel: kernel.10.cloned.1.call-start
scs
__scs_entry_jumppad:
0x0: {  	(pc) =	sbr.rel $0x88, $3  }
0x1: {  	(tag) =	ssettag $0x0;
	lr =	simm.s32 $0x1  }
0x2: {  	[smem:$0x3F8A] =	sst lr;
	_ =	strace $0xD0000000  }
0x3: {  	_ = 	snop  }
0x4: {  	_ = 	snop  }
0x5: {  	_ = 	snop  }
0x6: {  	_ = 	snop  }
0x7: {  	_ = 	snop  }
__scs_overlays_trampoline_lowered:
0x8: {  	[smem:$0x3F99] =	sst s0  }
0x9: {  	[smem:$0x3F9A] =	sst s1  }
0xa: {  	[smem:$0x3F9B] =	sst s2  }
0xb: {  	[smem:$0x3F9C] =	sst s3  }
0xc: {  	[smem:$0x3F9D] =	sst s4  }
0xd: {  	[smem:$0x3F9E] =	sst s5  }
0xe: {  	[smem:$0x3F9F] =	sst s6  }
0xf: {  	[smem:$0x3FA0] =	sst s7  }
0x10: {  	[smem:$0x3FA1] =	sst s8  }
0x11: {  	[smem:$0x3FA2] =	sst s9;
	s0 =	simm.s32 @!p0 $0x0  }
0x12: {  	s1 =	sld [smem:$0x3F88];
	s0 =	simm.s32 @p0 $0x1  }
0x13: {  	[smem:$0x3FA3] =	sst s0;
	s0 =	simm.s32 @!p1 $0x0  }
0x14: {  	s2 =	sld [smem:$0x3F87];
	s0 =	simm.s32 @p1 $0x1  }
0x15: {  	[smem:$0x3FA4] =	sst s0;
	s0 =	simm.s32 @!p2 $0x0  }
0x16: {  	s3 =	sld [smem:$0x3FDB];
	s0 =	simm.s32 @p2 $0x1  }
0x17: {  	s4 =	simm.s32 $0x1BF5;
	[smem:$0x3FA6] =	sst s0  }
0x18: {  	s0 =	sld [smem:$0x3F89];
	_ =	swait.ge [sflag:s4], $0x0  }
0x19: {  	s7 =	sld [smem:$0x3F8A]  }
0x1a: {  	s8 =	sadd.s32 $0xFFFFE003, lr  }
0x1b: {  	s9 =	sadd.s32 $0xFFFFFEF7, lr;
	s5 =	simm.s32 $0xFFFFFFFF;
	p2 =	slt.u32 s8, $0xFFFFF086  }
0x1c: {  	p1 =	slt.u32 s9, $0xF7A;
	s5 =	simm.s32 @!p2 $0x0  }
0x1d: {  	s5 =	simm.s32 @p1 $0x1;
	p0 =	seq.s32 s7, s2  }
0x1e: {  	s7 =	smul.u32 @!p0 $0xF7A, s2;
	p2 =	seq.s32 @!p0 s5, $0x0  }
0x1f: {  	s9 =	smul.u32 $0xF7A, s1;
	s8 =	simm.s32 @!p0 $0x1BF5;
	p2 =	por !p2, p0  }
0x20: {  	[sflag:s8] =	ssyncset.s32 @!p0 $0xFFFFF086;
	s6 =	sadd.s32 @!p0 s3, s7;
	s7 =	simm.s32 @!p0 $0x108  }
0x21: {  	s3 =	sadd.s32 s3, s9;
	s6 =	sadd.s32 @!p0 $0x88, s6;
	s7 =	simm.s32 @p2 $0x1082  }
0x22: {  	[simem:s7], [sflag:s8] =	dma.local @!p0 [hbm:s6], $0xF7A  }
0x23: {  	s9 =	sor.u32 $0xD0000000, s2;
	s6 =	simm.s32 $0x108;
	_ =	swait.ge @!p0 [sflag:s8], $0x0  }
0x24: {  	s3 =	sadd.s32 $0x88, s3;
	s6 =	simm.s32 @!p1 $0x1082;
	[sflag:s4] =	ssyncset.s32 $0xFFFFF086  }
0x25: {  	[simem:s6], [sflag:s4] =	dma.local [hbm:s3], $0xF7A  }
0x26: {  	[smem:$0x3F8A] =	sst s1;
	(tag) =	ssettag s2;
	_ =	strace s9  }
0x27: {  	s1 =	sld [smem:$0x3F9A]  }
0x28: {  	s2 =	sld [smem:$0x3F9B]  }
0x29: {  	s4 =	sld [smem:$0x3F9D]  }
0x2a: {  	p0 =	seq.s32 s5, $0x0;
	s5 =	sld [smem:$0x3F9E]  }
0x2b: {  	s6 =	sld [smem:$0x3F9F]  }
0x2c: {  	s7 =	sld [smem:$0x3FA0]  }
0x2d: {  	s3 =	simm.s32 $0x108;
	s8 =	sld [smem:$0x3FA1]  }
0x2e: {  	s3 =	simm.s32 @!p0 $0x1082;
	s9 =	sld [smem:$0x3FA2]  }
0x2f: {  	lr =	sadd.s32 s0, s3;
	s0 =	sld [smem:$0x3F99]  }
0x30: {  	s3 =	sld [smem:$0x3F9C]  }
0x31: {  	[smem:$0x3FA5] =	sst s10  }
0x32: {  	s10 =	sld [smem:$0x3FA3];
	_ =	sdelay $0x3  }
0x33: {  	p0 =	seq.s32 s10, $0x1;
	s10 =	sld [smem:$0x3FA5];
	_ =	sdelay $0x3  }
0x34: {  	[smem:$0x3FA5] =	sst s10  }
0x35: {  	s10 =	sld [smem:$0x3FA4];
	_ =	sdelay $0x3  }
0x36: {  	p1 =	seq.s32 s10, $0x1;
	s10 =	sld [smem:$0x3FA5];
	_ =	sdelay $0x3  }
0x37: {  	[smem:$0x3FA5] =	sst s10  }
0x38: {  	s10 =	sld [smem:$0x3FA6]  }
0x39: {  	_ = 	snop;
	(pc) =	sbr.ind lr, $3  }
0x3a: {  	_ = 	snop  }
0x3b: {  	_ = 	snop  }
0x3c: {  	p2 =	seq.s32 s10, $0x1;
	s10 =	sld [smem:$0x3FA5]  }
0x3d: {  	_ =	shalt  }
0x3e: {  	_ =	shalt  }
0x3f: {  	_ =	shalt  }
0x40: {  	_ =	shalt  }
0x41: {  	_ =	shalt  }
0x42: {  	_ =	shalt  }
0x43: {  	_ =	shalt  }
0x44: {  	_ =	shalt  }
0x45: {  	_ =	shalt  }
0x46: {  	_ =	shalt  }
0x47: {  	_ =	shalt  }
0x48: {  	_ =	shalt  }
0x49: {  	_ =	shalt  }
0x4a: {  	_ =	shalt  }
0x4b: {  	_ =	shalt  }
0x4c: {  	_ =	shalt  }
0x4d: {  	_ =	shalt  }
0x4e: {  	_ =	shalt  }
0x4f: {  	_ =	shalt  }
0x50: {  	_ =	shalt  }
0x51: {  	_ =	shalt  }
0x52: {  	_ =	shalt  }
0x53: {  	_ =	shalt  }
0x54: {  	_ =	shalt  }
0x55: {  	_ =	shalt  }
0x56: {  	_ =	shalt  }
0x57: {  	_ =	shalt  }
0x58: {  	_ =	shalt  }
0x59: {  	_ =	shalt  }
0x5a: {  	_ =	shalt  }
0x5b: {  	_ =	shalt  }
0x5c: {  	_ =	shalt  }
0x5d: {  	_ =	shalt  }
0x5e: {  	_ =	shalt  }
0x5f: {  	_ =	shalt  }
0x60: {  	_ =	shalt  }
0x61: {  	_ =	shalt  }
0x62: {  	_ =	shalt  }
0x63: {  	_ =	shalt  }
0x64: {  	_ =	shalt  }
0x65: {  	_ =	shalt  }
0x66: {  	_ =	shalt  }
0x67: {  	_ =	shalt  }
0x68: {  	_ =	shalt  }
0x69: {  	_ =	shalt  }
0x6a: {  	_ =	shalt  }
0x6b: {  	_ =	shalt  }
0x6c: {  	_ =	shalt  }
0x6d: {  	_ =	shalt  }
0x6e: {  	_ =	shalt  }
0x6f: {  	_ =	shalt  }
0x70: {  	_ =	shalt  }
0x71: {  	_ =	shalt  }
0x72: {  	_ =	shalt  }
0x73: {  	_ =	shalt  }
0x74: {  	_ =	shalt  }
0x75: {  	_ =	shalt  }
0x76: {  	_ =	shalt  }
0x77: {  	_ =	shalt  }
0x78: {  	_ =	shalt  }
0x79: {  	_ =	shalt  }
0x7a: {  	_ =	shalt  }
0x7b: {  	_ =	shalt  }
0x7c: {  	_ =	shalt  }
0x7d: {  	_ =	shalt  }
0x7e: {  	_ =	shalt  }
0x7f: {  	_ =	shalt  }
0x80: {  	_ =	shalt  }
0x81: {  	_ =	shalt  }
0x82: {  	_ =	shalt  }
0x83: {  	_ =	shalt  }
0x84: {  	_ =	shalt  }
0x85: {  	_ =	shalt  }
0x86: {  	_ =	shalt  }
0x87: {  	_ =	shalt  }
.Lfunc_end0:
.L_simem_size_0:
called_computation_lowered:
.L_overlay_start_0:
0x88: {  	s2 =	sld [smem:$0x3FD9]  }
0x89: {  	s3 =	sld [smem:$0x3FFE];
	_ =	sdelay $0x1  }
0x8a: {  	s1 =	srdreg.scid  }
0x8b: {  	s0 =	sand.u32 $0x1, s1  }
0x8c: {  	s16 =	sshll.u32 s0, $0xA;
	s2 =	sadd.s32 s3, s2  }
0x8d: {  	s2 =	sadd.s32 s2, s16  }
0x8e: {  	[smem:$0x3FB1] =	sst s2  }
0x8f: {  	_ = 	snop  }
0x90: {  	(tm) =	ssettm $0x1  }
0x91: {  	s17 =	sld [smem:$0x3FFB];
	_ =	sdelay $0x3  }
0x92: {  	_ =	strace s17  }
0x93: {  	s2 =	sld [smem:$0x3FFC];
	_ =	sdelay $0x3  }
0x94: {  	_ =	strace s2  }
0x95: {  	s2 =	sld [smem:$0x3FFD];
	_ =	sdelay $0x3  }
0x96: {  	_ =	strace s2  }
0x97: {  	_ =	strace $0x8FFFFFFF  }
0x98: {  	s18 =	sld [smem:$0x3FDB];
	_ =	sdelay $0x1  }
0x99: {  	s19 =	simm.s32 $_scs_section_size  }
0x9a: {  	s4 =	simm.s32 $_size__tile_overlayer_lowered;
	s5 =	simm.s32 $_tile_overlayer_lowered  }
0x9b: {  	s22 =	simm.s32 $0x1BFF;
	s21 =	sshll.u32 s5, $0x1;
	s2 =	sadd.s32 s19, s18  }
0x9c: {  	s6 =	simm.s32 $0x0;
	s20 =	sshll.u32 s4, $0x1;
	s4 =	sadd.s32 s21, s2  }
0x9d: {  	[timem:s6], [sflag:s22] =	dma.local [hbm:s4], s20  }
0x9e: {  	_ =	swait.ge [sflag:s22], s20  }
0x9f: {  	s3 =	ssub.s32 $0x0, s20;
	[sflag:s22] =	ssyncset.done $0x0  }
0xa0: {  	[sflag:s22] =	ssyncadd.s32 s3;
	_ =	sdelay $0x1  }
0xa1: {  	s23 =	simm.s32 $0x1B8B  }
0xa2: {  	_ =	swait.ge [sflag:s23], $0x1  }
0xa3: {  	[sflag:s23] =	ssyncset.done $0x0  }
0xa4: {  	s25 =	simm.s32 $0x1B8E;
	s24 =	sld [smem:$0x3FFE];
	[sflag:s23] =	ssyncadd.s32 $0xFFFFFFFF  }
0xa5: {  	s26 =	simm.s32 $execute0_lowered;
	[smem:$0x3FD2] =	sst s25  }
0xa6: {  	s4 =	sshll.u32 s26, $0x1;
	_ =	strace $0x80000046;
	[dreg:$0x1] =	wrdreg $0xFFFFFFFF  }
0xa7: {  	s28 =	simm.s32 $_size_execute0_lowered;
	s2 =	sadd.s32 s2, s4;
	[dreg:$0x0] =	wrdreg $0x0  }
0xa8: {  	s4 =	sshll.u32 s28, $0x1;
	[dreg:$0x2] =	wrdreg s2  }
0xa9: {  	[dreg:$0x3] =	wrdreg s4  }
0xaa: {  	[dreg:$0x4] =	wrdreg $0xC0  }
0xab: {  	_ =	task [dreg:s6], $0x5FFFF  }
0xac: {  	[dreg:$0x1] =	wrdreg $0xFFFFFFFF  }
0xad: {  	[dreg:$0x0] =	wrdreg $0x60  }
0xae: {  	[dreg:$0x2] =	wrdreg s24  }
0xaf: {  	[dreg:$0x3] =	wrdreg $0x7A000  }
0xb0: {  	[dreg:$0x4] =	wrdreg $0x9  }
0xb1: {  	_ =	task.clear_ibuf [dreg:s6], $0x5FFFF;
	_ =	strace $0x90000046  }
0xb2: {  	s29 =	simm.s32 $0x9;
	_ =	strace $0x80000048  }
0xb3: {  	_ =	swait.ge [sflag:s29], $0x1  }
0xb4: {  	[sflag:s29] =	ssyncadd.s32 $0xFFFFFFFF  }
0xb5: {  	_ =	strace $0x90000048  }
0xb6: {  	_ =	sfence  }
0xb7: {  	s30 =	sld [smem:$0x0];
	_ =	sdelay $0x2  }
0xb8: {  	s31 =	sshll.u32 s1, $0xD;
	s1 =	sshrl.u32 s1, $0x2  }
0xb9: {  	s3 =	sand.u32 $0x4000, s31;
	s1 =	sadd.s32 s1, s30  }
0xba: {  	s0 =	sor.u32 s3, s0;
	s1 =	sshll.u32 s1, $0x11  }
0xbb: {  	s0 =	sor.u32 s1, s0  }
0xbc: {  	s0 =	sadd.s32 $0x8F2B, s0  }
0xbd: {  	[sflag:s0] =	ssyncadd.remote.s32 $0x1  }
0xbe: {  	_ =	sfence.sel $0xFFFF  }
0xbf: {  	[dreg:$0x0] =	wrdreg $0xFFFFFFFF;
	(pc) =	sbr.abs _section_cstart, $3  }
0xc0: {  	[dreg:$0x1] =	wrdreg $0xFFFFFFFF  }
0xc1: {  	_ =	task.clear_ibuf [dreg:s6], $0x2FFFF;
	_ =	strace $0x9FFFFFFF  }
0xc2: {  	(tm) =	ssettm $0x7FFFFFFF  }
0xc3: {  	_ =	shalt  }
tec
execute0_lowered:
.L_overlay_start_1:
0x0: {  	(tag) =	ssettag $0x1  }
0x1: {  	s0 =	srdreg.scid;
	s1 =	rddreg [dreg:$0x0]  }
0x2: {  	s13 =	stileid.u32;
	s2 =	rddreg [dreg:$0x1];
	s0 =	sand.u32 $0x1, s0  }
0x3: {  	s3 =	sshll.u32 s13, $0x1;
	s10 =	smul.u32 $0x14000, s13;
	s6 =	sadd.s32 $0x526600, s1  }
0x4: {  	s13 =	smul.u32 $0x50000, s13;
	s8 =	sor.u32 s0, s3;
	s3 =	simm.s32 $0x0  }
0x5: {  	s9 =	smul.u32 $0x140000, s0;
	s0 =	ssub.s32 $0x2, s0;
	[smem:$0x7FF] =	sst s3  }
0x6: {  	s29 =	smul.u32 $0x27100, s8;
	s12 =	sshrl.u32 s0, $0x1;
	s31 =	sshrl.u32 s13, $0x2  }
0x7: {  	_ =	strace $0x80000047;
	s9 =	sadd.s32 s10, s9;
	s20 =	sadd.s32 s31, s2  }
0x8: {  	s0 =	ssub.s32 s0, s12;
	s10 =	sadd.s32 s6, s29;
	[dreg:$0x6] =	wrdreg s20  }
0x9: {  	s0 =	smax.u32 s0, $0x1;
	[dreg:$0x5] =	wrdreg s10  }
0xa: {  	s14 =	sadd.s32 $0x2800, s20;
	[dreg:$0x7] =	wrdreg s0  }
0xb: {  	s15 =	sadd.s32 $0x3C00, s20;
	[dreg:$0x9] =	wrdreg s14  }
0xc: {  	s28 =	simm.s32 $0x8;
	s16 =	sadd.s32 $0x5000, s20;
	[dreg:$0xa] =	wrdreg s15  }
0xd: {  	s4 =	sadd.s32 $0x5E00, s1;
	s17 =	sadd.s32 $0x6400, s20;
	[dreg:$0xb] =	wrdreg s16  }
0xe: {  	s5 =	sadd.s32 $0x2D000, s1;
	s18 =	sadd.s32 $0x7800, s20;
	[dreg:$0xc] =	wrdreg s17  }
0xf: {  	s7 =	smul.u32 $0x1F40, s8;
	s19 =	sadd.s32 $0x8C00, s20;
	[dreg:$0xd] =	wrdreg s18  }
0x10: {  	s12 =	sadd.s32 $0x4E7E40, s1;
	s21 =	sadd.s32 $0xA000, s20;
	[dreg:$0xe] =	wrdreg s19  }
0x11: {  	s11 =	sadd.s32 s7, s1;
	s22 =	sadd.s32 $0xB400, s20;
	[dreg:$0xf] =	wrdreg s21  }
0x12: {  	s7 =	smul.u32 $0xFA, s8;
	s23 =	sadd.s32 $0xC800, s20;
	[dreg:$0x10] =	wrdreg s22  }
0x13: {  	s9 =	sshrl.u32 s9, $0x3;
	s24 =	sadd.s32 $0xDC00, s20;
	[dreg:$0x11] =	wrdreg s23  }
0x14: {  	s8 =	smul.u32 $0x2710, s8;
	s26 =	sadd.s32 $0xF000, s20;
	[dreg:$0x12] =	wrdreg s24  }
0x15: {  	s29 =	sadd.s32 $0x10400, s20;
	s31 =	sadd.s32 $0x12C00, s20;
	[dreg:$0x13] =	wrdreg s26  }
0x16: {  	s9 =	sadd.s32 s9, s1;
	s30 =	sadd.s32 $0x4E7E00, s11;
	[dreg:$0x14] =	wrdreg s29  }
0x17: {  	s11 =	sadd.s32 $0x4E7E20, s11;
	[dreg:$0x16] =	wrdreg s31;
	s0 =	simm.s32 $0x200  }
0x18: {  	s10 =	simm.s32 $0x100;
	s15 =	simm.s32 $0x80;
	s16 =	simm.s32 $0x2  }
0x19: {  	s17 =	simm.s32 $0x1600;
	s18 =	simm.s32 $0x180;
	s21 =	simm.s32 $0x3  }
0x1a: {  	s22 =	simm.s32 $0x5;
	s23 =	simm.s32 $0x7;
	s24 =	simm.s32 $0x4  }
0x1b: {  	s26 =	simm.s32 $0x6;
	s14 =	simm.s32 $0x0;
	[dreg:$0x3] =	wrdreg s30  }
0x1c: {  	[dreg:$0x4] =	wrdreg s11;
	s13 =	sadd.s32 $0x50, s8;
	s11 =	sadd.s32 $0x1400, s20  }
0x1d: {  	s25 =	sadd.s32 $0x54200, s9;
	s30 =	sadd.s32 $0x11800, s20;
	[dreg:$0x8] =	wrdreg s11  }
0x1e: {  	v0 =	vimm.f32 $0.0e+00;
	s9 =	simm.s32 $0x9;
	[dreg:$0x15] =	wrdreg s30;
	s11 =	simm.s32 $0x28  }
.LBB2_1:
0x1f: {  	[dreg:$0x17] =	wrdreg s14;
	s1 =	simm.s32 $0x0;
	s14 =	simm.s32 $0x200  }
.LBB2_2:
0x20: {  	p0 =	sne.s32 s14, $0x4E00;
	[tilespmem:s1+$0x270] =	vst v0  }
0x21: {  	[tilespmem:s1+$0x200] =	vst v0  }
0x22: {  	[tilespmem:s1+$0x210] =	vst v0  }
.Ltmp0:
0x23: {  	[tilespmem:s1+$0x220] =	vst v0;
	(pc) =	sbr.rel @p0 .LBB2_2-.Ltmp0, $4  }
0x24: {  	[tilespmem:s1+$0x230] =	vst v0  }
0x25: {  	[tilespmem:s1+$0x240] =	vst v0  }
0x26: {  	[tilespmem:s1+$0x250] =	vst v0  }
0x27: {  	[tilespmem:s1+$0x260] =	vst v0;
	s1 =	sshra.s32 s14, $0x2;
	s14 =	sadd.s32 $0x200, s14  }
0x28: {  	[tilespmem:s1+$0x270] =	vst v0  }
0x29: {  	[tilespmem:s1+$0x200] =	vst v0  }
0x2a: {  	[tilespmem:s1+$0x210] =	vst v0  }
0x2b: {  	[tilespmem:s1+$0x220] =	vst v0  }
0x2c: {  	[tilespmem:s1+$0x230] =	vst v0  }
0x2d: {  	[tilespmem:s1+$0x240] =	vst v0  }
0x2e: {  	[tilespmem:s1+$0x250] =	vst v0  }
0x2f: {  	[tilespmem:s1+$0x260] =	vst v0  }
0x30: {  	[spmem:s20] =	stream.linear.scatter [tilespmem:s0], [sflag:$0x9], $0x1400, $0x38;
	[tilespmem:$0x1BA00] =	vst v63  }
0x31: {  	_ =	swait.ge [sflag:s9], $0x1400  }
0x32: {  	[sflag:s9] =	ssyncset.done $0x0  }
0x33: {  	s19 =	rddreg [dreg:$0x8];
	[sflag:s9] =	ssyncadd.s32 $0xFFFFEC00  }
0x34: {  	[spmem:s19] =	stream.linear.scatter [tilespmem:s0], [sflag:$0x9], $0x1400, $0x38;
	[tilespmem:$0x1BA00] =	vst v63  }
0x35: {  	_ =	swait.ge [sflag:s9], $0x1400  }
0x36: {  	[sflag:s9] =	ssyncset.done $0x0  }
0x37: {  	s20 =	rddreg [dreg:$0x9];
	[sflag:s9] =	ssyncadd.s32 $0xFFFFEC00  }
0x38: {  	[spmem:s20] =	stream.linear.scatter [tilespmem:s0], [sflag:$0x9], $0x1400, $0x38;
	[tilespmem:$0x1BA00] =	vst v63  }
0x39: {  	_ =	swait.ge [sflag:s9], $0x1400  }
0x3a: {  	[sflag:s9] =	ssyncset.done $0x0  }
0x3b: {  	s29 =	rddreg [dreg:$0xa];
	[sflag:s9] =	ssyncadd.s32 $0xFFFFEC00  }
0x3c: {  	[spmem:s29] =	stream.linear.scatter [tilespmem:s0], [sflag:$0x9], $0x1400, $0x38;
	[tilespmem:$0x1BA00] =	vst v63  }
0x3d: {  	_ =	swait.ge [sflag:s9], $0x1400  }
0x3e: {  	[sflag:s9] =	ssyncset.done $0x0  }
0x3f: {  	s31 =	rddreg [dreg:$0xb];
	[sflag:s9] =	ssyncadd.s32 $0xFFFFEC00  }
0x40: {  	[spmem:s31] =	stream.linear.scatter [tilespmem:s0], [sflag:$0x9], $0x1400, $0x38;
	[tilespmem:$0x1BA00] =	vst v63  }
0x41: {  	_ =	swait.ge [sflag:s9], $0x1400  }
0x42: {  	[sflag:s9] =	ssyncset.done $0x0  }
0x43: {  	s14 =	rddreg [dreg:$0xc];
	[sflag:s9] =	ssyncadd.s32 $0xFFFFEC00  }
0x44: {  	[spmem:s14] =	stream.linear.scatter [tilespmem:s0], [sflag:$0x9], $0x1400, $0x38;
	[tilespmem:$0x1BA00] =	vst v63  }
0x45: {  	_ =	swait.ge [sflag:s9], $0x1400  }
0x46: {  	[sflag:s9] =	ssyncset.done $0x0  }
0x47: {  	s19 =	rddreg [dreg:$0xd];
	[sflag:s9] =	ssyncadd.s32 $0xFFFFEC00  }
0x48: {  	[spmem:s19] =	stream.linear.scatter [tilespmem:s0], [sflag:$0x9], $0x1400, $0x38;
	[tilespmem:$0x1BA00] =	vst v63  }
0x49: {  	_ =	swait.ge [sflag:s9], $0x1400  }
0x4a: {  	[sflag:s9] =	ssyncset.done $0x0  }
0x4b: {  	s20 =	rddreg [dreg:$0xe];
	[sflag:s9] =	ssyncadd.s32 $0xFFFFEC00  }
0x4c: {  	[spmem:s20] =	stream.linear.scatter [tilespmem:s0], [sflag:$0x9], $0x1400, $0x38;
	[tilespmem:$0x1BA00] =	vst v63  }
0x4d: {  	_ =	swait.ge [sflag:s9], $0x1400  }
0x4e: {  	[sflag:s9] =	ssyncset.done $0x0  }
0x4f: {  	s29 =	rddreg [dreg:$0xf];
	[sflag:s9] =	ssyncadd.s32 $0xFFFFEC00  }
0x50: {  	[spmem:s29] =	stream.linear.scatter [tilespmem:s0], [sflag:$0x9], $0x1400, $0x38;
	[tilespmem:$0x1BA00] =	vst v63  }
0x51: {  	_ =	swait.ge [sflag:s9], $0x1400  }
0x52: {  	[sflag:s9] =	ssyncset.done $0x0  }
0x53: {  	s31 =	rddreg [dreg:$0x10];
	[sflag:s9] =	ssyncadd.s32 $0xFFFFEC00  }
0x54: {  	[spmem:s31] =	stream.linear.scatter [tilespmem:s0], [sflag:$0x9], $0x1400, $0x38;
	[tilespmem:$0x1BA00] =	vst v63  }
0x55: {  	_ =	swait.ge [sflag:s9], $0x1400  }
0x56: {  	[sflag:s9] =	ssyncset.done $0x0  }
0x57: {  	s14 =	rddreg [dreg:$0x11];
	[sflag:s9] =	ssyncadd.s32 $0xFFFFEC00  }
0x58: {  	[spmem:s14] =	stream.linear.scatter [tilespmem:s0], [sflag:$0x9], $0x1400, $0x38;
	[tilespmem:$0x1BA00] =	vst v63  }
0x59: {  	_ =	swait.ge [sflag:s9], $0x1400  }
0x5a: {  	[sflag:s9] =	ssyncset.done $0x0  }
0x5b: {  	s19 =	rddreg [dreg:$0x12];
	[sflag:s9] =	ssyncadd.s32 $0xFFFFEC00  }
0x5c: {  	[spmem:s19] =	stream.linear.scatter [tilespmem:s0], [sflag:$0x9], $0x1400, $0x38;
	[tilespmem:$0x1BA00] =	vst v63  }
0x5d: {  	_ =	swait.ge [sflag:s9], $0x1400  }
0x5e: {  	[sflag:s9] =	ssyncset.done $0x0  }
0x5f: {  	s20 =	rddreg [dreg:$0x13];
	[sflag:s9] =	ssyncadd.s32 $0xFFFFEC00  }
0x60: {  	[spmem:s20] =	stream.linear.scatter [tilespmem:s0], [sflag:$0x9], $0x1400, $0x38;
	[tilespmem:$0x1BA00] =	vst v63  }
0x61: {  	_ =	swait.ge [sflag:s9], $0x1400  }
0x62: {  	[sflag:s9] =	ssyncset.done $0x0  }
0x63: {  	s29 =	rddreg [dreg:$0x14];
	[sflag:s9] =	ssyncadd.s32 $0xFFFFEC00  }
0x64: {  	[spmem:s29] =	stream.linear.scatter [tilespmem:s0], [sflag:$0x9], $0x1400, $0x38;
	[tilespmem:$0x1BA00] =	vst v63  }
0x65: {  	_ =	swait.ge [sflag:s9], $0x1400  }
0x66: {  	[sflag:s9] =	ssyncset.done $0x0  }
0x67: {  	s31 =	rddreg [dreg:$0x15];
	[sflag:s9] =	ssyncadd.s32 $0xFFFFEC00  }
0x68: {  	[spmem:s31] =	stream.linear.scatter [tilespmem:s0], [sflag:$0x9], $0x1400, $0x38;
	[tilespmem:$0x1BA00] =	vst v63  }
0x69: {  	_ =	swait.ge [sflag:s9], $0x1400  }
0x6a: {  	[sflag:s9] =	ssyncset.done $0x0  }
0x6b: {  	s14 =	rddreg [dreg:$0x16];
	[sflag:s9] =	ssyncadd.s32 $0xFFFFEC00  }
0x6c: {  	[spmem:s14] =	stream.linear.scatter [tilespmem:s0], [sflag:$0x9], $0x1400, $0x38;
	[tilespmem:$0x1BA00] =	vst v63  }
0x6d: {  	_ =	swait.ge [sflag:s9], $0x1400  }
0x6e: {  	[sflag:s9] =	ssyncset.done $0x0  }
0x6f: {  	[sflag:s9] =	ssyncadd.s32 $0xFFFFEC00  }
0x70: {  	[bflag:$0x0] =	sbarrier.arrive $0xFFFF  }
0x71: {  	s30 =	simm.s32 $0x0;
	s19 =	rddreg [dreg:$0x3]  }
0x72: {  	[tilespmem:s30], [sflag:$0x9] =	stream.linear.gather [hbm4b:s19+s30], $0x100, $0x38;
	[tilespmem:$0x1BA00] =	vst v63  }
0x73: {  	_ =	swait.ge [sflag:s9], $0x100  }
0x74: {  	[sflag:s9] =	ssyncset.done $0x0  }
0x75: {  	s20 =	rddreg [dreg:$0x4];
	[sflag:s9] =	ssyncadd.s32 $0xFFFFFF00  }
0x76: {  	[tilespmem:s10], [sflag:$0x2] =	stream.linear.gather [hbm4b:s20+s30], $0x100, $0x38;
	[tilespmem:$0x1BA00] =	vst v63  }
0x77: {  	_ = 	snop  }
0x78: {  	[tilespmem:s0], [sflag:$0x3] =	stream.indirect.gather [hbm4b:s4+s11], $0x80, s30, s11, $0xb8;
	[tilespmem:$0x1BA00] =	vst v63  }
0x79: {  	s29 =	simm.s32 $0x2A00  }
0x7a: {  	[tilespmem:s29], [sflag:$0x5] =	stream.indirect.gather [hbm4b:s5+s11], $0x80, s15, s11, $0xb8;
	[tilespmem:$0x1BA00] =	vst v63  }
0x7b: {  	s14 =	simm.s32 $0x5200;
	s31 =	rddreg [dreg:$0x5]  }
0x7c: {  	[tilespmem:s14], [sflag:$0x7] =	stream.linear.gather [hbm4b:s31+s30], $0x1400, $0x38;
	[tilespmem:$0x1BA00] =	vst v63  }
.LBB2_4:
0x7d: {  	_ =	swait.ge [sflag:s16], $0x100  }
0x7e: {  	s31 =	sshllo.u32 s30, $0x1;
	[sflag:s16] =	ssyncset.done $0x0  }
0x7f: {  	s1 =	smul.u32 $0x28, s31;
	[sflag:s16] =	ssyncadd.s32 $0xFFFFFF00  }
0x80: {  	[tilespmem:s17], [sflag:$0x4] =	stream.indirect.gather [hbm4b:s4+s11], $0x80, s10, s11, $0xb8;
	[tilespmem:$0x1BA00] =	vst v63  }
0x81: {  	s1 =	sadd.s32 s8, s1  }
0x82: {  	s14 =	simm.s32 $0x3E00;
	s1 =	sshll.u32 s1, $0x4  }
0x83: {  	[tilespmem:s14], [sflag:$0x6] =	stream.indirect.gather [hbm4b:s5+s11], $0x80, s18, s11, $0xb8;
	[tilespmem:$0x1BA00] =	vst v63  }
0x84: {  	s20 =	simm.s32 $0x6600;
	s1 =	sadd.s32 s6, s1  }
0x85: {  	[tilespmem:s20], [sflag:$0x8] =	stream.linear.gather [hbm4b:s1+s3], $0x1400, $0x38;
	[tilespmem:$0x1BA00] =	vst v63  }
0x86: {  	_ =	swait.ge [sflag:s21], $0x1400  }
0x87: {  	[sflag:s21] =	ssyncset.done $0x0  }
0x88: {  	[sflag:s21] =	ssyncadd.s32 $0xFFFFEC00  }
0x89: {  	_ =	swait.ge [sflag:s22], $0x1400  }
0x8a: {  	[sflag:s22] =	ssyncset.done $0x0  }
0x8b: {  	[sflag:s22] =	ssyncadd.s32 $0xFFFFEC00  }
0x8c: {  	_ =	swait.ge [sflag:s23], $0x1400  }
0x8d: {  	[sflag:s23] =	ssyncset.done $0x0  }
0x8e: {  	s1 =	simm.s32 $0xF0;
	[sflag:s23] =	ssyncadd.s32 $0xFFFFEC00  }
0x8f: {  	v13 =	vld [tilespmem:s1+$0x5110]  }
0x90: {  	v14 =	vld [tilespmem:s1+$0x5120]  }
0x91: {  	v15 =	vld [tilespmem:s1+$0x5130]  }
0x92: {  	v16 =	vld [tilespmem:s1+$0x5140]  }
0x93: {  	v17 =	vld [tilespmem:s1+$0x5150]  }
0x94: {  	v18 =	vld [tilespmem:s1+$0x5160]  }
0x95: {  	v19 =	vld [tilespmem:s1+$0x5170]  }
0x96: {  	v21 =	vld [tilespmem:s1+$0x5180]  }
0x97: {  	v6 =	vld [tilespmem:s1+$0x5190]  }
0x98: {  	v5 =	vld [tilespmem:s1+$0x51A0]  }
0x99: {  	v4 =	vld [tilespmem:s1+$0x51B0]  }
0x9a: {  	v3 =	vld [tilespmem:s1+$0x51C0]  }
0x9b: {  	v2 =	vld [tilespmem:s1+$0x51D0]  }
0x9c: {  	v1 =	vld [tilespmem:s1+$0x51E0]  }
0x9d: {  	v20 =	vld [tilespmem:s1+$0x2910]  }
0x9e: {  	v22 =	vld [tilespmem:s1+$0x2920]  }
0x9f: {  	v23 =	vld [tilespmem:s1+$0x2930]  }
0xa0: {  	v24 =	vld [tilespmem:s1+$0x2940]  }
0xa1: {  	v25 =	vld [tilespmem:s1+$0x2950]  }
0xa2: {  	v26 =	vld [tilespmem:s1+$0x2960]  }
0xa3: {  	v27 =	vld [tilespmem:s1+$0x2970]  }
0xa4: {  	v28 =	vld [tilespmem:s1+$0x2980]  }
0xa5: {  	v29 =	vld [tilespmem:s1+$0x2990]  }
0xa6: {  	v30 =	vld [tilespmem:s1+$0x29A0]  }
0xa7: {  	v12 =	vld [tilespmem:s1+$0x29B0]  }
0xa8: {  	v11 =	vld [tilespmem:s1+$0x29C0]  }
0xa9: {  	v10 =	vld [tilespmem:s1+$0x29D0]  }
0xaa: {  	v9 =	vld [tilespmem:s1+$0x29E0]  }
0xab: {  	v8 =	vld [tilespmem:s1+$0x29F0]  }
0xac: {  	v7 =	vld [tilespmem:s1+$0x2A00]  }
0xad: {  	v31 =	vld [tilespmem:s1+$0x110]  }
0xae: {  	v32 =	vld [tilespmem:s1+$0x120]  }
0xaf: {  	v33 =	vld [tilespmem:s1+$0x130]  }
0xb0: {  	v34 =	vld [tilespmem:s1+$0x140]  }
0xb1: {  	v35 =	vld [tilespmem:s1+$0x150]  }
0xb2: {  	v60 =	vld [tilespmem:s1+$0x160];
	v20 =	vadd.f32 v20, v31  }
0xb3: {  	v36 =	vld [tilespmem:s1+$0x170];
	v22 =	vadd.f32 v22, v32  }
0xb4: {  	v23 =	vadd.f32 v23, v33;
	v13 =	vadd.f32 v13, v20;
	v20 =	vld [tilespmem:s1+$0x180]  }
0xb5: {  	v61 =	vld [tilespmem:s1+$0x190];
	v14 =	vadd.f32 v14, v22;
	v22 =	vadd.f32 v24, v34  }
0xb6: {  	v62 =	vld [tilespmem:s1+$0x1A0];
	v15 =	vadd.f32 v15, v23;
	v23 =	vadd.f32 v25, v35;
	v13 =	vmax.f32 v13, $0.0e+00  }
0xb7: {  	v14 =	vmax.f32 v14, $0.0e+00;
	v16 =	vadd.f32 v16, v22;
	v22 =	vadd.f32 v26, v60;
	[tilespmem:s1+$0x110] =	vst v13;
	v13 =	vld [tilespmem:s1+$0x1B0]  }
0xb8: {  	v15 =	vmax.f32 v15, $0.0e+00;
	v17 =	vadd.f32 v17, v23;
	v23 =	vadd.f32 v27, v36;
	[tilespmem:s1+$0x120] =	vst v14;
	v14 =	vld [tilespmem:s1+$0x1C0]  }
0xb9: {  	[tilespmem:s1+$0x130] =	vst v15;
	v15 =	vld [tilespmem:s1+$0x1D0];
	v16 =	vmax.f32 v16, $0.0e+00;
	v22 =	vadd.f32 v18, v22;
	v63 =	vadd.f32 v28, v20  }
0xba: {  	v17 =	vmax.f32 v17, $0.0e+00;
	v18 =	vadd.f32 v29, v61;
	[tilespmem:s1+$0x140] =	vst v16;
	v16 =	vld [tilespmem:s1+$0x1E0];
	v20 =	vadd.f32 v19, v23  }
0xbb: {  	s29 =	simm.s32 $0x7C0;
	s14 =	sshll.u32 s30, $0x1;
	[tilespmem:s1+$0x150] =	vst v17;
	v19 =	vadd.f32 v30, v62;
	v17 =	vld [tilespmem:s1+$0x1F0];
	v22 =	vmax.f32 v22, $0.0e+00;
	v21 =	vadd.f32 v21, v63  }
.LBB2_5:
0xbc: {  	p0 =	sne.s32 s29, $0x4FC0;
	[tilespmem:s1+$0x160] =	vst v22;
	v20 =	vmax.f32 v20, $0.0e+00;
	v6 =	vadd.f32 v6, v18;
	v12 =	vadd.f32 v12, v13;
	v13 =	vld [tilespmem:s1+$0x200]  }
0xbd: {  	[tilespmem:s1+$0x170] =	vst v20;
	v18 =	vmax.f32 v21, $0.0e+00;
	v5 =	vadd.f32 v5, v19;
	v11 =	vadd.f32 v11, v14;
	v14 =	vld [tilespmem:s1+$0x51F0]  }
0xbe: {  	s19 =	sshra.s32 s29, $0x2;
	[tilespmem:s1+$0x180] =	vst v18;
	v6 =	vmax.f32 v6, $0.0e+00;
	v4 =	vadd.f32 v4, v12;
	v10 =	vadd.f32 v10, v15;
	v12 =	vld [tilespmem:s1+$0x5200]  }
0xbf: {  	v15 =	vld [tilespmem:s19+$0x5110];
	[tilespmem:s1+$0x190] =	vst v6;
	v5 =	vmax.f32 v5, $0.0e+00;
	v3 =	vadd.f32 v3, v11;
	v6 =	vadd.f32 v9, v16  }
0xc0: {  	v16 =	vld [tilespmem:s19+$0x5120];
	[tilespmem:s1+$0x1A0] =	vst v5;
	v4 =	vmax.f32 v4, $0.0e+00;
	v2 =	vadd.f32 v2, v10;
	v5 =	vadd.f32 v8, v17  }
0xc1: {  	v17 =	vld [tilespmem:s19+$0x5130];
	[tilespmem:s1+$0x1B0] =	vst v4;
	v3 =	vmax.f32 v3, $0.0e+00;
	v1 =	vadd.f32 v1, v6;
	v4 =	vadd.f32 v7, v13  }
0xc2: {  	v13 =	vld [tilespmem:s19+$0x5140];
	[tilespmem:s1+$0x1C0] =	vst v3;
	v2 =	vmax.f32 v2, $0.0e+00;
	v3 =	vadd.f32 v14, v5  }
0xc3: {  	v14 =	vld [tilespmem:s19+$0x5150];
	[tilespmem:s1+$0x1D0] =	vst v2;
	v1 =	vmax.f32 v1, $0.0e+00;
	v2 =	vadd.f32 v12, v4  }
0xc4: {  	v18 =	vld [tilespmem:s19+$0x5160];
	[tilespmem:s1+$0x1E0] =	vst v1;
	v1 =	vmax.f32 v3, $0.0e+00  }
0xc5: {  	v19 =	vld [tilespmem:s19+$0x5170];
	[tilespmem:s1+$0x1F0] =	vst v1;
	v1 =	vmax.f32 v2, $0.0e+00  }
0xc6: {  	v21 =	vld [tilespmem:s19+$0x5180];
	[tilespmem:s1+$0x200] =	vst v1;
	s1 =	smov.u32 s19  }
0xc7: {  	v6 =	vld [tilespmem:s1+$0x5190]  }
0xc8: {  	v5 =	vld [tilespmem:s1+$0x51A0]  }
0xc9: {  	v4 =	vld [tilespmem:s1+$0x51B0]  }
0xca: {  	v3 =	vld [tilespmem:s1+$0x51C0]  }
0xcb: {  	v2 =	vld [tilespmem:s1+$0x51D0]  }
0xcc: {  	v1 =	vld [tilespmem:s1+$0x51E0]  }
0xcd: {  	v20 =	vld [tilespmem:s1+$0x2910]  }
0xce: {  	v22 =	vld [tilespmem:s1+$0x2920]  }
0xcf: {  	v23 =	vld [tilespmem:s1+$0x2930]  }
0xd0: {  	v24 =	vld [tilespmem:s1+$0x2940]  }
0xd1: {  	v25 =	vld [tilespmem:s1+$0x2950]  }
0xd2: {  	v26 =	vld [tilespmem:s1+$0x2960]  }
0xd3: {  	v27 =	vld [tilespmem:s1+$0x2970]  }
0xd4: {  	v28 =	vld [tilespmem:s1+$0x2980]  }
0xd5: {  	v29 =	vld [tilespmem:s1+$0x2990]  }
0xd6: {  	v30 =	vld [tilespmem:s1+$0x29A0]  }
0xd7: {  	v12 =	vld [tilespmem:s1+$0x29B0]  }
0xd8: {  	v11 =	vld [tilespmem:s1+$0x29C0]  }
0xd9: {  	v10 =	vld [tilespmem:s1+$0x29D0]  }
0xda: {  	v9 =	vld [tilespmem:s1+$0x29E0]  }
0xdb: {  	v8 =	vld [tilespmem:s1+$0x29F0]  }
0xdc: {  	v7 =	vld [tilespmem:s1+$0x2A00]  }
0xdd: {  	v31 =	vld [tilespmem:s1+$0x110]  }
0xde: {  	v32 =	vld [tilespmem:s1+$0x120]  }
0xdf: {  	v33 =	vld [tilespmem:s1+$0x130]  }
0xe0: {  	v34 =	vld [tilespmem:s1+$0x140]  }
0xe1: {  	v35 =	vld [tilespmem:s1+$0x150]  }
0xe2: {  	v20 =	vadd.f32 v20, v31;
	v31 =	vld [tilespmem:s1+$0x160]  }
0xe3: {  	v22 =	vadd.f32 v22, v32;
	v32 =	vld [tilespmem:s1+$0x170]  }
0xe4: {  	v15 =	vadd.f32 v15, v20;
	v20 =	vadd.f32 v23, v33;
	v23 =	vld [tilespmem:s1+$0x180]  }
0xe5: {  	v16 =	vadd.f32 v16, v22;
	v22 =	vadd.f32 v24, v34;
	v24 =	vld [tilespmem:s1+$0x190]  }
0xe6: {  	v15 =	vmax.f32 v15, $0.0e+00;
	v17 =	vadd.f32 v17, v20;
	v20 =	vadd.f32 v25, v35;
	v25 =	vld [tilespmem:s1+$0x1A0]  }
.Ltmp1:
0xe7: {  	[tilespmem:s1+$0x110] =	vst v15;
	v15 =	vmax.f32 v16, $0.0e+00;
	v16 =	vadd.f32 v13, v22;
	v22 =	vadd.f32 v26, v31;
	v13 =	vld [tilespmem:s1+$0x1B0];
	(pc) =	sbr.rel @p0 .LBB2_5-.Ltmp1, $4  }
0xe8: {  	[tilespmem:s1+$0x120] =	vst v15;
	v15 =	vmax.f32 v17, $0.0e+00;
	v17 =	vadd.f32 v14, v20;
	v20 =	vadd.f32 v27, v32;
	v14 =	vld [tilespmem:s1+$0x1C0]  }
0xe9: {  	[tilespmem:s1+$0x130] =	vst v15;
	v16 =	vmax.f32 v16, $0.0e+00;
	v22 =	vadd.f32 v18, v22;
	v23 =	vadd.f32 v28, v23;
	v15 =	vld [tilespmem:s1+$0x1D0]  }
0xea: {  	[tilespmem:s1+$0x140] =	vst v16;
	v17 =	vmax.f32 v17, $0.0e+00;
	v20 =	vadd.f32 v19, v20;
	v18 =	vadd.f32 v29, v24;
	v16 =	vld [tilespmem:s1+$0x1E0]  }
0xeb: {  	s29 =	sadd.s32 $0x400, s29;
	[tilespmem:s1+$0x150] =	vst v17;
	v22 =	vmax.f32 v22, $0.0e+00;
	v21 =	vadd.f32 v21, v23;
	v19 =	vadd.f32 v30, v25;
	v17 =	vld [tilespmem:s1+$0x1F0]  }
0xec: {  	[tilespmem:s1+$0x160] =	vst v22;
	v20 =	vmax.f32 v20, $0.0e+00;
	v22 =	vld [tilespmem:s1+$0x200];
	v6 =	vadd.f32 v6, v18;
	v12 =	vadd.f32 v12, v13  }
0xed: {  	v18 =	vld [tilespmem:s1+$0x51F0];
	[tilespmem:s1+$0x170] =	vst v20;
	v13 =	vmax.f32 v21, $0.0e+00;
	v5 =	vadd.f32 v5, v19;
	v11 =	vadd.f32 v11, v14  }
0xee: {  	[tilespmem:s1+$0x180] =	vst v13;
	v6 =	vmax.f32 v6, $0.0e+00;
	v4 =	vadd.f32 v4, v12;
	v10 =	vadd.f32 v10, v15;
	v12 =	vld [tilespmem:s1+$0x5200]  }
0xef: {  	[tilespmem:s1+$0x190] =	vst v6;
	v5 =	vmax.f32 v5, $0.0e+00;
	v3 =	vadd.f32 v3, v11;
	v6 =	vadd.f32 v9, v16  }
0xf0: {  	[tilespmem:s1+$0x1A0] =	vst v5;
	v4 =	vmax.f32 v4, $0.0e+00;
	v2 =	vadd.f32 v2, v10;
	v5 =	vadd.f32 v8, v17  }
0xf1: {  	[tilespmem:s1+$0x1B0] =	vst v4;
	v3 =	vmax.f32 v3, $0.0e+00;
	v1 =	vadd.f32 v1, v6;
	v4 =	vadd.f32 v7, v22  }
0xf2: {  	[tilespmem:s1+$0x1C0] =	vst v3;
	v2 =	vmax.f32 v2, $0.0e+00;
	v3 =	vadd.f32 v18, v5  }
0xf3: {  	[tilespmem:s1+$0x1D0] =	vst v2;
	v1 =	vmax.f32 v1, $0.0e+00;
	v2 =	vadd.f32 v12, v4  }
0xf4: {  	[tilespmem:s1+$0x1E0] =	vst v1;
	v1 =	vmax.f32 v3, $0.0e+00  }
0xf5: {  	[tilespmem:s1+$0x1F0] =	vst v1;
	v1 =	vmax.f32 v2, $0.0e+00  }
0xf6: {  	p0 =	seq.s32 s30, $0x7C;
	[tilespmem:s1+$0x200] =	vst v1  }
0xf7: {  	[spmem:s2] =	stream.indirect.scatter.add.f32 [tilespmem:s0], [sflag:$0x9], $0x80, s15, s11, $0xb8;
	[tilespmem:$0x1BA00] =	vst v63  }
0xf8: {  	s1 =	sadd.s32 @!p0 s7, s14;
	_ =	swait.ge [sflag:s9], $0x1400  }
0xf9: {  	s1 =	sshll.u32 @!p0 s1, $0x5;
	[sflag:s9] =	ssyncset.done $0x0  }
0xfa: {  	s14 =	simm.s32 @!p0 $0x0;
	s1 =	sadd.s32 @!p0 s1, s12;
	[sflag:s9] =	ssyncadd.s32 $0xFFFFEC00  }
0xfb: {  	[tilespmem:s14], [sflag:$0x1] =	stream.linear.gather @!p0 [hbm4b:s1+s14], $0x100, $0x38;
	[tilespmem:$0x1BA00] =	vst v63  }
0xfc: {  	s1 =	simm.s32 @!p0 $0x1  }
0xfd: {  	_ =	swait.ge @!p0 [sflag:s1], $0x100  }
0xfe: {  	[sflag:s1] =	ssyncset.done @!p0 $0x0  }
0xff: {  	s19 =	simm.s32 @!p0 $0x200;
	[sflag:s1] =	ssyncadd.s32 @!p0 $0xFFFFFF00;
	s1 =	simm.s32 @!p0 $0x28  }
0x100: {  	[tilespmem:s19], [sflag:$0x3] =	stream.indirect.gather @!p0 [hbm4b:s4+s1], $0x80, s14, s1, $0xb8;
	[tilespmem:$0x1BA00] =	vst v63  }
0x101: {  	s29 =	simm.s32 @!p0 $0x2A00;
	s20 =	smul.u32 @!p0 $0x50, s30;
	s19 =	simm.s32 @!p0 $0x80  }
0x102: {  	[tilespmem:s29], [sflag:$0x5] =	stream.indirect.gather @!p0 [hbm4b:s5+s1], $0x80, s19, s1, $0xb8;
	[tilespmem:$0x1BA00] =	vst v63  }
0x103: {  	s1 =	sadd.s32 @!p0 s20, s13  }
0x104: {  	s1 =	sshll.u32 @!p0 s1, $0x4  }
0x105: {  	s19 =	simm.s32 @!p0 $0x5200;
	s1 =	sadd.s32 @!p0 s6, s1  }
0x106: {  	[tilespmem:s19], [sflag:$0x7] =	stream.linear.gather @!p0 [hbm4b:s1+s14], $0x1400, $0x38;
	[tilespmem:$0x1BA00] =	vst v63  }
0x107: {  	_ =	swait.ge [sflag:s24], $0x1400  }
0x108: {  	[sflag:s24] =	ssyncset.done $0x0  }
0x109: {  	[sflag:s24] =	ssyncadd.s32 $0xFFFFEC00  }
0x10a: {  	_ =	swait.ge [sflag:s26], $0x1400  }
0x10b: {  	[sflag:s26] =	ssyncset.done $0x0  }
0x10c: {  	[sflag:s26] =	ssyncadd.s32 $0xFFFFEC00  }
0x10d: {  	_ =	swait.ge [sflag:s28], $0x1400  }
0x10e: {  	[sflag:s28] =	ssyncset.done $0x0  }
0x10f: {  	s1 =	simm.s32 $0xF0;
	[sflag:s28] =	ssyncadd.s32 $0xFFFFEC00  }
0x110: {  	v13 =	vld [tilespmem:s1+$0x6510]  }
0x111: {  	v14 =	vld [tilespmem:s1+$0x6520]  }
0x112: {  	v15 =	vld [tilespmem:s1+$0x6530]  }
0x113: {  	v16 =	vld [tilespmem:s1+$0x6540]  }
0x114: {  	v17 =	vld [tilespmem:s1+$0x6550]  }
0x115: {  	v18 =	vld [tilespmem:s1+$0x6560]  }
0x116: {  	v19 =	vld [tilespmem:s1+$0x6570]  }
0x117: {  	v20 =	vld [tilespmem:s1+$0x6580]  }
0x118: {  	v6 =	vld [tilespmem:s1+$0x6590]  }
0x119: {  	v5 =	vld [tilespmem:s1+$0x65A0]  }
0x11a: {  	v4 =	vld [tilespmem:s1+$0x65B0]  }
0x11b: {  	v3 =	vld [tilespmem:s1+$0x65C0]  }
0x11c: {  	v2 =	vld [tilespmem:s1+$0x65D0]  }
0x11d: {  	v1 =	vld [tilespmem:s1+$0x65E0]  }
0x11e: {  	v21 =	vld [tilespmem:s1+$0x3D10]  }
0x11f: {  	v22 =	vld [tilespmem:s1+$0x3D20]  }
0x120: {  	v23 =	vld [tilespmem:s1+$0x3D30]  }
0x121: {  	v24 =	vld [tilespmem:s1+$0x3D40]  }
0x122: {  	v25 =	vld [tilespmem:s1+$0x3D50]  }
0x123: {  	v26 =	vld [tilespmem:s1+$0x3D60]  }
0x124: {  	v27 =	vld [tilespmem:s1+$0x3D70]  }
0x125: {  	v28 =	vld [tilespmem:s1+$0x3D80]  }
0x126: {  	v29 =	vld [tilespmem:s1+$0x3D90]  }
0x127: {  	v30 =	vld [tilespmem:s1+$0x3DA0]  }
0x128: {  	v12 =	vld [tilespmem:s1+$0x3DB0]  }
0x129: {  	v11 =	vld [tilespmem:s1+$0x3DC0]  }
0x12a: {  	v10 =	vld [tilespmem:s1+$0x3DD0]  }
0x12b: {  	v9 =	vld [tilespmem:s1+$0x3DE0]  }
0x12c: {  	v8 =	vld [tilespmem:s1+$0x3DF0]  }
0x12d: {  	v7 =	vld [tilespmem:s1+$0x3E00]  }
0x12e: {  	v31 =	vld [tilespmem:s1+$0x1510]  }
0x12f: {  	v32 =	vld [tilespmem:s1+$0x1520]  }
0x130: {  	v33 =	vld [tilespmem:s1+$0x1530]  }
0x131: {  	v34 =	vld [tilespmem:s1+$0x1540]  }
0x132: {  	v35 =	vld [tilespmem:s1+$0x1550]  }
0x133: {  	v60 =	vld [tilespmem:s1+$0x1560];
	v21 =	vadd.f32 v21, v31  }
0x134: {  	v36 =	vld [tilespmem:s1+$0x1570];
	v22 =	vadd.f32 v22, v32  }
0x135: {  	v23 =	vadd.f32 v23, v33;
	v13 =	vadd.f32 v13, v21;
	v21 =	vld [tilespmem:s1+$0x1580]  }
0x136: {  	v61 =	vld [tilespmem:s1+$0x1590];
	v14 =	vadd.f32 v14, v22;
	v22 =	vadd.f32 v24, v34  }
0x137: {  	v62 =	vld [tilespmem:s1+$0x15A0];
	v15 =	vadd.f32 v15, v23;
	v23 =	vadd.f32 v25, v35;
	v13 =	vmax.f32 v13, $0.0e+00  }
0x138: {  	v14 =	vmax.f32 v14, $0.0e+00;
	v16 =	vadd.f32 v16, v22;
	v22 =	vadd.f32 v26, v60;
	[tilespmem:s1+$0x1510] =	vst v13;
	v13 =	vld [tilespmem:s1+$0x15B0]  }
0x139: {  	v15 =	vmax.f32 v15, $0.0e+00;
	v17 =	vadd.f32 v17, v23;
	v23 =	vadd.f32 v27, v36;
	[tilespmem:s1+$0x1520] =	vst v14;
	v14 =	vld [tilespmem:s1+$0x15C0]  }
0x13a: {  	[tilespmem:s1+$0x1530] =	vst v15;
	v15 =	vld [tilespmem:s1+$0x15D0];
	v16 =	vmax.f32 v16, $0.0e+00;
	v22 =	vadd.f32 v18, v22;
	v63 =	vadd.f32 v28, v21  }
0x13b: {  	v17 =	vmax.f32 v17, $0.0e+00;
	v18 =	vadd.f32 v29, v61;
	[tilespmem:s1+$0x1540] =	vst v16;
	v16 =	vld [tilespmem:s1+$0x15E0];
	v21 =	vadd.f32 v19, v23  }
0x13c: {  	s14 =	simm.s32 $0x7C0;
	[tilespmem:s1+$0x1550] =	vst v17;
	v19 =	vadd.f32 v30, v62;
	v17 =	vld [tilespmem:s1+$0x15F0];
	v22 =	vmax.f32 v22, $0.0e+00;
	v20 =	vadd.f32 v20, v63  }
.LBB2_7:
0x13d: {  	p1 =	sne.s32 s14, $0x4FC0;
	[tilespmem:s1+$0x1560] =	vst v22;
	v21 =	vmax.f32 v21, $0.0e+00;
	v6 =	vadd.f32 v6, v18;
	v12 =	vadd.f32 v12, v13;
	v13 =	vld [tilespmem:s1+$0x1600]  }
0x13e: {  	[tilespmem:s1+$0x1570] =	vst v21;
	v18 =	vmax.f32 v20, $0.0e+00;
	v5 =	vadd.f32 v5, v19;
	v11 =	vadd.f32 v11, v14;
	v14 =	vld [tilespmem:s1+$0x65F0]  }
0x13f: {  	s19 =	sshra.s32 s14, $0x2;
	[tilespmem:s1+$0x1580] =	vst v18;
	v6 =	vmax.f32 v6, $0.0e+00;
	v4 =	vadd.f32 v4, v12;
	v10 =	vadd.f32 v10, v15;
	v12 =	vld [tilespmem:s1+$0x6600]  }
0x140: {  	v15 =	vld [tilespmem:s19+$0x6510];
	[tilespmem:s1+$0x1590] =	vst v6;
	v5 =	vmax.f32 v5, $0.0e+00;
	v3 =	vadd.f32 v3, v11;
	v6 =	vadd.f32 v9, v16  }
0x141: {  	v16 =	vld [tilespmem:s19+$0x6520];
	[tilespmem:s1+$0x15A0] =	vst v5;
	v4 =	vmax.f32 v4, $0.0e+00;
	v2 =	vadd.f32 v2, v10;
	v5 =	vadd.f32 v8, v17  }
0x142: {  	v17 =	vld [tilespmem:s19+$0x6530];
	[tilespmem:s1+$0x15B0] =	vst v4;
	v3 =	vmax.f32 v3, $0.0e+00;
	v1 =	vadd.f32 v1, v6;
	v4 =	vadd.f32 v7, v13  }
0x143: {  	v13 =	vld [tilespmem:s19+$0x6540];
	[tilespmem:s1+$0x15C0] =	vst v3;
	v2 =	vmax.f32 v2, $0.0e+00;
	v3 =	vadd.f32 v14, v5  }
0x144: {  	v14 =	vld [tilespmem:s19+$0x6550];
	[tilespmem:s1+$0x15D0] =	vst v2;
	v1 =	vmax.f32 v1, $0.0e+00;
	v2 =	vadd.f32 v12, v4  }
0x145: {  	v18 =	vld [tilespmem:s19+$0x6560];
	[tilespmem:s1+$0x15E0] =	vst v1;
	v1 =	vmax.f32 v3, $0.0e+00  }
0x146: {  	v19 =	vld [tilespmem:s19+$0x6570];
	[tilespmem:s1+$0x15F0] =	vst v1;
	v1 =	vmax.f32 v2, $0.0e+00  }
0x147: {  	v20 =	vld [tilespmem:s19+$0x6580];
	[tilespmem:s1+$0x1600] =	vst v1;
	s1 =	smov.u32 s19  }
0x148: {  	v6 =	vld [tilespmem:s1+$0x6590]  }
0x149: {  	v5 =	vld [tilespmem:s1+$0x65A0]  }
0x14a: {  	v4 =	vld [tilespmem:s1+$0x65B0]  }
0x14b: {  	v3 =	vld [tilespmem:s1+$0x65C0]  }
0x14c: {  	v2 =	vld [tilespmem:s1+$0x65D0]  }
0x14d: {  	v1 =	vld [tilespmem:s1+$0x65E0]  }
0x14e: {  	v21 =	vld [tilespmem:s1+$0x3D10]  }
0x14f: {  	v22 =	vld [tilespmem:s1+$0x3D20]  }
0x150: {  	v23 =	vld [tilespmem:s1+$0x3D30]  }
0x151: {  	v24 =	vld [tilespmem:s1+$0x3D40]  }
0x152: {  	v25 =	vld [tilespmem:s1+$0x3D50]  }
0x153: {  	v26 =	vld [tilespmem:s1+$0x3D60]  }
0x154: {  	v27 =	vld [tilespmem:s1+$0x3D70]  }
0x155: {  	v28 =	vld [tilespmem:s1+$0x3D80]  }
0x156: {  	v29 =	vld [tilespmem:s1+$0x3D90]  }
0x157: {  	v30 =	vld [tilespmem:s1+$0x3DA0]  }
0x158: {  	v12 =	vld [tilespmem:s1+$0x3DB0]  }
0x159: {  	v11 =	vld [tilespmem:s1+$0x3DC0]  }
0x15a: {  	v10 =	vld [tilespmem:s1+$0x3DD0]  }
0x15b: {  	v9 =	vld [tilespmem:s1+$0x3DE0]  }
0x15c: {  	v8 =	vld [tilespmem:s1+$0x3DF0]  }
0x15d: {  	v7 =	vld [tilespmem:s1+$0x3E00]  }
0x15e: {  	v31 =	vld [tilespmem:s1+$0x1510]  }
0x15f: {  	v32 =	vld [tilespmem:s1+$0x1520]  }
0x160: {  	v33 =	vld [tilespmem:s1+$0x1530]  }
0x161: {  	v34 =	vld [tilespmem:s1+$0x1540]  }
0x162: {  	v35 =	vld [tilespmem:s1+$0x1550]  }
0x163: {  	v21 =	vadd.f32 v21, v31;
	v31 =	vld [tilespmem:s1+$0x1560]  }
0x164: {  	v22 =	vadd.f32 v22, v32;
	v32 =	vld [tilespmem:s1+$0x1570]  }
0x165: {  	v15 =	vadd.f32 v15, v21;
	v21 =	vadd.f32 v23, v33;
	v23 =	vld [tilespmem:s1+$0x1580]  }
0x166: {  	v16 =	vadd.f32 v16, v22;
	v22 =	vadd.f32 v24, v34;
	v24 =	vld [tilespmem:s1+$0x1590]  }
0x167: {  	v15 =	vmax.f32 v15, $0.0e+00;
	v17 =	vadd.f32 v17, v21;
	v21 =	vadd.f32 v25, v35;
	v25 =	vld [tilespmem:s1+$0x15A0]  }
.Ltmp2:
0x168: {  	[tilespmem:s1+$0x1510] =	vst v15;
	v15 =	vmax.f32 v16, $0.0e+00;
	v16 =	vadd.f32 v13, v22;
	v22 =	vadd.f32 v26, v31;
	v13 =	vld [tilespmem:s1+$0x15B0];
	(pc) =	sbr.rel @p1 .LBB2_7-.Ltmp2, $4  }
0x169: {  	[tilespmem:s1+$0x1520] =	vst v15;
	v15 =	vmax.f32 v17, $0.0e+00;
	v17 =	vadd.f32 v14, v21;
	v21 =	vadd.f32 v27, v32;
	v14 =	vld [tilespmem:s1+$0x15C0]  }
0x16a: {  	[tilespmem:s1+$0x1530] =	vst v15;
	v16 =	vmax.f32 v16, $0.0e+00;
	v22 =	vadd.f32 v18, v22;
	v23 =	vadd.f32 v28, v23;
	v15 =	vld [tilespmem:s1+$0x15D0]  }
0x16b: {  	[tilespmem:s1+$0x1540] =	vst v16;
	v17 =	vmax.f32 v17, $0.0e+00;
	v21 =	vadd.f32 v19, v21;
	v18 =	vadd.f32 v29, v24;
	v16 =	vld [tilespmem:s1+$0x15E0]  }
0x16c: {  	s14 =	sadd.s32 $0x400, s14;
	[tilespmem:s1+$0x1550] =	vst v17;
	v22 =	vmax.f32 v22, $0.0e+00;
	v20 =	vadd.f32 v20, v23;
	v19 =	vadd.f32 v30, v25;
	v17 =	vld [tilespmem:s1+$0x15F0]  }
0x16d: {  	[tilespmem:s1+$0x1560] =	vst v22;
	v21 =	vmax.f32 v21, $0.0e+00;
	v57 =	vld [tilespmem:s1+$0x1600];
	v6 =	vadd.f32 v6, v18;
	v12 =	vadd.f32 v12, v13  }
0x16e: {  	v59 =	vld [tilespmem:s1+$0x65F0];
	[tilespmem:s1+$0x1570] =	vst v21;
	v58 =	vmax.f32 v20, $0.0e+00;
	v5 =	vadd.f32 v5, v19;
	v11 =	vadd.f32 v11, v14  }
0x16f: {  	v60 =	vld [tilespmem:s1+$0x6600];
	[tilespmem:s1+$0x1580] =	vst v58;
	v6 =	vmax.f32 v6, $0.0e+00;
	v4 =	vadd.f32 v4, v12;
	v10 =	vadd.f32 v10, v15  }
0x170: {  	[tilespmem:s1+$0x1590] =	vst v6;
	v5 =	vmax.f32 v5, $0.0e+00;
	v3 =	vadd.f32 v3, v11;
	v61 =	vadd.f32 v9, v16  }
0x171: {  	[tilespmem:s1+$0x15A0] =	vst v5;
	v4 =	vmax.f32 v4, $0.0e+00;
	v2 =	vadd.f32 v2, v10;
	v62 =	vadd.f32 v8, v17  }
0x172: {  	[tilespmem:s1+$0x15B0] =	vst v4;
	v3 =	vmax.f32 v3, $0.0e+00;
	v1 =	vadd.f32 v1, v61;
	v63 =	vadd.f32 v7, v57  }
0x173: {  	[tilespmem:s1+$0x15C0] =	vst v3;
	v2 =	vmax.f32 v2, $0.0e+00;
	v3 =	vadd.f32 v59, v62  }
0x174: {  	[tilespmem:s1+$0x15D0] =	vst v2;
	v1 =	vmax.f32 v1, $0.0e+00;
	v2 =	vadd.f32 v60, v63  }
0x175: {  	[tilespmem:s1+$0x15E0] =	vst v1;
	v1 =	vmax.f32 v3, $0.0e+00  }
0x176: {  	[tilespmem:s1+$0x15F0] =	vst v1;
	v1 =	vmax.f32 v2, $0.0e+00  }
.Ltmp3:
0x177: {  	[tilespmem:s1+$0x1600] =	vst v1;
	(pc) =	sbr.rel @p0 .LBB2_10-.Ltmp3, $4  }
0x178: {  	[spmem:s2] =	stream.indirect.scatter.add.f32 [tilespmem:s17], [sflag:$0x9], $0x80, s18, s11, $0xb8;
	[tilespmem:$0x1BA00] =	vst v63  }
0x179: {  	_ =	swait.ge [sflag:s9], $0x1400  }
0x17a: {  	[sflag:s9] =	ssyncset.done $0x0  }
0x17b: {  	[sflag:s9] =	ssyncadd.s32 $0xFFFFEC00  }
.Ltmp4:
0x17c: {  	(pc) =	sbr.rel .LBB2_4-.Ltmp4, $4  }
0x17d: {  	s1 =	sadd.s32 s7, s31  }
0x17e: {  	s1 =	sshll.u32 s1, $0x5  }
0x17f: {  	s30 =	sadd.s32 $0x1, s30;
	s1 =	sadd.s32 s1, s12  }
0x180: {  	[tilespmem:s10], [sflag:$0x2] =	stream.linear.gather [hbm4b:s1+s3], $0x100, $0x38;
	[tilespmem:$0x1BA00] =	vst v63  }
.LBB2_10:
0x181: {  	[bflag:$0x0] =	sbarrier.arrive $0xFFFF  }
0x182: {  	s20 =	rddreg [dreg:$0x6]  }
0x183: {  	[tilespmem:s0], [sflag:$0x9] =	stream.linear.gather [spmem:s20], $0x1400, $0x38;
	[tilespmem:$0x1BA00] =	vst v63  }
0x184: {  	_ =	swait.ge [sflag:s9], $0x1400  }
0x185: {  	[sflag:s9] =	ssyncset.done $0x0  }
0x186: {  	s1 =	sadd.s32 $0x0, s25;
	[sflag:s9] =	ssyncadd.s32 $0xFFFFEC00  }
0x187: {  	[hbm4b:s1+s3] =	stream.linear.scatter [tilespmem:s0], [sflag:$0x9], $0x1400, $0x38;
	[tilespmem:$0x1BA00] =	vst v63  }
0x188: {  	_ =	swait.ge [sflag:s9], $0x1400  }
0x189: {  	s14 =	smov.u32 s20;
	s1 =	simm.s32 $0x280;
	[sflag:s9] =	ssyncset.done $0x0  }
.LBB2_11:
0x18a: {  	p0 =	sne.s32 s1, $0x2580;
	[sflag:s9] =	ssyncadd.s32 $0xFFFFEC00;
	s14 =	sadd.s32 $0x1400, s14  }
0x18b: {  	[tilespmem:s0], [sflag:$0x9] =	stream.linear.gather [spmem:s14], $0x1400, $0x38;
	[tilespmem:$0x1BA00] =	vst v63  }
0x18c: {  	s19 =	smov.u32 s1;
	s1 =	sadd.s32 $0x280, s1;
	_ =	swait.ge [sflag:s9], $0x1400  }
.Ltmp5:
0x18d: {  	[sflag:s9] =	ssyncset.done $0x0;
	(pc) =	sbr.rel @p0 .LBB2_11-.Ltmp5, $4  }
0x18e: {  	s19 =	sadd.s32 s19, s25;
	[sflag:s9] =	ssyncadd.s32 $0xFFFFEC00  }
0x18f: {  	[hbm4b:s19+s3] =	stream.linear.scatter [tilespmem:s0], [sflag:$0x9], $0x1400, $0x38;
	[tilespmem:$0x1BA00] =	vst v63  }
0x190: {  	_ =	swait.ge [sflag:s9], $0x1400  }
0x191: {  	[sflag:s9] =	ssyncset.done $0x0  }
0x192: {  	s14 =	rddreg [dreg:$0x17]  }
0x193: {  	s1 =	rddreg [dreg:$0x7];
	s14 =	sadd.s32 $0x1, s14  }
0x194: {  	p0 =	sne.s32 s14, s1  }
.Ltmp6:
0x195: {  	_ = 	snop;
	(pc) =	sbr.rel @p0 .LBB2_1-.Ltmp6, $2  }
0x196: {  	_ =	sdelay $0x2  }
0x197: {  	[sflag:s9] =	ssyncadd.s32 $0xFFFFEC00  }
0x198: {  	_ =	sfence.sel $0x180000  }
0x199: {  	[bflag:$0x0] =	sbarrier.arrive $0xFFFF  }
0x19a: {  	_ =	strace $0x90000047  }
0x19b: {  	s0 =	stileid.u32;
	[bflag:$0x2] =	sbarrier.arrive $0xFFFF  }
0x19c: {  	p0 =	sne.s32 s0, $0x0;
	s0 =	rddreg [dreg:$0x2]  }
0x19d: {  	s0 =	sadd.s32 @!p0 $0x100000, s0  }
0x19e: {  	[sflag:s0] =	ssyncadd.tile.s32 @!p0 $0x1;
	_ =	shalt  }
.Lfunc_end2:
_tile_overlayer_lowered:
.L_overlay_start_2:
0x19f: {  	(tag) =	ssettag $0x2  }
0x1a0: {  	s0 =	rddreg [dreg:$0x0];
	s2 =	stileid.u32  }
0x1a1: {  	s1 =	rddreg [dreg:$0x1];
	p0 =	sne.s32 s2, $0x0  }
0x1a2: {  	s3 =	rddreg [dreg:$0x2];
	[bflag:$0x3] =	sbarrier.arrive $0xFFFF;
	s2 =	simm.s32 @!p0 $0x1C09  }
0x1a3: {  	[timem:s3], [sflag:s2] =	dma.local @!p0 [hbm:s0], s1  }
0x1a4: {  	s0 =	simm.s32 @!p0 $0x9  }
0x1a5: {  	_ =	swait.ge @!p0 [sflag:s0], s1  }
0x1a6: {  	s1 =	ssub.s32 @!p0 $0x0, s1;
	[sflag:s0] =	ssyncset.done @!p0 $0x0  }
0x1a7: {  	[sflag:s0] =	ssyncadd.s32 @!p0 s1  }
0x1a8: {  	[bflag:$0x3] =	sbarrier.arrive $0xFFFF  }
0x1a9: {  	_ =	shalt  }

// kernel: kernel.13.cloned.1.call-start
scs
__scs_entry_jumppad:
0x0: {  	(pc) =	sbr.rel $0x88, $3  }
0x1: {  	(tag) =	ssettag $0x0;
	lr =	simm.s32 $0x1  }
0x2: {  	[smem:$0x3F8A] =	sst lr;
	_ =	strace $0xD0000000  }
0x3: {  	_ = 	snop  }
0x4: {  	_ = 	snop  }
0x5: {  	_ = 	snop  }
0x6: {  	_ = 	snop  }
0x7: {  	_ = 	snop  }
__scs_overlays_trampoline_lowered:
0x8: {  	[smem:$0x3F99] =	sst s0  }
0x9: {  	[smem:$0x3F9A] =	sst s1  }
0xa: {  	[smem:$0x3F9B] =	sst s2  }
0xb: {  	[smem:$0x3F9C] =	sst s3  }
0xc: {  	[smem:$0x3F9D] =	sst s4  }
0xd: {  	[smem:$0x3F9E] =	sst s5  }
0xe: {  	[smem:$0x3F9F] =	sst s6  }
0xf: {  	[smem:$0x3FA0] =	sst s7  }
0x10: {  	[smem:$0x3FA1] =	sst s8  }
0x11: {  	[smem:$0x3FA2] =	sst s9;
	s0 =	simm.s32 @!p0 $0x0  }
0x12: {  	s1 =	sld [smem:$0x3F88];
	s0 =	simm.s32 @p0 $0x1  }
0x13: {  	[smem:$0x3FA3] =	sst s0;
	s0 =	simm.s32 @!p1 $0x0  }
0x14: {  	s2 =	sld [smem:$0x3F87];
	s0 =	simm.s32 @p1 $0x1  }
0x15: {  	[smem:$0x3FA4] =	sst s0;
	s0 =	simm.s32 @!p2 $0x0  }
0x16: {  	s3 =	sld [smem:$0x3FDB];
	s0 =	simm.s32 @p2 $0x1  }
0x17: {  	s4 =	simm.s32 $0x1BF5;
	[smem:$0x3FA6] =	sst s0  }
0x18: {  	s0 =	sld [smem:$0x3F89];
	_ =	swait.ge [sflag:s4], $0x0  }
0x19: {  	s7 =	sld [smem:$0x3F8A]  }
0x1a: {  	s8 =	sadd.s32 $0xFFFFE003, lr  }
0x1b: {  	s9 =	sadd.s32 $0xFFFFFEF7, lr;
	s5 =	simm.s32 $0xFFFFFFFF;
	p2 =	slt.u32 s8, $0xFFFFF086  }
0x1c: {  	p1 =	slt.u32 s9, $0xF7A;
	s5 =	simm.s32 @!p2 $0x0  }
0x1d: {  	s5 =	simm.s32 @p1 $0x1;
	p0 =	seq.s32 s7, s2  }
0x1e: {  	s7 =	smul.u32 @!p0 $0xF7A, s2;
	p2 =	seq.s32 @!p0 s5, $0x0  }
0x1f: {  	s9 =	smul.u32 $0xF7A, s1;
	s8 =	simm.s32 @!p0 $0x1BF5;
	p2 =	por !p2, p0  }
0x20: {  	[sflag:s8] =	ssyncset.s32 @!p0 $0xFFFFF086;
	s6 =	sadd.s32 @!p0 s3, s7;
	s7 =	simm.s32 @!p0 $0x108  }
0x21: {  	s3 =	sadd.s32 s3, s9;
	s6 =	sadd.s32 @!p0 $0x88, s6;
	s7 =	simm.s32 @p2 $0x1082  }
0x22: {  	[simem:s7], [sflag:s8] =	dma.local @!p0 [hbm:s6], $0xF7A  }
0x23: {  	s9 =	sor.u32 $0xD0000000, s2;
	s6 =	simm.s32 $0x108;
	_ =	swait.ge @!p0 [sflag:s8], $0x0  }
0x24: {  	s3 =	sadd.s32 $0x88, s3;
	s6 =	simm.s32 @!p1 $0x1082;
	[sflag:s4] =	ssyncset.s32 $0xFFFFF086  }
0x25: {  	[simem:s6], [sflag:s4] =	dma.local [hbm:s3], $0xF7A  }
0x26: {  	[smem:$0x3F8A] =	sst s1;
	(tag) =	ssettag s2;
	_ =	strace s9  }
0x27: {  	s1 =	sld [smem:$0x3F9A]  }
0x28: {  	s2 =	sld [smem:$0x3F9B]  }
0x29: {  	s4 =	sld [smem:$0x3F9D]  }
0x2a: {  	p0 =	seq.s32 s5, $0x0;
	s5 =	sld [smem:$0x3F9E]  }
0x2b: {  	s6 =	sld [smem:$0x3F9F]  }
0x2c: {  	s7 =	sld [smem:$0x3FA0]  }
0x2d: {  	s3 =	simm.s32 $0x108;
	s8 =	sld [smem:$0x3FA1]  }
0x2e: {  	s3 =	simm.s32 @!p0 $0x1082;
	s9 =	sld [smem:$0x3FA2]  }
0x2f: {  	lr =	sadd.s32 s0, s3;
	s0 =	sld [smem:$0x3F99]  }
0x30: {  	s3 =	sld [smem:$0x3F9C]  }
0x31: {  	[smem:$0x3FA5] =	sst s10  }
0x32: {  	s10 =	sld [smem:$0x3FA3];
	_ =	sdelay $0x3  }
0x33: {  	p0 =	seq.s32 s10, $0x1;
	s10 =	sld [smem:$0x3FA5];
	_ =	sdelay $0x3  }
0x34: {  	[smem:$0x3FA5] =	sst s10  }
0x35: {  	s10 =	sld [smem:$0x3FA4];
	_ =	sdelay $0x3  }
0x36: {  	p1 =	seq.s32 s10, $0x1;
	s10 =	sld [smem:$0x3FA5];
	_ =	sdelay $0x3  }
0x37: {  	[smem:$0x3FA5] =	sst s10  }
0x38: {  	s10 =	sld [smem:$0x3FA6]  }
0x39: {  	_ = 	snop;
	(pc) =	sbr.ind lr, $3  }
0x3a: {  	_ = 	snop  }
0x3b: {  	_ = 	snop  }
0x3c: {  	p2 =	seq.s32 s10, $0x1;
	s10 =	sld [smem:$0x3FA5]  }
0x3d: {  	_ =	shalt  }
0x3e: {  	_ =	shalt  }
0x3f: {  	_ =	shalt  }
0x40: {  	_ =	shalt  }
0x41: {  	_ =	shalt  }
0x42: {  	_ =	shalt  }
0x43: {  	_ =	shalt  }
0x44: {  	_ =	shalt  }
0x45: {  	_ =	shalt  }
0x46: {  	_ =	shalt  }
0x47: {  	_ =	shalt  }
0x48: {  	_ =	shalt  }
0x49: {  	_ =	shalt  }
0x4a: {  	_ =	shalt  }
0x4b: {  	_ =	shalt  }
0x4c: {  	_ =	shalt  }
0x4d: {  	_ =	shalt  }
0x4e: {  	_ =	shalt  }
0x4f: {  	_ =	shalt  }
0x50: {  	_ =	shalt  }
0x51: {  	_ =	shalt  }
0x52: {  	_ =	shalt  }
0x53: {  	_ =	shalt  }
0x54: {  	_ =	shalt  }
0x55: {  	_ =	shalt  }
0x56: {  	_ =	shalt  }
0x57: {  	_ =	shalt  }
0x58: {  	_ =	shalt  }
0x59: {  	_ =	shalt  }
0x5a: {  	_ =	shalt  }
0x5b: {  	_ =	shalt  }
0x5c: {  	_ =	shalt  }
0x5d: {  	_ =	shalt  }
0x5e: {  	_ =	shalt  }
0x5f: {  	_ =	shalt  }
0x60: {  	_ =	shalt  }
0x61: {  	_ =	shalt  }
0x62: {  	_ =	shalt  }
0x63: {  	_ =	shalt  }
0x64: {  	_ =	shalt  }
0x65: {  	_ =	shalt  }
0x66: {  	_ =	shalt  }
0x67: {  	_ =	shalt  }
0x68: {  	_ =	shalt  }
0x69: {  	_ =	shalt  }
0x6a: {  	_ =	shalt  }
0x6b: {  	_ =	shalt  }
0x6c: {  	_ =	shalt  }
0x6d: {  	_ =	shalt  }
0x6e: {  	_ =	shalt  }
0x6f: {  	_ =	shalt  }
0x70: {  	_ =	shalt  }
0x71: {  	_ =	shalt  }
0x72: {  	_ =	shalt  }
0x73: {  	_ =	shalt  }
0x74: {  	_ =	shalt  }
0x75: {  	_ =	shalt  }
0x76: {  	_ =	shalt  }
0x77: {  	_ =	shalt  }
0x78: {  	_ =	shalt  }
0x79: {  	_ =	shalt  }
0x7a: {  	_ =	shalt  }
0x7b: {  	_ =	shalt  }
0x7c: {  	_ =	shalt  }
0x7d: {  	_ =	shalt  }
0x7e: {  	_ =	shalt  }
0x7f: {  	_ =	shalt  }
0x80: {  	_ =	shalt  }
0x81: {  	_ =	shalt  }
0x82: {  	_ =	shalt  }
0x83: {  	_ =	shalt  }
0x84: {  	_ =	shalt  }
0x85: {  	_ =	shalt  }
0x86: {  	_ =	shalt  }
0x87: {  	_ =	shalt  }
.Lfunc_end0:
.L_simem_size_0:
called_computation.1_lowered:
.L_overlay_start_0:
0x88: {  	s2 =	sld [smem:$0x3FD9]  }
0x89: {  	s3 =	sld [smem:$0x3FFE];
	_ =	sdelay $0x1  }
0x8a: {  	s1 =	srdreg.scid  }
0x8b: {  	s0 =	sand.u32 $0x1, s1  }
0x8c: {  	s16 =	sshll.u32 s0, $0xA;
	s2 =	sadd.s32 s3, s2  }
0x8d: {  	s2 =	sadd.s32 s2, s16  }
0x8e: {  	[smem:$0x3FB1] =	sst s2  }
0x8f: {  	_ = 	snop  }
0x90: {  	(tm) =	ssettm $0x1  }
0x91: {  	s17 =	sld [smem:$0x3FFB];
	_ =	sdelay $0x3  }
0x92: {  	_ =	strace s17  }
0x93: {  	s2 =	sld [smem:$0x3FFC];
	_ =	sdelay $0x3  }
0x94: {  	_ =	strace s2  }
0x95: {  	s2 =	sld [smem:$0x3FFD];
	_ =	sdelay $0x3  }
0x96: {  	_ =	strace s2  }
0x97: {  	_ =	strace $0x8FFFFFFF  }
0x98: {  	s18 =	sld [smem:$0x3FDB];
	_ =	sdelay $0x1  }
0x99: {  	s19 =	simm.s32 $_scs_section_size  }
0x9a: {  	s4 =	simm.s32 $_size__tile_overlayer_lowered;
	s5 =	simm.s32 $_tile_overlayer_lowered  }
0x9b: {  	s22 =	simm.s32 $0x1BFF;
	s21 =	sshll.u32 s5, $0x1;
	s2 =	sadd.s32 s19, s18  }
0x9c: {  	s6 =	simm.s32 $0x0;
	s20 =	sshll.u32 s4, $0x1;
	s4 =	sadd.s32 s21, s2  }
0x9d: {  	[timem:s6], [sflag:s22] =	dma.local [hbm:s4], s20  }
0x9e: {  	_ =	swait.ge [sflag:s22], s20  }
0x9f: {  	s3 =	ssub.s32 $0x0, s20;
	[sflag:s22] =	ssyncset.done $0x0  }
0xa0: {  	[sflag:s22] =	ssyncadd.s32 s3;
	_ =	sdelay $0x1  }
0xa1: {  	s23 =	simm.s32 $0x1B8B  }
0xa2: {  	_ =	swait.ge [sflag:s23], $0x1  }
0xa3: {  	[sflag:s23] =	ssyncset.done $0x0  }
0xa4: {  	s25 =	simm.s32 $0x1B8E;
	s24 =	sld [smem:$0x3FFE];
	[sflag:s23] =	ssyncadd.s32 $0xFFFFFFFF  }
0xa5: {  	s26 =	simm.s32 $execute0_lowered;
	[smem:$0x3FD2] =	sst s25  }
0xa6: {  	s4 =	sshll.u32 s26, $0x1;
	_ =	strace $0x80000049;
	[dreg:$0x1] =	wrdreg $0xFFFFFFFF  }
0xa7: {  	s28 =	simm.s32 $_size_execute0_lowered;
	s2 =	sadd.s32 s2, s4;
	[dreg:$0x0] =	wrdreg $0x0  }
0xa8: {  	s4 =	sshll.u32 s28, $0x1;
	[dreg:$0x2] =	wrdreg s2  }
0xa9: {  	[dreg:$0x3] =	wrdreg s4  }
0xaa: {  	[dreg:$0x4] =	wrdreg $0xC0  }
0xab: {  	_ =	task [dreg:s6], $0x5FFFF  }
0xac: {  	[dreg:$0x1] =	wrdreg $0xFFFFFFFF  }
0xad: {  	[dreg:$0x0] =	wrdreg $0x60  }
0xae: {  	[dreg:$0x2] =	wrdreg s24  }
0xaf: {  	[dreg:$0x3] =	wrdreg $0x7A000  }
0xb0: {  	[dreg:$0x4] =	wrdreg $0x9  }
0xb1: {  	_ =	task.clear_ibuf [dreg:s6], $0x5FFFF;
	_ =	strace $0x90000049  }
0xb2: {  	s29 =	simm.s32 $0x9;
	_ =	strace $0x8000004B  }
0xb3: {  	_ =	swait.ge [sflag:s29], $0x1  }
0xb4: {  	[sflag:s29] =	ssyncadd.s32 $0xFFFFFFFF  }
0xb5: {  	_ =	strace $0x9000004B  }
0xb6: {  	_ =	sfence  }
0xb7: {  	s30 =	sld [smem:$0x0];
	_ =	sdelay $0x2  }
0xb8: {  	s31 =	sshll.u32 s1, $0xD;
	s1 =	sshrl.u32 s1, $0x2  }
0xb9: {  	s3 =	sand.u32 $0x4000, s31;
	s1 =	sadd.s32 s1, s30  }
0xba: {  	s0 =	sor.u32 s3, s0;
	s1 =	sshll.u32 s1, $0x11  }
0xbb: {  	s0 =	sor.u32 s1, s0  }
0xbc: {  	s0 =	sadd.s32 $0x8F2B, s0  }
0xbd: {  	[sflag:s0] =	ssyncadd.remote.s32 $0x1  }
0xbe: {  	_ =	sfence.sel $0xFFFF  }
0xbf: {  	[dreg:$0x0] =	wrdreg $0xFFFFFFFF;
	(pc) =	sbr.abs _section_cstart, $3  }
0xc0: {  	[dreg:$0x1] =	wrdreg $0xFFFFFFFF  }
0xc1: {  	_ =	task.clear_ibuf [dreg:s6], $0x2FFFF;
	_ =	strace $0x9FFFFFFF  }
0xc2: {  	(tm) =	ssettm $0x7FFFFFFF  }
0xc3: {  	_ =	shalt  }
tec
execute0_lowered:
.L_overlay_start_1:
0x0: {  	(tag) =	ssettag $0x1  }
0x1: {  	s0 =	srdreg.scid;
	s1 =	rddreg [dreg:$0x0]  }
0x2: {  	s13 =	stileid.u32;
	s2 =	rddreg [dreg:$0x1];
	s0 =	sand.u32 $0x1, s0  }
0x3: {  	s3 =	sshll.u32 s13, $0x1;
	s10 =	smul.u32 $0x14000, s13;
	s6 =	sadd.s32 $0xA08600, s1  }
0x4: {  	s13 =	smul.u32 $0x50000, s13;
	s8 =	sor.u32 s0, s3;
	s3 =	simm.s32 $0x0  }
0x5: {  	s9 =	smul.u32 $0x140000, s0;
	s0 =	ssub.s32 $0x2, s0;
	[smem:$0x7FF] =	sst s3  }
0x6: {  	s29 =	smul.u32 $0x27100, s8;
	s12 =	sshrl.u32 s0, $0x1;
	s31 =	sshrl.u32 s13, $0x2  }
0x7: {  	_ =	strace $0x8000004A;
	s9 =	sadd.s32 s10, s9;
	s20 =	sadd.s32 s31, s2  }
0x8: {  	s0 =	ssub.s32 s0, s12;
	s10 =	sadd.s32 s6, s29;
	[dreg:$0x6] =	wrdreg s20  }
0x9: {  	s0 =	smax.u32 s0, $0x1;
	[dreg:$0x5] =	wrdreg s10  }
0xa: {  	s14 =	sadd.s32 $0x2800, s20;
	[dreg:$0x7] =	wrdreg s0  }
0xb: {  	s15 =	sadd.s32 $0x3C00, s20;
	[dreg:$0x9] =	wrdreg s14  }
0xc: {  	s28 =	simm.s32 $0x8;
	s16 =	sadd.s32 $0x5000, s20;
	[dreg:$0xa] =	wrdreg s15  }
0xd: {  	s4 =	sadd.s32 $0x5E00, s1;
	s17 =	sadd.s32 $0x6400, s20;
	[dreg:$0xb] =	wrdreg s16  }
0xe: {  	s5 =	sadd.s32 $0x2D000, s1;
	s18 =	sadd.s32 $0x7800, s20;
	[dreg:$0xc] =	wrdreg s17  }
0xf: {  	s7 =	smul.u32 $0x1F40, s8;
	s19 =	sadd.s32 $0x8C00, s20;
	[dreg:$0xd] =	wrdreg s18  }
0x10: {  	s12 =	sadd.s32 $0x4E7E40, s1;
	s21 =	sadd.s32 $0xA000, s20;
	[dreg:$0xe] =	wrdreg s19  }
0x11: {  	s11 =	sadd.s32 s7, s1;
	s22 =	sadd.s32 $0xB400, s20;
	[dreg:$0xf] =	wrdreg s21  }
0x12: {  	s7 =	smul.u32 $0xFA, s8;
	s23 =	sadd.s32 $0xC800, s20;
	[dreg:$0x10] =	wrdreg s22  }
0x13: {  	s9 =	sshrl.u32 s9, $0x3;
	s24 =	sadd.s32 $0xDC00, s20;
	[dreg:$0x11] =	wrdreg s23  }
0x14: {  	s8 =	smul.u32 $0x2710, s8;
	s26 =	sadd.s32 $0xF000, s20;
	[dreg:$0x12] =	wrdreg s24  }
0x15: {  	s29 =	sadd.s32 $0x10400, s20;
	s31 =	sadd.s32 $0x12C00, s20;
	[dreg:$0x13] =	wrdreg s26  }
0x16: {  	s9 =	sadd.s32 s9, s1;
	s30 =	sadd.s32 $0x4E7E00, s11;
	[dreg:$0x14] =	wrdreg s29  }
0x17: {  	s11 =	sadd.s32 $0x4E7E20, s11;
	[dreg:$0x16] =	wrdreg s31;
	s0 =	simm.s32 $0x200  }
0x18: {  	s10 =	simm.s32 $0x100;
	s15 =	simm.s32 $0x80;
	s16 =	simm.s32 $0x2  }
0x19: {  	s17 =	simm.s32 $0x1600;
	s18 =	simm.s32 $0x180;
	s21 =	simm.s32 $0x3  }
0x1a: {  	s22 =	simm.s32 $0x5;
	s23 =	simm.s32 $0x7;
	s24 =	simm.s32 $0x4  }
0x1b: {  	s26 =	simm.s32 $0x6;
	s14 =	simm.s32 $0x0;
	[dreg:$0x3] =	wrdreg s30  }
0x1c: {  	[dreg:$0x4] =	wrdreg s11;
	s13 =	sadd.s32 $0x50, s8;
	s11 =	sadd.s32 $0x1400, s20  }
0x1d: {  	s25 =	sadd.s32 $0x54200, s9;
	s30 =	sadd.s32 $0x11800, s20;
	[dreg:$0x8] =	wrdreg s11  }
0x1e: {  	v0 =	vimm.f32 $0.0e+00;
	s9 =	simm.s32 $0x9;
	[dreg:$0x15] =	wrdreg s30;
	s11 =	simm.s32 $0x28  }
.LBB2_1:
0x1f: {  	[dreg:$0x17] =	wrdreg s14;
	s1 =	simm.s32 $0x0;
	s14 =	simm.s32 $0x200  }
.LBB2_2:
0x20: {  	p0 =	sne.s32 s14, $0x4E00;
	[tilespmem:s1+$0x270] =	vst v0  }
0x21: {  	[tilespmem:s1+$0x200] =	vst v0  }
0x22: {  	[tilespmem:s1+$0x210] =	vst v0  }
.Ltmp0:
0x23: {  	[tilespmem:s1+$0x220] =	vst v0;
	(pc) =	sbr.rel @p0 .LBB2_2-.Ltmp0, $4  }
0x24: {  	[tilespmem:s1+$0x230] =	vst v0  }
0x25: {  	[tilespmem:s1+$0x240] =	vst v0  }
0x26: {  	[tilespmem:s1+$0x250] =	vst v0  }
0x27: {  	[tilespmem:s1+$0x260] =	vst v0;
	s1 =	sshra.s32 s14, $0x2;
	s14 =	sadd.s32 $0x200, s14  }
0x28: {  	[tilespmem:s1+$0x270] =	vst v0  }
0x29: {  	[tilespmem:s1+$0x200] =	vst v0  }
0x2a: {  	[tilespmem:s1+$0x210] =	vst v0  }
0x2b: {  	[tilespmem:s1+$0x220] =	vst v0  }
0x2c: {  	[tilespmem:s1+$0x230] =	vst v0  }
0x2d: {  	[tilespmem:s1+$0x240] =	vst v0  }
0x2e: {  	[tilespmem:s1+$0x250] =	vst v0  }
0x2f: {  	[tilespmem:s1+$0x260] =	vst v0  }
0x30: {  	[spmem:s20] =	stream.linear.scatter [tilespmem:s0], [sflag:$0x9], $0x1400, $0x38;
	[tilespmem:$0x1BA00] =	vst v63  }
0x31: {  	_ =	swait.ge [sflag:s9], $0x1400  }
0x32: {  	[sflag:s9] =	ssyncset.done $0x0  }
0x33: {  	s19 =	rddreg [dreg:$0x8];
	[sflag:s9] =	ssyncadd.s32 $0xFFFFEC00  }
0x34: {  	[spmem:s19] =	stream.linear.scatter [tilespmem:s0], [sflag:$0x9], $0x1400, $0x38;
	[tilespmem:$0x1BA00] =	vst v63  }
0x35: {  	_ =	swait.ge [sflag:s9], $0x1400  }
0x36: {  	[sflag:s9] =	ssyncset.done $0x0  }
0x37: {  	s20 =	rddreg [dreg:$0x9];
	[sflag:s9] =	ssyncadd.s32 $0xFFFFEC00  }
0x38: {  	[spmem:s20] =	stream.linear.scatter [tilespmem:s0], [sflag:$0x9], $0x1400, $0x38;
	[tilespmem:$0x1BA00] =	vst v63  }
0x39: {  	_ =	swait.ge [sflag:s9], $0x1400  }
0x3a: {  	[sflag:s9] =	ssyncset.done $0x0  }
0x3b: {  	s29 =	rddreg [dreg:$0xa];
	[sflag:s9] =	ssyncadd.s32 $0xFFFFEC00  }
0x3c: {  	[spmem:s29] =	stream.linear.scatter [tilespmem:s0], [sflag:$0x9], $0x1400, $0x38;
	[tilespmem:$0x1BA00] =	vst v63  }
0x3d: {  	_ =	swait.ge [sflag:s9], $0x1400  }
0x3e: {  	[sflag:s9] =	ssyncset.done $0x0  }
0x3f: {  	s31 =	rddreg [dreg:$0xb];
	[sflag:s9] =	ssyncadd.s32 $0xFFFFEC00  }
0x40: {  	[spmem:s31] =	stream.linear.scatter [tilespmem:s0], [sflag:$0x9], $0x1400, $0x38;
	[tilespmem:$0x1BA00] =	vst v63  }
0x41: {  	_ =	swait.ge [sflag:s9], $0x1400  }
0x42: {  	[sflag:s9] =	ssyncset.done $0x0  }
0x43: {  	s14 =	rddreg [dreg:$0xc];
	[sflag:s9] =	ssyncadd.s32 $0xFFFFEC00  }
0x44: {  	[spmem:s14] =	stream.linear.scatter [tilespmem:s0], [sflag:$0x9], $0x1400, $0x38;
	[tilespmem:$0x1BA00] =	vst v63  }
0x45: {  	_ =	swait.ge [sflag:s9], $0x1400  }
0x46: {  	[sflag:s9] =	ssyncset.done $0x0  }
0x47: {  	s19 =	rddreg [dreg:$0xd];
	[sflag:s9] =	ssyncadd.s32 $0xFFFFEC00  }
0x48: {  	[spmem:s19] =	stream.linear.scatter [tilespmem:s0], [sflag:$0x9], $0x1400, $0x38;
	[tilespmem:$0x1BA00] =	vst v63  }
0x49: {  	_ =	swait.ge [sflag:s9], $0x1400  }
0x4a: {  	[sflag:s9] =	ssyncset.done $0x0  }
0x4b: {  	s20 =	rddreg [dreg:$0xe];
	[sflag:s9] =	ssyncadd.s32 $0xFFFFEC00  }
0x4c: {  	[spmem:s20] =	stream.linear.scatter [tilespmem:s0], [sflag:$0x9], $0x1400, $0x38;
	[tilespmem:$0x1BA00] =	vst v63  }
0x4d: {  	_ =	swait.ge [sflag:s9], $0x1400  }
0x4e: {  	[sflag:s9] =	ssyncset.done $0x0  }
0x4f: {  	s29 =	rddreg [dreg:$0xf];
	[sflag:s9] =	ssyncadd.s32 $0xFFFFEC00  }
0x50: {  	[spmem:s29] =	stream.linear.scatter [tilespmem:s0], [sflag:$0x9], $0x1400, $0x38;
	[tilespmem:$0x1BA00] =	vst v63  }
0x51: {  	_ =	swait.ge [sflag:s9], $0x1400  }
0x52: {  	[sflag:s9] =	ssyncset.done $0x0  }
0x53: {  	s31 =	rddreg [dreg:$0x10];
	[sflag:s9] =	ssyncadd.s32 $0xFFFFEC00  }
0x54: {  	[spmem:s31] =	stream.linear.scatter [tilespmem:s0], [sflag:$0x9], $0x1400, $0x38;
	[tilespmem:$0x1BA00] =	vst v63  }
0x55: {  	_ =	swait.ge [sflag:s9], $0x1400  }
0x56: {  	[sflag:s9] =	ssyncset.done $0x0  }
0x57: {  	s14 =	rddreg [dreg:$0x11];
	[sflag:s9] =	ssyncadd.s32 $0xFFFFEC00  }
0x58: {  	[spmem:s14] =	stream.linear.scatter [tilespmem:s0], [sflag:$0x9], $0x1400, $0x38;
	[tilespmem:$0x1BA00] =	vst v63  }
0x59: {  	_ =	swait.ge [sflag:s9], $0x1400  }
0x5a: {  	[sflag:s9] =	ssyncset.done $0x0  }
0x5b: {  	s19 =	rddreg [dreg:$0x12];
	[sflag:s9] =	ssyncadd.s32 $0xFFFFEC00  }
0x5c: {  	[spmem:s19] =	stream.linear.scatter [tilespmem:s0], [sflag:$0x9], $0x1400, $0x38;
	[tilespmem:$0x1BA00] =	vst v63  }
0x5d: {  	_ =	swait.ge [sflag:s9], $0x1400  }
0x5e: {  	[sflag:s9] =	ssyncset.done $0x0  }
0x5f: {  	s20 =	rddreg [dreg:$0x13];
	[sflag:s9] =	ssyncadd.s32 $0xFFFFEC00  }
0x60: {  	[spmem:s20] =	stream.linear.scatter [tilespmem:s0], [sflag:$0x9], $0x1400, $0x38;
	[tilespmem:$0x1BA00] =	vst v63  }
0x61: {  	_ =	swait.ge [sflag:s9], $0x1400  }
0x62: {  	[sflag:s9] =	ssyncset.done $0x0  }
0x63: {  	s29 =	rddreg [dreg:$0x14];
	[sflag:s9] =	ssyncadd.s32 $0xFFFFEC00  }
0x64: {  	[spmem:s29] =	stream.linear.scatter [tilespmem:s0], [sflag:$0x9], $0x1400, $0x38;
	[tilespmem:$0x1BA00] =	vst v63  }
0x65: {  	_ =	swait.ge [sflag:s9], $0x1400  }
0x66: {  	[sflag:s9] =	ssyncset.done $0x0  }
0x67: {  	s31 =	rddreg [dreg:$0x15];
	[sflag:s9] =	ssyncadd.s32 $0xFFFFEC00  }
0x68: {  	[spmem:s31] =	stream.linear.scatter [tilespmem:s0], [sflag:$0x9], $0x1400, $0x38;
	[tilespmem:$0x1BA00] =	vst v63  }
0x69: {  	_ =	swait.ge [sflag:s9], $0x1400  }
0x6a: {  	[sflag:s9] =	ssyncset.done $0x0  }
0x6b: {  	s14 =	rddreg [dreg:$0x16];
	[sflag:s9] =	ssyncadd.s32 $0xFFFFEC00  }
0x6c: {  	[spmem:s14] =	stream.linear.scatter [tilespmem:s0], [sflag:$0x9], $0x1400, $0x38;
	[tilespmem:$0x1BA00] =	vst v63  }
0x6d: {  	_ =	swait.ge [sflag:s9], $0x1400  }
0x6e: {  	[sflag:s9] =	ssyncset.done $0x0  }
0x6f: {  	[sflag:s9] =	ssyncadd.s32 $0xFFFFEC00  }
0x70: {  	[bflag:$0x0] =	sbarrier.arrive $0xFFFF  }
0x71: {  	s30 =	simm.s32 $0x0;
	s19 =	rddreg [dreg:$0x3]  }
0x72: {  	[tilespmem:s30], [sflag:$0x9] =	stream.linear.gather [hbm4b:s19+s30], $0x100, $0x38;
	[tilespmem:$0x1BA00] =	vst v63  }
0x73: {  	_ =	swait.ge [sflag:s9], $0x100  }
0x74: {  	[sflag:s9] =	ssyncset.done $0x0  }
0x75: {  	s20 =	rddreg [dreg:$0x4];
	[sflag:s9] =	ssyncadd.s32 $0xFFFFFF00  }
0x76: {  	[tilespmem:s10], [sflag:$0x2] =	stream.linear.gather [hbm4b:s20+s30], $0x100, $0x38;
	[tilespmem:$0x1BA00] =	vst v63  }
0x77: {  	_ = 	snop  }
0x78: {  	[tilespmem:s0], [sflag:$0x3] =	stream.indirect.gather [hbm4b:s4+s11], $0x80, s30, s11, $0xb8;
	[tilespmem:$0x1BA00] =	vst v63  }
0x79: {  	s29 =	simm.s32 $0x2A00  }
0x7a: {  	[tilespmem:s29], [sflag:$0x5] =	stream.indirect.gather [hbm4b:s5+s11], $0x80, s15, s11, $0xb8;
	[tilespmem:$0x1BA00] =	vst v63  }
0x7b: {  	s14 =	simm.s32 $0x5200;
	s31 =	rddreg [dreg:$0x5]  }
0x7c: {  	[tilespmem:s14], [sflag:$0x7] =	stream.linear.gather [hbm4b:s31+s30], $0x1400, $0x38;
	[tilespmem:$0x1BA00] =	vst v63  }
.LBB2_4:
0x7d: {  	_ =	swait.ge [sflag:s16], $0x100  }
0x7e: {  	s31 =	sshllo.u32 s30, $0x1;
	[sflag:s16] =	ssyncset.done $0x0  }
0x7f: {  	s1 =	smul.u32 $0x28, s31;
	[sflag:s16] =	ssyncadd.s32 $0xFFFFFF00  }
0x80: {  	[tilespmem:s17], [sflag:$0x4] =	stream.indirect.gather [hbm4b:s4+s11], $0x80, s10, s11, $0xb8;
	[tilespmem:$0x1BA00] =	vst v63  }
0x81: {  	s1 =	sadd.s32 s8, s1  }
0x82: {  	s14 =	simm.s32 $0x3E00;
	s1 =	sshll.u32 s1, $0x4  }
0x83: {  	[tilespmem:s14], [sflag:$0x6] =	stream.indirect.gather [hbm4b:s5+s11], $0x80, s18, s11, $0xb8;
	[tilespmem:$0x1BA00] =	vst v63  }
0x84: {  	s20 =	simm.s32 $0x6600;
	s1 =	sadd.s32 s6, s1  }
0x85: {  	[tilespmem:s20], [sflag:$0x8] =	stream.linear.gather [hbm4b:s1+s3], $0x1400, $0x38;
	[tilespmem:$0x1BA00] =	vst v63  }
0x86: {  	_ =	swait.ge [sflag:s21], $0x1400  }
0x87: {  	[sflag:s21] =	ssyncset.done $0x0  }
0x88: {  	[sflag:s21] =	ssyncadd.s32 $0xFFFFEC00  }
0x89: {  	_ =	swait.ge [sflag:s22], $0x1400  }
0x8a: {  	[sflag:s22] =	ssyncset.done $0x0  }
0x8b: {  	[sflag:s22] =	ssyncadd.s32 $0xFFFFEC00  }
0x8c: {  	_ =	swait.ge [sflag:s23], $0x1400  }
0x8d: {  	[sflag:s23] =	ssyncset.done $0x0  }
0x8e: {  	s1 =	simm.s32 $0xF0;
	[sflag:s23] =	ssyncadd.s32 $0xFFFFEC00  }
0x8f: {  	v13 =	vld [tilespmem:s1+$0x5110]  }
0x90: {  	v14 =	vld [tilespmem:s1+$0x5120]  }
0x91: {  	v15 =	vld [tilespmem:s1+$0x5130]  }
0x92: {  	v16 =	vld [tilespmem:s1+$0x5140]  }
0x93: {  	v17 =	vld [tilespmem:s1+$0x5150]  }
0x94: {  	v18 =	vld [tilespmem:s1+$0x5160]  }
0x95: {  	v19 =	vld [tilespmem:s1+$0x5170]  }
0x96: {  	v21 =	vld [tilespmem:s1+$0x5180]  }
0x97: {  	v6 =	vld [tilespmem:s1+$0x5190]  }
0x98: {  	v5 =	vld [tilespmem:s1+$0x51A0]  }
0x99: {  	v4 =	vld [tilespmem:s1+$0x51B0]  }
0x9a: {  	v3 =	vld [tilespmem:s1+$0x51C0]  }
0x9b: {  	v2 =	vld [tilespmem:s1+$0x51D0]  }
0x9c: {  	v1 =	vld [tilespmem:s1+$0x51E0]  }
0x9d: {  	v20 =	vld [tilespmem:s1+$0x2910]  }
0x9e: {  	v22 =	vld [tilespmem:s1+$0x2920]  }
0x9f: {  	v23 =	vld [tilespmem:s1+$0x2930]  }
0xa0: {  	v24 =	vld [tilespmem:s1+$0x2940]  }
0xa1: {  	v25 =	vld [tilespmem:s1+$0x2950]  }
0xa2: {  	v26 =	vld [tilespmem:s1+$0x2960]  }
0xa3: {  	v27 =	vld [tilespmem:s1+$0x2970]  }
0xa4: {  	v28 =	vld [tilespmem:s1+$0x2980]  }
0xa5: {  	v29 =	vld [tilespmem:s1+$0x2990]  }
0xa6: {  	v30 =	vld [tilespmem:s1+$0x29A0]  }
0xa7: {  	v12 =	vld [tilespmem:s1+$0x29B0]  }
0xa8: {  	v11 =	vld [tilespmem:s1+$0x29C0]  }
0xa9: {  	v10 =	vld [tilespmem:s1+$0x29D0]  }
0xaa: {  	v9 =	vld [tilespmem:s1+$0x29E0]  }
0xab: {  	v8 =	vld [tilespmem:s1+$0x29F0]  }
0xac: {  	v7 =	vld [tilespmem:s1+$0x2A00]  }
0xad: {  	v31 =	vld [tilespmem:s1+$0x110]  }
0xae: {  	v32 =	vld [tilespmem:s1+$0x120]  }
0xaf: {  	v33 =	vld [tilespmem:s1+$0x130]  }
0xb0: {  	v34 =	vld [tilespmem:s1+$0x140]  }
0xb1: {  	v35 =	vld [tilespmem:s1+$0x150]  }
0xb2: {  	v60 =	vld [tilespmem:s1+$0x160];
	v20 =	vadd.f32 v20, v31  }
0xb3: {  	v36 =	vld [tilespmem:s1+$0x170];
	v22 =	vadd.f32 v22, v32  }
0xb4: {  	v23 =	vadd.f32 v23, v33;
	v13 =	vadd.f32 v13, v20;
	v20 =	vld [tilespmem:s1+$0x180]  }
0xb5: {  	v61 =	vld [tilespmem:s1+$0x190];
	v14 =	vadd.f32 v14, v22;
	v22 =	vadd.f32 v24, v34  }
0xb6: {  	v62 =	vld [tilespmem:s1+$0x1A0];
	v15 =	vadd.f32 v15, v23;
	v23 =	vadd.f32 v25, v35;
	v13 =	vmax.f32 v13, $0.0e+00  }
0xb7: {  	v14 =	vmax.f32 v14, $0.0e+00;
	v16 =	vadd.f32 v16, v22;
	v22 =	vadd.f32 v26, v60;
	[tilespmem:s1+$0x110] =	vst v13;
	v13 =	vld [tilespmem:s1+$0x1B0]  }
0xb8: {  	v15 =	vmax.f32 v15, $0.0e+00;
	v17 =	vadd.f32 v17, v23;
	v23 =	vadd.f32 v27, v36;
	[tilespmem:s1+$0x120] =	vst v14;
	v14 =	vld [tilespmem:s1+$0x1C0]  }
0xb9: {  	[tilespmem:s1+$0x130] =	vst v15;
	v15 =	vld [tilespmem:s1+$0x1D0];
	v16 =	vmax.f32 v16, $0.0e+00;
	v22 =	vadd.f32 v18, v22;
	v63 =	vadd.f32 v28, v20  }
0xba: {  	v17 =	vmax.f32 v17, $0.0e+00;
	v18 =	vadd.f32 v29, v61;
	[tilespmem:s1+$0x140] =	vst v16;
	v16 =	vld [tilespmem:s1+$0x1E0];
	v20 =	vadd.f32 v19, v23  }
0xbb: {  	s29 =	simm.s32 $0x7C0;
	s14 =	sshll.u32 s30, $0x1;
	[tilespmem:s1+$0x150] =	vst v17;
	v19 =	vadd.f32 v30, v62;
	v17 =	vld [tilespmem:s1+$0x1F0];
	v22 =	vmax.f32 v22, $0.0e+00;
	v21 =	vadd.f32 v21, v63  }
.LBB2_5:
0xbc: {  	p0 =	sne.s32 s29, $0x4FC0;
	[tilespmem:s1+$0x160] =	vst v22;
	v20 =	vmax.f32 v20, $0.0e+00;
	v6 =	vadd.f32 v6, v18;
	v12 =	vadd.f32 v12, v13;
	v13 =	vld [tilespmem:s1+$0x200]  }
0xbd: {  	[tilespmem:s1+$0x170] =	vst v20;
	v18 =	vmax.f32 v21, $0.0e+00;
	v5 =	vadd.f32 v5, v19;
	v11 =	vadd.f32 v11, v14;
	v14 =	vld [tilespmem:s1+$0x51F0]  }
0xbe: {  	s19 =	sshra.s32 s29, $0x2;
	[tilespmem:s1+$0x180] =	vst v18;
	v6 =	vmax.f32 v6, $0.0e+00;
	v4 =	vadd.f32 v4, v12;
	v10 =	vadd.f32 v10, v15;
	v12 =	vld [tilespmem:s1+$0x5200]  }
0xbf: {  	v15 =	vld [tilespmem:s19+$0x5110];
	[tilespmem:s1+$0x190] =	vst v6;
	v5 =	vmax.f32 v5, $0.0e+00;
	v3 =	vadd.f32 v3, v11;
	v6 =	vadd.f32 v9, v16  }
0xc0: {  	v16 =	vld [tilespmem:s19+$0x5120];
	[tilespmem:s1+$0x1A0] =	vst v5;
	v4 =	vmax.f32 v4, $0.0e+00;
	v2 =	vadd.f32 v2, v10;
	v5 =	vadd.f32 v8, v17  }
0xc1: {  	v17 =	vld [tilespmem:s19+$0x5130];
	[tilespmem:s1+$0x1B0] =	vst v4;
	v3 =	vmax.f32 v3, $0.0e+00;
	v1 =	vadd.f32 v1, v6;
	v4 =	vadd.f32 v7, v13  }
0xc2: {  	v13 =	vld [tilespmem:s19+$0x5140];
	[tilespmem:s1+$0x1C0] =	vst v3;
	v2 =	vmax.f32 v2, $0.0e+00;
	v3 =	vadd.f32 v14, v5  }
0xc3: {  	v14 =	vld [tilespmem:s19+$0x5150];
	[tilespmem:s1+$0x1D0] =	vst v2;
	v1 =	vmax.f32 v1, $0.0e+00;
	v2 =	vadd.f32 v12, v4  }
0xc4: {  	v18 =	vld [tilespmem:s19+$0x5160];
	[tilespmem:s1+$0x1E0] =	vst v1;
	v1 =	vmax.f32 v3, $0.0e+00  }
0xc5: {  	v19 =	vld [tilespmem:s19+$0x5170];
	[tilespmem:s1+$0x1F0] =	vst v1;
	v1 =	vmax.f32 v2, $0.0e+00  }
0xc6: {  	v21 =	vld [tilespmem:s19+$0x5180];
	[tilespmem:s1+$0x200] =	vst v1;
	s1 =	smov.u32 s19  }
0xc7: {  	v6 =	vld [tilespmem:s1+$0x5190]  }
0xc8: {  	v5 =	vld [tilespmem:s1+$0x51A0]  }
0xc9: {  	v4 =	vld [tilespmem:s1+$0x51B0]  }
0xca: {  	v3 =	vld [tilespmem:s1+$0x51C0]  }
0xcb: {  	v2 =	vld [tilespmem:s1+$0x51D0]  }
0xcc: {  	v1 =	vld [tilespmem:s1+$0x51E0]  }
0xcd: {  	v20 =	vld [tilespmem:s1+$0x2910]  }
0xce: {  	v22 =	vld [tilespmem:s1+$0x2920]  }
0xcf: {  	v23 =	vld [tilespmem:s1+$0x2930]  }
0xd0: {  	v24 =	vld [tilespmem:s1+$0x2940]  }
0xd1: {  	v25 =	vld [tilespmem:s1+$0x2950]  }
0xd2: {  	v26 =	vld [tilespmem:s1+$0x2960]  }
0xd3: {  	v27 =	vld [tilespmem:s1+$0x2970]  }
0xd4: {  	v28 =	vld [tilespmem:s1+$0x2980]  }
0xd5: {  	v29 =	vld [tilespmem:s1+$0x2990]  }
0xd6: {  	v30 =	vld [tilespmem:s1+$0x29A0]  }
0xd7: {  	v12 =	vld [tilespmem:s1+$0x29B0]  }
0xd8: {  	v11 =	vld [tilespmem:s1+$0x29C0]  }
0xd9: {  	v10 =	vld [tilespmem:s1+$0x29D0]  }
0xda: {  	v9 =	vld [tilespmem:s1+$0x29E0]  }
0xdb: {  	v8 =	vld [tilespmem:s1+$0x29F0]  }
0xdc: {  	v7 =	vld [tilespmem:s1+$0x2A00]  }
0xdd: {  	v31 =	vld [tilespmem:s1+$0x110]  }
0xde: {  	v32 =	vld [tilespmem:s1+$0x120]  }
0xdf: {  	v33 =	vld [tilespmem:s1+$0x130]  }
0xe0: {  	v34 =	vld [tilespmem:s1+$0x140]  }
0xe1: {  	v35 =	vld [tilespmem:s1+$0x150]  }
0xe2: {  	v20 =	vadd.f32 v20, v31;
	v31 =	vld [tilespmem:s1+$0x160]  }
0xe3: {  	v22 =	vadd.f32 v22, v32;
	v32 =	vld [tilespmem:s1+$0x170]  }
0xe4: {  	v15 =	vadd.f32 v15, v20;
	v20 =	vadd.f32 v23, v33;
	v23 =	vld [tilespmem:s1+$0x180]  }
0xe5: {  	v16 =	vadd.f32 v16, v22;
	v22 =	vadd.f32 v24, v34;
	v24 =	vld [tilespmem:s1+$0x190]  }
0xe6: {  	v15 =	vmax.f32 v15, $0.0e+00;
	v17 =	vadd.f32 v17, v20;
	v20 =	vadd.f32 v25, v35;
	v25 =	vld [tilespmem:s1+$0x1A0]  }
.Ltmp1:
0xe7: {  	[tilespmem:s1+$0x110] =	vst v15;
	v15 =	vmax.f32 v16, $0.0e+00;
	v16 =	vadd.f32 v13, v22;
	v22 =	vadd.f32 v26, v31;
	v13 =	vld [tilespmem:s1+$0x1B0];
	(pc) =	sbr.rel @p0 .LBB2_5-.Ltmp1, $4  }
0xe8: {  	[tilespmem:s1+$0x120] =	vst v15;
	v15 =	vmax.f32 v17, $0.0e+00;
	v17 =	vadd.f32 v14, v20;
	v20 =	vadd.f32 v27, v32;
	v14 =	vld [tilespmem:s1+$0x1C0]  }
0xe9: {  	[tilespmem:s1+$0x130] =	vst v15;
	v16 =	vmax.f32 v16, $0.0e+00;
	v22 =	vadd.f32 v18, v22;
	v23 =	vadd.f32 v28, v23;
	v15 =	vld [tilespmem:s1+$0x1D0]  }
0xea: {  	[tilespmem:s1+$0x140] =	vst v16;
	v17 =	vmax.f32 v17, $0.0e+00;
	v20 =	vadd.f32 v19, v20;
	v18 =	vadd.f32 v29, v24;
	v16 =	vld [tilespmem:s1+$0x1E0]  }
0xeb: {  	s29 =	sadd.s32 $0x400, s29;
	[tilespmem:s1+$0x150] =	vst v17;
	v22 =	vmax.f32 v22, $0.0e+00;
	v21 =	vadd.f32 v21, v23;
	v19 =	vadd.f32 v30, v25;
	v17 =	vld [tilespmem:s1+$0x1F0]  }
0xec: {  	[tilespmem:s1+$0x160] =	vst v22;
	v20 =	vmax.f32 v20, $0.0e+00;
	v22 =	vld [tilespmem:s1+$0x200];
	v6 =	vadd.f32 v6, v18;
	v12 =	vadd.f32 v12, v13  }
0xed: {  	v18 =	vld [tilespmem:s1+$0x51F0];
	[tilespmem:s1+$0x170] =	vst v20;
	v13 =	vmax.f32 v21, $0.0e+00;
	v5 =	vadd.f32 v5, v19;
	v11 =	vadd.f32 v11, v14  }
0xee: {  	[tilespmem:s1+$0x180] =	vst v13;
	v6 =	vmax.f32 v6, $0.0e+00;
	v4 =	vadd.f32 v4, v12;
	v10 =	vadd.f32 v10, v15;
	v12 =	vld [tilespmem:s1+$0x5200]  }
0xef: {  	[tilespmem:s1+$0x190] =	vst v6;
	v5 =	vmax.f32 v5, $0.0e+00;
	v3 =	vadd.f32 v3, v11;
	v6 =	vadd.f32 v9, v16  }
0xf0: {  	[tilespmem:s1+$0x1A0] =	vst v5;
	v4 =	vmax.f32 v4, $0.0e+00;
	v2 =	vadd.f32 v2, v10;
	v5 =	vadd.f32 v8, v17  }
0xf1: {  	[tilespmem:s1+$0x1B0] =	vst v4;
	v3 =	vmax.f32 v3, $0.0e+00;
	v1 =	vadd.f32 v1, v6;
	v4 =	vadd.f32 v7, v22  }
0xf2: {  	[tilespmem:s1+$0x1C0] =	vst v3;
	v2 =	vmax.f32 v2, $0.0e+00;
	v3 =	vadd.f32 v18, v5  }
0xf3: {  	[tilespmem:s1+$0x1D0] =	vst v2;
	v1 =	vmax.f32 v1, $0.0e+00;
	v2 =	vadd.f32 v12, v4  }
0xf4: {  	[tilespmem:s1+$0x1E0] =	vst v1;
	v1 =	vmax.f32 v3, $0.0e+00  }
0xf5: {  	[tilespmem:s1+$0x1F0] =	vst v1;
	v1 =	vmax.f32 v2, $0.0e+00  }
0xf6: {  	p0 =	seq.s32 s30, $0x7C;
	[tilespmem:s1+$0x200] =	vst v1  }
0xf7: {  	[spmem:s2] =	stream.indirect.scatter.add.f32 [tilespmem:s0], [sflag:$0x9], $0x80, s15, s11, $0xb8;
	[tilespmem:$0x1BA00] =	vst v63  }
0xf8: {  	s1 =	sadd.s32 @!p0 s7, s14;
	_ =	swait.ge [sflag:s9], $0x1400  }
0xf9: {  	s1 =	sshll.u32 @!p0 s1, $0x5;
	[sflag:s9] =	ssyncset.done $0x0  }
0xfa: {  	s14 =	simm.s32 @!p0 $0x0;
	s1 =	sadd.s32 @!p0 s1, s12;
	[sflag:s9] =	ssyncadd.s32 $0xFFFFEC00  }
0xfb: {  	[tilespmem:s14], [sflag:$0x1] =	stream.linear.gather @!p0 [hbm4b:s1+s14], $0x100, $0x38;
	[tilespmem:$0x1BA00] =	vst v63  }
0xfc: {  	s1 =	simm.s32 @!p0 $0x1  }
0xfd: {  	_ =	swait.ge @!p0 [sflag:s1], $0x100  }
0xfe: {  	[sflag:s1] =	ssyncset.done @!p0 $0x0  }
0xff: {  	s19 =	simm.s32 @!p0 $0x200;
	[sflag:s1] =	ssyncadd.s32 @!p0 $0xFFFFFF00;
	s1 =	simm.s32 @!p0 $0x28  }
0x100: {  	[tilespmem:s19], [sflag:$0x3] =	stream.indirect.gather @!p0 [hbm4b:s4+s1], $0x80, s14, s1, $0xb8;
	[tilespmem:$0x1BA00] =	vst v63  }
0x101: {  	s29 =	simm.s32 @!p0 $0x2A00;
	s20 =	smul.u32 @!p0 $0x50, s30;
	s19 =	simm.s32 @!p0 $0x80  }
0x102: {  	[tilespmem:s29], [sflag:$0x5] =	stream.indirect.gather @!p0 [hbm4b:s5+s1], $0x80, s19, s1, $0xb8;
	[tilespmem:$0x1BA00] =	vst v63  }
0x103: {  	s1 =	sadd.s32 @!p0 s20, s13  }
0x104: {  	s1 =	sshll.u32 @!p0 s1, $0x4  }
0x105: {  	s19 =	simm.s32 @!p0 $0x5200;
	s1 =	sadd.s32 @!p0 s6, s1  }
0x106: {  	[tilespmem:s19], [sflag:$0x7] =	stream.linear.gather @!p0 [hbm4b:s1+s14], $0x1400, $0x38;
	[tilespmem:$0x1BA00] =	vst v63  }
0x107: {  	_ =	swait.ge [sflag:s24], $0x1400  }
0x108: {  	[sflag:s24] =	ssyncset.done $0x0  }
0x109: {  	[sflag:s24] =	ssyncadd.s32 $0xFFFFEC00  }
0x10a: {  	_ =	swait.ge [sflag:s26], $0x1400  }
0x10b: {  	[sflag:s26] =	ssyncset.done $0x0  }
0x10c: {  	[sflag:s26] =	ssyncadd.s32 $0xFFFFEC00  }
0x10d: {  	_ =	swait.ge [sflag:s28], $0x1400  }
0x10e: {  	[sflag:s28] =	ssyncset.done $0x0  }
0x10f: {  	s1 =	simm.s32 $0xF0;
	[sflag:s28] =	ssyncadd.s32 $0xFFFFEC00  }
0x110: {  	v13 =	vld [tilespmem:s1+$0x6510]  }
0x111: {  	v14 =	vld [tilespmem:s1+$0x6520]  }
0x112: {  	v15 =	vld [tilespmem:s1+$0x6530]  }
0x113: {  	v16 =	vld [tilespmem:s1+$0x6540]  }
0x114: {  	v17 =	vld [tilespmem:s1+$0x6550]  }
0x115: {  	v18 =	vld [tilespmem:s1+$0x6560]  }
0x116: {  	v19 =	vld [tilespmem:s1+$0x6570]  }
0x117: {  	v20 =	vld [tilespmem:s1+$0x6580]  }
0x118: {  	v6 =	vld [tilespmem:s1+$0x6590]  }
0x119: {  	v5 =	vld [tilespmem:s1+$0x65A0]  }
0x11a: {  	v4 =	vld [tilespmem:s1+$0x65B0]  }
0x11b: {  	v3 =	vld [tilespmem:s1+$0x65C0]  }
0x11c: {  	v2 =	vld [tilespmem:s1+$0x65D0]  }
0x11d: {  	v1 =	vld [tilespmem:s1+$0x65E0]  }
0x11e: {  	v21 =	vld [tilespmem:s1+$0x3D10]  }
0x11f: {  	v22 =	vld [tilespmem:s1+$0x3D20]  }
0x120: {  	v23 =	vld [tilespmem:s1+$0x3D30]  }
0x121: {  	v24 =	vld [tilespmem:s1+$0x3D40]  }
0x122: {  	v25 =	vld [tilespmem:s1+$0x3D50]  }
0x123: {  	v26 =	vld [tilespmem:s1+$0x3D60]  }
0x124: {  	v27 =	vld [tilespmem:s1+$0x3D70]  }
0x125: {  	v28 =	vld [tilespmem:s1+$0x3D80]  }
0x126: {  	v29 =	vld [tilespmem:s1+$0x3D90]  }
0x127: {  	v30 =	vld [tilespmem:s1+$0x3DA0]  }
0x128: {  	v12 =	vld [tilespmem:s1+$0x3DB0]  }
0x129: {  	v11 =	vld [tilespmem:s1+$0x3DC0]  }
0x12a: {  	v10 =	vld [tilespmem:s1+$0x3DD0]  }
0x12b: {  	v9 =	vld [tilespmem:s1+$0x3DE0]  }
0x12c: {  	v8 =	vld [tilespmem:s1+$0x3DF0]  }
0x12d: {  	v7 =	vld [tilespmem:s1+$0x3E00]  }
0x12e: {  	v31 =	vld [tilespmem:s1+$0x1510]  }
0x12f: {  	v32 =	vld [tilespmem:s1+$0x1520]  }
0x130: {  	v33 =	vld [tilespmem:s1+$0x1530]  }
0x131: {  	v34 =	vld [tilespmem:s1+$0x1540]  }
0x132: {  	v35 =	vld [tilespmem:s1+$0x1550]  }
0x133: {  	v60 =	vld [tilespmem:s1+$0x1560];
	v21 =	vadd.f32 v21, v31  }
0x134: {  	v36 =	vld [tilespmem:s1+$0x1570];
	v22 =	vadd.f32 v22, v32  }
0x135: {  	v23 =	vadd.f32 v23, v33;
	v13 =	vadd.f32 v13, v21;
	v21 =	vld [tilespmem:s1+$0x1580]  }
0x136: {  	v61 =	vld [tilespmem:s1+$0x1590];
	v14 =	vadd.f32 v14, v22;
	v22 =	vadd.f32 v24, v34  }
0x137: {  	v62 =	vld [tilespmem:s1+$0x15A0];
	v15 =	vadd.f32 v15, v23;
	v23 =	vadd.f32 v25, v35;
	v13 =	vmax.f32 v13, $0.0e+00  }
0x138: {  	v14 =	vmax.f32 v14, $0.0e+00;
	v16 =	vadd.f32 v16, v22;
	v22 =	vadd.f32 v26, v60;
	[tilespmem:s1+$0x1510] =	vst v13;
	v13 =	vld [tilespmem:s1+$0x15B0]  }
0x139: {  	v15 =	vmax.f32 v15, $0.0e+00;
	v17 =	vadd.f32 v17, v23;
	v23 =	vadd.f32 v27, v36;
	[tilespmem:s1+$0x1520] =	vst v14;
	v14 =	vld [tilespmem:s1+$0x15C0]  }
0x13a: {  	[tilespmem:s1+$0x1530] =	vst v15;
	v15 =	vld [tilespmem:s1+$0x15D0];
	v16 =	vmax.f32 v16, $0.0e+00;
	v22 =	vadd.f32 v18, v22;
	v63 =	vadd.f32 v28, v21  }
0x13b: {  	v17 =	vmax.f32 v17, $0.0e+00;
	v18 =	vadd.f32 v29, v61;
	[tilespmem:s1+$0x1540] =	vst v16;
	v16 =	vld [tilespmem:s1+$0x15E0];
	v21 =	vadd.f32 v19, v23  }
0x13c: {  	s14 =	simm.s32 $0x7C0;
	[tilespmem:s1+$0x1550] =	vst v17;
	v19 =	vadd.f32 v30, v62;
	v17 =	vld [tilespmem:s1+$0x15F0];
	v22 =	vmax.f32 v22, $0.0e+00;
	v20 =	vadd.f32 v20, v63  }
.LBB2_7:
0x13d: {  	p1 =	sne.s32 s14, $0x4FC0;
	[tilespmem:s1+$0x1560] =	vst v22;
	v21 =	vmax.f32 v21, $0.0e+00;
	v6 =	vadd.f32 v6, v18;
	v12 =	vadd.f32 v12, v13;
	v13 =	vld [tilespmem:s1+$0x1600]  }
0x13e: {  	[tilespmem:s1+$0x1570] =	vst v21;
	v18 =	vmax.f32 v20, $0.0e+00;
	v5 =	vadd.f32 v5, v19;
	v11 =	vadd.f32 v11, v14;
	v14 =	vld [tilespmem:s1+$0x65F0]  }
0x13f: {  	s19 =	sshra.s32 s14, $0x2;
	[tilespmem:s1+$0x1580] =	vst v18;
	v6 =	vmax.f32 v6, $0.0e+00;
	v4 =	vadd.f32 v4, v12;
	v10 =	vadd.f32 v10, v15;
	v12 =	vld [tilespmem:s1+$0x6600]  }
0x140: {  	v15 =	vld [tilespmem:s19+$0x6510];
	[tilespmem:s1+$0x1590] =	vst v6;
	v5 =	vmax.f32 v5, $0.0e+00;
	v3 =	vadd.f32 v3, v11;
	v6 =	vadd.f32 v9, v16  }
0x141: {  	v16 =	vld [tilespmem:s19+$0x6520];
	[tilespmem:s1+$0x15A0] =	vst v5;
	v4 =	vmax.f32 v4, $0.0e+00;
	v2 =	vadd.f32 v2, v10;
	v5 =	vadd.f32 v8, v17  }
0x142: {  	v17 =	vld [tilespmem:s19+$0x6530];
	[tilespmem:s1+$0x15B0] =	vst v4;
	v3 =	vmax.f32 v3, $0.0e+00;
	v1 =	vadd.f32 v1, v6;
	v4 =	vadd.f32 v7, v13  }
0x143: {  	v13 =	vld [tilespmem:s19+$0x6540];
	[tilespmem:s1+$0x15C0] =	vst v3;
	v2 =	vmax.f32 v2, $0.0e+00;
	v3 =	vadd.f32 v14, v5  }
0x144: {  	v14 =	vld [tilespmem:s19+$0x6550];
	[tilespmem:s1+$0x15D0] =	vst v2;
	v1 =	vmax.f32 v1, $0.0e+00;
	v2 =	vadd.f32 v12, v4  }
0x145: {  	v18 =	vld [tilespmem:s19+$0x6560];
	[tilespmem:s1+$0x15E0] =	vst v1;
	v1 =	vmax.f32 v3, $0.0e+00  }
0x146: {  	v19 =	vld [tilespmem:s19+$0x6570];
	[tilespmem:s1+$0x15F0] =	vst v1;
	v1 =	vmax.f32 v2, $0.0e+00  }
0x147: {  	v20 =	vld [tilespmem:s19+$0x6580];
	[tilespmem:s1+$0x1600] =	vst v1;
	s1 =	smov.u32 s19  }
0x148: {  	v6 =	vld [tilespmem:s1+$0x6590]  }
0x149: {  	v5 =	vld [tilespmem:s1+$0x65A0]  }
0x14a: {  	v4 =	vld [tilespmem:s1+$0x65B0]  }
0x14b: {  	v3 =	vld [tilespmem:s1+$0x65C0]  }
0x14c: {  	v2 =	vld [tilespmem:s1+$0x65D0]  }
0x14d: {  	v1 =	vld [tilespmem:s1+$0x65E0]  }
0x14e: {  	v21 =	vld [tilespmem:s1+$0x3D10]  }
0x14f: {  	v22 =	vld [tilespmem:s1+$0x3D20]  }
0x150: {  	v23 =	vld [tilespmem:s1+$0x3D30]  }
0x151: {  	v24 =	vld [tilespmem:s1+$0x3D40]  }
0x152: {  	v25 =	vld [tilespmem:s1+$0x3D50]  }
0x153: {  	v26 =	vld [tilespmem:s1+$0x3D60]  }
0x154: {  	v27 =	vld [tilespmem:s1+$0x3D70]  }
0x155: {  	v28 =	vld [tilespmem:s1+$0x3D80]  }
0x156: {  	v29 =	vld [tilespmem:s1+$0x3D90]  }
0x157: {  	v30 =	vld [tilespmem:s1+$0x3DA0]  }
0x158: {  	v12 =	vld [tilespmem:s1+$0x3DB0]  }
0x159: {  	v11 =	vld [tilespmem:s1+$0x3DC0]  }
0x15a: {  	v10 =	vld [tilespmem:s1+$0x3DD0]  }
0x15b: {  	v9 =	vld [tilespmem:s1+$0x3DE0]  }
0x15c: {  	v8 =	vld [tilespmem:s1+$0x3DF0]  }
0x15d: {  	v7 =	vld [tilespmem:s1+$0x3E00]  }
0x15e: {  	v31 =	vld [tilespmem:s1+$0x1510]  }
0x15f: {  	v32 =	vld [tilespmem:s1+$0x1520]  }
0x160: {  	v33 =	vld [tilespmem:s1+$0x1530]  }
0x161: {  	v34 =	vld [tilespmem:s1+$0x1540]  }
0x162: {  	v35 =	vld [tilespmem:s1+$0x1550]  }
0x163: {  	v21 =	vadd.f32 v21, v31;
	v31 =	vld [tilespmem:s1+$0x1560]  }
0x164: {  	v22 =	vadd.f32 v22, v32;
	v32 =	vld [tilespmem:s1+$0x1570]  }
0x165: {  	v15 =	vadd.f32 v15, v21;
	v21 =	vadd.f32 v23, v33;
	v23 =	vld [tilespmem:s1+$0x1580]  }
0x166: {  	v16 =	vadd.f32 v16, v22;
	v22 =	vadd.f32 v24, v34;
	v24 =	vld [tilespmem:s1+$0x1590]  }
0x167: {  	v15 =	vmax.f32 v15, $0.0e+00;
	v17 =	vadd.f32 v17, v21;
	v21 =	vadd.f32 v25, v35;
	v25 =	vld [tilespmem:s1+$0x15A0]  }
.Ltmp2:
0x168: {  	[tilespmem:s1+$0x1510] =	vst v15;
	v15 =	vmax.f32 v16, $0.0e+00;
	v16 =	vadd.f32 v13, v22;
	v22 =	vadd.f32 v26, v31;
	v13 =	vld [tilespmem:s1+$0x15B0];
	(pc) =	sbr.rel @p1 .LBB2_7-.Ltmp2, $4  }
0x169: {  	[tilespmem:s1+$0x1520] =	vst v15;
	v15 =	vmax.f32 v17, $0.0e+00;
	v17 =	vadd.f32 v14, v21;
	v21 =	vadd.f32 v27, v32;
	v14 =	vld [tilespmem:s1+$0x15C0]  }
0x16a: {  	[tilespmem:s1+$0x1530] =	vst v15;
	v16 =	vmax.f32 v16, $0.0e+00;
	v22 =	vadd.f32 v18, v22;
	v23 =	vadd.f32 v28, v23;
	v15 =	vld [tilespmem:s1+$0x15D0]  }
0x16b: {  	[tilespmem:s1+$0x1540] =	vst v16;
	v17 =	vmax.f32 v17, $0.0e+00;
	v21 =	vadd.f32 v19, v21;
	v18 =	vadd.f32 v29, v24;
	v16 =	vld [tilespmem:s1+$0x15E0]  }
0x16c: {  	s14 =	sadd.s32 $0x400, s14;
	[tilespmem:s1+$0x1550] =	vst v17;
	v22 =	vmax.f32 v22, $0.0e+00;
	v20 =	vadd.f32 v20, v23;
	v19 =	vadd.f32 v30, v25;
	v17 =	vld [tilespmem:s1+$0x15F0]  }
0x16d: {  	[tilespmem:s1+$0x1560] =	vst v22;
	v21 =	vmax.f32 v21, $0.0e+00;
	v57 =	vld [tilespmem:s1+$0x1600];
	v6 =	vadd.f32 v6, v18;
	v12 =	vadd.f32 v12, v13  }
0x16e: {  	v59 =	vld [tilespmem:s1+$0x65F0];
	[tilespmem:s1+$0x1570] =	vst v21;
	v58 =	vmax.f32 v20, $0.0e+00;
	v5 =	vadd.f32 v5, v19;
	v11 =	vadd.f32 v11, v14  }
0x16f: {  	v60 =	vld [tilespmem:s1+$0x6600];
	[tilespmem:s1+$0x1580] =	vst v58;
	v6 =	vmax.f32 v6, $0.0e+00;
	v4 =	vadd.f32 v4, v12;
	v10 =	vadd.f32 v10, v15  }
0x170: {  	[tilespmem:s1+$0x1590] =	vst v6;
	v5 =	vmax.f32 v5, $0.0e+00;
	v3 =	vadd.f32 v3, v11;
	v61 =	vadd.f32 v9, v16  }
0x171: {  	[tilespmem:s1+$0x15A0] =	vst v5;
	v4 =	vmax.f32 v4, $0.0e+00;
	v2 =	vadd.f32 v2, v10;
	v62 =	vadd.f32 v8, v17  }
0x172: {  	[tilespmem:s1+$0x15B0] =	vst v4;
	v3 =	vmax.f32 v3, $0.0e+00;
	v1 =	vadd.f32 v1, v61;
	v63 =	vadd.f32 v7, v57  }
0x173: {  	[tilespmem:s1+$0x15C0] =	vst v3;
	v2 =	vmax.f32 v2, $0.0e+00;
	v3 =	vadd.f32 v59, v62  }
0x174: {  	[tilespmem:s1+$0x15D0] =	vst v2;
	v1 =	vmax.f32 v1, $0.0e+00;
	v2 =	vadd.f32 v60, v63  }
0x175: {  	[tilespmem:s1+$0x15E0] =	vst v1;
	v1 =	vmax.f32 v3, $0.0e+00  }
0x176: {  	[tilespmem:s1+$0x15F0] =	vst v1;
	v1 =	vmax.f32 v2, $0.0e+00  }
.Ltmp3:
0x177: {  	[tilespmem:s1+$0x1600] =	vst v1;
	(pc) =	sbr.rel @p0 .LBB2_10-.Ltmp3, $4  }
0x178: {  	[spmem:s2] =	stream.indirect.scatter.add.f32 [tilespmem:s17], [sflag:$0x9], $0x80, s18, s11, $0xb8;
	[tilespmem:$0x1BA00] =	vst v63  }
0x179: {  	_ =	swait.ge [sflag:s9], $0x1400  }
0x17a: {  	[sflag:s9] =	ssyncset.done $0x0  }
0x17b: {  	[sflag:s9] =	ssyncadd.s32 $0xFFFFEC00  }
.Ltmp4:
0x17c: {  	(pc) =	sbr.rel .LBB2_4-.Ltmp4, $4  }
0x17d: {  	s1 =	sadd.s32 s7, s31  }
0x17e: {  	s1 =	sshll.u32 s1, $0x5  }
0x17f: {  	s30 =	sadd.s32 $0x1, s30;
	s1 =	sadd.s32 s1, s12  }
0x180: {  	[tilespmem:s10], [sflag:$0x2] =	stream.linear.gather [hbm4b:s1+s3], $0x100, $0x38;
	[tilespmem:$0x1BA00] =	vst v63  }
.LBB2_10:
0x181: {  	[bflag:$0x0] =	sbarrier.arrive $0xFFFF  }
0x182: {  	s20 =	rddreg [dreg:$0x6]  }
0x183: {  	[tilespmem:s0], [sflag:$0x9] =	stream.linear.gather [spmem:s20], $0x1400, $0x38;
	[tilespmem:$0x1BA00] =	vst v63  }
0x184: {  	_ =	swait.ge [sflag:s9], $0x1400  }
0x185: {  	[sflag:s9] =	ssyncset.done $0x0  }
0x186: {  	s1 =	sadd.s32 $0x0, s25;
	[sflag:s9] =	ssyncadd.s32 $0xFFFFEC00  }
0x187: {  	[hbm4b:s1+s3] =	stream.linear.scatter [tilespmem:s0], [sflag:$0x9], $0x1400, $0x38;
	[tilespmem:$0x1BA00] =	vst v63  }
0x188: {  	_ =	swait.ge [sflag:s9], $0x1400  }
0x189: {  	s14 =	smov.u32 s20;
	s1 =	simm.s32 $0x280;
	[sflag:s9] =	ssyncset.done $0x0  }
.LBB2_11:
0x18a: {  	p0 =	sne.s32 s1, $0x2580;
	[sflag:s9] =	ssyncadd.s32 $0xFFFFEC00;
	s14 =	sadd.s32 $0x1400, s14  }
0x18b: {  	[tilespmem:s0], [sflag:$0x9] =	stream.linear.gather [spmem:s14], $0x1400, $0x38;
	[tilespmem:$0x1BA00] =	vst v63  }
0x18c: {  	s19 =	smov.u32 s1;
	s1 =	sadd.s32 $0x280, s1;
	_ =	swait.ge [sflag:s9], $0x1400  }
.Ltmp5:
0x18d: {  	[sflag:s9] =	ssyncset.done $0x0;
	(pc) =	sbr.rel @p0 .LBB2_11-.Ltmp5, $4  }
0x18e: {  	s19 =	sadd.s32 s19, s25;
	[sflag:s9] =	ssyncadd.s32 $0xFFFFEC00  }
0x18f: {  	[hbm4b:s19+s3] =	stream.linear.scatter [tilespmem:s0], [sflag:$0x9], $0x1400, $0x38;
	[tilespmem:$0x1BA00] =	vst v63  }
0x190: {  	_ =	swait.ge [sflag:s9], $0x1400  }
0x191: {  	[sflag:s9] =	ssyncset.done $0x0  }
0x192: {  	s14 =	rddreg [dreg:$0x17]  }
0x193: {  	s1 =	rddreg [dreg:$0x7];
	s14 =	sadd.s32 $0x1, s14  }
0x194: {  	p0 =	sne.s32 s14, s1  }
.Ltmp6:
0x195: {  	_ = 	snop;
	(pc) =	sbr.rel @p0 .LBB2_1-.Ltmp6, $2  }
0x196: {  	_ =	sdelay $0x2  }
0x197: {  	[sflag:s9] =	ssyncadd.s32 $0xFFFFEC00  }
0x198: {  	_ =	sfence.sel $0x180000  }
0x199: {  	[bflag:$0x0] =	sbarrier.arrive $0xFFFF  }
0x19a: {  	_ =	strace $0x9000004A  }
0x19b: {  	s0 =	stileid.u32;
	[bflag:$0x2] =	sbarrier.arrive $0xFFFF  }
0x19c: {  	p0 =	sne.s32 s0, $0x0;
	s0 =	rddreg [dreg:$0x2]  }
0x19d: {  	s0 =	sadd.s32 @!p0 $0x100000, s0  }
0x19e: {  	[sflag:s0] =	ssyncadd.tile.s32 @!p0 $0x1;
	_ =	shalt  }
.Lfunc_end2:
_tile_overlayer_lowered:
.L_overlay_start_2:
0x19f: {  	(tag) =	ssettag $0x2  }
0x1a0: {  	s0 =	rddreg [dreg:$0x0];
	s2 =	stileid.u32  }
0x1a1: {  	s1 =	rddreg [dreg:$0x1];
	p0 =	sne.s32 s2, $0x0  }
0x1a2: {  	s3 =	rddreg [dreg:$0x2];
	[bflag:$0x3] =	sbarrier.arrive $0xFFFF;
	s2 =	simm.s32 @!p0 $0x1C09  }
0x1a3: {  	[timem:s3], [sflag:s2] =	dma.local @!p0 [hbm:s0], s1  }
0x1a4: {  	s0 =	simm.s32 @!p0 $0x9  }
0x1a5: {  	_ =	swait.ge @!p0 [sflag:s0], s1  }
0x1a6: {  	s1 =	ssub.s32 @!p0 $0x0, s1;
	[sflag:s0] =	ssyncset.done @!p0 $0x0  }
0x1a7: {  	[sflag:s0] =	ssyncadd.s32 @!p0 s1  }
0x1a8: {  	[bflag:$0x3] =	sbarrier.arrive $0xFFFF  }
0x1a9: {  	_ =	shalt  }

// kernel: kernel.16.cloned.1.call-start
scs
__scs_entry_jumppad:
0x0: {  	(pc) =	sbr.rel $0x88, $3  }
0x1: {  	(tag) =	ssettag $0x0;
	lr =	simm.s32 $0x1  }
0x2: {  	[smem:$0x3F8A] =	sst lr;
	_ =	strace $0xD0000000  }
0x3: {  	_ = 	snop  }
0x4: {  	_ = 	snop  }
0x5: {  	_ = 	snop  }
0x6: {  	_ = 	snop  }
0x7: {  	_ = 	snop  }
__scs_overlays_trampoline_lowered:
0x8: {  	[smem:$0x3F99] =	sst s0  }
0x9: {  	[smem:$0x3F9A] =	sst s1  }
0xa: {  	[smem:$0x3F9B] =	sst s2  }
0xb: {  	[smem:$0x3F9C] =	sst s3  }
0xc: {  	[smem:$0x3F9D] =	sst s4  }
0xd: {  	[smem:$0x3F9E] =	sst s5  }
0xe: {  	[smem:$0x3F9F] =	sst s6  }
0xf: {  	[smem:$0x3FA0] =	sst s7  }
0x10: {  	[smem:$0x3FA1] =	sst s8  }
0x11: {  	[smem:$0x3FA2] =	sst s9;
	s0 =	simm.s32 @!p0 $0x0  }
0x12: {  	s1 =	sld [smem:$0x3F88];
	s0 =	simm.s32 @p0 $0x1  }
0x13: {  	[smem:$0x3FA3] =	sst s0;
	s0 =	simm.s32 @!p1 $0x0  }
0x14: {  	s2 =	sld [smem:$0x3F87];
	s0 =	simm.s32 @p1 $0x1  }
0x15: {  	[smem:$0x3FA4] =	sst s0;
	s0 =	simm.s32 @!p2 $0x0  }
0x16: {  	s3 =	sld [smem:$0x3FDB];
	s0 =	simm.s32 @p2 $0x1  }
0x17: {  	s4 =	simm.s32 $0x1BF5;
	[smem:$0x3FA6] =	sst s0  }
0x18: {  	s0 =	sld [smem:$0x3F89];
	_ =	swait.ge [sflag:s4], $0x0  }
0x19: {  	s7 =	sld [smem:$0x3F8A]  }
0x1a: {  	s8 =	sadd.s32 $0xFFFFE003, lr  }
0x1b: {  	s9 =	sadd.s32 $0xFFFFFEF7, lr;
	s5 =	simm.s32 $0xFFFFFFFF;
	p2 =	slt.u32 s8, $0xFFFFF086  }
0x1c: {  	p1 =	slt.u32 s9, $0xF7A;
	s5 =	simm.s32 @!p2 $0x0  }
0x1d: {  	s5 =	simm.s32 @p1 $0x1;
	p0 =	seq.s32 s7, s2  }
0x1e: {  	s7 =	smul.u32 @!p0 $0xF7A, s2;
	p2 =	seq.s32 @!p0 s5, $0x0  }
0x1f: {  	s9 =	smul.u32 $0xF7A, s1;
	s8 =	simm.s32 @!p0 $0x1BF5;
	p2 =	por !p2, p0  }
0x20: {  	[sflag:s8] =	ssyncset.s32 @!p0 $0xFFFFF086;
	s6 =	sadd.s32 @!p0 s3, s7;
	s7 =	simm.s32 @!p0 $0x108  }
0x21: {  	s3 =	sadd.s32 s3, s9;
	s6 =	sadd.s32 @!p0 $0x88, s6;
	s7 =	simm.s32 @p2 $0x1082  }
0x22: {  	[simem:s7], [sflag:s8] =	dma.local @!p0 [hbm:s6], $0xF7A  }
0x23: {  	s9 =	sor.u32 $0xD0000000, s2;
	s6 =	simm.s32 $0x108;
	_ =	swait.ge @!p0 [sflag:s8], $0x0  }
0x24: {  	s3 =	sadd.s32 $0x88, s3;
	s6 =	simm.s32 @!p1 $0x1082;
	[sflag:s4] =	ssyncset.s32 $0xFFFFF086  }
0x25: {  	[simem:s6], [sflag:s4] =	dma.local [hbm:s3], $0xF7A  }
0x26: {  	[smem:$0x3F8A] =	sst s1;
	(tag) =	ssettag s2;
	_ =	strace s9  }
0x27: {  	s1 =	sld [smem:$0x3F9A]  }
0x28: {  	s2 =	sld [smem:$0x3F9B]  }
0x29: {  	s4 =	sld [smem:$0x3F9D]  }
0x2a: {  	p0 =	seq.s32 s5, $0x0;
	s5 =	sld [smem:$0x3F9E]  }
0x2b: {  	s6 =	sld [smem:$0x3F9F]  }
0x2c: {  	s7 =	sld [smem:$0x3FA0]  }
0x2d: {  	s3 =	simm.s32 $0x108;
	s8 =	sld [smem:$0x3FA1]  }
0x2e: {  	s3 =	simm.s32 @!p0 $0x1082;
	s9 =	sld [smem:$0x3FA2]  }
0x2f: {  	lr =	sadd.s32 s0, s3;
	s0 =	sld [smem:$0x3F99]  }
0x30: {  	s3 =	sld [smem:$0x3F9C]  }
0x31: {  	[smem:$0x3FA5] =	sst s10  }
0x32: {  	s10 =	sld [smem:$0x3FA3];
	_ =	sdelay $0x3  }
0x33: {  	p0 =	seq.s32 s10, $0x1;
	s10 =	sld [smem:$0x3FA5];
	_ =	sdelay $0x3  }
0x34: {  	[smem:$0x3FA5] =	sst s10  }
0x35: {  	s10 =	sld [smem:$0x3FA4];
	_ =	sdelay $0x3  }
0x36: {  	p1 =	seq.s32 s10, $0x1;
	s10 =	sld [smem:$0x3FA5];
	_ =	sdelay $0x3  }
0x37: {  	[smem:$0x3FA5] =	sst s10  }
0x38: {  	s10 =	sld [smem:$0x3FA6]  }
0x39: {  	_ = 	snop;
	(pc) =	sbr.ind lr, $3  }
0x3a: {  	_ = 	snop  }
0x3b: {  	_ = 	snop  }
0x3c: {  	p2 =	seq.s32 s10, $0x1;
	s10 =	sld [smem:$0x3FA5]  }
0x3d: {  	_ =	shalt  }
0x3e: {  	_ =	shalt  }
0x3f: {  	_ =	shalt  }
0x40: {  	_ =	shalt  }
0x41: {  	_ =	shalt  }
0x42: {  	_ =	shalt  }
0x43: {  	_ =	shalt  }
0x44: {  	_ =	shalt  }
0x45: {  	_ =	shalt  }
0x46: {  	_ =	shalt  }
0x47: {  	_ =	shalt  }
0x48: {  	_ =	shalt  }
0x49: {  	_ =	shalt  }
0x4a: {  	_ =	shalt  }
0x4b: {  	_ =	shalt  }
0x4c: {  	_ =	shalt  }
0x4d: {  	_ =	shalt  }
0x4e: {  	_ =	shalt  }
0x4f: {  	_ =	shalt  }
0x50: {  	_ =	shalt  }
0x51: {  	_ =	shalt  }
0x52: {  	_ =	shalt  }
0x53: {  	_ =	shalt  }
0x54: {  	_ =	shalt  }
0x55: {  	_ =	shalt  }
0x56: {  	_ =	shalt  }
0x57: {  	_ =	shalt  }
0x58: {  	_ =	shalt  }
0x59: {  	_ =	shalt  }
0x5a: {  	_ =	shalt  }
0x5b: {  	_ =	shalt  }
0x5c: {  	_ =	shalt  }
0x5d: {  	_ =	shalt  }
0x5e: {  	_ =	shalt  }
0x5f: {  	_ =	shalt  }
0x60: {  	_ =	shalt  }
0x61: {  	_ =	shalt  }
0x62: {  	_ =	shalt  }
0x63: {  	_ =	shalt  }
0x64: {  	_ =	shalt  }
0x65: {  	_ =	shalt  }
0x66: {  	_ =	shalt  }
0x67: {  	_ =	shalt  }
0x68: {  	_ =	shalt  }
0x69: {  	_ =	shalt  }
0x6a: {  	_ =	shalt  }
0x6b: {  	_ =	shalt  }
0x6c: {  	_ =	shalt  }
0x6d: {  	_ =	shalt  }
0x6e: {  	_ =	shalt  }
0x6f: {  	_ =	shalt  }
0x70: {  	_ =	shalt  }
0x71: {  	_ =	shalt  }
0x72: {  	_ =	shalt  }
0x73: {  	_ =	shalt  }
0x74: {  	_ =	shalt  }
0x75: {  	_ =	shalt  }
0x76: {  	_ =	shalt  }
0x77: {  	_ =	shalt  }
0x78: {  	_ =	shalt  }
0x79: {  	_ =	shalt  }
0x7a: {  	_ =	shalt  }
0x7b: {  	_ =	shalt  }
0x7c: {  	_ =	shalt  }
0x7d: {  	_ =	shalt  }
0x7e: {  	_ =	shalt  }
0x7f: {  	_ =	shalt  }
0x80: {  	_ =	shalt  }
0x81: {  	_ =	shalt  }
0x82: {  	_ =	shalt  }
0x83: {  	_ =	shalt  }
0x84: {  	_ =	shalt  }
0x85: {  	_ =	shalt  }
0x86: {  	_ =	shalt  }
0x87: {  	_ =	shalt  }
.Lfunc_end0:
.L_simem_size_0:
called_computation.2_lowered:
.L_overlay_start_0:
0x88: {  	s2 =	sld [smem:$0x3FD9]  }
0x89: {  	s3 =	sld [smem:$0x3FFE];
	_ =	sdelay $0x1  }
0x8a: {  	s1 =	srdreg.scid  }
0x8b: {  	s0 =	sand.u32 $0x1, s1  }
0x8c: {  	s16 =	sshll.u32 s0, $0xA;
	s2 =	sadd.s32 s3, s2  }
0x8d: {  	s2 =	sadd.s32 s2, s16  }
0x8e: {  	[smem:$0x3FB1] =	sst s2  }
0x8f: {  	_ = 	snop  }
0x90: {  	(tm) =	ssettm $0x1  }
0x91: {  	s17 =	sld [smem:$0x3FFB];
	_ =	sdelay $0x3  }
0x92: {  	_ =	strace s17  }
0x93: {  	s2 =	sld [smem:$0x3FFC];
	_ =	sdelay $0x3  }
0x94: {  	_ =	strace s2  }
0x95: {  	s2 =	sld [smem:$0x3FFD];
	_ =	sdelay $0x3  }
0x96: {  	_ =	strace s2  }
0x97: {  	_ =	strace $0x8FFFFFFF  }
0x98: {  	s18 =	sld [smem:$0x3FDB];
	_ =	sdelay $0x1  }
0x99: {  	s19 =	simm.s32 $_scs_section_size  }
0x9a: {  	s4 =	simm.s32 $_size__tile_overlayer_lowered;
	s5 =	simm.s32 $_tile_overlayer_lowered  }
0x9b: {  	s22 =	simm.s32 $0x1BFF;
	s21 =	sshll.u32 s5, $0x1;
	s2 =	sadd.s32 s19, s18  }
0x9c: {  	s6 =	simm.s32 $0x0;
	s20 =	sshll.u32 s4, $0x1;
	s4 =	sadd.s32 s21, s2  }
0x9d: {  	[timem:s6], [sflag:s22] =	dma.local [hbm:s4], s20  }
0x9e: {  	_ =	swait.ge [sflag:s22], s20  }
0x9f: {  	s3 =	ssub.s32 $0x0, s20;
	[sflag:s22] =	ssyncset.done $0x0  }
0xa0: {  	[sflag:s22] =	ssyncadd.s32 s3;
	_ =	sdelay $0x1  }
0xa1: {  	s23 =	simm.s32 $0x1B8B  }
0xa2: {  	_ =	swait.ge [sflag:s23], $0x1  }
0xa3: {  	[sflag:s23] =	ssyncset.done $0x0  }
0xa4: {  	s25 =	simm.s32 $0x1B8E;
	s24 =	sld [smem:$0x3FFE];
	[sflag:s23] =	ssyncadd.s32 $0xFFFFFFFF  }
0xa5: {  	s26 =	simm.s32 $execute0_lowered;
	[smem:$0x3FD2] =	sst s25  }
0xa6: {  	s4 =	sshll.u32 s26, $0x1;
	_ =	strace $0x8000004C;
	[dreg:$0x1] =	wrdreg $0xFFFFFFFF  }
0xa7: {  	s28 =	simm.s32 $_size_execute0_lowered;
	s2 =	sadd.s32 s2, s4;
	[dreg:$0x0] =	wrdreg $0x0  }
0xa8: {  	s4 =	sshll.u32 s28, $0x1;
	[dreg:$0x2] =	wrdreg s2  }
0xa9: {  	[dreg:$0x3] =	wrdreg s4  }
0xaa: {  	[dreg:$0x4] =	wrdreg $0xC0  }
0xab: {  	_ =	task [dreg:s6], $0x5FFFF  }
0xac: {  	[dreg:$0x1] =	wrdreg $0xFFFFFFFF  }
0xad: {  	[dreg:$0x0] =	wrdreg $0x60  }
0xae: {  	[dreg:$0x2] =	wrdreg s24  }
0xaf: {  	[dreg:$0x3] =	wrdreg $0x7A000  }
0xb0: {  	[dreg:$0x4] =	wrdreg $0x9  }
0xb1: {  	_ =	task.clear_ibuf [dreg:s6], $0x5FFFF;
	_ =	strace $0x9000004C  }
0xb2: {  	s29 =	simm.s32 $0x9;
	_ =	strace $0x8000004E  }
0xb3: {  	_ =	swait.ge [sflag:s29], $0x1  }
0xb4: {  	[sflag:s29] =	ssyncadd.s32 $0xFFFFFFFF  }
0xb5: {  	_ =	strace $0x9000004E  }
0xb6: {  	_ =	sfence  }
0xb7: {  	s30 =	sld [smem:$0x0];
	_ =	sdelay $0x2  }
0xb8: {  	s31 =	sshll.u32 s1, $0xD;
	s1 =	sshrl.u32 s1, $0x2  }
0xb9: {  	s3 =	sand.u32 $0x4000, s31;
	s1 =	sadd.s32 s1, s30  }
0xba: {  	s0 =	sor.u32 s3, s0;
	s1 =	sshll.u32 s1, $0x11  }
0xbb: {  	s0 =	sor.u32 s1, s0  }
0xbc: {  	s0 =	sadd.s32 $0x8F2B, s0  }
0xbd: {  	[sflag:s0] =	ssyncadd.remote.s32 $0x1  }
0xbe: {  	_ =	sfence.sel $0xFFFF  }
0xbf: {  	[dreg:$0x0] =	wrdreg $0xFFFFFFFF;
	(pc) =	sbr.abs _section_cstart, $3  }
0xc0: {  	[dreg:$0x1] =	wrdreg $0xFFFFFFFF  }
0xc1: {  	_ =	task.clear_ibuf [dreg:s6], $0x2FFFF;
	_ =	strace $0x9FFFFFFF  }
0xc2: {  	(tm) =	ssettm $0x7FFFFFFF  }
0xc3: {  	_ =	shalt  }
tec
execute0_lowered:
.L_overlay_start_1:
0x0: {  	(tag) =	ssettag $0x1  }
0x1: {  	s0 =	srdreg.scid;
	s1 =	rddreg [dreg:$0x0]  }
0x2: {  	s13 =	stileid.u32;
	s2 =	rddreg [dreg:$0x1];
	s0 =	sand.u32 $0x1, s0  }
0x3: {  	s3 =	sshll.u32 s13, $0x1;
	s10 =	smul.u32 $0x14000, s13;
	s6 =	sadd.s32 $0xEEA600, s1  }
0x4: {  	s13 =	smul.u32 $0x50000, s13;
	s8 =	sor.u32 s0, s3;
	s3 =	simm.s32 $0x0  }
0x5: {  	s9 =	smul.u32 $0x140000, s0;
	s0 =	ssub.s32 $0x2, s0;
	[smem:$0x7FF] =	sst s3  }
0x6: {  	s29 =	smul.u32 $0x27100, s8;
	s12 =	sshrl.u32 s0, $0x1;
	s31 =	sshrl.u32 s13, $0x2  }
0x7: {  	_ =	strace $0x8000004D;
	s9 =	sadd.s32 s10, s9;
	s20 =	sadd.s32 s31, s2  }
0x8: {  	s0 =	ssub.s32 s0, s12;
	s10 =	sadd.s32 s6, s29;
	[dreg:$0x6] =	wrdreg s20  }
0x9: {  	s0 =	smax.u32 s0, $0x1;
	[dreg:$0x5] =	wrdreg s10  }
0xa: {  	s14 =	sadd.s32 $0x2800, s20;
	[dreg:$0x7] =	wrdreg s0  }
0xb: {  	s15 =	sadd.s32 $0x3C00, s20;
	[dreg:$0x9] =	wrdreg s14  }
0xc: {  	s28 =	simm.s32 $0x8;
	s16 =	sadd.s32 $0x5000, s20;
	[dreg:$0xa] =	wrdreg s15  }
0xd: {  	s4 =	sadd.s32 $0x5E00, s1;
	s17 =	sadd.s32 $0x6400, s20;
	[dreg:$0xb] =	wrdreg s16  }
0xe: {  	s5 =	sadd.s32 $0x2D000, s1;
	s18 =	sadd.s32 $0x7800, s20;
	[dreg:$0xc] =	wrdreg s17  }
0xf: {  	s7 =	smul.u32 $0x1F40, s8;
	s19 =	sadd.s32 $0x8C00, s20;
	[dreg:$0xd] =	wrdreg s18  }
0x10: {  	s12 =	sadd.s32 $0x4E7E40, s1;
	s21 =	sadd.s32 $0xA000, s20;
	[dreg:$0xe] =	wrdreg s19  }
0x11: {  	s11 =	sadd.s32 s7, s1;
	s22 =	sadd.s32 $0xB400, s20;
	[dreg:$0xf] =	wrdreg s21  }
0x12: {  	s7 =	smul.u32 $0xFA, s8;
	s23 =	sadd.s32 $0xC800, s20;
	[dreg:$0x10] =	wrdreg s22  }
0x13: {  	s9 =	sshrl.u32 s9, $0x3;
	s24 =	sadd.s32 $0xDC00, s20;
	[dreg:$0x11] =	wrdreg s23  }
0x14: {  	s8 =	smul.u32 $0x2710, s8;
	s26 =	sadd.s32 $0xF000, s20;
	[dreg:$0x12] =	wrdreg s24  }
0x15: {  	s29 =	sadd.s32 $0x10400, s20;
	s31 =	sadd.s32 $0x12C00, s20;
	[dreg:$0x13] =	wrdreg s26  }
0x16: {  	s9 =	sadd.s32 s9, s1;
	s30 =	sadd.s32 $0x4E7E00, s11;
	[dreg:$0x14] =	wrdreg s29  }
0x17: {  	s11 =	sadd.s32 $0x4E7E20, s11;
	[dreg:$0x16] =	wrdreg s31;
	s0 =	simm.s32 $0x200  }
0x18: {  	s10 =	simm.s32 $0x100;
	s15 =	simm.s32 $0x80;
	s16 =	simm.s32 $0x2  }
0x19: {  	s17 =	simm.s32 $0x1600;
	s18 =	simm.s32 $0x180;
	s21 =	simm.s32 $0x3  }
0x1a: {  	s22 =	simm.s32 $0x5;
	s23 =	simm.s32 $0x7;
	s24 =	simm.s32 $0x4  }
0x1b: {  	s26 =	simm.s32 $0x6;
	s14 =	simm.s32 $0x0;
	[dreg:$0x3] =	wrdreg s30  }
0x1c: {  	[dreg:$0x4] =	wrdreg s11;
	s13 =	sadd.s32 $0x50, s8;
	s11 =	sadd.s32 $0x1400, s20  }
0x1d: {  	s25 =	sadd.s32 $0x54200, s9;
	s30 =	sadd.s32 $0x11800, s20;
	[dreg:$0x8] =	wrdreg s11  }
0x1e: {  	v0 =	vimm.f32 $0.0e+00;
	s9 =	simm.s32 $0x9;
	[dreg:$0x15] =	wrdreg s30;
	s11 =	simm.s32 $0x28  }
.LBB2_1:
0x1f: {  	[dreg:$0x17] =	wrdreg s14;
	s1 =	simm.s32 $0x0;
	s14 =	simm.s32 $0x200  }
.LBB2_2:
0x20: {  	p0 =	sne.s32 s14, $0x4E00;
	[tilespmem:s1+$0x270] =	vst v0  }
0x21: {  	[tilespmem:s1+$0x200] =	vst v0  }
0x22: {  	[tilespmem:s1+$0x210] =	vst v0  }
.Ltmp0:
0x23: {  	[tilespmem:s1+$0x220] =	vst v0;
	(pc) =	sbr.rel @p0 .LBB2_2-.Ltmp0, $4  }
0x24: {  	[tilespmem:s1+$0x230] =	vst v0  }
0x25: {  	[tilespmem:s1+$0x240] =	vst v0  }
0x26: {  	[tilespmem:s1+$0x250] =	vst v0  }
0x27: {  	[tilespmem:s1+$0x260] =	vst v0;
	s1 =	sshra.s32 s14, $0x2;
	s14 =	sadd.s32 $0x200, s14  }
0x28: {  	[tilespmem:s1+$0x270] =	vst v0  }
0x29: {  	[tilespmem:s1+$0x200] =	vst v0  }
0x2a: {  	[tilespmem:s1+$0x210] =	vst v0  }
0x2b: {  	[tilespmem:s1+$0x220] =	vst v0  }
0x2c: {  	[tilespmem:s1+$0x230] =	vst v0  }
0x2d: {  	[tilespmem:s1+$0x240] =	vst v0  }
0x2e: {  	[tilespmem:s1+$0x250] =	vst v0  }
0x2f: {  	[tilespmem:s1+$0x260] =	vst v0  }
0x30: {  	[spmem:s20] =	stream.linear.scatter [tilespmem:s0], [sflag:$0x9], $0x1400, $0x38;
	[tilespmem:$0x1BA00] =	vst v63  }
0x31: {  	_ =	swait.ge [sflag:s9], $0x1400  }
0x32: {  	[sflag:s9] =	ssyncset.done $0x0  }
0x33: {  	s19 =	rddreg [dreg:$0x8];
	[sflag:s9] =	ssyncadd.s32 $0xFFFFEC00  }
0x34: {  	[spmem:s19] =	stream.linear.scatter [tilespmem:s0], [sflag:$0x9], $0x1400, $0x38;
	[tilespmem:$0x1BA00] =	vst v63  }
0x35: {  	_ =	swait.ge [sflag:s9], $0x1400  }
0x36: {  	[sflag:s9] =	ssyncset.done $0x0  }
0x37: {  	s20 =	rddreg [dreg:$0x9];
	[sflag:s9] =	ssyncadd.s32 $0xFFFFEC00  }
0x38: {  	[spmem:s20] =	stream.linear.scatter [tilespmem:s0], [sflag:$0x9], $0x1400, $0x38;
	[tilespmem:$0x1BA00] =	vst v63  }
0x39: {  	_ =	swait.ge [sflag:s9], $0x1400  }
0x3a: {  	[sflag:s9] =	ssyncset.done $0x0  }
0x3b: {  	s29 =	rddreg [dreg:$0xa];
	[sflag:s9] =	ssyncadd.s32 $0xFFFFEC00  }
0x3c: {  	[spmem:s29] =	stream.linear.scatter [tilespmem:s0], [sflag:$0x9], $0x1400, $0x38;
	[tilespmem:$0x1BA00] =	vst v63  }
0x3d: {  	_ =	swait.ge [sflag:s9], $0x1400  }
0x3e: {  	[sflag:s9] =	ssyncset.done $0x0  }
0x3f: {  	s31 =	rddreg [dreg:$0xb];
	[sflag:s9] =	ssyncadd.s32 $0xFFFFEC00  }
0x40: {  	[spmem:s31] =	stream.linear.scatter [tilespmem:s0], [sflag:$0x9], $0x1400, $0x38;
	[tilespmem:$0x1BA00] =	vst v63  }
0x41: {  	_ =	swait.ge [sflag:s9], $0x1400  }
0x42: {  	[sflag:s9] =	ssyncset.done $0x0  }
0x43: {  	s14 =	rddreg [dreg:$0xc];
	[sflag:s9] =	ssyncadd.s32 $0xFFFFEC00  }
0x44: {  	[spmem:s14] =	stream.linear.scatter [tilespmem:s0], [sflag:$0x9], $0x1400, $0x38;
	[tilespmem:$0x1BA00] =	vst v63  }
0x45: {  	_ =	swait.ge [sflag:s9], $0x1400  }
0x46: {  	[sflag:s9] =	ssyncset.done $0x0  }
0x47: {  	s19 =	rddreg [dreg:$0xd];
	[sflag:s9] =	ssyncadd.s32 $0xFFFFEC00  }
0x48: {  	[spmem:s19] =	stream.linear.scatter [tilespmem:s0], [sflag:$0x9], $0x1400, $0x38;
	[tilespmem:$0x1BA00] =	vst v63  }
0x49: {  	_ =	swait.ge [sflag:s9], $0x1400  }
0x4a: {  	[sflag:s9] =	ssyncset.done $0x0  }
0x4b: {  	s20 =	rddreg [dreg:$0xe];
	[sflag:s9] =	ssyncadd.s32 $0xFFFFEC00  }
0x4c: {  	[spmem:s20] =	stream.linear.scatter [tilespmem:s0], [sflag:$0x9], $0x1400, $0x38;
	[tilespmem:$0x1BA00] =	vst v63  }
0x4d: {  	_ =	swait.ge [sflag:s9], $0x1400  }
0x4e: {  	[sflag:s9] =	ssyncset.done $0x0  }
0x4f: {  	s29 =	rddreg [dreg:$0xf];
	[sflag:s9] =	ssyncadd.s32 $0xFFFFEC00  }
0x50: {  	[spmem:s29] =	stream.linear.scatter [tilespmem:s0], [sflag:$0x9], $0x1400, $0x38;
	[tilespmem:$0x1BA00] =	vst v63  }
0x51: {  	_ =	swait.ge [sflag:s9], $0x1400  }
0x52: {  	[sflag:s9] =	ssyncset.done $0x0  }
0x53: {  	s31 =	rddreg [dreg:$0x10];
	[sflag:s9] =	ssyncadd.s32 $0xFFFFEC00  }
0x54: {  	[spmem:s31] =	stream.linear.scatter [tilespmem:s0], [sflag:$0x9], $0x1400, $0x38;
	[tilespmem:$0x1BA00] =	vst v63  }
0x55: {  	_ =	swait.ge [sflag:s9], $0x1400  }
0x56: {  	[sflag:s9] =	ssyncset.done $0x0  }
0x57: {  	s14 =	rddreg [dreg:$0x11];
	[sflag:s9] =	ssyncadd.s32 $0xFFFFEC00  }
0x58: {  	[spmem:s14] =	stream.linear.scatter [tilespmem:s0], [sflag:$0x9], $0x1400, $0x38;
	[tilespmem:$0x1BA00] =	vst v63  }
0x59: {  	_ =	swait.ge [sflag:s9], $0x1400  }
0x5a: {  	[sflag:s9] =	ssyncset.done $0x0  }
0x5b: {  	s19 =	rddreg [dreg:$0x12];
	[sflag:s9] =	ssyncadd.s32 $0xFFFFEC00  }
0x5c: {  	[spmem:s19] =	stream.linear.scatter [tilespmem:s0], [sflag:$0x9], $0x1400, $0x38;
	[tilespmem:$0x1BA00] =	vst v63  }
0x5d: {  	_ =	swait.ge [sflag:s9], $0x1400  }
0x5e: {  	[sflag:s9] =	ssyncset.done $0x0  }
0x5f: {  	s20 =	rddreg [dreg:$0x13];
	[sflag:s9] =	ssyncadd.s32 $0xFFFFEC00  }
0x60: {  	[spmem:s20] =	stream.linear.scatter [tilespmem:s0], [sflag:$0x9], $0x1400, $0x38;
	[tilespmem:$0x1BA00] =	vst v63  }
0x61: {  	_ =	swait.ge [sflag:s9], $0x1400  }
0x62: {  	[sflag:s9] =	ssyncset.done $0x0  }
0x63: {  	s29 =	rddreg [dreg:$0x14];
	[sflag:s9] =	ssyncadd.s32 $0xFFFFEC00  }
0x64: {  	[spmem:s29] =	stream.linear.scatter [tilespmem:s0], [sflag:$0x9], $0x1400, $0x38;
	[tilespmem:$0x1BA00] =	vst v63  }
0x65: {  	_ =	swait.ge [sflag:s9], $0x1400  }
0x66: {  	[sflag:s9] =	ssyncset.done $0x0  }
0x67: {  	s31 =	rddreg [dreg:$0x15];
	[sflag:s9] =	ssyncadd.s32 $0xFFFFEC00  }
0x68: {  	[spmem:s31] =	stream.linear.scatter [tilespmem:s0], [sflag:$0x9], $0x1400, $0x38;
	[tilespmem:$0x1BA00] =	vst v63  }
0x69: {  	_ =	swait.ge [sflag:s9], $0x1400  }
0x6a: {  	[sflag:s9] =	ssyncset.done $0x0  }
0x6b: {  	s14 =	rddreg [dreg:$0x16];
	[sflag:s9] =	ssyncadd.s32 $0xFFFFEC00  }
0x6c: {  	[spmem:s14] =	stream.linear.scatter [tilespmem:s0], [sflag:$0x9], $0x1400, $0x38;
	[tilespmem:$0x1BA00] =	vst v63  }
0x6d: {  	_ =	swait.ge [sflag:s9], $0x1400  }
0x6e: {  	[sflag:s9] =	ssyncset.done $0x0  }
0x6f: {  	[sflag:s9] =	ssyncadd.s32 $0xFFFFEC00  }
0x70: {  	[bflag:$0x0] =	sbarrier.arrive $0xFFFF  }
0x71: {  	s30 =	simm.s32 $0x0;
	s19 =	rddreg [dreg:$0x3]  }
0x72: {  	[tilespmem:s30], [sflag:$0x9] =	stream.linear.gather [hbm4b:s19+s30], $0x100, $0x38;
	[tilespmem:$0x1BA00] =	vst v63  }
0x73: {  	_ =	swait.ge [sflag:s9], $0x100  }
0x74: {  	[sflag:s9] =	ssyncset.done $0x0  }
0x75: {  	s20 =	rddreg [dreg:$0x4];
	[sflag:s9] =	ssyncadd.s32 $0xFFFFFF00  }
0x76: {  	[tilespmem:s10], [sflag:$0x2] =	stream.linear.gather [hbm4b:s20+s30], $0x100, $0x38;
	[tilespmem:$0x1BA00] =	vst v63  }
0x77: {  	_ = 	snop  }
0x78: {  	[tilespmem:s0], [sflag:$0x3] =	stream.indirect.gather [hbm4b:s4+s11], $0x80, s30, s11, $0xb8;
	[tilespmem:$0x1BA00] =	vst v63  }
0x79: {  	s29 =	simm.s32 $0x2A00  }
0x7a: {  	[tilespmem:s29], [sflag:$0x5] =	stream.indirect.gather [hbm4b:s5+s11], $0x80, s15, s11, $0xb8;
	[tilespmem:$0x1BA00] =	vst v63  }
0x7b: {  	s14 =	simm.s32 $0x5200;
	s31 =	rddreg [dreg:$0x5]  }
0x7c: {  	[tilespmem:s14], [sflag:$0x7] =	stream.linear.gather [hbm4b:s31+s30], $0x1400, $0x38;
	[tilespmem:$0x1BA00] =	vst v63  }
.LBB2_4:
0x7d: {  	_ =	swait.ge [sflag:s16], $0x100  }
0x7e: {  	s31 =	sshllo.u32 s30, $0x1;
	[sflag:s16] =	ssyncset.done $0x0  }
0x7f: {  	s1 =	smul.u32 $0x28, s31;
	[sflag:s16] =	ssyncadd.s32 $0xFFFFFF00  }
0x80: {  	[tilespmem:s17], [sflag:$0x4] =	stream.indirect.gather [hbm4b:s4+s11], $0x80, s10, s11, $0xb8;
	[tilespmem:$0x1BA00] =	vst v63  }
0x81: {  	s1 =	sadd.s32 s8, s1  }
0x82: {  	s14 =	simm.s32 $0x3E00;
	s1 =	sshll.u32 s1, $0x4  }
0x83: {  	[tilespmem:s14], [sflag:$0x6] =	stream.indirect.gather [hbm4b:s5+s11], $0x80, s18, s11, $0xb8;
	[tilespmem:$0x1BA00] =	vst v63  }
0x84: {  	s20 =	simm.s32 $0x6600;
	s1 =	sadd.s32 s6, s1  }
0x85: {  	[tilespmem:s20], [sflag:$0x8] =	stream.linear.gather [hbm4b:s1+s3], $0x1400, $0x38;
	[tilespmem:$0x1BA00] =	vst v63  }
0x86: {  	_ =	swait.ge [sflag:s21], $0x1400  }
0x87: {  	[sflag:s21] =	ssyncset.done $0x0  }
0x88: {  	[sflag:s21] =	ssyncadd.s32 $0xFFFFEC00  }
0x89: {  	_ =	swait.ge [sflag:s22], $0x1400  }
0x8a: {  	[sflag:s22] =	ssyncset.done $0x0  }
0x8b: {  	[sflag:s22] =	ssyncadd.s32 $0xFFFFEC00  }
0x8c: {  	_ =	swait.ge [sflag:s23], $0x1400  }
0x8d: {  	[sflag:s23] =	ssyncset.done $0x0  }
0x8e: {  	s1 =	simm.s32 $0xF0;
	[sflag:s23] =	ssyncadd.s32 $0xFFFFEC00  }
0x8f: {  	v13 =	vld [tilespmem:s1+$0x5110]  }
0x90: {  	v14 =	vld [tilespmem:s1+$0x5120]  }
0x91: {  	v15 =	vld [tilespmem:s1+$0x5130]  }
0x92: {  	v16 =	vld [tilespmem:s1+$0x5140]  }
0x93: {  	v17 =	vld [tilespmem:s1+$0x5150]  }
0x94: {  	v18 =	vld [tilespmem:s1+$0x5160]  }
0x95: {  	v19 =	vld [tilespmem:s1+$0x5170]  }
0x96: {  	v21 =	vld [tilespmem:s1+$0x5180]  }
0x97: {  	v6 =	vld [tilespmem:s1+$0x5190]  }
0x98: {  	v5 =	vld [tilespmem:s1+$0x51A0]  }
0x99: {  	v4 =	vld [tilespmem:s1+$0x51B0]  }
0x9a: {  	v3 =	vld [tilespmem:s1+$0x51C0]  }
0x9b: {  	v2 =	vld [tilespmem:s1+$0x51D0]  }
0x9c: {  	v1 =	vld [tilespmem:s1+$0x51E0]  }
0x9d: {  	v20 =	vld [tilespmem:s1+$0x2910]  }
0x9e: {  	v22 =	vld [tilespmem:s1+$0x2920]  }
0x9f: {  	v23 =	vld [tilespmem:s1+$0x2930]  }
0xa0: {  	v24 =	vld [tilespmem:s1+$0x2940]  }
0xa1: {  	v25 =	vld [tilespmem:s1+$0x2950]  }
0xa2: {  	v26 =	vld [tilespmem:s1+$0x2960]  }
0xa3: {  	v27 =	vld [tilespmem:s1+$0x2970]  }
0xa4: {  	v28 =	vld [tilespmem:s1+$0x2980]  }
0xa5: {  	v29 =	vld [tilespmem:s1+$0x2990]  }
0xa6: {  	v30 =	vld [tilespmem:s1+$0x29A0]  }
0xa7: {  	v12 =	vld [tilespmem:s1+$0x29B0]  }
0xa8: {  	v11 =	vld [tilespmem:s1+$0x29C0]  }
0xa9: {  	v10 =	vld [tilespmem:s1+$0x29D0]  }
0xaa: {  	v9 =	vld [tilespmem:s1+$0x29E0]  }
0xab: {  	v8 =	vld [tilespmem:s1+$0x29F0]  }
0xac: {  	v7 =	vld [tilespmem:s1+$0x2A00]  }
0xad: {  	v31 =	vld [tilespmem:s1+$0x110]  }
0xae: {  	v32 =	vld [tilespmem:s1+$0x120]  }
0xaf: {  	v33 =	vld [tilespmem:s1+$0x130]  }
0xb0: {  	v34 =	vld [tilespmem:s1+$0x140]  }
0xb1: {  	v35 =	vld [tilespmem:s1+$0x150]  }
0xb2: {  	v60 =	vld [tilespmem:s1+$0x160];
	v20 =	vadd.f32 v20, v31  }
0xb3: {  	v36 =	vld [tilespmem:s1+$0x170];
	v22 =	vadd.f32 v22, v32  }
0xb4: {  	v23 =	vadd.f32 v23, v33;
	v13 =	vadd.f32 v13, v20;
	v20 =	vld [tilespmem:s1+$0x180]  }
0xb5: {  	v61 =	vld [tilespmem:s1+$0x190];
	v14 =	vadd.f32 v14, v22;
	v22 =	vadd.f32 v24, v34  }
0xb6: {  	v62 =	vld [tilespmem:s1+$0x1A0];
	v15 =	vadd.f32 v15, v23;
	v23 =	vadd.f32 v25, v35;
	v13 =	vmax.f32 v13, $0.0e+00  }
0xb7: {  	v14 =	vmax.f32 v14, $0.0e+00;
	v16 =	vadd.f32 v16, v22;
	v22 =	vadd.f32 v26, v60;
	[tilespmem:s1+$0x110] =	vst v13;
	v13 =	vld [tilespmem:s1+$0x1B0]  }
0xb8: {  	v15 =	vmax.f32 v15, $0.0e+00;
	v17 =	vadd.f32 v17, v23;
	v23 =	vadd.f32 v27, v36;
	[tilespmem:s1+$0x120] =	vst v14;
	v14 =	vld [tilespmem:s1+$0x1C0]  }
0xb9: {  	[tilespmem:s1+$0x130] =	vst v15;
	v15 =	vld [tilespmem:s1+$0x1D0];
	v16 =	vmax.f32 v16, $0.0e+00;
	v22 =	vadd.f32 v18, v22;
	v63 =	vadd.f32 v28, v20  }
0xba: {  	v17 =	vmax.f32 v17, $0.0e+00;
	v18 =	vadd.f32 v29, v61;
	[tilespmem:s1+$0x140] =	vst v16;
	v16 =	vld [tilespmem:s1+$0x1E0];
	v20 =	vadd.f32 v19, v23  }
0xbb: {  	s29 =	simm.s32 $0x7C0;
	s14 =	sshll.u32 s30, $0x1;
	[tilespmem:s1+$0x150] =	vst v17;
	v19 =	vadd.f32 v30, v62;
	v17 =	vld [tilespmem:s1+$0x1F0];
	v22 =	vmax.f32 v22, $0.0e+00;
	v21 =	vadd.f32 v21, v63  }
.LBB2_5:
0xbc: {  	p0 =	sne.s32 s29, $0x4FC0;
	[tilespmem:s1+$0x160] =	vst v22;
	v20 =	vmax.f32 v20, $0.0e+00;
	v6 =	vadd.f32 v6, v18;
	v12 =	vadd.f32 v12, v13;
	v13 =	vld [tilespmem:s1+$0x200]  }
0xbd: {  	[tilespmem:s1+$0x170] =	vst v20;
	v18 =	vmax.f32 v21, $0.0e+00;
	v5 =	vadd.f32 v5, v19;
	v11 =	vadd.f32 v11, v14;
	v14 =	vld [tilespmem:s1+$0x51F0]  }
0xbe: {  	s19 =	sshra.s32 s29, $0x2;
	[tilespmem:s1+$0x180] =	vst v18;
	v6 =	vmax.f32 v6, $0.0e+00;
	v4 =	vadd.f32 v4, v12;
	v10 =	vadd.f32 v10, v15;
	v12 =	vld [tilespmem:s1+$0x5200]  }
0xbf: {  	v15 =	vld [tilespmem:s19+$0x5110];
	[tilespmem:s1+$0x190] =	vst v6;
	v5 =	vmax.f32 v5, $0.0e+00;
	v3 =	vadd.f32 v3, v11;
	v6 =	vadd.f32 v9, v16  }
0xc0: {  	v16 =	vld [tilespmem:s19+$0x5120];
	[tilespmem:s1+$0x1A0] =	vst v5;
	v4 =	vmax.f32 v4, $0.0e+00;
	v2 =	vadd.f32 v2, v10;
	v5 =	vadd.f32 v8, v17  }
0xc1: {  	v17 =	vld [tilespmem:s19+$0x5130];
	[tilespmem:s1+$0x1B0] =	vst v4;
	v3 =	vmax.f32 v3, $0.0e+00;
	v1 =	vadd.f32 v1, v6;
	v4 =	vadd.f32 v7, v13  }
0xc2: {  	v13 =	vld [tilespmem:s19+$0x5140];
	[tilespmem:s1+$0x1C0] =	vst v3;
	v2 =	vmax.f32 v2, $0.0e+00;
	v3 =	vadd.f32 v14, v5  }
0xc3: {  	v14 =	vld [tilespmem:s19+$0x5150];
	[tilespmem:s1+$0x1D0] =	vst v2;
	v1 =	vmax.f32 v1, $0.0e+00;
	v2 =	vadd.f32 v12, v4  }
0xc4: {  	v18 =	vld [tilespmem:s19+$0x5160];
	[tilespmem:s1+$0x1E0] =	vst v1;
	v1 =	vmax.f32 v3, $0.0e+00  }
0xc5: {  	v19 =	vld [tilespmem:s19+$0x5170];
	[tilespmem:s1+$0x1F0] =	vst v1;
	v1 =	vmax.f32 v2, $0.0e+00  }
0xc6: {  	v21 =	vld [tilespmem:s19+$0x5180];
	[tilespmem:s1+$0x200] =	vst v1;
	s1 =	smov.u32 s19  }
0xc7: {  	v6 =	vld [tilespmem:s1+$0x5190]  }
0xc8: {  	v5 =	vld [tilespmem:s1+$0x51A0]  }
0xc9: {  	v4 =	vld [tilespmem:s1+$0x51B0]  }
0xca: {  	v3 =	vld [tilespmem:s1+$0x51C0]  }
0xcb: {  	v2 =	vld [tilespmem:s1+$0x51D0]  }
0xcc: {  	v1 =	vld [tilespmem:s1+$0x51E0]  }
0xcd: {  	v20 =	vld [tilespmem:s1+$0x2910]  }
0xce: {  	v22 =	vld [tilespmem:s1+$0x2920]  }
0xcf: {  	v23 =	vld [tilespmem:s1+$0x2930]  }
0xd0: {  	v24 =	vld [tilespmem:s1+$0x2940]  }
0xd1: {  	v25 =	vld [tilespmem:s1+$0x2950]  }
0xd2: {  	v26 =	vld [tilespmem:s1+$0x2960]  }
0xd3: {  	v27 =	vld [tilespmem:s1+$0x2970]  }
0xd4: {  	v28 =	vld [tilespmem:s1+$0x2980]  }
0xd5: {  	v29 =	vld [tilespmem:s1+$0x2990]  }
0xd6: {  	v30 =	vld [tilespmem:s1+$0x29A0]  }
0xd7: {  	v12 =	vld [tilespmem:s1+$0x29B0]  }
0xd8: {  	v11 =	vld [tilespmem:s1+$0x29C0]  }
0xd9: {  	v10 =	vld [tilespmem:s1+$0x29D0]  }
0xda: {  	v9 =	vld [tilespmem:s1+$0x29E0]  }
0xdb: {  	v8 =	vld [tilespmem:s1+$0x29F0]  }
0xdc: {  	v7 =	vld [tilespmem:s1+$0x2A00]  }
0xdd: {  	v31 =	vld [tilespmem:s1+$0x110]  }
0xde: {  	v32 =	vld [tilespmem:s1+$0x120]  }
0xdf: {  	v33 =	vld [tilespmem:s1+$0x130]  }
0xe0: {  	v34 =	vld [tilespmem:s1+$0x140]  }
0xe1: {  	v35 =	vld [tilespmem:s1+$0x150]  }
0xe2: {  	v20 =	vadd.f32 v20, v31;
	v31 =	vld [tilespmem:s1+$0x160]  }
0xe3: {  	v22 =	vadd.f32 v22, v32;
	v32 =	vld [tilespmem:s1+$0x170]  }
0xe4: {  	v15 =	vadd.f32 v15, v20;
	v20 =	vadd.f32 v23, v33;
	v23 =	vld [tilespmem:s1+$0x180]  }
0xe5: {  	v16 =	vadd.f32 v16, v22;
	v22 =	vadd.f32 v24, v34;
	v24 =	vld [tilespmem:s1+$0x190]  }
0xe6: {  	v15 =	vmax.f32 v15, $0.0e+00;
	v17 =	vadd.f32 v17, v20;
	v20 =	vadd.f32 v25, v35;
	v25 =	vld [tilespmem:s1+$0x1A0]  }
.Ltmp1:
0xe7: {  	[tilespmem:s1+$0x110] =	vst v15;
	v15 =	vmax.f32 v16, $0.0e+00;
	v16 =	vadd.f32 v13, v22;
	v22 =	vadd.f32 v26, v31;
	v13 =	vld [tilespmem:s1+$0x1B0];
	(pc) =	sbr.rel @p0 .LBB2_5-.Ltmp1, $4  }
0xe8: {  	[tilespmem:s1+$0x120] =	vst v15;
	v15 =	vmax.f32 v17, $0.0e+00;
	v17 =	vadd.f32 v14, v20;
	v20 =	vadd.f32 v27, v32;
	v14 =	vld [tilespmem:s1+$0x1C0]  }
0xe9: {  	[tilespmem:s1+$0x130] =	vst v15;
	v16 =	vmax.f32 v16, $0.0e+00;
	v22 =	vadd.f32 v18, v22;
	v23 =	vadd.f32 v28, v23;
	v15 =	vld [tilespmem:s1+$0x1D0]  }
0xea: {  	[tilespmem:s1+$0x140] =	vst v16;
	v17 =	vmax.f32 v17, $0.0e+00;
	v20 =	vadd.f32 v19, v20;
	v18 =	vadd.f32 v29, v24;
	v16 =	vld [tilespmem:s1+$0x1E0]  }
0xeb: {  	s29 =	sadd.s32 $0x400, s29;
	[tilespmem:s1+$0x150] =	vst v17;
	v22 =	vmax.f32 v22, $0.0e+00;
	v21 =	vadd.f32 v21, v23;
	v19 =	vadd.f32 v30, v25;
	v17 =	vld [tilespmem:s1+$0x1F0]  }
0xec: {  	[tilespmem:s1+$0x160] =	vst v22;
	v20 =	vmax.f32 v20, $0.0e+00;
	v22 =	vld [tilespmem:s1+$0x200];
	v6 =	vadd.f32 v6, v18;
	v12 =	vadd.f32 v12, v13  }
0xed: {  	v18 =	vld [tilespmem:s1+$0x51F0];
	[tilespmem:s1+$0x170] =	vst v20;
	v13 =	vmax.f32 v21, $0.0e+00;
	v5 =	vadd.f32 v5, v19;
	v11 =	vadd.f32 v11, v14  }
0xee: {  	[tilespmem:s1+$0x180] =	vst v13;
	v6 =	vmax.f32 v6, $0.0e+00;
	v4 =	vadd.f32 v4, v12;
	v10 =	vadd.f32 v10, v15;
	v12 =	vld [tilespmem:s1+$0x5200]  }
0xef: {  	[tilespmem:s1+$0x190] =	vst v6;
	v5 =	vmax.f32 v5, $0.0e+00;
	v3 =	vadd.f32 v3, v11;
	v6 =	vadd.f32 v9, v16  }
0xf0: {  	[tilespmem:s1+$0x1A0] =	vst v5;
	v4 =	vmax.f32 v4, $0.0e+00;
	v2 =	vadd.f32 v2, v10;
	v5 =	vadd.f32 v8, v17  }
0xf1: {  	[tilespmem:s1+$0x1B0] =	vst v4;
	v3 =	vmax.f32 v3, $0.0e+00;
	v1 =	vadd.f32 v1, v6;
	v4 =	vadd.f32 v7, v22  }
0xf2: {  	[tilespmem:s1+$0x1C0] =	vst v3;
	v2 =	vmax.f32 v2, $0.0e+00;
	v3 =	vadd.f32 v18, v5  }
0xf3: {  	[tilespmem:s1+$0x1D0] =	vst v2;
	v1 =	vmax.f32 v1, $0.0e+00;
	v2 =	vadd.f32 v12, v4  }
0xf4: {  	[tilespmem:s1+$0x1E0] =	vst v1;
	v1 =	vmax.f32 v3, $0.0e+00  }
0xf5: {  	[tilespmem:s1+$0x1F0] =	vst v1;
	v1 =	vmax.f32 v2, $0.0e+00  }
0xf6: {  	p0 =	seq.s32 s30, $0x7C;
	[tilespmem:s1+$0x200] =	vst v1  }
0xf7: {  	[spmem:s2] =	stream.indirect.scatter.add.f32 [tilespmem:s0], [sflag:$0x9], $0x80, s15, s11, $0xb8;
	[tilespmem:$0x1BA00] =	vst v63  }
0xf8: {  	s1 =	sadd.s32 @!p0 s7, s14;
	_ =	swait.ge [sflag:s9], $0x1400  }
0xf9: {  	s1 =	sshll.u32 @!p0 s1, $0x5;
	[sflag:s9] =	ssyncset.done $0x0  }
0xfa: {  	s14 =	simm.s32 @!p0 $0x0;
	s1 =	sadd.s32 @!p0 s1, s12;
	[sflag:s9] =	ssyncadd.s32 $0xFFFFEC00  }
0xfb: {  	[tilespmem:s14], [sflag:$0x1] =	stream.linear.gather @!p0 [hbm4b:s1+s14], $0x100, $0x38;
	[tilespmem:$0x1BA00] =	vst v63  }
0xfc: {  	s1 =	simm.s32 @!p0 $0x1  }
0xfd: {  	_ =	swait.ge @!p0 [sflag:s1], $0x100  }
0xfe: {  	[sflag:s1] =	ssyncset.done @!p0 $0x0  }
0xff: {  	s19 =	simm.s32 @!p0 $0x200;
	[sflag:s1] =	ssyncadd.s32 @!p0 $0xFFFFFF00;
	s1 =	simm.s32 @!p0 $0x28  }
0x100: {  	[tilespmem:s19], [sflag:$0x3] =	stream.indirect.gather @!p0 [hbm4b:s4+s1], $0x80, s14, s1, $0xb8;
	[tilespmem:$0x1BA00] =	vst v63  }
0x101: {  	s29 =	simm.s32 @!p0 $0x2A00;
	s20 =	smul.u32 @!p0 $0x50, s30;
	s19 =	simm.s32 @!p0 $0x80  }
0x102: {  	[tilespmem:s29], [sflag:$0x5] =	stream.indirect.gather @!p0 [hbm4b:s5+s1], $0x80, s19, s1, $0xb8;
	[tilespmem:$0x1BA00] =	vst v63  }
0x103: {  	s1 =	sadd.s32 @!p0 s20, s13  }
0x104: {  	s1 =	sshll.u32 @!p0 s1, $0x4  }
0x105: {  	s19 =	simm.s32 @!p0 $0x5200;
	s1 =	sadd.s32 @!p0 s6, s1  }
0x106: {  	[tilespmem:s19], [sflag:$0x7] =	stream.linear.gather @!p0 [hbm4b:s1+s14], $0x1400, $0x38;
	[tilespmem:$0x1BA00] =	vst v63  }
0x107: {  	_ =	swait.ge [sflag:s24], $0x1400  }
0x108: {  	[sflag:s24] =	ssyncset.done $0x0  }
0x109: {  	[sflag:s24] =	ssyncadd.s32 $0xFFFFEC00  }
0x10a: {  	_ =	swait.ge [sflag:s26], $0x1400  }
0x10b: {  	[sflag:s26] =	ssyncset.done $0x0  }
0x10c: {  	[sflag:s26] =	ssyncadd.s32 $0xFFFFEC00  }
0x10d: {  	_ =	swait.ge [sflag:s28], $0x1400  }
0x10e: {  	[sflag:s28] =	ssyncset.done $0x0  }
0x10f: {  	s1 =	simm.s32 $0xF0;
	[sflag:s28] =	ssyncadd.s32 $0xFFFFEC00  }
0x110: {  	v13 =	vld [tilespmem:s1+$0x6510]  }
0x111: {  	v14 =	vld [tilespmem:s1+$0x6520]  }
0x112: {  	v15 =	vld [tilespmem:s1+$0x6530]  }
0x113: {  	v16 =	vld [tilespmem:s1+$0x6540]  }
0x114: {  	v17 =	vld [tilespmem:s1+$0x6550]  }
0x115: {  	v18 =	vld [tilespmem:s1+$0x6560]  }
0x116: {  	v19 =	vld [tilespmem:s1+$0x6570]  }
0x117: {  	v20 =	vld [tilespmem:s1+$0x6580]  }
0x118: {  	v6 =	vld [tilespmem:s1+$0x6590]  }
0x119: {  	v5 =	vld [tilespmem:s1+$0x65A0]  }
0x11a: {  	v4 =	vld [tilespmem:s1+$0x65B0]  }
0x11b: {  	v3 =	vld [tilespmem:s1+$0x65C0]  }
0x11c: {  	v2 =	vld [tilespmem:s1+$0x65D0]  }
0x11d: {  	v1 =	vld [tilespmem:s1+$0x65E0]  }
0x11e: {  	v21 =	vld [tilespmem:s1+$0x3D10]  }
0x11f: {  	v22 =	vld [tilespmem:s1+$0x3D20]  }
0x120: {  	v23 =	vld [tilespmem:s1+$0x3D30]  }
0x121: {  	v24 =	vld [tilespmem:s1+$0x3D40]  }
0x122: {  	v25 =	vld [tilespmem:s1+$0x3D50]  }
0x123: {  	v26 =	vld [tilespmem:s1+$0x3D60]  }
0x124: {  	v27 =	vld [tilespmem:s1+$0x3D70]  }
0x125: {  	v28 =	vld [tilespmem:s1+$0x3D80]  }
0x126: {  	v29 =	vld [tilespmem:s1+$0x3D90]  }
0x127: {  	v30 =	vld [tilespmem:s1+$0x3DA0]  }
0x128: {  	v12 =	vld [tilespmem:s1+$0x3DB0]  }
0x129: {  	v11 =	vld [tilespmem:s1+$0x3DC0]  }
0x12a: {  	v10 =	vld [tilespmem:s1+$0x3DD0]  }
0x12b: {  	v9 =	vld [tilespmem:s1+$0x3DE0]  }
0x12c: {  	v8 =	vld [tilespmem:s1+$0x3DF0]  }
0x12d: {  	v7 =	vld [tilespmem:s1+$0x3E00]  }
0x12e: {  	v31 =	vld [tilespmem:s1+$0x1510]  }
0x12f: {  	v32 =	vld [tilespmem:s1+$0x1520]  }
0x130: {  	v33 =	vld [tilespmem:s1+$0x1530]  }
0x131: {  	v34 =	vld [tilespmem:s1+$0x1540]  }
0x132: {  	v35 =	vld [tilespmem:s1+$0x1550]  }
0x133: {  	v60 =	vld [tilespmem:s1+$0x1560];
	v21 =	vadd.f32 v21, v31  }
0x134: {  	v36 =	vld [tilespmem:s1+$0x1570];
	v22 =	vadd.f32 v22, v32  }
0x135: {  	v23 =	vadd.f32 v23, v33;
	v13 =	vadd.f32 v13, v21;
	v21 =	vld [tilespmem:s1+$0x1580]  }
0x136: {  	v61 =	vld [tilespmem:s1+$0x1590];
	v14 =	vadd.f32 v14, v22;
	v22 =	vadd.f32 v24, v34  }
0x137: {  	v62 =	vld [tilespmem:s1+$0x15A0];
	v15 =	vadd.f32 v15, v23;
	v23 =	vadd.f32 v25, v35;
	v13 =	vmax.f32 v13, $0.0e+00  }
0x138: {  	v14 =	vmax.f32 v14, $0.0e+00;
	v16 =	vadd.f32 v16, v22;
	v22 =	vadd.f32 v26, v60;
	[tilespmem:s1+$0x1510] =	vst v13;
	v13 =	vld [tilespmem:s1+$0x15B0]  }
0x139: {  	v15 =	vmax.f32 v15, $0.0e+00;
	v17 =	vadd.f32 v17, v23;
	v23 =	vadd.f32 v27, v36;
	[tilespmem:s1+$0x1520] =	vst v14;
	v14 =	vld [tilespmem:s1+$0x15C0]  }
0x13a: {  	[tilespmem:s1+$0x1530] =	vst v15;
	v15 =	vld [tilespmem:s1+$0x15D0];
	v16 =	vmax.f32 v16, $0.0e+00;
	v22 =	vadd.f32 v18, v22;
	v63 =	vadd.f32 v28, v21  }
0x13b: {  	v17 =	vmax.f32 v17, $0.0e+00;
	v18 =	vadd.f32 v29, v61;
	[tilespmem:s1+$0x1540] =	vst v16;
	v16 =	vld [tilespmem:s1+$0x15E0];
	v21 =	vadd.f32 v19, v23  }
0x13c: {  	s14 =	simm.s32 $0x7C0;
	[tilespmem:s1+$0x1550] =	vst v17;
	v19 =	vadd.f32 v30, v62;
	v17 =	vld [tilespmem:s1+$0x15F0];
	v22 =	vmax.f32 v22, $0.0e+00;
	v20 =	vadd.f32 v20, v63  }
.LBB2_7:
0x13d: {  	p1 =	sne.s32 s14, $0x4FC0;
	[tilespmem:s1+$0x1560] =	vst v22;
	v21 =	vmax.f32 v21, $0.0e+00;
	v6 =	vadd.f32 v6, v18;
	v12 =	vadd.f32 v12, v13;
	v13 =	vld [tilespmem:s1+$0x1600]  }
0x13e: {  	[tilespmem:s1+$0x1570] =	vst v21;
	v18 =	vmax.f32 v20, $0.0e+00;
	v5 =	vadd.f32 v5, v19;
	v11 =	vadd.f32 v11, v14;
	v14 =	vld [tilespmem:s1+$0x65F0]  }
0x13f: {  	s19 =	sshra.s32 s14, $0x2;
	[tilespmem:s1+$0x1580] =	vst v18;
	v6 =	vmax.f32 v6, $0.0e+00;
	v4 =	vadd.f32 v4, v12;
	v10 =	vadd.f32 v10, v15;
	v12 =	vld [tilespmem:s1+$0x6600]  }
0x140: {  	v15 =	vld [tilespmem:s19+$0x6510];
	[tilespmem:s1+$0x1590] =	vst v6;
	v5 =	vmax.f32 v5, $0.0e+00;
	v3 =	vadd.f32 v3, v11;
	v6 =	vadd.f32 v9, v16  }
0x141: {  	v16 =	vld [tilespmem:s19+$0x6520];
	[tilespmem:s1+$0x15A0] =	vst v5;
	v4 =	vmax.f32 v4, $0.0e+00;
	v2 =	vadd.f32 v2, v10;
	v5 =	vadd.f32 v8, v17  }
0x142: {  	v17 =	vld [tilespmem:s19+$0x6530];
	[tilespmem:s1+$0x15B0] =	vst v4;
	v3 =	vmax.f32 v3, $0.0e+00;
	v1 =	vadd.f32 v1, v6;
	v4 =	vadd.f32 v7, v13  }
0x143: {  	v13 =	vld [tilespmem:s19+$0x6540];
	[tilespmem:s1+$0x15C0] =	vst v3;
	v2 =	vmax.f32 v2, $0.0e+00;
	v3 =	vadd.f32 v14, v5  }
0x144: {  	v14 =	vld [tilespmem:s19+$0x6550];
	[tilespmem:s1+$0x15D0] =	vst v2;
	v1 =	vmax.f32 v1, $0.0e+00;
	v2 =	vadd.f32 v12, v4  }
0x145: {  	v18 =	vld [tilespmem:s19+$0x6560];
	[tilespmem:s1+$0x15E0] =	vst v1;
	v1 =	vmax.f32 v3, $0.0e+00  }
0x146: {  	v19 =	vld [tilespmem:s19+$0x6570];
	[tilespmem:s1+$0x15F0] =	vst v1;
	v1 =	vmax.f32 v2, $0.0e+00  }
0x147: {  	v20 =	vld [tilespmem:s19+$0x6580];
	[tilespmem:s1+$0x1600] =	vst v1;
	s1 =	smov.u32 s19  }
0x148: {  	v6 =	vld [tilespmem:s1+$0x6590]  }
0x149: {  	v5 =	vld [tilespmem:s1+$0x65A0]  }
0x14a: {  	v4 =	vld [tilespmem:s1+$0x65B0]  }
0x14b: {  	v3 =	vld [tilespmem:s1+$0x65C0]  }
0x14c: {  	v2 =	vld [tilespmem:s1+$0x65D0]  }
0x14d: {  	v1 =	vld [tilespmem:s1+$0x65E0]  }
0x14e: {  	v21 =	vld [tilespmem:s1+$0x3D10]  }
0x14f: {  	v22 =	vld [tilespmem:s1+$0x3D20]  }
0x150: {  	v23 =	vld [tilespmem:s1+$0x3D30]  }
0x151: {  	v24 =	vld [tilespmem:s1+$0x3D40]  }
0x152: {  	v25 =	vld [tilespmem:s1+$0x3D50]  }
0x153: {  	v26 =	vld [tilespmem:s1+$0x3D60]  }
0x154: {  	v27 =	vld [tilespmem:s1+$0x3D70]  }
0x155: {  	v28 =	vld [tilespmem:s1+$0x3D80]  }
0x156: {  	v29 =	vld [tilespmem:s1+$0x3D90]  }
0x157: {  	v30 =	vld [tilespmem:s1+$0x3DA0]  }
0x158: {  	v12 =	vld [tilespmem:s1+$0x3DB0]  }
0x159: {  	v11 =	vld [tilespmem:s1+$0x3DC0]  }
0x15a: {  	v10 =	vld [tilespmem:s1+$0x3DD0]  }
0x15b: {  	v9 =	vld [tilespmem:s1+$0x3DE0]  }
0x15c: {  	v8 =	vld [tilespmem:s1+$0x3DF0]  }
0x15d: {  	v7 =	vld [tilespmem:s1+$0x3E00]  }
0x15e: {  	v31 =	vld [tilespmem:s1+$0x1510]  }
0x15f: {  	v32 =	vld [tilespmem:s1+$0x1520]  }
0x160: {  	v33 =	vld [tilespmem:s1+$0x1530]  }
0x161: {  	v34 =	vld [tilespmem:s1+$0x1540]  }
0x162: {  	v35 =	vld [tilespmem:s1+$0x1550]  }
0x163: {  	v21 =	vadd.f32 v21, v31;
	v31 =	vld [tilespmem:s1+$0x1560]  }
0x164: {  	v22 =	vadd.f32 v22, v32;
	v32 =	vld [tilespmem:s1+$0x1570]  }
0x165: {  	v15 =	vadd.f32 v15, v21;
	v21 =	vadd.f32 v23, v33;
	v23 =	vld [tilespmem:s1+$0x1580]  }
0x166: {  	v16 =	vadd.f32 v16, v22;
	v22 =	vadd.f32 v24, v34;
	v24 =	vld [tilespmem:s1+$0x1590]  }
0x167: {  	v15 =	vmax.f32 v15, $0.0e+00;
	v17 =	vadd.f32 v17, v21;
	v21 =	vadd.f32 v25, v35;
	v25 =	vld [tilespmem:s1+$0x15A0]  }
.Ltmp2:
0x168: {  	[tilespmem:s1+$0x1510] =	vst v15;
	v15 =	vmax.f32 v16, $0.0e+00;
	v16 =	vadd.f32 v13, v22;
	v22 =	vadd.f32 v26, v31;
	v13 =	vld [tilespmem:s1+$0x15B0];
	(pc) =	sbr.rel @p1 .LBB2_7-.Ltmp2, $4  }
0x169: {  	[tilespmem:s1+$0x1520] =	vst v15;
	v15 =	vmax.f32 v17, $0.0e+00;
	v17 =	vadd.f32 v14, v21;
	v21 =	vadd.f32 v27, v32;
	v14 =	vld [tilespmem:s1+$0x15C0]  }
0x16a: {  	[tilespmem:s1+$0x1530] =	vst v15;
	v16 =	vmax.f32 v16, $0.0e+00;
	v22 =	vadd.f32 v18, v22;
	v23 =	vadd.f32 v28, v23;
	v15 =	vld [tilespmem:s1+$0x15D0]  }
0x16b: {  	[tilespmem:s1+$0x1540] =	vst v16;
	v17 =	vmax.f32 v17, $0.0e+00;
	v21 =	vadd.f32 v19, v21;
	v18 =	vadd.f32 v29, v24;
	v16 =	vld [tilespmem:s1+$0x15E0]  }
0x16c: {  	s14 =	sadd.s32 $0x400, s14;
	[tilespmem:s1+$0x1550] =	vst v17;
	v22 =	vmax.f32 v22, $0.0e+00;
	v20 =	vadd.f32 v20, v23;
	v19 =	vadd.f32 v30, v25;
	v17 =	vld [tilespmem:s1+$0x15F0]  }
0x16d: {  	[tilespmem:s1+$0x1560] =	vst v22;
	v21 =	vmax.f32 v21, $0.0e+00;
	v57 =	vld [tilespmem:s1+$0x1600];
	v6 =	vadd.f32 v6, v18;
	v12 =	vadd.f32 v12, v13  }
0x16e: {  	v59 =	vld [tilespmem:s1+$0x65F0];
	[tilespmem:s1+$0x1570] =	vst v21;
	v58 =	vmax.f32 v20, $0.0e+00;
	v5 =	vadd.f32 v5, v19;
	v11 =	vadd.f32 v11, v14  }
0x16f: {  	v60 =	vld [tilespmem:s1+$0x6600];
	[tilespmem:s1+$0x1580] =	vst v58;
	v6 =	vmax.f32 v6, $0.0e+00;
	v4 =	vadd.f32 v4, v12;
	v10 =	vadd.f32 v10, v15  }
0x170: {  	[tilespmem:s1+$0x1590] =	vst v6;
	v5 =	vmax.f32 v5, $0.0e+00;
	v3 =	vadd.f32 v3, v11;
	v61 =	vadd.f32 v9, v16  }
0x171: {  	[tilespmem:s1+$0x15A0] =	vst v5;
	v4 =	vmax.f32 v4, $0.0e+00;
	v2 =	vadd.f32 v2, v10;
	v62 =	vadd.f32 v8, v17  }
0x172: {  	[tilespmem:s1+$0x15B0] =	vst v4;
	v3 =	vmax.f32 v3, $0.0e+00;
	v1 =	vadd.f32 v1, v61;
	v63 =	vadd.f32 v7, v57  }
0x173: {  	[tilespmem:s1+$0x15C0] =	vst v3;
	v2 =	vmax.f32 v2, $0.0e+00;
	v3 =	vadd.f32 v59, v62  }
0x174: {  	[tilespmem:s1+$0x15D0] =	vst v2;
	v1 =	vmax.f32 v1, $0.0e+00;
	v2 =	vadd.f32 v60, v63  }
0x175: {  	[tilespmem:s1+$0x15E0] =	vst v1;
	v1 =	vmax.f32 v3, $0.0e+00  }
0x176: {  	[tilespmem:s1+$0x15F0] =	vst v1;
	v1 =	vmax.f32 v2, $0.0e+00  }
.Ltmp3:
0x177: {  	[tilespmem:s1+$0x1600] =	vst v1;
	(pc) =	sbr.rel @p0 .LBB2_10-.Ltmp3, $4  }
0x178: {  	[spmem:s2] =	stream.indirect.scatter.add.f32 [tilespmem:s17], [sflag:$0x9], $0x80, s18, s11, $0xb8;
	[tilespmem:$0x1BA00] =	vst v63  }
0x179: {  	_ =	swait.ge [sflag:s9], $0x1400  }
0x17a: {  	[sflag:s9] =	ssyncset.done $0x0  }
0x17b: {  	[sflag:s9] =	ssyncadd.s32 $0xFFFFEC00  }
.Ltmp4:
0x17c: {  	(pc) =	sbr.rel .LBB2_4-.Ltmp4, $4  }
0x17d: {  	s1 =	sadd.s32 s7, s31  }
0x17e: {  	s1 =	sshll.u32 s1, $0x5  }
0x17f: {  	s30 =	sadd.s32 $0x1, s30;
	s1 =	sadd.s32 s1, s12  }
0x180: {  	[tilespmem:s10], [sflag:$0x2] =	stream.linear.gather [hbm4b:s1+s3], $0x100, $0x38;
	[tilespmem:$0x1BA00] =	vst v63  }
.LBB2_10:
0x181: {  	[bflag:$0x0] =	sbarrier.arrive $0xFFFF  }
0x182: {  	s20 =	rddreg [dreg:$0x6]  }
0x183: {  	[tilespmem:s0], [sflag:$0x9] =	stream.linear.gather [spmem:s20], $0x1400, $0x38;
	[tilespmem:$0x1BA00] =	vst v63  }
0x184: {  	_ =	swait.ge [sflag:s9], $0x1400  }
0x185: {  	[sflag:s9] =	ssyncset.done $0x0  }
0x186: {  	s1 =	sadd.s32 $0x0, s25;
	[sflag:s9] =	ssyncadd.s32 $0xFFFFEC00  }
0x187: {  	[hbm4b:s1+s3] =	stream.linear.scatter [tilespmem:s0], [sflag:$0x9], $0x1400, $0x38;
	[tilespmem:$0x1BA00] =	vst v63  }
0x188: {  	_ =	swait.ge [sflag:s9], $0x1400  }
0x189: {  	s14 =	smov.u32 s20;
	s1 =	simm.s32 $0x280;
	[sflag:s9] =	ssyncset.done $0x0  }
.LBB2_11:
0x18a: {  	p0 =	sne.s32 s1, $0x2580;
	[sflag:s9] =	ssyncadd.s32 $0xFFFFEC00;
	s14 =	sadd.s32 $0x1400, s14  }
0x18b: {  	[tilespmem:s0], [sflag:$0x9] =	stream.linear.gather [spmem:s14], $0x1400, $0x38;
	[tilespmem:$0x1BA00] =	vst v63  }
0x18c: {  	s19 =	smov.u32 s1;
	s1 =	sadd.s32 $0x280, s1;
	_ =	swait.ge [sflag:s9], $0x1400  }
.Ltmp5:
0x18d: {  	[sflag:s9] =	ssyncset.done $0x0;
	(pc) =	sbr.rel @p0 .LBB2_11-.Ltmp5, $4  }
0x18e: {  	s19 =	sadd.s32 s19, s25;
	[sflag:s9] =	ssyncadd.s32 $0xFFFFEC00  }
0x18f: {  	[hbm4b:s19+s3] =	stream.linear.scatter [tilespmem:s0], [sflag:$0x9], $0x1400, $0x38;
	[tilespmem:$0x1BA00] =	vst v63  }
0x190: {  	_ =	swait.ge [sflag:s9], $0x1400  }
0x191: {  	[sflag:s9] =	ssyncset.done $0x0  }
0x192: {  	s14 =	rddreg [dreg:$0x17]  }
0x193: {  	s1 =	rddreg [dreg:$0x7];
	s14 =	sadd.s32 $0x1, s14  }
0x194: {  	p0 =	sne.s32 s14, s1  }
.Ltmp6:
0x195: {  	_ = 	snop;
	(pc) =	sbr.rel @p0 .LBB2_1-.Ltmp6, $2  }
0x196: {  	_ =	sdelay $0x2  }
0x197: {  	[sflag:s9] =	ssyncadd.s32 $0xFFFFEC00  }
0x198: {  	_ =	sfence.sel $0x180000  }
0x199: {  	[bflag:$0x0] =	sbarrier.arrive $0xFFFF  }
0x19a: {  	_ =	strace $0x9000004D  }
0x19b: {  	s0 =	stileid.u32;
	[bflag:$0x2] =	sbarrier.arrive $0xFFFF  }
0x19c: {  	p0 =	sne.s32 s0, $0x0;
	s0 =	rddreg [dreg:$0x2]  }
0x19d: {  	s0 =	sadd.s32 @!p0 $0x100000, s0  }
0x19e: {  	[sflag:s0] =	ssyncadd.tile.s32 @!p0 $0x1;
	_ =	shalt  }
.Lfunc_end2:
_tile_overlayer_lowered:
.L_overlay_start_2:
0x19f: {  	(tag) =	ssettag $0x2  }
0x1a0: {  	s0 =	rddreg [dreg:$0x0];
	s2 =	stileid.u32  }
0x1a1: {  	s1 =	rddreg [dreg:$0x1];
	p0 =	sne.s32 s2, $0x0  }
0x1a2: {  	s3 =	rddreg [dreg:$0x2];
	[bflag:$0x3] =	sbarrier.arrive $0xFFFF;
	s2 =	simm.s32 @!p0 $0x1C09  }
0x1a3: {  	[timem:s3], [sflag:s2] =	dma.local @!p0 [hbm:s0], s1  }
0x1a4: {  	s0 =	simm.s32 @!p0 $0x9  }
0x1a5: {  	_ =	swait.ge @!p0 [sflag:s0], s1  }
0x1a6: {  	s1 =	ssub.s32 @!p0 $0x0, s1;
	[sflag:s0] =	ssyncset.done @!p0 $0x0  }
0x1a7: {  	[sflag:s0] =	ssyncadd.s32 @!p0 s1  }
0x1a8: {  	[bflag:$0x3] =	sbarrier.arrive $0xFFFF  }
0x1a9: {  	_ =	shalt  }

</sc_bundles>
